<compile_context>
chip_gen: v7x
topology: tpu7x:2x2x1
jax: 0.10.2.dev20260603
libtpu: 0.0.44.dev20260713+nightly
codegen_flags: <defaults>
</compile_context>

<pallas_src>
import jax
import jax.numpy as jnp
from jax import lax
from jax.experimental import pallas as pl
from jax.experimental.pallas import tpu as pltpu
from jax.experimental.pallas import tpu_sc as plsc

B, N, C, H, T2 = 2, 1024, 768, 12, 4096
M = N
Ch = C // H
POS_PAD = 8
BN = 1024
NB = N // BN

NC, NS, L = 2, 16, 16
NW = NC * NS
ROWS_PER_W = N // NW


def _prep_body(wposT_ref, preT_ref, bpos_ref, out_ref):
    tab = lax.dot_general(
        wposT_ref[...], preT_ref[...],
        dimension_numbers=(((1,), (1,)), ((), ())),
        preferred_element_type=jnp.float32,
    )
    out_ref[...] = tab + bpos_ref[...]


def _prep_tableT(Wpos, bpos, pre_table):
    wposT = jnp.zeros((H, POS_PAD), jnp.float32).at[:, : Wpos.shape[0]].set(Wpos.T)
    preT = jnp.zeros((T2, POS_PAD), jnp.float32).at[:, : Wpos.shape[0]].set(pre_table)
    return pl.pallas_call(
        _prep_body,
        out_shape=jax.ShapeDtypeStruct((H, T2), jnp.float32),
        in_specs=[
            pl.BlockSpec((H, POS_PAD), lambda: (0, 0)),
            pl.BlockSpec((T2, POS_PAD), lambda: (0, 0)),
            pl.BlockSpec((H, 1), lambda: (0, 0)),
        ],
        out_specs=pl.BlockSpec((H, T2), lambda: (0, 0)),
    )(wposT, preT, bpos.reshape(H, 1))


def _sc_gather_body(tbl_hbm, idx_hbm, out_hbm, tbl_v, idx_v0, idx_v1,
                    rows_v0, rows_v1, idx_sem0, idx_sem1, out_sem0, out_sem1):
    idx_v = (idx_v0, idx_v1)
    rows_v = (rows_v0, rows_v1)
    idx_sems = (idx_sem0, idx_sem1)
    out_sems = (out_sem0, out_sem1)
    wid = lax.axis_index("s") * NC + lax.axis_index("c")
    pltpu.sync_copy(tbl_hbm, tbl_v)
    last_row = N - 1

    def start_idx(row, slot):
        pltpu.async_copy(
            idx_hbm.at[pl.ds(row * M, M)], idx_v[slot], idx_sems[slot]
        )

    def wait_idx(slot):
        pltpu.make_async_copy(
            idx_hbm.at[pl.ds(0, M)], idx_v[slot], idx_sems[slot]
        ).wait()

    def drain_out(slot):
        pltpu.make_async_copy(
            out_hbm.at[pl.ds(0, H * M // 2)], rows_v[slot], out_sems[slot]
        ).wait()

    start_idx(wid * ROWS_PER_W, 0)
    start_idx(wid * ROWS_PER_W + 1, 1)

    def pair_body(i, carry):
        for slot in range(2):
            n = wid * ROWS_PER_W + 2 * i + slot
            wait_idx(slot)

            @pl.when(i > 0)
            def _():
                drain_out(slot)

            def chunk_body(j, c2):
                a_idx = idx_v[slot][pl.ds(j * L, L)]
                b_idx = idx_v[slot][pl.ds(M // 2 + j * L, L)]
                for h in range(H):
                    g_a = plsc.load_gather(tbl_v, [a_idx + h * T2])
                    g_b = plsc.load_gather(tbl_v, [b_idx + h * T2])
                    w = plsc.bitcast(
                        plsc.pack(g_a, g_b, format=plsc.PackFormat.INTERLEAVED),
                        jnp.int32,
                    )
                    rows_v[slot][pl.ds(h * (M // 2) + j * L, L)] = w
                return c2

            lax.fori_loop(0, M // (2 * L), chunk_body, 0, unroll=2)

            out_base = n * (M // 2)
            for h in range(H):
                pltpu.async_copy(
                    rows_v[slot].at[pl.ds(h * (M // 2), M // 2)],
                    out_hbm.at[pl.ds(out_base + h * (N * M // 2), M // 2)],
                    out_sems[slot],
                )
            start_idx(jnp.minimum(n + 2, last_row), slot)
        return carry

    lax.fori_loop(0, ROWS_PER_W // 2, pair_body, 0)

    for slot in range(2):
        drain_out(slot)
        wait_idx(slot)


def _sc_gather(tableT, pe_idx):
    mesh = plsc.VectorSubcoreMesh(
        core_axis_name="c", subcore_axis_name="s", num_cores=NC, num_subcores=NS
    )
    fn = pl.kernel(
        _sc_gather_body,
        out_type=jax.ShapeDtypeStruct((H * N * M // 2,), jnp.int32),
        mesh=mesh,
        scratch_types=[
            pltpu.VMEM((H * T2,), jnp.float32),
            pltpu.VMEM((M,), jnp.int32),
            pltpu.VMEM((M,), jnp.int32),
            pltpu.VMEM((H * M // 2,), jnp.int32),
            pltpu.VMEM((H * M // 2,), jnp.int32),
            pltpu.SemaphoreType.DMA,
            pltpu.SemaphoreType.DMA,
            pltpu.SemaphoreType.DMA,
            pltpu.SemaphoreType.DMA,
        ],
        compiler_params=pltpu.CompilerParams(needs_layout_passes=False),
    )
    return fn(tableT.reshape(H * T2), pe_idx.reshape(N * M))


def _qkv_body(feat_ref, wq_ref, bq_ref, wkv_ref, bkv_ref, q_out, kv_out):
    scale = Ch ** (-0.5)
    x = feat_ref[0]
    q = (jnp.dot(x, wq_ref[0], preferred_element_type=jnp.float32)
         + bq_ref[0]) * scale
    q_out[0, 0] = q.astype(jnp.bfloat16)
    kv = jnp.dot(x, wkv_ref[0], preferred_element_type=jnp.float32) + bkv_ref[0]
    kv_out[0, 0] = kv.astype(jnp.bfloat16)


def _qkv(feat, Wq, bq, Wkv, bkv):
    feat = feat.astype(jnp.bfloat16)
    wq_h = Wq.reshape(C, H, Ch).transpose(1, 0, 2).astype(jnp.bfloat16)
    wkv_h = Wkv.reshape(C, H, 2 * Ch).transpose(1, 0, 2).astype(jnp.bfloat16)
    bq_h = bq.reshape(H, 1, Ch)
    bkv_h = bkv.reshape(H, 1, 2 * Ch)
    return pl.pallas_call(
        _qkv_body,
        grid=(B, H),
        in_specs=[
            pl.BlockSpec((1, N, C), lambda b, h: (b, 0, 0)),
            pl.BlockSpec((1, C, Ch), lambda b, h: (h, 0, 0)),
            pl.BlockSpec((1, 1, Ch), lambda b, h: (h, 0, 0)),
            pl.BlockSpec((1, C, 2 * Ch), lambda b, h: (h, 0, 0)),
            pl.BlockSpec((1, 1, 2 * Ch), lambda b, h: (h, 0, 0)),
        ],
        out_specs=(
            pl.BlockSpec((1, 1, N, Ch), lambda b, h: (b, h, 0, 0)),
            pl.BlockSpec((1, 1, N, 2 * Ch), lambda b, h: (b, h, 0, 0)),
        ),
        out_shape=(
            jax.ShapeDtypeStruct((B, H, N, Ch), jnp.bfloat16),
            jax.ShapeDtypeStruct((B, H, N, 2 * Ch), jnp.bfloat16),
        ),
        compiler_params=pltpu.CompilerParams(
            dimension_semantics=("arbitrary", "arbitrary"),
        ),
    )(feat, wq_h, bq_h, wkv_h, bkv_h)


def _attn_body(q_ref, kv_ref, bk_ref, bv_ref, wp_ref, bproj_ref, bias_ref,
               out_ref):
    h = pl.program_id(0)

    qs = q_ref[0]
    k = kv_ref[0][:, :Ch]
    v = kv_ref[0][:, Ch:]

    w = bias_ref[0]
    bias_lo = lax.bitcast_convert_type(w << 16, jnp.float32)
    bias_hi = lax.bitcast_convert_type(w & jnp.int32(-65536), jnp.float32)
    bias = jnp.concatenate([bias_lo, bias_hi], axis=1)

    logits = (
        lax.dot_general(qs, k, (((1,), (1,)), ((), ())),
                        preferred_element_type=jnp.float32)
        + bias
    )
    blank = jnp.sum(qs.astype(jnp.float32) * bk_ref[0], axis=1,
                    keepdims=True)

    p = jnp.exp(logits)
    pb = jnp.exp(blank)
    denom = jnp.sum(p, axis=1, keepdims=True) + pb

    o = (jnp.dot(p.astype(jnp.bfloat16), v, preferred_element_type=jnp.float32)
         + pb * bv_ref[0]) / denom
    proj = jnp.dot(o.astype(jnp.bfloat16), wp_ref[0],
                   preferred_element_type=jnp.float32)

    @pl.when(h == 0)
    def _():
        out_ref[...] = proj + bproj_ref[0]

    @pl.when(h > 0)
    def _():
        out_ref[...] += proj


def _attention(qs_b, kvs_b, bias_b, blank_k, blank_v, Wproj, bproj):
    wp_h = Wproj.reshape(H, Ch, C).astype(jnp.bfloat16)
    bk_h = blank_k.reshape(H, 1, Ch)
    bv_h = blank_v.reshape(H, 1, Ch)
    bproj_r = bproj.reshape(1, 1, C)

    return pl.pallas_call(
        _attn_body,
        grid=(H,),
        in_specs=[
            pl.BlockSpec((1, N, Ch), lambda h: (h, 0, 0)),
            pl.BlockSpec((1, N, 2 * Ch), lambda h: (h, 0, 0)),
            pl.BlockSpec((1, 1, Ch), lambda h: (h, 0, 0)),
            pl.BlockSpec((1, 1, Ch), lambda h: (h, 0, 0)),
            pl.BlockSpec((1, Ch, C), lambda h: (h, 0, 0)),
            pl.BlockSpec((1, 1, C), lambda h: (0, 0, 0)),
            pl.BlockSpec((1, N, M // 2), lambda h: (h, 0, 0)),
        ],
        out_specs=pl.BlockSpec((N, C), lambda h: (0, 0)),
        out_shape=jax.ShapeDtypeStruct((N, C), jnp.float32),
        compiler_params=pltpu.CompilerParams(
            dimension_semantics=("arbitrary",),
        ),
    )(qs_b, kvs_b, bk_h, bv_h, wp_h, bproj_r, bias_b)


def kernel(feat, member_idx, cluster_mask, pe_idx, global_attn,
           Wq, bq, Wkv, bkv, blank_k, blank_v, Wpos, bpos, Wproj, bproj,
           pre_table):
    tableT = _prep_tableT(Wpos, bpos, pre_table)
    pe_idx = pe_idx.astype(jnp.int32)
    qs, kvs = _qkv(feat, Wq, bq, Wkv, bkv)
    outs = []
    for b in range(B):
        words_b = _sc_gather(tableT, pe_idx[b])
        bias_b = words_b.reshape(H, N, M // 2)
        outs.append(_attention(qs[b], kvs[b], bias_b, blank_k, blank_v,
                               Wproj, bproj))
    return jnp.stack(outs, axis=0)

# --- scband reference (transcript-rebuilt; emitter-appended) ---
"""Pipeline reference for scband-cluster-attention-14620068675730 (READ-ONLY COPY).

The authoritative reference and input builder live on the scoring server;
editing this copy changes nothing except your own understanding.
"""

import jax, jax.numpy as jnp
import numpy as np

B, N, C, H, T2 = 2, 1024, 768, 12, 4096
M = N  # global_attn path requires M == N
POS_IN = 5  # pos_dim(2) + 3


def setup_inputs(seed: int = 0) -> dict:
    key = jax.random.key(seed)
    ks = jax.random.split(key, 16)
    Ch = C // H
    feat = jax.random.normal(ks[0], (B, N, C), dtype=jnp.float32)
    member_idx = jax.random.randint(ks[1], (B, N, M), 0, N)
    cluster_mask = jnp.ones((B, N, M), dtype=jnp.bool_)
    pe_idx = jax.random.randint(ks[2], (B, N, M), 0, T2)
    global_attn = 1
    s = 1.0 / np.sqrt(C)
    Wq = jax.random.normal(ks[3], (C, C), dtype=jnp.float32) * s
    bq = jnp.zeros((C,), dtype=jnp.float32)
    Wkv = jax.random.normal(ks[4], (C, 2 * C), dtype=jnp.float32) * s
    bkv = jnp.zeros((2 * C,), dtype=jnp.float32)
    blank_k = jax.random.normal(ks[5], (C,), dtype=jnp.float32) * 0.2
    blank_v = jax.random.normal(ks[6], (C,), dtype=jnp.float32) * 0.2
    Wpos = jax.random.normal(ks[7], (POS_IN, H), dtype=jnp.float32) * (1.0 / np.sqrt(POS_IN))
    bpos = jnp.zeros((H,), dtype=jnp.float32)
    Wproj = jax.random.normal(ks[8], (C, C), dtype=jnp.float32) * s
    bproj = jnp.zeros((C,), dtype=jnp.float32)
    pre_table = jax.random.normal(ks[9], (T2, POS_IN), dtype=jnp.float32)
    return {"feat": feat, "member_idx": member_idx, "cluster_mask": cluster_mask,
            "pe_idx": pe_idx, "global_attn": global_attn,
            "Wq": Wq, "bq": bq, "Wkv": Wkv, "bkv": bkv,
            "blank_k": blank_k, "blank_v": blank_v,
            "Wpos": Wpos, "bpos": bpos, "Wproj": Wproj, "bproj": bproj,
            "pre_table": pre_table}


def reference(feat, member_idx, cluster_mask, pe_idx, global_attn,
              Wq, bq, Wkv, bkv, blank_k, blank_v, Wpos, bpos, Wproj, bproj, pre_table):
    Bb, Nn, Cc = feat.shape
    Hh = bpos.shape[0]
    Ch = Cc // Hh
    scale = Ch ** (-0.5)
    q = feat @ Wq + bq
    kv = feat @ Wkv + bkv
    qh = q.reshape(Bb, Nn, Hh, Ch).transpose(0, 2, 1, 3)
    kvh = kv.reshape(Bb, Nn, Hh, 2 * Ch).transpose(0, 2, 1, 3)
    k = kvh[..., :Ch]
    v = kvh[..., Ch:]
    # positional bias: pre_table -> linear -> gather by pe_idx
    pe_table = pre_table @ Wpos + bpos  # [T2, H]
    Mm = pe_idx.shape[-1]
    pe = jnp.take(pe_table, pe_idx.reshape(-1), axis=0)
    pos_bias = pe.reshape(Bb, Nn, Mm, Hh).transpose(0, 3, 1, 2)  # [B,H,N,M]
    # global attention path (M == N): pad bias for blank token
    pos_bias = jnp.pad(pos_bias, ((0, 0), (0, 0), (0, 0), (0, 1)))
    bk = jnp.broadcast_to(blank_k.reshape(1, Hh, 1, Ch), (Bb, Hh, 1, Ch))
    bv = jnp.broadcast_to(blank_v.reshape(1, Hh, 1, Ch), (Bb, Hh, 1, Ch))
    k_full = jnp.concatenate([k, bk], axis=2)
    v_full = jnp.concatenate([v, bv], axis=2)
    attn = jnp.einsum('bhnd,bhmd->bhnm', qh, k_full) * scale + pos_bias
    attn = jax.nn.softmax(attn, axis=-1)
    out = jnp.einsum('bhnm,bhmd->bhnd', attn, v_full)
    out = out.transpose(0, 2, 1, 3).reshape(Bb, Nn, Cc)
    out = out @ Wproj + bproj
    return out

if __name__ == "__main__":
    import jax
    _d = setup_inputs()
    print(jax.jit(kernel)(*tuple(_d.values())))

</pallas_src>

<mosaic_0001>
#map = affine_map<(d0, d1) -> (0)>
module attributes {stable_mosaic.version = 14 : i64} {
  func.func @_sc_gather_body(%arg0: i32, %arg1: i32, %arg2: memref<49152xf32, #tpu.memory_space<hbm>>, %arg3: memref<1048576xi32, #tpu.memory_space<hbm>>, %arg4: memref<6291456xi32, #tpu.memory_space<hbm>>, %arg5: memref<49152xf32, #tpu.memory_space<vmem>>, %arg6: memref<1024xi32, #tpu.memory_space<vmem>>, %arg7: memref<1024xi32, #tpu.memory_space<vmem>>, %arg8: memref<6144xi32, #tpu.memory_space<vmem>>, %arg9: memref<6144xi32, #tpu.memory_space<vmem>>, %arg10: memref<!tpu.dma_semaphore, #tpu.memory_space<semaphore_mem>>, %arg11: memref<!tpu.dma_semaphore, #tpu.memory_space<semaphore_mem>>, %arg12: memref<!tpu.dma_semaphore, #tpu.memory_space<semaphore_mem>>, %arg13: memref<!tpu.dma_semaphore, #tpu.memory_space<semaphore_mem>>) attributes {dimension_semantics = [#tpu.dimension_semantics<core_parallel>, #tpu.dimension_semantics<subcore_parallel>], iteration_bounds = array<i64: 2, 16>, scalar_prefetch = 0 : i64, scratch_operands = 9 : i64, tpu.core_type = #tpu.core_type<sc_vector_subcore>, window_params = [{transform_indices = #map}, {transform_indices = #map}, {transform_indices = #map}]} {
    %mul3A = arith.constant 2 : i32
    %mul3A_0 = arith.muli %arg1, %mul3A : i32
    %add3A = arith.addi %mul3A_0, %arg0 : i32
    "tpu.region"() ({
      %run_scoped3A = tpu.sem_alloc : memref<!tpu.dma_semaphore, #tpu.memory_space<semaphore_mem>>
      tpu.enqueue_dma source(%arg2 : memref<49152xf32, #tpu.memory_space<hbm>>) target(%arg5 : memref<49152xf32, #tpu.memory_space<vmem>>) target_semaphore(%run_scoped3A : memref<!tpu.dma_semaphore, #tpu.memory_space<semaphore_mem>>)
      tpu.wait_dma2 semaphore(%run_scoped3A : memref<!tpu.dma_semaphore, #tpu.memory_space<semaphore_mem>>) src(%arg2 : memref<49152xf32, #tpu.memory_space<hbm>>) dst(%arg5 : memref<49152xf32, #tpu.memory_space<vmem>>)
      tpu.yield
    }) : () -> ()
    %mul3A_1 = arith.constant 32 : i32
    %mul3A_2 = arith.muli %add3A, %mul3A_1 : i32
    %mul3A_3 = arith.constant 1024 : i32
    %mul3A_4 = arith.muli %mul3A_2, %mul3A_3 : i32
    %dma_start3A = tpu.memref_slice %arg3[%mul3A_4] : memref<1048576xi32, #tpu.memory_space<hbm>> -> memref<1024xi32, #tpu.memory_space<hbm>>
    %dma_start3A_5 = tpu.memref_slice %arg3[%mul3A_4] : memref<1048576xi32, #tpu.memory_space<hbm>> -> memref<1024xi32, #tpu.memory_space<hbm>>
    tpu.enqueue_dma source(%dma_start3A_5 : memref<1024xi32, #tpu.memory_space<hbm>>) target(%arg6 : memref<1024xi32, #tpu.memory_space<vmem>>) target_semaphore(%arg10 : memref<!tpu.dma_semaphore, #tpu.memory_space<semaphore_mem>>)
    %mul3A_6 = arith.constant 32 : i32
    %mul3A_7 = arith.muli %add3A, %mul3A_6 : i32
    %add3A_8 = arith.constant 1 : i32
    %add3A_9 = arith.addi %mul3A_7, %add3A_8 : i32
    %mul3A_10 = arith.constant 1024 : i32
    %mul3A_11 = arith.muli %add3A_9, %mul3A_10 : i32
    %dma_start3A_12 = tpu.memref_slice %arg3[%mul3A_11] : memref<1048576xi32, #tpu.memory_space<hbm>> -> memref<1024xi32, #tpu.memory_space<hbm>>
    %dma_start3A_13 = tpu.memref_slice %arg3[%mul3A_11] : memref<1048576xi32, #tpu.memory_space<hbm>> -> memref<1024xi32, #tpu.memory_space<hbm>>
    tpu.enqueue_dma source(%dma_start3A_13 : memref<1024xi32, #tpu.memory_space<hbm>>) target(%arg7 : memref<1024xi32, #tpu.memory_space<vmem>>) target_semaphore(%arg11 : memref<!tpu.dma_semaphore, #tpu.memory_space<semaphore_mem>>)
    %scan3A = arith.constant 0 : i32
    %scan3A_14 = arith.constant 0 : i32
    %scan3A_15 = arith.constant 16 : i32
    %scan3A_16 = arith.addi %scan3A_14, %scan3A_15 : i32
    %scan3A_17 = arith.constant 1 : i32
    scf.for %scan3A_34 = %scan3A_14 to %scan3A_16 step %scan3A_17  : i32 {
      %mul3A_35 = arith.constant 32 : i32
      %mul3A_36 = arith.muli %add3A, %mul3A_35 : i32
      %mul3A_37 = arith.constant 2 : i32
      %mul3A_38 = arith.muli %mul3A_37, %scan3A_34 : i32
      %add3A_39 = arith.addi %mul3A_36, %mul3A_38 : i32
      %add3A_40 = arith.constant 0 : i32
      %add3A_41 = arith.addi %add3A_39, %add3A_40 : i32
      %dma_wait3A_42 = arith.constant 0 : i32
      %dma_wait3A_43 = tpu.memref_slice %arg3[%dma_wait3A_42] : memref<1048576xi32, #tpu.memory_space<hbm>> -> memref<1024xi32, #tpu.memory_space<hbm>>
      %dma_wait3A_44 = arith.constant 0 : i32
      %dma_wait3A_45 = tpu.memref_slice %arg3[%dma_wait3A_44] : memref<1048576xi32, #tpu.memory_space<hbm>> -> memref<1024xi32, #tpu.memory_space<hbm>>
      tpu.wait_dma2 semaphore(%arg10 : memref<!tpu.dma_semaphore, #tpu.memory_space<semaphore_mem>>) src(%dma_wait3A_45 : memref<1024xi32, #tpu.memory_space<hbm>>) dst(%arg6 : memref<1024xi32, #tpu.memory_space<vmem>>)
      %gt3A = arith.constant 0 : i32
      %gt3A_46 = arith.cmpi sgt, %scan3A_34, %gt3A : i32
      %convert_element_type3A = arith.extui %gt3A_46 : i1 to i32
      %cond3A = arith.constant 0 : i32
      %cond3A_47 = arith.cmpi ne, %convert_element_type3A, %cond3A : i32
      scf.if %cond3A_47 {
        %dma_wait3A_287 = arith.constant 0 : i32
        %dma_wait3A_288 = tpu.memref_slice %arg4[%dma_wait3A_287] : memref<6291456xi32, #tpu.memory_space<hbm>> -> memref<6144xi32, #tpu.memory_space<hbm>>
        %dma_wait3A_289 = arith.constant 0 : i32
        %dma_wait3A_290 = tpu.memref_slice %arg4[%dma_wait3A_289] : memref<6291456xi32, #tpu.memory_space<hbm>> -> memref<6144xi32, #tpu.memory_space<hbm>>
        tpu.wait_dma2 semaphore(%arg12 : memref<!tpu.dma_semaphore, #tpu.memory_space<semaphore_mem>>) src(%dma_wait3A_290 : memref<6144xi32, #tpu.memory_space<hbm>>) dst(%arg8 : memref<6144xi32, #tpu.memory_space<vmem>>)
      } else {
      }
      %scan3A_48 = arith.constant 0 : i32
      %scan3A_49 = arith.constant 0 : i32
      %scan3A_50 = arith.constant 32 : i32
      %scan3A_51 = arith.addi %scan3A_49, %scan3A_50 : i32
      %scan3A_52 = arith.constant 2 : i32
      scf.for %scan3A_287 = %scan3A_49 to %scan3A_51 step %scan3A_52  : i32 {
        %mul3A_288 = arith.constant 16 : i32
        %mul3A_289 = arith.muli %scan3A_287, %mul3A_288 : i32
        %get3A = arith.index_cast %mul3A_289 : i32 to index
        %get3A_290 = tpu.vector_load %arg6[%get3A] {strides = array<i32>} : memref<1024xi32, #tpu.memory_space<vmem>>, vector<16xi32>,
        %mul3A_291 = arith.constant 16 : i32
        %mul3A_292 = arith.muli %scan3A_287, %mul3A_291 : i32
        %add3A_293 = arith.constant 512 : i32
        %add3A_294 = arith.addi %add3A_293, %mul3A_292 : i32
        %get3A_295 = arith.index_cast %add3A_294 : i32 to index
        %get3A_296 = tpu.vector_load %arg6[%get3A_295] {strides = array<i32>} : memref<1024xi32, #tpu.memory_space<vmem>>, vector<16xi32>,
        %add3A_297 = arith.constant 0 : i32
        %add3A_298 = vector.broadcast %add3A_297 : i32 to vector<16xi32>
        %add3A_299 = arith.addi %get3A_290, %add3A_298 : vector<16xi32>
        %gather3A = tpu.vector_load_idx %arg5[%add3A_299] : memref<49152xf32, #tpu.memory_space<vmem>>[vector<16xi32>], vector<16xf32>,
        %add3A_300 = arith.constant 0 : i32
        %add3A_301 = vector.broadcast %add3A_300 : i32 to vector<16xi32>
        %add3A_302 = arith.addi %get3A_296, %add3A_301 : vector<16xi32>
        %gather3A_303 = tpu.vector_load_idx %arg5[%add3A_302] : memref<49152xf32, #tpu.memory_space<vmem>>[vector<16xi32>], vector<16xf32>,
        %pack3A = tpu.pack_subelements %gather3A, %gather3A_303 {pack_format = #tpu.pack_format<interleaved>, positions = array<i32: 0, 1>} : vector<16xf32>, vector<16xf32> -> vector<32xbf16>
        %bitcast3A = vector.bitcast %pack3A : vector<32xbf16> to vector<16xi32>
        %mul3A_304 = arith.constant 16 : i32
        %mul3A_305 = arith.muli %scan3A_287, %mul3A_304 : i32
        %add3A_306 = arith.constant 0 : i32
        %add3A_307 = arith.addi %add3A_306, %mul3A_305 : i32
        %swap3A = arith.index_cast %add3A_307 : i32 to index
        %swap3A_308 = tpu.vector_load %arg8[%swap3A] {strides = array<i32>} : memref<6144xi32, #tpu.memory_space<vmem>>, vector<16xi32>,
        tpu.vector_store %arg8[%swap3A], %bitcast3A {strides = array<i32>} : memref<6144xi32, #tpu.memory_space<vmem>>, vector<16xi32>,
        %add3A_309 = arith.constant 4096 : i32
        %add3A_310 = vector.broadcast %add3A_309 : i32 to vector<16xi32>
        %add3A_311 = arith.addi %get3A_290, %add3A_310 : vector<16xi32>
        %gather3A_312 = tpu.vector_load_idx %arg5[%add3A_311] : memref<49152xf32, #tpu.memory_space<vmem>>[vector<16xi32>], vector<16xf32>,
        %add3A_313 = arith.constant 4096 : i32
        %add3A_314 = vector.broadcast %add3A_313 : i32 to vector<16xi32>
        %add3A_315 = arith.addi %get3A_296, %add3A_314 : vector<16xi32>
        %gather3A_316 = tpu.vector_load_idx %arg5[%add3A_315] : memref<49152xf32, #tpu.memory_space<vmem>>[vector<16xi32>], vector<16xf32>,
        %pack3A_317 = tpu.pack_subelements %gather3A_312, %gather3A_316 {pack_format = #tpu.pack_format<interleaved>, positions = array<i32: 0, 1>} : vector<16xf32>, vector<16xf32> -> vector<32xbf16>
        %bitcast3A_318 = vector.bitcast %pack3A_317 : vector<32xbf16> to vector<16xi32>
        %mul3A_319 = arith.constant 16 : i32
        %mul3A_320 = arith.muli %scan3A_287, %mul3A_319 : i32
        %add3A_321 = arith.constant 512 : i32
        %add3A_322 = arith.addi %add3A_321, %mul3A_320 : i32
        %swap3A_323 = arith.index_cast %add3A_322 : i32 to index
        %swap3A_324 = tpu.vector_load %arg8[%swap3A_323] {strides = array<i32>} : memref<6144xi32, #tpu.memory_space<vmem>>, vector<16xi32>,
        tpu.vector_store %arg8[%swap3A_323], %bitcast3A_318 {strides = array<i32>} : memref<6144xi32, #tpu.memory_space<vmem>>, vector<16xi32>,
        %add3A_325 = arith.constant 8192 : i32
        %add3A_326 = vector.broadcast %add3A_325 : i32 to vector<16xi32>
        %add3A_327 = arith.addi %get3A_290, %add3A_326 : vector<16xi32>
        %gather3A_328 = tpu.vector_load_idx %arg5[%add3A_327] : memref<49152xf32, #tpu.memory_space<vmem>>[vector<16xi32>], vector<16xf32>,
        %add3A_329 = arith.constant 8192 : i32
        %add3A_330 = vector.broadcast %add3A_329 : i32 to vector<16xi32>
        %add3A_331 = arith.addi %get3A_296, %add3A_330 : vector<16xi32>
        %gather3A_332 = tpu.vector_load_idx %arg5[%add3A_331] : memref<49152xf32, #tpu.memory_space<vmem>>[vector<16xi32>], vector<16xf32>,
        %pack3A_333 = tpu.pack_subelements %gather3A_328, %gather3A_332 {pack_format = #tpu.pack_format<interleaved>, positions = array<i32: 0, 1>} : vector<16xf32>, vector<16xf32> -> vector<32xbf16>
        %bitcast3A_334 = vector.bitcast %pack3A_333 : vector<32xbf16> to vector<16xi32>
        %mul3A_335 = arith.constant 16 : i32
        %mul3A_336 = arith.muli %scan3A_287, %mul3A_335 : i32
        %add3A_337 = arith.constant 1024 : i32
        %add3A_338 = arith.addi %add3A_337, %mul3A_336 : i32
        %swap3A_339 = arith.index_cast %add3A_338 : i32 to index
        %swap3A_340 = tpu.vector_load %arg8[%swap3A_339] {strides = array<i32>} : memref<6144xi32, #tpu.memory_space<vmem>>, vector<16xi32>,
        tpu.vector_store %arg8[%swap3A_339], %bitcast3A_334 {strides = array<i32>} : memref<6144xi32, #tpu.memory_space<vmem>>, vector<16xi32>,
        %add3A_341 = arith.constant 12288 : i32
        %add3A_342 = vector.broadcast %add3A_341 : i32 to vector<16xi32>
        %add3A_343 = arith.addi %get3A_290, %add3A_342 : vector<16xi32>
        %gather3A_344 = tpu.vector_load_idx %arg5[%add3A_343] : memref<49152xf32, #tpu.memory_space<vmem>>[vector<16xi32>], vector<16xf32>,
        %add3A_345 = arith.constant 12288 : i32
        %add3A_346 = vector.broadcast %add3A_345 : i32 to vector<16xi32>
        %add3A_347 = arith.addi %get3A_296, %add3A_346 : vector<16xi32>
        %gather3A_348 = tpu.vector_load_idx %arg5[%add3A_347] : memref<49152xf32, #tpu.memory_space<vmem>>[vector<16xi32>], vector<16xf32>,
        %pack3A_349 = tpu.pack_subelements %gather3A_344, %gather3A_348 {pack_format = #tpu.pack_format<interleaved>, positions = array<i32: 0, 1>} : vector<16xf32>, vector<16xf32> -> vector<32xbf16>
        %bitcast3A_350 = vector.bitcast %pack3A_349 : vector<32xbf16> to vector<16xi32>
        %mul3A_351 = arith.constant 16 : i32
        %mul3A_352 = arith.muli %scan3A_287, %mul3A_351 : i32
        %add3A_353 = arith.constant 1536 : i32
        %add3A_354 = arith.addi %add3A_353, %mul3A_352 : i32
        %swap3A_355 = arith.index_cast %add3A_354 : i32 to index
        %swap3A_356 = tpu.vector_load %arg8[%swap3A_355] {strides = array<i32>} : memref<6144xi32, #tpu.memory_space<vmem>>, vector<16xi32>,
        tpu.vector_store %arg8[%swap3A_355], %bitcast3A_350 {strides = array<i32>} : memref<6144xi32, #tpu.memory_space<vmem>>, vector<16xi32>,
        %add3A_357 = arith.constant 16384 : i32
        %add3A_358 = vector.broadcast %add3A_357 : i32 to vector<16xi32>
        %add3A_359 = arith.addi %get3A_290, %add3A_358 : vector<16xi32>
        %gather3A_360 = tpu.vector_load_idx %arg5[%add3A_359] : memref<49152xf32, #tpu.memory_space<vmem>>[vector<16xi32>], vector<16xf32>,
        %add3A_361 = arith.constant 16384 : i32
        %add3A_362 = vector.broadcast %add3A_361 : i32 to vector<16xi32>
        %add3A_363 = arith.addi %get3A_296, %add3A_362 : vector<16xi32>
        %gather3A_364 = tpu.vector_load_idx %arg5[%add3A_363] : memref<49152xf32, #tpu.memory_space<vmem>>[vector<16xi32>], vector<16xf32>,
        %pack3A_365 = tpu.pack_subelements %gather3A_360, %gather3A_364 {pack_format = #tpu.pack_format<interleaved>, positions = array<i32: 0, 1>} : vector<16xf32>, vector<16xf32> -> vector<32xbf16>
        %bitcast3A_366 = vector.bitcast %pack3A_365 : vector<32xbf16> to vector<16xi32>
        %mul3A_367 = arith.constant 16 : i32
        %mul3A_368 = arith.muli %scan3A_287, %mul3A_367 : i32
        %add3A_369 = arith.constant 2048 : i32
        %add3A_370 = arith.addi %add3A_369, %mul3A_368 : i32
        %swap3A_371 = arith.index_cast %add3A_370 : i32 to index
        %swap3A_372 = tpu.vector_load %arg8[%swap3A_371] {strides = array<i32>} : memref<6144xi32, #tpu.memory_space<vmem>>, vector<16xi32>,
        tpu.vector_store %arg8[%swap3A_371], %bitcast3A_366 {strides = array<i32>} : memref<6144xi32, #tpu.memory_space<vmem>>, vector<16xi32>,
        %add3A_373 = arith.constant 20480 : i32
        %add3A_374 = vector.broadcast %add3A_373 : i32 to vector<16xi32>
        %add3A_375 = arith.addi %get3A_290, %add3A_374 : vector<16xi32>
        %gather3A_376 = tpu.vector_load_idx %arg5[%add3A_375] : memref<49152xf32, #tpu.memory_space<vmem>>[vector<16xi32>], vector<16xf32>,
        %add3A_377 = arith.constant 20480 : i32
        %add3A_378 = vector.broadcast %add3A_377 : i32 to vector<16xi32>
        %add3A_379 = arith.addi %get3A_296, %add3A_378 : vector<16xi32>
        %gather3A_380 = tpu.vector_load_idx %arg5[%add3A_379] : memref<49152xf32, #tpu.memory_space<vmem>>[vector<16xi32>], vector<16xf32>,
        %pack3A_381 = tpu.pack_subelements %gather3A_376, %gather3A_380 {pack_format = #tpu.pack_format<interleaved>, positions = array<i32: 0, 1>} : vector<16xf32>, vector<16xf32> -> vector<32xbf16>
        %bitcast3A_382 = vector.bitcast %pack3A_381 : vector<32xbf16> to vector<16xi32>
        %mul3A_383 = arith.constant 16 : i32
        %mul3A_384 = arith.muli %scan3A_287, %mul3A_383 : i32
        %add3A_385 = arith.constant 2560 : i32
        %add3A_386 = arith.addi %add3A_385, %mul3A_384 : i32
        %swap3A_387 = arith.index_cast %add3A_386 : i32 to index
        %swap3A_388 = tpu.vector_load %arg8[%swap3A_387] {strides = array<i32>} : memref<6144xi32, #tpu.memory_space<vmem>>, vector<16xi32>,
        tpu.vector_store %arg8[%swap3A_387], %bitcast3A_382 {strides = array<i32>} : memref<6144xi32, #tpu.memory_space<vmem>>, vector<16xi32>,
        %add3A_389 = arith.constant 24576 : i32
        %add3A_390 = vector.broadcast %add3A_389 : i32 to vector<16xi32>
        %add3A_391 = arith.addi %get3A_290, %add3A_390 : vector<16xi32>
        %gather3A_392 = tpu.vector_load_idx %arg5[%add3A_391] : memref<49152xf32, #tpu.memory_space<vmem>>[vector<16xi32>], vector<16xf32>,
        %add3A_393 = arith.constant 24576 : i32
        %add3A_394 = vector.broadcast %add3A_393 : i32 to vector<16xi32>
        %add3A_395 = arith.addi %get3A_296, %add3A_394 : vector<16xi32>
        %gather3A_396 = tpu.vector_load_idx %arg5[%add3A_395] : memref<49152xf32, #tpu.memory_space<vmem>>[vector<16xi32>], vector<16xf32>,
        %pack3A_397 = tpu.pack_subelements %gather3A_392, %gather3A_396 {pack_format = #tpu.pack_format<interleaved>, positions = array<i32: 0, 1>} : vector<16xf32>, vector<16xf32> -> vector<32xbf16>
        %bitcast3A_398 = vector.bitcast %pack3A_397 : vector<32xbf16> to vector<16xi32>
        %mul3A_399 = arith.constant 16 : i32
        %mul3A_400 = arith.muli %scan3A_287, %mul3A_399 : i32
        %add3A_401 = arith.constant 3072 : i32
        %add3A_402 = arith.addi %add3A_401, %mul3A_400 : i32
        %swap3A_403 = arith.index_cast %add3A_402 : i32 to index
        %swap3A_404 = tpu.vector_load %arg8[%swap3A_403] {strides = array<i32>} : memref<6144xi32, #tpu.memory_space<vmem>>, vector<16xi32>,
        tpu.vector_store %arg8[%swap3A_403], %bitcast3A_398 {strides = array<i32>} : memref<6144xi32, #tpu.memory_space<vmem>>, vector<16xi32>,
        %add3A_405 = arith.constant 28672 : i32
        %add3A_406 = vector.broadcast %add3A_405 : i32 to vector<16xi32>
        %add3A_407 = arith.addi %get3A_290, %add3A_406 : vector<16xi32>
        %gather3A_408 = tpu.vector_load_idx %arg5[%add3A_407] : memref<49152xf32, #tpu.memory_space<vmem>>[vector<16xi32>], vector<16xf32>,
        %add3A_409 = arith.constant 28672 : i32
        %add3A_410 = vector.broadcast %add3A_409 : i32 to vector<16xi32>
        %add3A_411 = arith.addi %get3A_296, %add3A_410 : vector<16xi32>
        %gather3A_412 = tpu.vector_load_idx %arg5[%add3A_411] : memref<49152xf32, #tpu.memory_space<vmem>>[vector<16xi32>], vector<16xf32>,
        %pack3A_413 = tpu.pack_subelements %gather3A_408, %gather3A_412 {pack_format = #tpu.pack_format<interleaved>, positions = array<i32: 0, 1>} : vector<16xf32>, vector<16xf32> -> vector<32xbf16>
        %bitcast3A_414 = vector.bitcast %pack3A_413 : vector<32xbf16> to vector<16xi32>
        %mul3A_415 = arith.constant 16 : i32
        %mul3A_416 = arith.muli %scan3A_287, %mul3A_415 : i32
        %add3A_417 = arith.constant 3584 : i32
        %add3A_418 = arith.addi %add3A_417, %mul3A_416 : i32
        %swap3A_419 = arith.index_cast %add3A_418 : i32 to index
        %swap3A_420 = tpu.vector_load %arg8[%swap3A_419] {strides = array<i32>} : memref<6144xi32, #tpu.memory_space<vmem>>, vector<16xi32>,
        tpu.vector_store %arg8[%swap3A_419], %bitcast3A_414 {strides = array<i32>} : memref<6144xi32, #tpu.memory_space<vmem>>, vector<16xi32>,
        %add3A_421 = arith.constant 32768 : i32
        %add3A_422 = vector.broadcast %add3A_421 : i32 to vector<16xi32>
        %add3A_423 = arith.addi %get3A_290, %add3A_422 : vector<16xi32>
        %gather3A_424 = tpu.vector_load_idx %arg5[%add3A_423] : memref<49152xf32, #tpu.memory_space<vmem>>[vector<16xi32>], vector<16xf32>,
        %add3A_425 = arith.constant 32768 : i32
        %add3A_426 = vector.broadcast %add3A_425 : i32 to vector<16xi32>
        %add3A_427 = arith.addi %get3A_296, %add3A_426 : vector<16xi32>
        %gather3A_428 = tpu.vector_load_idx %arg5[%add3A_427] : memref<49152xf32, #tpu.memory_space<vmem>>[vector<16xi32>], vector<16xf32>,
        %pack3A_429 = tpu.pack_subelements %gather3A_424, %gather3A_428 {pack_format = #tpu.pack_format<interleaved>, positions = array<i32: 0, 1>} : vector<16xf32>, vector<16xf32> -> vector<32xbf16>
        %bitcast3A_430 = vector.bitcast %pack3A_429 : vector<32xbf16> to vector<16xi32>
        %mul3A_431 = arith.constant 16 : i32
        %mul3A_432 = arith.muli %scan3A_287, %mul3A_431 : i32
        %add3A_433 = arith.constant 4096 : i32
        %add3A_434 = arith.addi %add3A_433, %mul3A_432 : i32
        %swap3A_435 = arith.index_cast %add3A_434 : i32 to index
        %swap3A_436 = tpu.vector_load %arg8[%swap3A_435] {strides = array<i32>} : memref<6144xi32, #tpu.memory_space<vmem>>, vector<16xi32>,
        tpu.vector_store %arg8[%swap3A_435], %bitcast3A_430 {strides = array<i32>} : memref<6144xi32, #tpu.memory_space<vmem>>, vector<16xi32>,
        %add3A_437 = arith.constant 36864 : i32
        %add3A_438 = vector.broadcast %add3A_437 : i32 to vector<16xi32>
        %add3A_439 = arith.addi %get3A_290, %add3A_438 : vector<16xi32>
        %gather3A_440 = tpu.vector_load_idx %arg5[%add3A_439] : memref<49152xf32, #tpu.memory_space<vmem>>[vector<16xi32>], vector<16xf32>,
        %add3A_441 = arith.constant 36864 : i32
        %add3A_442 = vector.broadcast %add3A_441 : i32 to vector<16xi32>
        %add3A_443 = arith.addi %get3A_296, %add3A_442 : vector<16xi32>
        %gather3A_444 = tpu.vector_load_idx %arg5[%add3A_443] : memref<49152xf32, #tpu.memory_space<vmem>>[vector<16xi32>], vector<16xf32>,
        %pack3A_445 = tpu.pack_subelements %gather3A_440, %gather3A_444 {pack_format = #tpu.pack_format<interleaved>, positions = array<i32: 0, 1>} : vector<16xf32>, vector<16xf32> -> vector<32xbf16>
        %bitcast3A_446 = vector.bitcast %pack3A_445 : vector<32xbf16> to vector<16xi32>
        %mul3A_447 = arith.constant 16 : i32
        %mul3A_448 = arith.muli %scan3A_287, %mul3A_447 : i32
        %add3A_449 = arith.constant 4608 : i32
        %add3A_450 = arith.addi %add3A_449, %mul3A_448 : i32
        %swap3A_451 = arith.index_cast %add3A_450 : i32 to index
        %swap3A_452 = tpu.vector_load %arg8[%swap3A_451] {strides = array<i32>} : memref<6144xi32, #tpu.memory_space<vmem>>, vector<16xi32>,
        tpu.vector_store %arg8[%swap3A_451], %bitcast3A_446 {strides = array<i32>} : memref<6144xi32, #tpu.memory_space<vmem>>, vector<16xi32>,
        %add3A_453 = arith.constant 40960 : i32
        %add3A_454 = vector.broadcast %add3A_453 : i32 to vector<16xi32>
        %add3A_455 = arith.addi %get3A_290, %add3A_454 : vector<16xi32>
        %gather3A_456 = tpu.vector_load_idx %arg5[%add3A_455] : memref<49152xf32, #tpu.memory_space<vmem>>[vector<16xi32>], vector<16xf32>,
        %add3A_457 = arith.constant 40960 : i32
        %add3A_458 = vector.broadcast %add3A_457 : i32 to vector<16xi32>
        %add3A_459 = arith.addi %get3A_296, %add3A_458 : vector<16xi32>
        %gather3A_460 = tpu.vector_load_idx %arg5[%add3A_459] : memref<49152xf32, #tpu.memory_space<vmem>>[vector<16xi32>], vector<16xf32>,
        %pack3A_461 = tpu.pack_subelements %gather3A_456, %gather3A_460 {pack_format = #tpu.pack_format<interleaved>, positions = array<i32: 0, 1>} : vector<16xf32>, vector<16xf32> -> vector<32xbf16>
        %bitcast3A_462 = vector.bitcast %pack3A_461 : vector<32xbf16> to vector<16xi32>
        %mul3A_463 = arith.constant 16 : i32
        %mul3A_464 = arith.muli %scan3A_287, %mul3A_463 : i32
        %add3A_465 = arith.constant 5120 : i32
        %add3A_466 = arith.addi %add3A_465, %mul3A_464 : i32
        %swap3A_467 = arith.index_cast %add3A_466 : i32 to index
        %swap3A_468 = tpu.vector_load %arg8[%swap3A_467] {strides = array<i32>} : memref<6144xi32, #tpu.memory_space<vmem>>, vector<16xi32>,
        tpu.vector_store %arg8[%swap3A_467], %bitcast3A_462 {strides = array<i32>} : memref<6144xi32, #tpu.memory_space<vmem>>, vector<16xi32>,
        %add3A_469 = arith.constant 45056 : i32
        %add3A_470 = vector.broadcast %add3A_469 : i32 to vector<16xi32>
        %add3A_471 = arith.addi %get3A_290, %add3A_470 : vector<16xi32>
        %gather3A_472 = tpu.vector_load_idx %arg5[%add3A_471] : memref<49152xf32, #tpu.memory_space<vmem>>[vector<16xi32>], vector<16xf32>,
        %add3A_473 = arith.constant 45056 : i32
        %add3A_474 = vector.broadcast %add3A_473 : i32 to vector<16xi32>
        %add3A_475 = arith.addi %get3A_296, %add3A_474 : vector<16xi32>
        %gather3A_476 = tpu.vector_load_idx %arg5[%add3A_475] : memref<49152xf32, #tpu.memory_space<vmem>>[vector<16xi32>], vector<16xf32>,
        %pack3A_477 = tpu.pack_subelements %gather3A_472, %gather3A_476 {pack_format = #tpu.pack_format<interleaved>, positions = array<i32: 0, 1>} : vector<16xf32>, vector<16xf32> -> vector<32xbf16>
        %bitcast3A_478 = vector.bitcast %pack3A_477 : vector<32xbf16> to vector<16xi32>
        %mul3A_479 = arith.constant 16 : i32
        %mul3A_480 = arith.muli %scan3A_287, %mul3A_479 : i32
        %add3A_481 = arith.constant 5632 : i32
        %add3A_482 = arith.addi %add3A_481, %mul3A_480 : i32
        %swap3A_483 = arith.index_cast %add3A_482 : i32 to index
        %swap3A_484 = tpu.vector_load %arg8[%swap3A_483] {strides = array<i32>} : memref<6144xi32, #tpu.memory_space<vmem>>, vector<16xi32>,
        tpu.vector_store %arg8[%swap3A_483], %bitcast3A_478 {strides = array<i32>} : memref<6144xi32, #tpu.memory_space<vmem>>, vector<16xi32>,
        %scan3A_485 = arith.constant 1 : i32
        %scan3A_486 = arith.addi %scan3A_287, %scan3A_485 : i32
        %mul3A_487 = arith.constant 16 : i32
        %mul3A_488 = arith.muli %scan3A_486, %mul3A_487 : i32
        %get3A_489 = arith.index_cast %mul3A_488 : i32 to index
        %get3A_490 = tpu.vector_load %arg6[%get3A_489] {strides = array<i32>} : memref<1024xi32, #tpu.memory_space<vmem>>, vector<16xi32>,
        %mul3A_491 = arith.constant 16 : i32
        %mul3A_492 = arith.muli %scan3A_486, %mul3A_491 : i32
        %add3A_493 = arith.constant 512 : i32
        %add3A_494 = arith.addi %add3A_493, %mul3A_492 : i32
        %get3A_495 = arith.index_cast %add3A_494 : i32 to index
        %get3A_496 = tpu.vector_load %arg6[%get3A_495] {strides = array<i32>} : memref<1024xi32, #tpu.memory_space<vmem>>, vector<16xi32>,
        %add3A_497 = arith.constant 0 : i32
        %add3A_498 = vector.broadcast %add3A_497 : i32 to vector<16xi32>
        %add3A_499 = arith.addi %get3A_490, %add3A_498 : vector<16xi32>
        %gather3A_500 = tpu.vector_load_idx %arg5[%add3A_499] : memref<49152xf32, #tpu.memory_space<vmem>>[vector<16xi32>], vector<16xf32>,
        %add3A_501 = arith.constant 0 : i32
        %add3A_502 = vector.broadcast %add3A_501 : i32 to vector<16xi32>
        %add3A_503 = arith.addi %get3A_496, %add3A_502 : vector<16xi32>
        %gather3A_504 = tpu.vector_load_idx %arg5[%add3A_503] : memref<49152xf32, #tpu.memory_space<vmem>>[vector<16xi32>], vector<16xf32>,
        %pack3A_505 = tpu.pack_subelements %gather3A_500, %gather3A_504 {pack_format = #tpu.pack_format<interleaved>, positions = array<i32: 0, 1>} : vector<16xf32>, vector<16xf32> -> vector<32xbf16>
        %bitcast3A_506 = vector.bitcast %pack3A_505 : vector<32xbf16> to vector<16xi32>
        %mul3A_507 = arith.constant 16 : i32
        %mul3A_508 = arith.muli %scan3A_486, %mul3A_507 : i32
        %add3A_509 = arith.constant 0 : i32
        %add3A_510 = arith.addi %add3A_509, %mul3A_508 : i32
        %swap3A_511 = arith.index_cast %add3A_510 : i32 to index
        %swap3A_512 = tpu.vector_load %arg8[%swap3A_511] {strides = array<i32>} : memref<6144xi32, #tpu.memory_space<vmem>>, vector<16xi32>,
        tpu.vector_store %arg8[%swap3A_511], %bitcast3A_506 {strides = array<i32>} : memref<6144xi32, #tpu.memory_space<vmem>>, vector<16xi32>,
        %add3A_513 = arith.constant 4096 : i32
        %add3A_514 = vector.broadcast %add3A_513 : i32 to vector<16xi32>
        %add3A_515 = arith.addi %get3A_490, %add3A_514 : vector<16xi32>
        %gather3A_516 = tpu.vector_load_idx %arg5[%add3A_515] : memref<49152xf32, #tpu.memory_space<vmem>>[vector<16xi32>], vector<16xf32>,
        %add3A_517 = arith.constant 4096 : i32
        %add3A_518 = vector.broadcast %add3A_517 : i32 to vector<16xi32>
        %add3A_519 = arith.addi %get3A_496, %add3A_518 : vector<16xi32>
        %gather3A_520 = tpu.vector_load_idx %arg5[%add3A_519] : memref<49152xf32, #tpu.memory_space<vmem>>[vector<16xi32>], vector<16xf32>,
        %pack3A_521 = tpu.pack_subelements %gather3A_516, %gather3A_520 {pack_format = #tpu.pack_format<interleaved>, positions = array<i32: 0, 1>} : vector<16xf32>, vector<16xf32> -> vector<32xbf16>
        %bitcast3A_522 = vector.bitcast %pack3A_521 : vector<32xbf16> to vector<16xi32>
        %mul3A_523 = arith.constant 16 : i32
        %mul3A_524 = arith.muli %scan3A_486, %mul3A_523 : i32
        %add3A_525 = arith.constant 512 : i32
        %add3A_526 = arith.addi %add3A_525, %mul3A_524 : i32
        %swap3A_527 = arith.index_cast %add3A_526 : i32 to index
        %swap3A_528 = tpu.vector_load %arg8[%swap3A_527] {strides = array<i32>} : memref<6144xi32, #tpu.memory_space<vmem>>, vector<16xi32>,
        tpu.vector_store %arg8[%swap3A_527], %bitcast3A_522 {strides = array<i32>} : memref<6144xi32, #tpu.memory_space<vmem>>, vector<16xi32>,
        %add3A_529 = arith.constant 8192 : i32
        %add3A_530 = vector.broadcast %add3A_529 : i32 to vector<16xi32>
        %add3A_531 = arith.addi %get3A_490, %add3A_530 : vector<16xi32>
        %gather3A_532 = tpu.vector_load_idx %arg5[%add3A_531] : memref<49152xf32, #tpu.memory_space<vmem>>[vector<16xi32>], vector<16xf32>,
        %add3A_533 = arith.constant 8192 : i32
        %add3A_534 = vector.broadcast %add3A_533 : i32 to vector<16xi32>
        %add3A_535 = arith.addi %get3A_496, %add3A_534 : vector<16xi32>
        %gather3A_536 = tpu.vector_load_idx %arg5[%add3A_535] : memref<49152xf32, #tpu.memory_space<vmem>>[vector<16xi32>], vector<16xf32>,
        %pack3A_537 = tpu.pack_subelements %gather3A_532, %gather3A_536 {pack_format = #tpu.pack_format<interleaved>, positions = array<i32: 0, 1>} : vector<16xf32>, vector<16xf32> -> vector<32xbf16>
        %bitcast3A_538 = vector.bitcast %pack3A_537 : vector<32xbf16> to vector<16xi32>
        %mul3A_539 = arith.constant 16 : i32
        %mul3A_540 = arith.muli %scan3A_486, %mul3A_539 : i32
        %add3A_541 = arith.constant 1024 : i32
        %add3A_542 = arith.addi %add3A_541, %mul3A_540 : i32
        %swap3A_543 = arith.index_cast %add3A_542 : i32 to index
        %swap3A_544 = tpu.vector_load %arg8[%swap3A_543] {strides = array<i32>} : memref<6144xi32, #tpu.memory_space<vmem>>, vector<16xi32>,
        tpu.vector_store %arg8[%swap3A_543], %bitcast3A_538 {strides = array<i32>} : memref<6144xi32, #tpu.memory_space<vmem>>, vector<16xi32>,
        %add3A_545 = arith.constant 12288 : i32
        %add3A_546 = vector.broadcast %add3A_545 : i32 to vector<16xi32>
        %add3A_547 = arith.addi %get3A_490, %add3A_546 : vector<16xi32>
        %gather3A_548 = tpu.vector_load_idx %arg5[%add3A_547] : memref<49152xf32, #tpu.memory_space<vmem>>[vector<16xi32>], vector<16xf32>,
        %add3A_549 = arith.constant 12288 : i32
        %add3A_550 = vector.broadcast %add3A_549 : i32 to vector<16xi32>
        %add3A_551 = arith.addi %get3A_496, %add3A_550 : vector<16xi32>
        %gather3A_552 = tpu.vector_load_idx %arg5[%add3A_551] : memref<49152xf32, #tpu.memory_space<vmem>>[vector<16xi32>], vector<16xf32>,
        %pack3A_553 = tpu.pack_subelements %gather3A_548, %gather3A_552 {pack_format = #tpu.pack_format<interleaved>, positions = array<i32: 0, 1>} : vector<16xf32>, vector<16xf32> -> vector<32xbf16>
        %bitcast3A_554 = vector.bitcast %pack3A_553 : vector<32xbf16> to vector<16xi32>
        %mul3A_555 = arith.constant 16 : i32
        %mul3A_556 = arith.muli %scan3A_486, %mul3A_555 : i32
        %add3A_557 = arith.constant 1536 : i32
        %add3A_558 = arith.addi %add3A_557, %mul3A_556 : i32
        %swap3A_559 = arith.index_cast %add3A_558 : i32 to index
        %swap3A_560 = tpu.vector_load %arg8[%swap3A_559] {strides = array<i32>} : memref<6144xi32, #tpu.memory_space<vmem>>, vector<16xi32>,
        tpu.vector_store %arg8[%swap3A_559], %bitcast3A_554 {strides = array<i32>} : memref<6144xi32, #tpu.memory_space<vmem>>, vector<16xi32>,
        %add3A_561 = arith.constant 16384 : i32
        %add3A_562 = vector.broadcast %add3A_561 : i32 to vector<16xi32>
        %add3A_563 = arith.addi %get3A_490, %add3A_562 : vector<16xi32>
        %gather3A_564 = tpu.vector_load_idx %arg5[%add3A_563] : memref<49152xf32, #tpu.memory_space<vmem>>[vector<16xi32>], vector<16xf32>,
        %add3A_565 = arith.constant 16384 : i32
        %add3A_566 = vector.broadcast %add3A_565 : i32 to vector<16xi32>
        %add3A_567 = arith.addi %get3A_496, %add3A_566 : vector<16xi32>
        %gather3A_568 = tpu.vector_load_idx %arg5[%add3A_567] : memref<49152xf32, #tpu.memory_space<vmem>>[vector<16xi32>], vector<16xf32>,
        %pack3A_569 = tpu.pack_subelements %gather3A_564, %gather3A_568 {pack_format = #tpu.pack_format<interleaved>, positions = array<i32: 0, 1>} : vector<16xf32>, vector<16xf32> -> vector<32xbf16>
        %bitcast3A_570 = vector.bitcast %pack3A_569 : vector<32xbf16> to vector<16xi32>
        %mul3A_571 = arith.constant 16 : i32
        %mul3A_572 = arith.muli %scan3A_486, %mul3A_571 : i32
        %add3A_573 = arith.constant 2048 : i32
        %add3A_574 = arith.addi %add3A_573, %mul3A_572 : i32
        %swap3A_575 = arith.index_cast %add3A_574 : i32 to index
        %swap3A_576 = tpu.vector_load %arg8[%swap3A_575] {strides = array<i32>} : memref<6144xi32, #tpu.memory_space<vmem>>, vector<16xi32>,
        tpu.vector_store %arg8[%swap3A_575], %bitcast3A_570 {strides = array<i32>} : memref<6144xi32, #tpu.memory_space<vmem>>, vector<16xi32>,
        %add3A_577 = arith.constant 20480 : i32
        %add3A_578 = vector.broadcast %add3A_577 : i32 to vector<16xi32>
        %add3A_579 = arith.addi %get3A_490, %add3A_578 : vector<16xi32>
        %gather3A_580 = tpu.vector_load_idx %arg5[%add3A_579] : memref<49152xf32, #tpu.memory_space<vmem>>[vector<16xi32>], vector<16xf32>,
        %add3A_581 = arith.constant 20480 : i32
        %add3A_582 = vector.broadcast %add3A_581 : i32 to vector<16xi32>
        %add3A_583 = arith.addi %get3A_496, %add3A_582 : vector<16xi32>
        %gather3A_584 = tpu.vector_load_idx %arg5[%add3A_583] : memref<49152xf32, #tpu.memory_space<vmem>>[vector<16xi32>], vector<16xf32>,
        %pack3A_585 = tpu.pack_subelements %gather3A_580, %gather3A_584 {pack_format = #tpu.pack_format<interleaved>, positions = array<i32: 0, 1>} : vector<16xf32>, vector<16xf32> -> vector<32xbf16>
        %bitcast3A_586 = vector.bitcast %pack3A_585 : vector<32xbf16> to vector<16xi32>
        %mul3A_587 = arith.constant 16 : i32
        %mul3A_588 = arith.muli %scan3A_486, %mul3A_587 : i32
        %add3A_589 = arith.constant 2560 : i32
        %add3A_590 = arith.addi %add3A_589, %mul3A_588 : i32
        %swap3A_591 = arith.index_cast %add3A_590 : i32 to index
        %swap3A_592 = tpu.vector_load %arg8[%swap3A_591] {strides = array<i32>} : memref<6144xi32, #tpu.memory_space<vmem>>, vector<16xi32>,
        tpu.vector_store %arg8[%swap3A_591], %bitcast3A_586 {strides = array<i32>} : memref<6144xi32, #tpu.memory_space<vmem>>, vector<16xi32>,
        %add3A_593 = arith.constant 24576 : i32
        %add3A_594 = vector.broadcast %add3A_593 : i32 to vector<16xi32>
        %add3A_595 = arith.addi %get3A_490, %add3A_594 : vector<16xi32>
        %gather3A_596 = tpu.vector_load_idx %arg5[%add3A_595] : memref<49152xf32, #tpu.memory_space<vmem>>[vector<16xi32>], vector<16xf32>,
        %add3A_597 = arith.constant 24576 : i32
        %add3A_598 = vector.broadcast %add3A_597 : i32 to vector<16xi32>
        %add3A_599 = arith.addi %get3A_496, %add3A_598 : vector<16xi32>
        %gather3A_600 = tpu.vector_load_idx %arg5[%add3A_599] : memref<49152xf32, #tpu.memory_space<vmem>>[vector<16xi32>], vector<16xf32>,
        %pack3A_601 = tpu.pack_subelements %gather3A_596, %gather3A_600 {pack_format = #tpu.pack_format<interleaved>, positions = array<i32: 0, 1>} : vector<16xf32>, vector<16xf32> -> vector<32xbf16>
        %bitcast3A_602 = vector.bitcast %pack3A_601 : vector<32xbf16> to vector<16xi32>
        %mul3A_603 = arith.constant 16 : i32
        %mul3A_604 = arith.muli %scan3A_486, %mul3A_603 : i32
        %add3A_605 = arith.constant 3072 : i32
        %add3A_606 = arith.addi %add3A_605, %mul3A_604 : i32
        %swap3A_607 = arith.index_cast %add3A_606 : i32 to index
        %swap3A_608 = tpu.vector_load %arg8[%swap3A_607] {strides = array<i32>} : memref<6144xi32, #tpu.memory_space<vmem>>, vector<16xi32>,
        tpu.vector_store %arg8[%swap3A_607], %bitcast3A_602 {strides = array<i32>} : memref<6144xi32, #tpu.memory_space<vmem>>, vector<16xi32>,
        %add3A_609 = arith.constant 28672 : i32
        %add3A_610 = vector.broadcast %add3A_609 : i32 to vector<16xi32>
        %add3A_611 = arith.addi %get3A_490, %add3A_610 : vector<16xi32>
        %gather3A_612 = tpu.vector_load_idx %arg5[%add3A_611] : memref<49152xf32, #tpu.memory_space<vmem>>[vector<16xi32>], vector<16xf32>,
        %add3A_613 = arith.constant 28672 : i32
        %add3A_614 = vector.broadcast %add3A_613 : i32 to vector<16xi32>
        %add3A_615 = arith.addi %get3A_496, %add3A_614 : vector<16xi32>
        %gather3A_616 = tpu.vector_load_idx %arg5[%add3A_615] : memref<49152xf32, #tpu.memory_space<vmem>>[vector<16xi32>], vector<16xf32>,
        %pack3A_617 = tpu.pack_subelements %gather3A_612, %gather3A_616 {pack_format = #tpu.pack_format<interleaved>, positions = array<i32: 0, 1>} : vector<16xf32>, vector<16xf32> -> vector<32xbf16>
        %bitcast3A_618 = vector.bitcast %pack3A_617 : vector<32xbf16> to vector<16xi32>
        %mul3A_619 = arith.constant 16 : i32
        %mul3A_620 = arith.muli %scan3A_486, %mul3A_619 : i32
        %add3A_621 = arith.constant 3584 : i32
        %add3A_622 = arith.addi %add3A_621, %mul3A_620 : i32
        %swap3A_623 = arith.index_cast %add3A_622 : i32 to index
        %swap3A_624 = tpu.vector_load %arg8[%swap3A_623] {strides = array<i32>} : memref<6144xi32, #tpu.memory_space<vmem>>, vector<16xi32>,
        tpu.vector_store %arg8[%swap3A_623], %bitcast3A_618 {strides = array<i32>} : memref<6144xi32, #tpu.memory_space<vmem>>, vector<16xi32>,
        %add3A_625 = arith.constant 32768 : i32
        %add3A_626 = vector.broadcast %add3A_625 : i32 to vector<16xi32>
        %add3A_627 = arith.addi %get3A_490, %add3A_626 : vector<16xi32>
        %gather3A_628 = tpu.vector_load_idx %arg5[%add3A_627] : memref<49152xf32, #tpu.memory_space<vmem>>[vector<16xi32>], vector<16xf32>,
        %add3A_629 = arith.constant 32768 : i32
        %add3A_630 = vector.broadcast %add3A_629 : i32 to vector<16xi32>
        %add3A_631 = arith.addi %get3A_496, %add3A_630 : vector<16xi32>
        %gather3A_632 = tpu.vector_load_idx %arg5[%add3A_631] : memref<49152xf32, #tpu.memory_space<vmem>>[vector<16xi32>], vector<16xf32>,
        %pack3A_633 = tpu.pack_subelements %gather3A_628, %gather3A_632 {pack_format = #tpu.pack_format<interleaved>, positions = array<i32: 0, 1>} : vector<16xf32>, vector<16xf32> -> vector<32xbf16>
        %bitcast3A_634 = vector.bitcast %pack3A_633 : vector<32xbf16> to vector<16xi32>
        %mul3A_635 = arith.constant 16 : i32
        %mul3A_636 = arith.muli %scan3A_486, %mul3A_635 : i32
        %add3A_637 = arith.constant 4096 : i32
        %add3A_638 = arith.addi %add3A_637, %mul3A_636 : i32
        %swap3A_639 = arith.index_cast %add3A_638 : i32 to index
        %swap3A_640 = tpu.vector_load %arg8[%swap3A_639] {strides = array<i32>} : memref<6144xi32, #tpu.memory_space<vmem>>, vector<16xi32>,
        tpu.vector_store %arg8[%swap3A_639], %bitcast3A_634 {strides = array<i32>} : memref<6144xi32, #tpu.memory_space<vmem>>, vector<16xi32>,
        %add3A_641 = arith.constant 36864 : i32
        %add3A_642 = vector.broadcast %add3A_641 : i32 to vector<16xi32>
        %add3A_643 = arith.addi %get3A_490, %add3A_642 : vector<16xi32>
        %gather3A_644 = tpu.vector_load_idx %arg5[%add3A_643] : memref<49152xf32, #tpu.memory_space<vmem>>[vector<16xi32>], vector<16xf32>,
        %add3A_645 = arith.constant 36864 : i32
        %add3A_646 = vector.broadcast %add3A_645 : i32 to vector<16xi32>
        %add3A_647 = arith.addi %get3A_496, %add3A_646 : vector<16xi32>
        %gather3A_648 = tpu.vector_load_idx %arg5[%add3A_647] : memref<49152xf32, #tpu.memory_space<vmem>>[vector<16xi32>], vector<16xf32>,
        %pack3A_649 = tpu.pack_subelements %gather3A_644, %gather3A_648 {pack_format = #tpu.pack_format<interleaved>, positions = array<i32: 0, 1>} : vector<16xf32>, vector<16xf32> -> vector<32xbf16>
        %bitcast3A_650 = vector.bitcast %pack3A_649 : vector<32xbf16> to vector<16xi32>
        %mul3A_651 = arith.constant 16 : i32
        %mul3A_652 = arith.muli %scan3A_486, %mul3A_651 : i32
        %add3A_653 = arith.constant 4608 : i32
        %add3A_654 = arith.addi %add3A_653, %mul3A_652 : i32
        %swap3A_655 = arith.index_cast %add3A_654 : i32 to index
        %swap3A_656 = tpu.vector_load %arg8[%swap3A_655] {strides = array<i32>} : memref<6144xi32, #tpu.memory_space<vmem>>, vector<16xi32>,
        tpu.vector_store %arg8[%swap3A_655], %bitcast3A_650 {strides = array<i32>} : memref<6144xi32, #tpu.memory_space<vmem>>, vector<16xi32>,
        %add3A_657 = arith.constant 40960 : i32
        %add3A_658 = vector.broadcast %add3A_657 : i32 to vector<16xi32>
        %add3A_659 = arith.addi %get3A_490, %add3A_658 : vector<16xi32>
        %gather3A_660 = tpu.vector_load_idx %arg5[%add3A_659] : memref<49152xf32, #tpu.memory_space<vmem>>[vector<16xi32>], vector<16xf32>,
        %add3A_661 = arith.constant 40960 : i32
        %add3A_662 = vector.broadcast %add3A_661 : i32 to vector<16xi32>
        %add3A_663 = arith.addi %get3A_496, %add3A_662 : vector<16xi32>
        %gather3A_664 = tpu.vector_load_idx %arg5[%add3A_663] : memref<49152xf32, #tpu.memory_space<vmem>>[vector<16xi32>], vector<16xf32>,
        %pack3A_665 = tpu.pack_subelements %gather3A_660, %gather3A_664 {pack_format = #tpu.pack_format<interleaved>, positions = array<i32: 0, 1>} : vector<16xf32>, vector<16xf32> -> vector<32xbf16>
        %bitcast3A_666 = vector.bitcast %pack3A_665 : vector<32xbf16> to vector<16xi32>
        %mul3A_667 = arith.constant 16 : i32
        %mul3A_668 = arith.muli %scan3A_486, %mul3A_667 : i32
        %add3A_669 = arith.constant 5120 : i32
        %add3A_670 = arith.addi %add3A_669, %mul3A_668 : i32
        %swap3A_671 = arith.index_cast %add3A_670 : i32 to index
        %swap3A_672 = tpu.vector_load %arg8[%swap3A_671] {strides = array<i32>} : memref<6144xi32, #tpu.memory_space<vmem>>, vector<16xi32>,
        tpu.vector_store %arg8[%swap3A_671], %bitcast3A_666 {strides = array<i32>} : memref<6144xi32, #tpu.memory_space<vmem>>, vector<16xi32>,
        %add3A_673 = arith.constant 45056 : i32
        %add3A_674 = vector.broadcast %add3A_673 : i32 to vector<16xi32>
        %add3A_675 = arith.addi %get3A_490, %add3A_674 : vector<16xi32>
        %gather3A_676 = tpu.vector_load_idx %arg5[%add3A_675] : memref<49152xf32, #tpu.memory_space<vmem>>[vector<16xi32>], vector<16xf32>,
        %add3A_677 = arith.constant 45056 : i32
        %add3A_678 = vector.broadcast %add3A_677 : i32 to vector<16xi32>
        %add3A_679 = arith.addi %get3A_496, %add3A_678 : vector<16xi32>
        %gather3A_680 = tpu.vector_load_idx %arg5[%add3A_679] : memref<49152xf32, #tpu.memory_space<vmem>>[vector<16xi32>], vector<16xf32>,
        %pack3A_681 = tpu.pack_subelements %gather3A_676, %gather3A_680 {pack_format = #tpu.pack_format<interleaved>, positions = array<i32: 0, 1>} : vector<16xf32>, vector<16xf32> -> vector<32xbf16>
        %bitcast3A_682 = vector.bitcast %pack3A_681 : vector<32xbf16> to vector<16xi32>
        %mul3A_683 = arith.constant 16 : i32
        %mul3A_684 = arith.muli %scan3A_486, %mul3A_683 : i32
        %add3A_685 = arith.constant 5632 : i32
        %add3A_686 = arith.addi %add3A_685, %mul3A_684 : i32
        %swap3A_687 = arith.index_cast %add3A_686 : i32 to index
        %swap3A_688 = tpu.vector_load %arg8[%swap3A_687] {strides = array<i32>} : memref<6144xi32, #tpu.memory_space<vmem>>, vector<16xi32>,
        tpu.vector_store %arg8[%swap3A_687], %bitcast3A_682 {strides = array<i32>} : memref<6144xi32, #tpu.memory_space<vmem>>, vector<16xi32>,
      }
      %scan3A_53 = arith.constant 32 : i32
      %mul3A_54 = arith.constant 512 : i32
      %mul3A_55 = arith.muli %add3A_41, %mul3A_54 : i32
      %add3A_56 = arith.constant 0 : i32
      %add3A_57 = arith.addi %mul3A_55, %add3A_56 : i32
      %dma_start3A_58 = arith.constant 0 : i32
      %dma_start3A_59 = tpu.memref_slice %arg8[%dma_start3A_58] : memref<6144xi32, #tpu.memory_space<vmem>> -> memref<512xi32, #tpu.memory_space<vmem>>
      %dma_start3A_60 = tpu.memref_slice %arg4[%add3A_57] : memref<6291456xi32, #tpu.memory_space<hbm>> -> memref<512xi32, #tpu.memory_space<hbm>>
      %dma_start3A_61 = tpu.memref_slice %arg4[%add3A_57] : memref<6291456xi32, #tpu.memory_space<hbm>> -> memref<512xi32, #tpu.memory_space<hbm>>
      %dma_start3A_62 = arith.constant 0 : i32
      %dma_start3A_63 = tpu.memref_slice %arg8[%dma_start3A_62] : memref<6144xi32, #tpu.memory_space<vmem>> -> memref<512xi32, #tpu.memory_space<vmem>>
      tpu.enqueue_dma source(%dma_start3A_63 : memref<512xi32, #tpu.memory_space<vmem>>) target(%dma_start3A_61 : memref<512xi32, #tpu.memory_space<hbm>>) target_semaphore(%arg12 : memref<!tpu.dma_semaphore, #tpu.memory_space<semaphore_mem>>)
      %add3A_64 = arith.constant 524288 : i32
      %add3A_65 = arith.addi %mul3A_55, %add3A_64 : i32
      %dma_start3A_66 = arith.constant 512 : i32
      %dma_start3A_67 = tpu.memref_slice %arg8[%dma_start3A_66] : memref<6144xi32, #tpu.memory_space<vmem>> -> memref<512xi32, #tpu.memory_space<vmem>>
      %dma_start3A_68 = tpu.memref_slice %arg4[%add3A_65] : memref<6291456xi32, #tpu.memory_space<hbm>> -> memref<512xi32, #tpu.memory_space<hbm>>
      %dma_start3A_69 = tpu.memref_slice %arg4[%add3A_65] : memref<6291456xi32, #tpu.memory_space<hbm>> -> memref<512xi32, #tpu.memory_space<hbm>>
      %dma_start3A_70 = arith.constant 512 : i32
      %dma_start3A_71 = tpu.memref_slice %arg8[%dma_start3A_70] : memref<6144xi32, #tpu.memory_space<vmem>> -> memref<512xi32, #tpu.memory_space<vmem>>
      tpu.enqueue_dma source(%dma_start3A_71 : memref<512xi32, #tpu.memory_space<vmem>>) target(%dma_start3A_69 : memref<512xi32, #tpu.memory_space<hbm>>) target_semaphore(%arg12 : memref<!tpu.dma_semaphore, #tpu.memory_space<semaphore_mem>>)
      %add3A_72 = arith.constant 1048576 : i32
      %add3A_73 = arith.addi %mul3A_55, %add3A_72 : i32
      %dma_start3A_74 = arith.constant 1024 : i32
      %dma_start3A_75 = tpu.memref_slice %arg8[%dma_start3A_74] : memref<6144xi32, #tpu.memory_space<vmem>> -> memref<512xi32, #tpu.memory_space<vmem>>
      %dma_start3A_76 = tpu.memref_slice %arg4[%add3A_73] : memref<6291456xi32, #tpu.memory_space<hbm>> -> memref<512xi32, #tpu.memory_space<hbm>>
      %dma_start3A_77 = tpu.memref_slice %arg4[%add3A_73] : memref<6291456xi32, #tpu.memory_space<hbm>> -> memref<512xi32, #tpu.memory_space<hbm>>
      %dma_start3A_78 = arith.constant 1024 : i32
      %dma_start3A_79 = tpu.memref_slice %arg8[%dma_start3A_78] : memref<6144xi32, #tpu.memory_space<vmem>> -> memref<512xi32, #tpu.memory_space<vmem>>
      tpu.enqueue_dma source(%dma_start3A_79 : memref<512xi32, #tpu.memory_space<vmem>>) target(%dma_start3A_77 : memref<512xi32, #tpu.memory_space<hbm>>) target_semaphore(%arg12 : memref<!tpu.dma_semaphore, #tpu.memory_space<semaphore_mem>>)
      %add3A_80 = arith.constant 1572864 : i32
      %add3A_81 = arith.addi %mul3A_55, %add3A_80 : i32
      %dma_start3A_82 = arith.constant 1536 : i32
      %dma_start3A_83 = tpu.memref_slice %arg8[%dma_start3A_82] : memref<6144xi32, #tpu.memory_space<vmem>> -> memref<512xi32, #tpu.memory_space<vmem>>
      %dma_start3A_84 = tpu.memref_slice %arg4[%add3A_81] : memref<6291456xi32, #tpu.memory_space<hbm>> -> memref<512xi32, #tpu.memory_space<hbm>>
      %dma_start3A_85 = tpu.memref_slice %arg4[%add3A_81] : memref<6291456xi32, #tpu.memory_space<hbm>> -> memref<512xi32, #tpu.memory_space<hbm>>
      %dma_start3A_86 = arith.constant 1536 : i32
      %dma_start3A_87 = tpu.memref_slice %arg8[%dma_start3A_86] : memref<6144xi32, #tpu.memory_space<vmem>> -> memref<512xi32, #tpu.memory_space<vmem>>
      tpu.enqueue_dma source(%dma_start3A_87 : memref<512xi32, #tpu.memory_space<vmem>>) target(%dma_start3A_85 : memref<512xi32, #tpu.memory_space<hbm>>) target_semaphore(%arg12 : memref<!tpu.dma_semaphore, #tpu.memory_space<semaphore_mem>>)
      %add3A_88 = arith.constant 2097152 : i32
      %add3A_89 = arith.addi %mul3A_55, %add3A_88 : i32
      %dma_start3A_90 = arith.constant 2048 : i32
      %dma_start3A_91 = tpu.memref_slice %arg8[%dma_start3A_90] : memref<6144xi32, #tpu.memory_space<vmem>> -> memref<512xi32, #tpu.memory_space<vmem>>
      %dma_start3A_92 = tpu.memref_slice %arg4[%add3A_89] : memref<6291456xi32, #tpu.memory_space<hbm>> -> memref<512xi32, #tpu.memory_space<hbm>>
      %dma_start3A_93 = tpu.memref_slice %arg4[%add3A_89] : memref<6291456xi32, #tpu.memory_space<hbm>> -> memref<512xi32, #tpu.memory_space<hbm>>
      %dma_start3A_94 = arith.constant 2048 : i32
      %dma_start3A_95 = tpu.memref_slice %arg8[%dma_start3A_94] : memref<6144xi32, #tpu.memory_space<vmem>> -> memref<512xi32, #tpu.memory_space<vmem>>
      tpu.enqueue_dma source(%dma_start3A_95 : memref<512xi32, #tpu.memory_space<vmem>>) target(%dma_start3A_93 : memref<512xi32, #tpu.memory_space<hbm>>) target_semaphore(%arg12 : memref<!tpu.dma_semaphore, #tpu.memory_space<semaphore_mem>>)
      %add3A_96 = arith.constant 2621440 : i32
      %add3A_97 = arith.addi %mul3A_55, %add3A_96 : i32
      %dma_start3A_98 = arith.constant 2560 : i32
      %dma_start3A_99 = tpu.memref_slice %arg8[%dma_start3A_98] : memref<6144xi32, #tpu.memory_space<vmem>> -> memref<512xi32, #tpu.memory_space<vmem>>
      %dma_start3A_100 = tpu.memref_slice %arg4[%add3A_97] : memref<6291456xi32, #tpu.memory_space<hbm>> -> memref<512xi32, #tpu.memory_space<hbm>>
      %dma_start3A_101 = tpu.memref_slice %arg4[%add3A_97] : memref<6291456xi32, #tpu.memory_space<hbm>> -> memref<512xi32, #tpu.memory_space<hbm>>
      %dma_start3A_102 = arith.constant 2560 : i32
      %dma_start3A_103 = tpu.memref_slice %arg8[%dma_start3A_102] : memref<6144xi32, #tpu.memory_space<vmem>> -> memref<512xi32, #tpu.memory_space<vmem>>
      tpu.enqueue_dma source(%dma_start3A_103 : memref<512xi32, #tpu.memory_space<vmem>>) target(%dma_start3A_101 : memref<512xi32, #tpu.memory_space<hbm>>) target_semaphore(%arg12 : memref<!tpu.dma_semaphore, #tpu.memory_space<semaphore_mem>>)
      %add3A_104 = arith.constant 3145728 : i32
      %add3A_105 = arith.addi %mul3A_55, %add3A_104 : i32
      %dma_start3A_106 = arith.constant 3072 : i32
      %dma_start3A_107 = tpu.memref_slice %arg8[%dma_start3A_106] : memref<6144xi32, #tpu.memory_space<vmem>> -> memref<512xi32, #tpu.memory_space<vmem>>
      %dma_start3A_108 = tpu.memref_slice %arg4[%add3A_105] : memref<6291456xi32, #tpu.memory_space<hbm>> -> memref<512xi32, #tpu.memory_space<hbm>>
      %dma_start3A_109 = tpu.memref_slice %arg4[%add3A_105] : memref<6291456xi32, #tpu.memory_space<hbm>> -> memref<512xi32, #tpu.memory_space<hbm>>
      %dma_start3A_110 = arith.constant 3072 : i32
      %dma_start3A_111 = tpu.memref_slice %arg8[%dma_start3A_110] : memref<6144xi32, #tpu.memory_space<vmem>> -> memref<512xi32, #tpu.memory_space<vmem>>
      tpu.enqueue_dma source(%dma_start3A_111 : memref<512xi32, #tpu.memory_space<vmem>>) target(%dma_start3A_109 : memref<512xi32, #tpu.memory_space<hbm>>) target_semaphore(%arg12 : memref<!tpu.dma_semaphore, #tpu.memory_space<semaphore_mem>>)
      %add3A_112 = arith.constant 3670016 : i32
      %add3A_113 = arith.addi %mul3A_55, %add3A_112 : i32
      %dma_start3A_114 = arith.constant 3584 : i32
      %dma_start3A_115 = tpu.memref_slice %arg8[%dma_start3A_114] : memref<6144xi32, #tpu.memory_space<vmem>> -> memref<512xi32, #tpu.memory_space<vmem>>
      %dma_start3A_116 = tpu.memref_slice %arg4[%add3A_113] : memref<6291456xi32, #tpu.memory_space<hbm>> -> memref<512xi32, #tpu.memory_space<hbm>>
      %dma_start3A_117 = tpu.memref_slice %arg4[%add3A_113] : memref<6291456xi32, #tpu.memory_space<hbm>> -> memref<512xi32, #tpu.memory_space<hbm>>
      %dma_start3A_118 = arith.constant 3584 : i32
      %dma_start3A_119 = tpu.memref_slice %arg8[%dma_start3A_118] : memref<6144xi32, #tpu.memory_space<vmem>> -> memref<512xi32, #tpu.memory_space<vmem>>
      tpu.enqueue_dma source(%dma_start3A_119 : memref<512xi32, #tpu.memory_space<vmem>>) target(%dma_start3A_117 : memref<512xi32, #tpu.memory_space<hbm>>) target_semaphore(%arg12 : memref<!tpu.dma_semaphore, #tpu.memory_space<semaphore_mem>>)
      %add3A_120 = arith.constant 4194304 : i32
      %add3A_121 = arith.addi %mul3A_55, %add3A_120 : i32
      %dma_start3A_122 = arith.constant 4096 : i32
      %dma_start3A_123 = tpu.memref_slice %arg8[%dma_start3A_122] : memref<6144xi32, #tpu.memory_space<vmem>> -> memref<512xi32, #tpu.memory_space<vmem>>
      %dma_start3A_124 = tpu.memref_slice %arg4[%add3A_121] : memref<6291456xi32, #tpu.memory_space<hbm>> -> memref<512xi32, #tpu.memory_space<hbm>>
      %dma_start3A_125 = tpu.memref_slice %arg4[%add3A_121] : memref<6291456xi32, #tpu.memory_space<hbm>> -> memref<512xi32, #tpu.memory_space<hbm>>
      %dma_start3A_126 = arith.constant 4096 : i32
      %dma_start3A_127 = tpu.memref_slice %arg8[%dma_start3A_126] : memref<6144xi32, #tpu.memory_space<vmem>> -> memref<512xi32, #tpu.memory_space<vmem>>
      tpu.enqueue_dma source(%dma_start3A_127 : memref<512xi32, #tpu.memory_space<vmem>>) target(%dma_start3A_125 : memref<512xi32, #tpu.memory_space<hbm>>) target_semaphore(%arg12 : memref<!tpu.dma_semaphore, #tpu.memory_space<semaphore_mem>>)
      %add3A_128 = arith.constant 4718592 : i32
      %add3A_129 = arith.addi %mul3A_55, %add3A_128 : i32
      %dma_start3A_130 = arith.constant 4608 : i32
      %dma_start3A_131 = tpu.memref_slice %arg8[%dma_start3A_130] : memref<6144xi32, #tpu.memory_space<vmem>> -> memref<512xi32, #tpu.memory_space<vmem>>
      %dma_start3A_132 = tpu.memref_slice %arg4[%add3A_129] : memref<6291456xi32, #tpu.memory_space<hbm>> -> memref<512xi32, #tpu.memory_space<hbm>>
      %dma_start3A_133 = tpu.memref_slice %arg4[%add3A_129] : memref<6291456xi32, #tpu.memory_space<hbm>> -> memref<512xi32, #tpu.memory_space<hbm>>
      %dma_start3A_134 = arith.constant 4608 : i32
      %dma_start3A_135 = tpu.memref_slice %arg8[%dma_start3A_134] : memref<6144xi32, #tpu.memory_space<vmem>> -> memref<512xi32, #tpu.memory_space<vmem>>
      tpu.enqueue_dma source(%dma_start3A_135 : memref<512xi32, #tpu.memory_space<vmem>>) target(%dma_start3A_133 : memref<512xi32, #tpu.memory_space<hbm>>) target_semaphore(%arg12 : memref<!tpu.dma_semaphore, #tpu.memory_space<semaphore_mem>>)
      %add3A_136 = arith.constant 5242880 : i32
      %add3A_137 = arith.addi %mul3A_55, %add3A_136 : i32
      %dma_start3A_138 = arith.constant 5120 : i32
      %dma_start3A_139 = tpu.memref_slice %arg8[%dma_start3A_138] : memref<6144xi32, #tpu.memory_space<vmem>> -> memref<512xi32, #tpu.memory_space<vmem>>
      %dma_start3A_140 = tpu.memref_slice %arg4[%add3A_137] : memref<6291456xi32, #tpu.memory_space<hbm>> -> memref<512xi32, #tpu.memory_space<hbm>>
      %dma_start3A_141 = tpu.memref_slice %arg4[%add3A_137] : memref<6291456xi32, #tpu.memory_space<hbm>> -> memref<512xi32, #tpu.memory_space<hbm>>
      %dma_start3A_142 = arith.constant 5120 : i32
      %dma_start3A_143 = tpu.memref_slice %arg8[%dma_start3A_142] : memref<6144xi32, #tpu.memory_space<vmem>> -> memref<512xi32, #tpu.memory_space<vmem>>
      tpu.enqueue_dma source(%dma_start3A_143 : memref<512xi32, #tpu.memory_space<vmem>>) target(%dma_start3A_141 : memref<512xi32, #tpu.memory_space<hbm>>) target_semaphore(%arg12 : memref<!tpu.dma_semaphore, #tpu.memory_space<semaphore_mem>>)
      %add3A_144 = arith.constant 5767168 : i32
      %add3A_145 = arith.addi %mul3A_55, %add3A_144 : i32
      %dma_start3A_146 = arith.constant 5632 : i32
      %dma_start3A_147 = tpu.memref_slice %arg8[%dma_start3A_146] : memref<6144xi32, #tpu.memory_space<vmem>> -> memref<512xi32, #tpu.memory_space<vmem>>
      %dma_start3A_148 = tpu.memref_slice %arg4[%add3A_145] : memref<6291456xi32, #tpu.memory_space<hbm>> -> memref<512xi32, #tpu.memory_space<hbm>>
      %dma_start3A_149 = tpu.memref_slice %arg4[%add3A_145] : memref<6291456xi32, #tpu.memory_space<hbm>> -> memref<512xi32, #tpu.memory_space<hbm>>
      %dma_start3A_150 = arith.constant 5632 : i32
      %dma_start3A_151 = tpu.memref_slice %arg8[%dma_start3A_150] : memref<6144xi32, #tpu.memory_space<vmem>> -> memref<512xi32, #tpu.memory_space<vmem>>
      tpu.enqueue_dma source(%dma_start3A_151 : memref<512xi32, #tpu.memory_space<vmem>>) target(%dma_start3A_149 : memref<512xi32, #tpu.memory_space<hbm>>) target_semaphore(%arg12 : memref<!tpu.dma_semaphore, #tpu.memory_space<semaphore_mem>>)
      %add3A_152 = arith.constant 2 : i32
      %add3A_153 = arith.addi %add3A_41, %add3A_152 : i32
      %min3A = arith.constant 1023 : i32
      %min3A_154 = arith.minsi %add3A_153, %min3A : i32
      %mul3A_155 = arith.constant 1024 : i32
      %mul3A_156 = arith.muli %min3A_154, %mul3A_155 : i32
      %dma_start3A_157 = tpu.memref_slice %arg3[%mul3A_156] : memref<1048576xi32, #tpu.memory_space<hbm>> -> memref<1024xi32, #tpu.memory_space<hbm>>
      %dma_start3A_158 = tpu.memref_slice %arg3[%mul3A_156] : memref<1048576xi32, #tpu.memory_space<hbm>> -> memref<1024xi32, #tpu.memory_space<hbm>>
      tpu.enqueue_dma source(%dma_start3A_158 : memref<1024xi32, #tpu.memory_space<hbm>>) target(%arg6 : memref<1024xi32, #tpu.memory_space<vmem>>) target_semaphore(%arg10 : memref<!tpu.dma_semaphore, #tpu.memory_space<semaphore_mem>>)
      %mul3A_159 = arith.constant 32 : i32
      %mul3A_160 = arith.muli %add3A, %mul3A_159 : i32
      %mul3A_161 = arith.constant 2 : i32
      %mul3A_162 = arith.muli %mul3A_161, %scan3A_34 : i32
      %add3A_163 = arith.addi %mul3A_160, %mul3A_162 : i32
      %add3A_164 = arith.constant 1 : i32
      %add3A_165 = arith.addi %add3A_163, %add3A_164 : i32
      %dma_wait3A_166 = arith.constant 0 : i32
      %dma_wait3A_167 = tpu.memref_slice %arg3[%dma_wait3A_166] : memref<1048576xi32, #tpu.memory_space<hbm>> -> memref<1024xi32, #tpu.memory_space<hbm>>
      %dma_wait3A_168 = arith.constant 0 : i32
      %dma_wait3A_169 = tpu.memref_slice %arg3[%dma_wait3A_168] : memref<1048576xi32, #tpu.memory_space<hbm>> -> memref<1024xi32, #tpu.memory_space<hbm>>
      tpu.wait_dma2 semaphore(%arg11 : memref<!tpu.dma_semaphore, #tpu.memory_space<semaphore_mem>>) src(%dma_wait3A_169 : memref<1024xi32, #tpu.memory_space<hbm>>) dst(%arg7 : memref<1024xi32, #tpu.memory_space<vmem>>)
      %gt3A_170 = arith.constant 0 : i32
      %gt3A_171 = arith.cmpi sgt, %scan3A_34, %gt3A_170 : i32
      %convert_element_type3A_172 = arith.extui %gt3A_171 : i1 to i32
      %cond3A_173 = arith.constant 0 : i32
      %cond3A_174 = arith.cmpi ne, %convert_element_type3A_172, %cond3A_173 : i32
      scf.if %cond3A_174 {
        %dma_wait3A_287 = arith.constant 0 : i32
        %dma_wait3A_288 = tpu.memref_slice %arg4[%dma_wait3A_287] : memref<6291456xi32, #tpu.memory_space<hbm>> -> memref<6144xi32, #tpu.memory_space<hbm>>
        %dma_wait3A_289 = arith.constant 0 : i32
        %dma_wait3A_290 = tpu.memref_slice %arg4[%dma_wait3A_289] : memref<6291456xi32, #tpu.memory_space<hbm>> -> memref<6144xi32, #tpu.memory_space<hbm>>
        tpu.wait_dma2 semaphore(%arg13 : memref<!tpu.dma_semaphore, #tpu.memory_space<semaphore_mem>>) src(%dma_wait3A_290 : memref<6144xi32, #tpu.memory_space<hbm>>) dst(%arg9 : memref<6144xi32, #tpu.memory_space<vmem>>)
      } else {
      }
      %scan3A_175 = arith.constant 0 : i32
      %scan3A_176 = arith.constant 0 : i32
      %scan3A_177 = arith.constant 32 : i32
      %scan3A_178 = arith.addi %scan3A_176, %scan3A_177 : i32
      %scan3A_179 = arith.constant 2 : i32
      scf.for %scan3A_287 = %scan3A_176 to %scan3A_178 step %scan3A_179  : i32 {
        %mul3A_288 = arith.constant 16 : i32
        %mul3A_289 = arith.muli %scan3A_287, %mul3A_288 : i32
        %get3A = arith.index_cast %mul3A_289 : i32 to index
        %get3A_290 = tpu.vector_load %arg7[%get3A] {strides = array<i32>} : memref<1024xi32, #tpu.memory_space<vmem>>, vector<16xi32>,
        %mul3A_291 = arith.constant 16 : i32
        %mul3A_292 = arith.muli %scan3A_287, %mul3A_291 : i32
        %add3A_293 = arith.constant 512 : i32
        %add3A_294 = arith.addi %add3A_293, %mul3A_292 : i32
        %get3A_295 = arith.index_cast %add3A_294 : i32 to index
        %get3A_296 = tpu.vector_load %arg7[%get3A_295] {strides = array<i32>} : memref<1024xi32, #tpu.memory_space<vmem>>, vector<16xi32>,
        %add3A_297 = arith.constant 0 : i32
        %add3A_298 = vector.broadcast %add3A_297 : i32 to vector<16xi32>
        %add3A_299 = arith.addi %get3A_290, %add3A_298 : vector<16xi32>
        %gather3A = tpu.vector_load_idx %arg5[%add3A_299] : memref<49152xf32, #tpu.memory_space<vmem>>[vector<16xi32>], vector<16xf32>,
        %add3A_300 = arith.constant 0 : i32
        %add3A_301 = vector.broadcast %add3A_300 : i32 to vector<16xi32>
        %add3A_302 = arith.addi %get3A_296, %add3A_301 : vector<16xi32>
        %gather3A_303 = tpu.vector_load_idx %arg5[%add3A_302] : memref<49152xf32, #tpu.memory_space<vmem>>[vector<16xi32>], vector<16xf32>,
        %pack3A = tpu.pack_subelements %gather3A, %gather3A_303 {pack_format = #tpu.pack_format<interleaved>, positions = array<i32: 0, 1>} : vector<16xf32>, vector<16xf32> -> vector<32xbf16>
        %bitcast3A = vector.bitcast %pack3A : vector<32xbf16> to vector<16xi32>
        %mul3A_304 = arith.constant 16 : i32
        %mul3A_305 = arith.muli %scan3A_287, %mul3A_304 : i32
        %add3A_306 = arith.constant 0 : i32
        %add3A_307 = arith.addi %add3A_306, %mul3A_305 : i32
        %swap3A = arith.index_cast %add3A_307 : i32 to index
        %swap3A_308 = tpu.vector_load %arg9[%swap3A] {strides = array<i32>} : memref<6144xi32, #tpu.memory_space<vmem>>, vector<16xi32>,
        tpu.vector_store %arg9[%swap3A], %bitcast3A {strides = array<i32>} : memref<6144xi32, #tpu.memory_space<vmem>>, vector<16xi32>,
        %add3A_309 = arith.constant 4096 : i32
        %add3A_310 = vector.broadcast %add3A_309 : i32 to vector<16xi32>
        %add3A_311 = arith.addi %get3A_290, %add3A_310 : vector<16xi32>
        %gather3A_312 = tpu.vector_load_idx %arg5[%add3A_311] : memref<49152xf32, #tpu.memory_space<vmem>>[vector<16xi32>], vector<16xf32>,
        %add3A_313 = arith.constant 4096 : i32
        %add3A_314 = vector.broadcast %add3A_313 : i32 to vector<16xi32>
        %add3A_315 = arith.addi %get3A_296, %add3A_314 : vector<16xi32>
        %gather3A_316 = tpu.vector_load_idx %arg5[%add3A_315] : memref<49152xf32, #tpu.memory_space<vmem>>[vector<16xi32>], vector<16xf32>,
        %pack3A_317 = tpu.pack_subelements %gather3A_312, %gather3A_316 {pack_format = #tpu.pack_format<interleaved>, positions = array<i32: 0, 1>} : vector<16xf32>, vector<16xf32> -> vector<32xbf16>
        %bitcast3A_318 = vector.bitcast %pack3A_317 : vector<32xbf16> to vector<16xi32>
        %mul3A_319 = arith.constant 16 : i32
        %mul3A_320 = arith.muli %scan3A_287, %mul3A_319 : i32
        %add3A_321 = arith.constant 512 : i32
        %add3A_322 = arith.addi %add3A_321, %mul3A_320 : i32
        %swap3A_323 = arith.index_cast %add3A_322 : i32 to index
        %swap3A_324 = tpu.vector_load %arg9[%swap3A_323] {strides = array<i32>} : memref<6144xi32, #tpu.memory_space<vmem>>, vector<16xi32>,
        tpu.vector_store %arg9[%swap3A_323], %bitcast3A_318 {strides = array<i32>} : memref<6144xi32, #tpu.memory_space<vmem>>, vector<16xi32>,
        %add3A_325 = arith.constant 8192 : i32
        %add3A_326 = vector.broadcast %add3A_325 : i32 to vector<16xi32>
        %add3A_327 = arith.addi %get3A_290, %add3A_326 : vector<16xi32>
        %gather3A_328 = tpu.vector_load_idx %arg5[%add3A_327] : memref<49152xf32, #tpu.memory_space<vmem>>[vector<16xi32>], vector<16xf32>,
        %add3A_329 = arith.constant 8192 : i32
        %add3A_330 = vector.broadcast %add3A_329 : i32 to vector<16xi32>
        %add3A_331 = arith.addi %get3A_296, %add3A_330 : vector<16xi32>
        %gather3A_332 = tpu.vector_load_idx %arg5[%add3A_331] : memref<49152xf32, #tpu.memory_space<vmem>>[vector<16xi32>], vector<16xf32>,
        %pack3A_333 = tpu.pack_subelements %gather3A_328, %gather3A_332 {pack_format = #tpu.pack_format<interleaved>, positions = array<i32: 0, 1>} : vector<16xf32>, vector<16xf32> -> vector<32xbf16>
        %bitcast3A_334 = vector.bitcast %pack3A_333 : vector<32xbf16> to vector<16xi32>
        %mul3A_335 = arith.constant 16 : i32
        %mul3A_336 = arith.muli %scan3A_287, %mul3A_335 : i32
        %add3A_337 = arith.constant 1024 : i32
        %add3A_338 = arith.addi %add3A_337, %mul3A_336 : i32
        %swap3A_339 = arith.index_cast %add3A_338 : i32 to index
        %swap3A_340 = tpu.vector_load %arg9[%swap3A_339] {strides = array<i32>} : memref<6144xi32, #tpu.memory_space<vmem>>, vector<16xi32>,
        tpu.vector_store %arg9[%swap3A_339], %bitcast3A_334 {strides = array<i32>} : memref<6144xi32, #tpu.memory_space<vmem>>, vector<16xi32>,
        %add3A_341 = arith.constant 12288 : i32
        %add3A_342 = vector.broadcast %add3A_341 : i32 to vector<16xi32>
        %add3A_343 = arith.addi %get3A_290, %add3A_342 : vector<16xi32>
        %gather3A_344 = tpu.vector_load_idx %arg5[%add3A_343] : memref<49152xf32, #tpu.memory_space<vmem>>[vector<16xi32>], vector<16xf32>,
        %add3A_345 = arith.constant 12288 : i32
        %add3A_346 = vector.broadcast %add3A_345 : i32 to vector<16xi32>
        %add3A_347 = arith.addi %get3A_296, %add3A_346 : vector<16xi32>
        %gather3A_348 = tpu.vector_load_idx %arg5[%add3A_347] : memref<49152xf32, #tpu.memory_space<vmem>>[vector<16xi32>], vector<16xf32>,
        %pack3A_349 = tpu.pack_subelements %gather3A_344, %gather3A_348 {pack_format = #tpu.pack_format<interleaved>, positions = array<i32: 0, 1>} : vector<16xf32>, vector<16xf32> -> vector<32xbf16>
        %bitcast3A_350 = vector.bitcast %pack3A_349 : vector<32xbf16> to vector<16xi32>
        %mul3A_351 = arith.constant 16 : i32
        %mul3A_352 = arith.muli %scan3A_287, %mul3A_351 : i32
        %add3A_353 = arith.constant 1536 : i32
        %add3A_354 = arith.addi %add3A_353, %mul3A_352 : i32
        %swap3A_355 = arith.index_cast %add3A_354 : i32 to index
        %swap3A_356 = tpu.vector_load %arg9[%swap3A_355] {strides = array<i32>} : memref<6144xi32, #tpu.memory_space<vmem>>, vector<16xi32>,
        tpu.vector_store %arg9[%swap3A_355], %bitcast3A_350 {strides = array<i32>} : memref<6144xi32, #tpu.memory_space<vmem>>, vector<16xi32>,
        %add3A_357 = arith.constant 16384 : i32
        %add3A_358 = vector.broadcast %add3A_357 : i32 to vector<16xi32>
        %add3A_359 = arith.addi %get3A_290, %add3A_358 : vector<16xi32>
        %gather3A_360 = tpu.vector_load_idx %arg5[%add3A_359] : memref<49152xf32, #tpu.memory_space<vmem>>[vector<16xi32>], vector<16xf32>,
        %add3A_361 = arith.constant 16384 : i32
        %add3A_362 = vector.broadcast %add3A_361 : i32 to vector<16xi32>
        %add3A_363 = arith.addi %get3A_296, %add3A_362 : vector<16xi32>
        %gather3A_364 = tpu.vector_load_idx %arg5[%add3A_363] : memref<49152xf32, #tpu.memory_space<vmem>>[vector<16xi32>], vector<16xf32>,
        %pack3A_365 = tpu.pack_subelements %gather3A_360, %gather3A_364 {pack_format = #tpu.pack_format<interleaved>, positions = array<i32: 0, 1>} : vector<16xf32>, vector<16xf32> -> vector<32xbf16>
        %bitcast3A_366 = vector.bitcast %pack3A_365 : vector<32xbf16> to vector<16xi32>
        %mul3A_367 = arith.constant 16 : i32
        %mul3A_368 = arith.muli %scan3A_287, %mul3A_367 : i32
        %add3A_369 = arith.constant 2048 : i32
        %add3A_370 = arith.addi %add3A_369, %mul3A_368 : i32
        %swap3A_371 = arith.index_cast %add3A_370 : i32 to index
        %swap3A_372 = tpu.vector_load %arg9[%swap3A_371] {strides = array<i32>} : memref<6144xi32, #tpu.memory_space<vmem>>, vector<16xi32>,
        tpu.vector_store %arg9[%swap3A_371], %bitcast3A_366 {strides = array<i32>} : memref<6144xi32, #tpu.memory_space<vmem>>, vector<16xi32>,
        %add3A_373 = arith.constant 20480 : i32
        %add3A_374 = vector.broadcast %add3A_373 : i32 to vector<16xi32>
        %add3A_375 = arith.addi %get3A_290, %add3A_374 : vector<16xi32>
        %gather3A_376 = tpu.vector_load_idx %arg5[%add3A_375] : memref<49152xf32, #tpu.memory_space<vmem>>[vector<16xi32>], vector<16xf32>,
        %add3A_377 = arith.constant 20480 : i32
        %add3A_378 = vector.broadcast %add3A_377 : i32 to vector<16xi32>
        %add3A_379 = arith.addi %get3A_296, %add3A_378 : vector<16xi32>
        %gather3A_380 = tpu.vector_load_idx %arg5[%add3A_379] : memref<49152xf32, #tpu.memory_space<vmem>>[vector<16xi32>], vector<16xf32>,
        %pack3A_381 = tpu.pack_subelements %gather3A_376, %gather3A_380 {pack_format = #tpu.pack_format<interleaved>, positions = array<i32: 0, 1>} : vector<16xf32>, vector<16xf32> -> vector<32xbf16>
        %bitcast3A_382 = vector.bitcast %pack3A_381 : vector<32xbf16> to vector<16xi32>
        %mul3A_383 = arith.constant 16 : i32
        %mul3A_384 = arith.muli %scan3A_287, %mul3A_383 : i32
        %add3A_385 = arith.constant 2560 : i32
        %add3A_386 = arith.addi %add3A_385, %mul3A_384 : i32
        %swap3A_387 = arith.index_cast %add3A_386 : i32 to index
        %swap3A_388 = tpu.vector_load %arg9[%swap3A_387] {strides = array<i32>} : memref<6144xi32, #tpu.memory_space<vmem>>, vector<16xi32>,
        tpu.vector_store %arg9[%swap3A_387], %bitcast3A_382 {strides = array<i32>} : memref<6144xi32, #tpu.memory_space<vmem>>, vector<16xi32>,
        %add3A_389 = arith.constant 24576 : i32
        %add3A_390 = vector.broadcast %add3A_389 : i32 to vector<16xi32>
        %add3A_391 = arith.addi %get3A_290, %add3A_390 : vector<16xi32>
        %gather3A_392 = tpu.vector_load_idx %arg5[%add3A_391] : memref<49152xf32, #tpu.memory_space<vmem>>[vector<16xi32>], vector<16xf32>,
        %add3A_393 = arith.constant 24576 : i32
        %add3A_394 = vector.broadcast %add3A_393 : i32 to vector<16xi32>
        %add3A_395 = arith.addi %get3A_296, %add3A_394 : vector<16xi32>
        %gather3A_396 = tpu.vector_load_idx %arg5[%add3A_395] : memref<49152xf32, #tpu.memory_space<vmem>>[vector<16xi32>], vector<16xf32>,
        %pack3A_397 = tpu.pack_subelements %gather3A_392, %gather3A_396 {pack_format = #tpu.pack_format<interleaved>, positions = array<i32: 0, 1>} : vector<16xf32>, vector<16xf32> -> vector<32xbf16>
        %bitcast3A_398 = vector.bitcast %pack3A_397 : vector<32xbf16> to vector<16xi32>
        %mul3A_399 = arith.constant 16 : i32
        %mul3A_400 = arith.muli %scan3A_287, %mul3A_399 : i32
        %add3A_401 = arith.constant 3072 : i32
        %add3A_402 = arith.addi %add3A_401, %mul3A_400 : i32
        %swap3A_403 = arith.index_cast %add3A_402 : i32 to index
        %swap3A_404 = tpu.vector_load %arg9[%swap3A_403] {strides = array<i32>} : memref<6144xi32, #tpu.memory_space<vmem>>, vector<16xi32>,
        tpu.vector_store %arg9[%swap3A_403], %bitcast3A_398 {strides = array<i32>} : memref<6144xi32, #tpu.memory_space<vmem>>, vector<16xi32>,
        %add3A_405 = arith.constant 28672 : i32
        %add3A_406 = vector.broadcast %add3A_405 : i32 to vector<16xi32>
        %add3A_407 = arith.addi %get3A_290, %add3A_406 : vector<16xi32>
        %gather3A_408 = tpu.vector_load_idx %arg5[%add3A_407] : memref<49152xf32, #tpu.memory_space<vmem>>[vector<16xi32>], vector<16xf32>,
        %add3A_409 = arith.constant 28672 : i32
        %add3A_410 = vector.broadcast %add3A_409 : i32 to vector<16xi32>
        %add3A_411 = arith.addi %get3A_296, %add3A_410 : vector<16xi32>
        %gather3A_412 = tpu.vector_load_idx %arg5[%add3A_411] : memref<49152xf32, #tpu.memory_space<vmem>>[vector<16xi32>], vector<16xf32>,
        %pack3A_413 = tpu.pack_subelements %gather3A_408, %gather3A_412 {pack_format = #tpu.pack_format<interleaved>, positions = array<i32: 0, 1>} : vector<16xf32>, vector<16xf32> -> vector<32xbf16>
        %bitcast3A_414 = vector.bitcast %pack3A_413 : vector<32xbf16> to vector<16xi32>
        %mul3A_415 = arith.constant 16 : i32
        %mul3A_416 = arith.muli %scan3A_287, %mul3A_415 : i32
        %add3A_417 = arith.constant 3584 : i32
        %add3A_418 = arith.addi %add3A_417, %mul3A_416 : i32
        %swap3A_419 = arith.index_cast %add3A_418 : i32 to index
        %swap3A_420 = tpu.vector_load %arg9[%swap3A_419] {strides = array<i32>} : memref<6144xi32, #tpu.memory_space<vmem>>, vector<16xi32>,
        tpu.vector_store %arg9[%swap3A_419], %bitcast3A_414 {strides = array<i32>} : memref<6144xi32, #tpu.memory_space<vmem>>, vector<16xi32>,
        %add3A_421 = arith.constant 32768 : i32
        %add3A_422 = vector.broadcast %add3A_421 : i32 to vector<16xi32>
        %add3A_423 = arith.addi %get3A_290, %add3A_422 : vector<16xi32>
        %gather3A_424 = tpu.vector_load_idx %arg5[%add3A_423] : memref<49152xf32, #tpu.memory_space<vmem>>[vector<16xi32>], vector<16xf32>,
        %add3A_425 = arith.constant 32768 : i32
        %add3A_426 = vector.broadcast %add3A_425 : i32 to vector<16xi32>
        %add3A_427 = arith.addi %get3A_296, %add3A_426 : vector<16xi32>
        %gather3A_428 = tpu.vector_load_idx %arg5[%add3A_427] : memref<49152xf32, #tpu.memory_space<vmem>>[vector<16xi32>], vector<16xf32>,
        %pack3A_429 = tpu.pack_subelements %gather3A_424, %gather3A_428 {pack_format = #tpu.pack_format<interleaved>, positions = array<i32: 0, 1>} : vector<16xf32>, vector<16xf32> -> vector<32xbf16>
        %bitcast3A_430 = vector.bitcast %pack3A_429 : vector<32xbf16> to vector<16xi32>
        %mul3A_431 = arith.constant 16 : i32
        %mul3A_432 = arith.muli %scan3A_287, %mul3A_431 : i32
        %add3A_433 = arith.constant 4096 : i32
        %add3A_434 = arith.addi %add3A_433, %mul3A_432 : i32
        %swap3A_435 = arith.index_cast %add3A_434 : i32 to index
        %swap3A_436 = tpu.vector_load %arg9[%swap3A_435] {strides = array<i32>} : memref<6144xi32, #tpu.memory_space<vmem>>, vector<16xi32>,
        tpu.vector_store %arg9[%swap3A_435], %bitcast3A_430 {strides = array<i32>} : memref<6144xi32, #tpu.memory_space<vmem>>, vector<16xi32>,
        %add3A_437 = arith.constant 36864 : i32
        %add3A_438 = vector.broadcast %add3A_437 : i32 to vector<16xi32>
        %add3A_439 = arith.addi %get3A_290, %add3A_438 : vector<16xi32>
        %gather3A_440 = tpu.vector_load_idx %arg5[%add3A_439] : memref<49152xf32, #tpu.memory_space<vmem>>[vector<16xi32>], vector<16xf32>,
        %add3A_441 = arith.constant 36864 : i32
        %add3A_442 = vector.broadcast %add3A_441 : i32 to vector<16xi32>
        %add3A_443 = arith.addi %get3A_296, %add3A_442 : vector<16xi32>
        %gather3A_444 = tpu.vector_load_idx %arg5[%add3A_443] : memref<49152xf32, #tpu.memory_space<vmem>>[vector<16xi32>], vector<16xf32>,
        %pack3A_445 = tpu.pack_subelements %gather3A_440, %gather3A_444 {pack_format = #tpu.pack_format<interleaved>, positions = array<i32: 0, 1>} : vector<16xf32>, vector<16xf32> -> vector<32xbf16>
        %bitcast3A_446 = vector.bitcast %pack3A_445 : vector<32xbf16> to vector<16xi32>
        %mul3A_447 = arith.constant 16 : i32
        %mul3A_448 = arith.muli %scan3A_287, %mul3A_447 : i32
        %add3A_449 = arith.constant 4608 : i32
        %add3A_450 = arith.addi %add3A_449, %mul3A_448 : i32
        %swap3A_451 = arith.index_cast %add3A_450 : i32 to index
        %swap3A_452 = tpu.vector_load %arg9[%swap3A_451] {strides = array<i32>} : memref<6144xi32, #tpu.memory_space<vmem>>, vector<16xi32>,
        tpu.vector_store %arg9[%swap3A_451], %bitcast3A_446 {strides = array<i32>} : memref<6144xi32, #tpu.memory_space<vmem>>, vector<16xi32>,
        %add3A_453 = arith.constant 40960 : i32
        %add3A_454 = vector.broadcast %add3A_453 : i32 to vector<16xi32>
        %add3A_455 = arith.addi %get3A_290, %add3A_454 : vector<16xi32>
        %gather3A_456 = tpu.vector_load_idx %arg5[%add3A_455] : memref<49152xf32, #tpu.memory_space<vmem>>[vector<16xi32>], vector<16xf32>,
        %add3A_457 = arith.constant 40960 : i32
        %add3A_458 = vector.broadcast %add3A_457 : i32 to vector<16xi32>
        %add3A_459 = arith.addi %get3A_296, %add3A_458 : vector<16xi32>
        %gather3A_460 = tpu.vector_load_idx %arg5[%add3A_459] : memref<49152xf32, #tpu.memory_space<vmem>>[vector<16xi32>], vector<16xf32>,
        %pack3A_461 = tpu.pack_subelements %gather3A_456, %gather3A_460 {pack_format = #tpu.pack_format<interleaved>, positions = array<i32: 0, 1>} : vector<16xf32>, vector<16xf32> -> vector<32xbf16>
        %bitcast3A_462 = vector.bitcast %pack3A_461 : vector<32xbf16> to vector<16xi32>
        %mul3A_463 = arith.constant 16 : i32
        %mul3A_464 = arith.muli %scan3A_287, %mul3A_463 : i32
        %add3A_465 = arith.constant 5120 : i32
        %add3A_466 = arith.addi %add3A_465, %mul3A_464 : i32
        %swap3A_467 = arith.index_cast %add3A_466 : i32 to index
        %swap3A_468 = tpu.vector_load %arg9[%swap3A_467] {strides = array<i32>} : memref<6144xi32, #tpu.memory_space<vmem>>, vector<16xi32>,
        tpu.vector_store %arg9[%swap3A_467], %bitcast3A_462 {strides = array<i32>} : memref<6144xi32, #tpu.memory_space<vmem>>, vector<16xi32>,
        %add3A_469 = arith.constant 45056 : i32
        %add3A_470 = vector.broadcast %add3A_469 : i32 to vector<16xi32>
        %add3A_471 = arith.addi %get3A_290, %add3A_470 : vector<16xi32>
        %gather3A_472 = tpu.vector_load_idx %arg5[%add3A_471] : memref<49152xf32, #tpu.memory_space<vmem>>[vector<16xi32>], vector<16xf32>,
        %add3A_473 = arith.constant 45056 : i32
        %add3A_474 = vector.broadcast %add3A_473 : i32 to vector<16xi32>
        %add3A_475 = arith.addi %get3A_296, %add3A_474 : vector<16xi32>
        %gather3A_476 = tpu.vector_load_idx %arg5[%add3A_475] : memref<49152xf32, #tpu.memory_space<vmem>>[vector<16xi32>], vector<16xf32>,
        %pack3A_477 = tpu.pack_subelements %gather3A_472, %gather3A_476 {pack_format = #tpu.pack_format<interleaved>, positions = array<i32: 0, 1>} : vector<16xf32>, vector<16xf32> -> vector<32xbf16>
        %bitcast3A_478 = vector.bitcast %pack3A_477 : vector<32xbf16> to vector<16xi32>
        %mul3A_479 = arith.constant 16 : i32
        %mul3A_480 = arith.muli %scan3A_287, %mul3A_479 : i32
        %add3A_481 = arith.constant 5632 : i32
        %add3A_482 = arith.addi %add3A_481, %mul3A_480 : i32
        %swap3A_483 = arith.index_cast %add3A_482 : i32 to index
        %swap3A_484 = tpu.vector_load %arg9[%swap3A_483] {strides = array<i32>} : memref<6144xi32, #tpu.memory_space<vmem>>, vector<16xi32>,
        tpu.vector_store %arg9[%swap3A_483], %bitcast3A_478 {strides = array<i32>} : memref<6144xi32, #tpu.memory_space<vmem>>, vector<16xi32>,
        %scan3A_485 = arith.constant 1 : i32
        %scan3A_486 = arith.addi %scan3A_287, %scan3A_485 : i32
        %mul3A_487 = arith.constant 16 : i32
        %mul3A_488 = arith.muli %scan3A_486, %mul3A_487 : i32
        %get3A_489 = arith.index_cast %mul3A_488 : i32 to index
        %get3A_490 = tpu.vector_load %arg7[%get3A_489] {strides = array<i32>} : memref<1024xi32, #tpu.memory_space<vmem>>, vector<16xi32>,
        %mul3A_491 = arith.constant 16 : i32
        %mul3A_492 = arith.muli %scan3A_486, %mul3A_491 : i32
        %add3A_493 = arith.constant 512 : i32
        %add3A_494 = arith.addi %add3A_493, %mul3A_492 : i32
        %get3A_495 = arith.index_cast %add3A_494 : i32 to index
        %get3A_496 = tpu.vector_load %arg7[%get3A_495] {strides = array<i32>} : memref<1024xi32, #tpu.memory_space<vmem>>, vector<16xi32>,
        %add3A_497 = arith.constant 0 : i32
        %add3A_498 = vector.broadcast %add3A_497 : i32 to vector<16xi32>
        %add3A_499 = arith.addi %get3A_490, %add3A_498 : vector<16xi32>
        %gather3A_500 = tpu.vector_load_idx %arg5[%add3A_499] : memref<49152xf32, #tpu.memory_space<vmem>>[vector<16xi32>], vector<16xf32>,
        %add3A_501 = arith.constant 0 : i32
        %add3A_502 = vector.broadcast %add3A_501 : i32 to vector<16xi32>
        %add3A_503 = arith.addi %get3A_496, %add3A_502 : vector<16xi32>
        %gather3A_504 = tpu.vector_load_idx %arg5[%add3A_503] : memref<49152xf32, #tpu.memory_space<vmem>>[vector<16xi32>], vector<16xf32>,
        %pack3A_505 = tpu.pack_subelements %gather3A_500, %gather3A_504 {pack_format = #tpu.pack_format<interleaved>, positions = array<i32: 0, 1>} : vector<16xf32>, vector<16xf32> -> vector<32xbf16>
        %bitcast3A_506 = vector.bitcast %pack3A_505 : vector<32xbf16> to vector<16xi32>
        %mul3A_507 = arith.constant 16 : i32
        %mul3A_508 = arith.muli %scan3A_486, %mul3A_507 : i32
        %add3A_509 = arith.constant 0 : i32
        %add3A_510 = arith.addi %add3A_509, %mul3A_508 : i32
        %swap3A_511 = arith.index_cast %add3A_510 : i32 to index
        %swap3A_512 = tpu.vector_load %arg9[%swap3A_511] {strides = array<i32>} : memref<6144xi32, #tpu.memory_space<vmem>>, vector<16xi32>,
        tpu.vector_store %arg9[%swap3A_511], %bitcast3A_506 {strides = array<i32>} : memref<6144xi32, #tpu.memory_space<vmem>>, vector<16xi32>,
        %add3A_513 = arith.constant 4096 : i32
        %add3A_514 = vector.broadcast %add3A_513 : i32 to vector<16xi32>
        %add3A_515 = arith.addi %get3A_490, %add3A_514 : vector<16xi32>
        %gather3A_516 = tpu.vector_load_idx %arg5[%add3A_515] : memref<49152xf32, #tpu.memory_space<vmem>>[vector<16xi32>], vector<16xf32>,
        %add3A_517 = arith.constant 4096 : i32
        %add3A_518 = vector.broadcast %add3A_517 : i32 to vector<16xi32>
        %add3A_519 = arith.addi %get3A_496, %add3A_518 : vector<16xi32>
        %gather3A_520 = tpu.vector_load_idx %arg5[%add3A_519] : memref<49152xf32, #tpu.memory_space<vmem>>[vector<16xi32>], vector<16xf32>,
        %pack3A_521 = tpu.pack_subelements %gather3A_516, %gather3A_520 {pack_format = #tpu.pack_format<interleaved>, positions = array<i32: 0, 1>} : vector<16xf32>, vector<16xf32> -> vector<32xbf16>
        %bitcast3A_522 = vector.bitcast %pack3A_521 : vector<32xbf16> to vector<16xi32>
        %mul3A_523 = arith.constant 16 : i32
        %mul3A_524 = arith.muli %scan3A_486, %mul3A_523 : i32
        %add3A_525 = arith.constant 512 : i32
        %add3A_526 = arith.addi %add3A_525, %mul3A_524 : i32
        %swap3A_527 = arith.index_cast %add3A_526 : i32 to index
        %swap3A_528 = tpu.vector_load %arg9[%swap3A_527] {strides = array<i32>} : memref<6144xi32, #tpu.memory_space<vmem>>, vector<16xi32>,
        tpu.vector_store %arg9[%swap3A_527], %bitcast3A_522 {strides = array<i32>} : memref<6144xi32, #tpu.memory_space<vmem>>, vector<16xi32>,
        %add3A_529 = arith.constant 8192 : i32
        %add3A_530 = vector.broadcast %add3A_529 : i32 to vector<16xi32>
        %add3A_531 = arith.addi %get3A_490, %add3A_530 : vector<16xi32>
        %gather3A_532 = tpu.vector_load_idx %arg5[%add3A_531] : memref<49152xf32, #tpu.memory_space<vmem>>[vector<16xi32>], vector<16xf32>,
        %add3A_533 = arith.constant 8192 : i32
        %add3A_534 = vector.broadcast %add3A_533 : i32 to vector<16xi32>
        %add3A_535 = arith.addi %get3A_496, %add3A_534 : vector<16xi32>
        %gather3A_536 = tpu.vector_load_idx %arg5[%add3A_535] : memref<49152xf32, #tpu.memory_space<vmem>>[vector<16xi32>], vector<16xf32>,
        %pack3A_537 = tpu.pack_subelements %gather3A_532, %gather3A_536 {pack_format = #tpu.pack_format<interleaved>, positions = array<i32: 0, 1>} : vector<16xf32>, vector<16xf32> -> vector<32xbf16>
        %bitcast3A_538 = vector.bitcast %pack3A_537 : vector<32xbf16> to vector<16xi32>
        %mul3A_539 = arith.constant 16 : i32
        %mul3A_540 = arith.muli %scan3A_486, %mul3A_539 : i32
        %add3A_541 = arith.constant 1024 : i32
        %add3A_542 = arith.addi %add3A_541, %mul3A_540 : i32
        %swap3A_543 = arith.index_cast %add3A_542 : i32 to index
        %swap3A_544 = tpu.vector_load %arg9[%swap3A_543] {strides = array<i32>} : memref<6144xi32, #tpu.memory_space<vmem>>, vector<16xi32>,
        tpu.vector_store %arg9[%swap3A_543], %bitcast3A_538 {strides = array<i32>} : memref<6144xi32, #tpu.memory_space<vmem>>, vector<16xi32>,
        %add3A_545 = arith.constant 12288 : i32
        %add3A_546 = vector.broadcast %add3A_545 : i32 to vector<16xi32>
        %add3A_547 = arith.addi %get3A_490, %add3A_546 : vector<16xi32>
        %gather3A_548 = tpu.vector_load_idx %arg5[%add3A_547] : memref<49152xf32, #tpu.memory_space<vmem>>[vector<16xi32>], vector<16xf32>,
        %add3A_549 = arith.constant 12288 : i32
        %add3A_550 = vector.broadcast %add3A_549 : i32 to vector<16xi32>
        %add3A_551 = arith.addi %get3A_496, %add3A_550 : vector<16xi32>
        %gather3A_552 = tpu.vector_load_idx %arg5[%add3A_551] : memref<49152xf32, #tpu.memory_space<vmem>>[vector<16xi32>], vector<16xf32>,
        %pack3A_553 = tpu.pack_subelements %gather3A_548, %gather3A_552 {pack_format = #tpu.pack_format<interleaved>, positions = array<i32: 0, 1>} : vector<16xf32>, vector<16xf32> -> vector<32xbf16>
        %bitcast3A_554 = vector.bitcast %pack3A_553 : vector<32xbf16> to vector<16xi32>
        %mul3A_555 = arith.constant 16 : i32
        %mul3A_556 = arith.muli %scan3A_486, %mul3A_555 : i32
        %add3A_557 = arith.constant 1536 : i32
        %add3A_558 = arith.addi %add3A_557, %mul3A_556 : i32
        %swap3A_559 = arith.index_cast %add3A_558 : i32 to index
        %swap3A_560 = tpu.vector_load %arg9[%swap3A_559] {strides = array<i32>} : memref<6144xi32, #tpu.memory_space<vmem>>, vector<16xi32>,
        tpu.vector_store %arg9[%swap3A_559], %bitcast3A_554 {strides = array<i32>} : memref<6144xi32, #tpu.memory_space<vmem>>, vector<16xi32>,
        %add3A_561 = arith.constant 16384 : i32
        %add3A_562 = vector.broadcast %add3A_561 : i32 to vector<16xi32>
        %add3A_563 = arith.addi %get3A_490, %add3A_562 : vector<16xi32>
        %gather3A_564 = tpu.vector_load_idx %arg5[%add3A_563] : memref<49152xf32, #tpu.memory_space<vmem>>[vector<16xi32>], vector<16xf32>,
        %add3A_565 = arith.constant 16384 : i32
        %add3A_566 = vector.broadcast %add3A_565 : i32 to vector<16xi32>
        %add3A_567 = arith.addi %get3A_496, %add3A_566 : vector<16xi32>
        %gather3A_568 = tpu.vector_load_idx %arg5[%add3A_567] : memref<49152xf32, #tpu.memory_space<vmem>>[vector<16xi32>], vector<16xf32>,
        %pack3A_569 = tpu.pack_subelements %gather3A_564, %gather3A_568 {pack_format = #tpu.pack_format<interleaved>, positions = array<i32: 0, 1>} : vector<16xf32>, vector<16xf32> -> vector<32xbf16>
        %bitcast3A_570 = vector.bitcast %pack3A_569 : vector<32xbf16> to vector<16xi32>
        %mul3A_571 = arith.constant 16 : i32
        %mul3A_572 = arith.muli %scan3A_486, %mul3A_571 : i32
        %add3A_573 = arith.constant 2048 : i32
        %add3A_574 = arith.addi %add3A_573, %mul3A_572 : i32
        %swap3A_575 = arith.index_cast %add3A_574 : i32 to index
        %swap3A_576 = tpu.vector_load %arg9[%swap3A_575] {strides = array<i32>} : memref<6144xi32, #tpu.memory_space<vmem>>, vector<16xi32>,
        tpu.vector_store %arg9[%swap3A_575], %bitcast3A_570 {strides = array<i32>} : memref<6144xi32, #tpu.memory_space<vmem>>, vector<16xi32>,
        %add3A_577 = arith.constant 20480 : i32
        %add3A_578 = vector.broadcast %add3A_577 : i32 to vector<16xi32>
        %add3A_579 = arith.addi %get3A_490, %add3A_578 : vector<16xi32>
        %gather3A_580 = tpu.vector_load_idx %arg5[%add3A_579] : memref<49152xf32, #tpu.memory_space<vmem>>[vector<16xi32>], vector<16xf32>,
        %add3A_581 = arith.constant 20480 : i32
        %add3A_582 = vector.broadcast %add3A_581 : i32 to vector<16xi32>
        %add3A_583 = arith.addi %get3A_496, %add3A_582 : vector<16xi32>
        %gather3A_584 = tpu.vector_load_idx %arg5[%add3A_583] : memref<49152xf32, #tpu.memory_space<vmem>>[vector<16xi32>], vector<16xf32>,
        %pack3A_585 = tpu.pack_subelements %gather3A_580, %gather3A_584 {pack_format = #tpu.pack_format<interleaved>, positions = array<i32: 0, 1>} : vector<16xf32>, vector<16xf32> -> vector<32xbf16>
        %bitcast3A_586 = vector.bitcast %pack3A_585 : vector<32xbf16> to vector<16xi32>
        %mul3A_587 = arith.constant 16 : i32
        %mul3A_588 = arith.muli %scan3A_486, %mul3A_587 : i32
        %add3A_589 = arith.constant 2560 : i32
        %add3A_590 = arith.addi %add3A_589, %mul3A_588 : i32
        %swap3A_591 = arith.index_cast %add3A_590 : i32 to index
        %swap3A_592 = tpu.vector_load %arg9[%swap3A_591] {strides = array<i32>} : memref<6144xi32, #tpu.memory_space<vmem>>, vector<16xi32>,
        tpu.vector_store %arg9[%swap3A_591], %bitcast3A_586 {strides = array<i32>} : memref<6144xi32, #tpu.memory_space<vmem>>, vector<16xi32>,
        %add3A_593 = arith.constant 24576 : i32
        %add3A_594 = vector.broadcast %add3A_593 : i32 to vector<16xi32>
        %add3A_595 = arith.addi %get3A_490, %add3A_594 : vector<16xi32>
        %gather3A_596 = tpu.vector_load_idx %arg5[%add3A_595] : memref<49152xf32, #tpu.memory_space<vmem>>[vector<16xi32>], vector<16xf32>,
        %add3A_597 = arith.constant 24576 : i32
        %add3A_598 = vector.broadcast %add3A_597 : i32 to vector<16xi32>
        %add3A_599 = arith.addi %get3A_496, %add3A_598 : vector<16xi32>
        %gather3A_600 = tpu.vector_load_idx %arg5[%add3A_599] : memref<49152xf32, #tpu.memory_space<vmem>>[vector<16xi32>], vector<16xf32>,
        %pack3A_601 = tpu.pack_subelements %gather3A_596, %gather3A_600 {pack_format = #tpu.pack_format<interleaved>, positions = array<i32: 0, 1>} : vector<16xf32>, vector<16xf32> -> vector<32xbf16>
        %bitcast3A_602 = vector.bitcast %pack3A_601 : vector<32xbf16> to vector<16xi32>
        %mul3A_603 = arith.constant 16 : i32
        %mul3A_604 = arith.muli %scan3A_486, %mul3A_603 : i32
        %add3A_605 = arith.constant 3072 : i32
        %add3A_606 = arith.addi %add3A_605, %mul3A_604 : i32
        %swap3A_607 = arith.index_cast %add3A_606 : i32 to index
        %swap3A_608 = tpu.vector_load %arg9[%swap3A_607] {strides = array<i32>} : memref<6144xi32, #tpu.memory_space<vmem>>, vector<16xi32>,
        tpu.vector_store %arg9[%swap3A_607], %bitcast3A_602 {strides = array<i32>} : memref<6144xi32, #tpu.memory_space<vmem>>, vector<16xi32>,
        %add3A_609 = arith.constant 28672 : i32
        %add3A_610 = vector.broadcast %add3A_609 : i32 to vector<16xi32>
        %add3A_611 = arith.addi %get3A_490, %add3A_610 : vector<16xi32>
        %gather3A_612 = tpu.vector_load_idx %arg5[%add3A_611] : memref<49152xf32, #tpu.memory_space<vmem>>[vector<16xi32>], vector<16xf32>,
        %add3A_613 = arith.constant 28672 : i32
        %add3A_614 = vector.broadcast %add3A_613 : i32 to vector<16xi32>
        %add3A_615 = arith.addi %get3A_496, %add3A_614 : vector<16xi32>
        %gather3A_616 = tpu.vector_load_idx %arg5[%add3A_615] : memref<49152xf32, #tpu.memory_space<vmem>>[vector<16xi32>], vector<16xf32>,
        %pack3A_617 = tpu.pack_subelements %gather3A_612, %gather3A_616 {pack_format = #tpu.pack_format<interleaved>, positions = array<i32: 0, 1>} : vector<16xf32>, vector<16xf32> -> vector<32xbf16>
        %bitcast3A_618 = vector.bitcast %pack3A_617 : vector<32xbf16> to vector<16xi32>
        %mul3A_619 = arith.constant 16 : i32
        %mul3A_620 = arith.muli %scan3A_486, %mul3A_619 : i32
        %add3A_621 = arith.constant 3584 : i32
        %add3A_622 = arith.addi %add3A_621, %mul3A_620 : i32
        %swap3A_623 = arith.index_cast %add3A_622 : i32 to index
        %swap3A_624 = tpu.vector_load %arg9[%swap3A_623] {strides = array<i32>} : memref<6144xi32, #tpu.memory_space<vmem>>, vector<16xi32>,
        tpu.vector_store %arg9[%swap3A_623], %bitcast3A_618 {strides = array<i32>} : memref<6144xi32, #tpu.memory_space<vmem>>, vector<16xi32>,
        %add3A_625 = arith.constant 32768 : i32
        %add3A_626 = vector.broadcast %add3A_625 : i32 to vector<16xi32>
        %add3A_627 = arith.addi %get3A_490, %add3A_626 : vector<16xi32>
        %gather3A_628 = tpu.vector_load_idx %arg5[%add3A_627] : memref<49152xf32, #tpu.memory_space<vmem>>[vector<16xi32>], vector<16xf32>,
        %add3A_629 = arith.constant 32768 : i32
        %add3A_630 = vector.broadcast %add3A_629 : i32 to vector<16xi32>
        %add3A_631 = arith.addi %get3A_496, %add3A_630 : vector<16xi32>
        %gather3A_632 = tpu.vector_load_idx %arg5[%add3A_631] : memref<49152xf32, #tpu.memory_space<vmem>>[vector<16xi32>], vector<16xf32>,
        %pack3A_633 = tpu.pack_subelements %gather3A_628, %gather3A_632 {pack_format = #tpu.pack_format<interleaved>, positions = array<i32: 0, 1>} : vector<16xf32>, vector<16xf32> -> vector<32xbf16>
        %bitcast3A_634 = vector.bitcast %pack3A_633 : vector<32xbf16> to vector<16xi32>
        %mul3A_635 = arith.constant 16 : i32
        %mul3A_636 = arith.muli %scan3A_486, %mul3A_635 : i32
        %add3A_637 = arith.constant 4096 : i32
        %add3A_638 = arith.addi %add3A_637, %mul3A_636 : i32
        %swap3A_639 = arith.index_cast %add3A_638 : i32 to index
        %swap3A_640 = tpu.vector_load %arg9[%swap3A_639] {strides = array<i32>} : memref<6144xi32, #tpu.memory_space<vmem>>, vector<16xi32>,
        tpu.vector_store %arg9[%swap3A_639], %bitcast3A_634 {strides = array<i32>} : memref<6144xi32, #tpu.memory_space<vmem>>, vector<16xi32>,
        %add3A_641 = arith.constant 36864 : i32
        %add3A_642 = vector.broadcast %add3A_641 : i32 to vector<16xi32>
        %add3A_643 = arith.addi %get3A_490, %add3A_642 : vector<16xi32>
        %gather3A_644 = tpu.vector_load_idx %arg5[%add3A_643] : memref<49152xf32, #tpu.memory_space<vmem>>[vector<16xi32>], vector<16xf32>,
        %add3A_645 = arith.constant 36864 : i32
        %add3A_646 = vector.broadcast %add3A_645 : i32 to vector<16xi32>
        %add3A_647 = arith.addi %get3A_496, %add3A_646 : vector<16xi32>
        %gather3A_648 = tpu.vector_load_idx %arg5[%add3A_647] : memref<49152xf32, #tpu.memory_space<vmem>>[vector<16xi32>], vector<16xf32>,
        %pack3A_649 = tpu.pack_subelements %gather3A_644, %gather3A_648 {pack_format = #tpu.pack_format<interleaved>, positions = array<i32: 0, 1>} : vector<16xf32>, vector<16xf32> -> vector<32xbf16>
        %bitcast3A_650 = vector.bitcast %pack3A_649 : vector<32xbf16> to vector<16xi32>
        %mul3A_651 = arith.constant 16 : i32
        %mul3A_652 = arith.muli %scan3A_486, %mul3A_651 : i32
        %add3A_653 = arith.constant 4608 : i32
        %add3A_654 = arith.addi %add3A_653, %mul3A_652 : i32
        %swap3A_655 = arith.index_cast %add3A_654 : i32 to index
        %swap3A_656 = tpu.vector_load %arg9[%swap3A_655] {strides = array<i32>} : memref<6144xi32, #tpu.memory_space<vmem>>, vector<16xi32>,
        tpu.vector_store %arg9[%swap3A_655], %bitcast3A_650 {strides = array<i32>} : memref<6144xi32, #tpu.memory_space<vmem>>, vector<16xi32>,
        %add3A_657 = arith.constant 40960 : i32
        %add3A_658 = vector.broadcast %add3A_657 : i32 to vector<16xi32>
        %add3A_659 = arith.addi %get3A_490, %add3A_658 : vector<16xi32>
        %gather3A_660 = tpu.vector_load_idx %arg5[%add3A_659] : memref<49152xf32, #tpu.memory_space<vmem>>[vector<16xi32>], vector<16xf32>,
        %add3A_661 = arith.constant 40960 : i32
        %add3A_662 = vector.broadcast %add3A_661 : i32 to vector<16xi32>
        %add3A_663 = arith.addi %get3A_496, %add3A_662 : vector<16xi32>
        %gather3A_664 = tpu.vector_load_idx %arg5[%add3A_663] : memref<49152xf32, #tpu.memory_space<vmem>>[vector<16xi32>], vector<16xf32>,
        %pack3A_665 = tpu.pack_subelements %gather3A_660, %gather3A_664 {pack_format = #tpu.pack_format<interleaved>, positions = array<i32: 0, 1>} : vector<16xf32>, vector<16xf32> -> vector<32xbf16>
        %bitcast3A_666 = vector.bitcast %pack3A_665 : vector<32xbf16> to vector<16xi32>
        %mul3A_667 = arith.constant 16 : i32
        %mul3A_668 = arith.muli %scan3A_486, %mul3A_667 : i32
        %add3A_669 = arith.constant 5120 : i32
        %add3A_670 = arith.addi %add3A_669, %mul3A_668 : i32
        %swap3A_671 = arith.index_cast %add3A_670 : i32 to index
        %swap3A_672 = tpu.vector_load %arg9[%swap3A_671] {strides = array<i32>} : memref<6144xi32, #tpu.memory_space<vmem>>, vector<16xi32>,
        tpu.vector_store %arg9[%swap3A_671], %bitcast3A_666 {strides = array<i32>} : memref<6144xi32, #tpu.memory_space<vmem>>, vector<16xi32>,
        %add3A_673 = arith.constant 45056 : i32
        %add3A_674 = vector.broadcast %add3A_673 : i32 to vector<16xi32>
        %add3A_675 = arith.addi %get3A_490, %add3A_674 : vector<16xi32>
        %gather3A_676 = tpu.vector_load_idx %arg5[%add3A_675] : memref<49152xf32, #tpu.memory_space<vmem>>[vector<16xi32>], vector<16xf32>,
        %add3A_677 = arith.constant 45056 : i32
        %add3A_678 = vector.broadcast %add3A_677 : i32 to vector<16xi32>
        %add3A_679 = arith.addi %get3A_496, %add3A_678 : vector<16xi32>
        %gather3A_680 = tpu.vector_load_idx %arg5[%add3A_679] : memref<49152xf32, #tpu.memory_space<vmem>>[vector<16xi32>], vector<16xf32>,
        %pack3A_681 = tpu.pack_subelements %gather3A_676, %gather3A_680 {pack_format = #tpu.pack_format<interleaved>, positions = array<i32: 0, 1>} : vector<16xf32>, vector<16xf32> -> vector<32xbf16>
        %bitcast3A_682 = vector.bitcast %pack3A_681 : vector<32xbf16> to vector<16xi32>
        %mul3A_683 = arith.constant 16 : i32
        %mul3A_684 = arith.muli %scan3A_486, %mul3A_683 : i32
        %add3A_685 = arith.constant 5632 : i32
        %add3A_686 = arith.addi %add3A_685, %mul3A_684 : i32
        %swap3A_687 = arith.index_cast %add3A_686 : i32 to index
        %swap3A_688 = tpu.vector_load %arg9[%swap3A_687] {strides = array<i32>} : memref<6144xi32, #tpu.memory_space<vmem>>, vector<16xi32>,
        tpu.vector_store %arg9[%swap3A_687], %bitcast3A_682 {strides = array<i32>} : memref<6144xi32, #tpu.memory_space<vmem>>, vector<16xi32>,
      }
      %scan3A_180 = arith.constant 32 : i32
      %mul3A_181 = arith.constant 512 : i32
      %mul3A_182 = arith.muli %add3A_165, %mul3A_181 : i32
      %add3A_183 = arith.constant 0 : i32
      %add3A_184 = arith.addi %mul3A_182, %add3A_183 : i32
      %dma_start3A_185 = arith.constant 0 : i32
      %dma_start3A_186 = tpu.memref_slice %arg9[%dma_start3A_185] : memref<6144xi32, #tpu.memory_space<vmem>> -> memref<512xi32, #tpu.memory_space<vmem>>
      %dma_start3A_187 = tpu.memref_slice %arg4[%add3A_184] : memref<6291456xi32, #tpu.memory_space<hbm>> -> memref<512xi32, #tpu.memory_space<hbm>>
      %dma_start3A_188 = tpu.memref_slice %arg4[%add3A_184] : memref<6291456xi32, #tpu.memory_space<hbm>> -> memref<512xi32, #tpu.memory_space<hbm>>
      %dma_start3A_189 = arith.constant 0 : i32
      %dma_start3A_190 = tpu.memref_slice %arg9[%dma_start3A_189] : memref<6144xi32, #tpu.memory_space<vmem>> -> memref<512xi32, #tpu.memory_space<vmem>>
      tpu.enqueue_dma source(%dma_start3A_190 : memref<512xi32, #tpu.memory_space<vmem>>) target(%dma_start3A_188 : memref<512xi32, #tpu.memory_space<hbm>>) target_semaphore(%arg13 : memref<!tpu.dma_semaphore, #tpu.memory_space<semaphore_mem>>)
      %add3A_191 = arith.constant 524288 : i32
      %add3A_192 = arith.addi %mul3A_182, %add3A_191 : i32
      %dma_start3A_193 = arith.constant 512 : i32
      %dma_start3A_194 = tpu.memref_slice %arg9[%dma_start3A_193] : memref<6144xi32, #tpu.memory_space<vmem>> -> memref<512xi32, #tpu.memory_space<vmem>>
      %dma_start3A_195 = tpu.memref_slice %arg4[%add3A_192] : memref<6291456xi32, #tpu.memory_space<hbm>> -> memref<512xi32, #tpu.memory_space<hbm>>
      %dma_start3A_196 = tpu.memref_slice %arg4[%add3A_192] : memref<6291456xi32, #tpu.memory_space<hbm>> -> memref<512xi32, #tpu.memory_space<hbm>>
      %dma_start3A_197 = arith.constant 512 : i32
      %dma_start3A_198 = tpu.memref_slice %arg9[%dma_start3A_197] : memref<6144xi32, #tpu.memory_space<vmem>> -> memref<512xi32, #tpu.memory_space<vmem>>
      tpu.enqueue_dma source(%dma_start3A_198 : memref<512xi32, #tpu.memory_space<vmem>>) target(%dma_start3A_196 : memref<512xi32, #tpu.memory_space<hbm>>) target_semaphore(%arg13 : memref<!tpu.dma_semaphore, #tpu.memory_space<semaphore_mem>>)
      %add3A_199 = arith.constant 1048576 : i32
      %add3A_200 = arith.addi %mul3A_182, %add3A_199 : i32
      %dma_start3A_201 = arith.constant 1024 : i32
      %dma_start3A_202 = tpu.memref_slice %arg9[%dma_start3A_201] : memref<6144xi32, #tpu.memory_space<vmem>> -> memref<512xi32, #tpu.memory_space<vmem>>
      %dma_start3A_203 = tpu.memref_slice %arg4[%add3A_200] : memref<6291456xi32, #tpu.memory_space<hbm>> -> memref<512xi32, #tpu.memory_space<hbm>>
      %dma_start3A_204 = tpu.memref_slice %arg4[%add3A_200] : memref<6291456xi32, #tpu.memory_space<hbm>> -> memref<512xi32, #tpu.memory_space<hbm>>
      %dma_start3A_205 = arith.constant 1024 : i32
      %dma_start3A_206 = tpu.memref_slice %arg9[%dma_start3A_205] : memref<6144xi32, #tpu.memory_space<vmem>> -> memref<512xi32, #tpu.memory_space<vmem>>
      tpu.enqueue_dma source(%dma_start3A_206 : memref<512xi32, #tpu.memory_space<vmem>>) target(%dma_start3A_204 : memref<512xi32, #tpu.memory_space<hbm>>) target_semaphore(%arg13 : memref<!tpu.dma_semaphore, #tpu.memory_space<semaphore_mem>>)
      %add3A_207 = arith.constant 1572864 : i32
      %add3A_208 = arith.addi %mul3A_182, %add3A_207 : i32
      %dma_start3A_209 = arith.constant 1536 : i32
      %dma_start3A_210 = tpu.memref_slice %arg9[%dma_start3A_209] : memref<6144xi32, #tpu.memory_space<vmem>> -> memref<512xi32, #tpu.memory_space<vmem>>
      %dma_start3A_211 = tpu.memref_slice %arg4[%add3A_208] : memref<6291456xi32, #tpu.memory_space<hbm>> -> memref<512xi32, #tpu.memory_space<hbm>>
      %dma_start3A_212 = tpu.memref_slice %arg4[%add3A_208] : memref<6291456xi32, #tpu.memory_space<hbm>> -> memref<512xi32, #tpu.memory_space<hbm>>
      %dma_start3A_213 = arith.constant 1536 : i32
      %dma_start3A_214 = tpu.memref_slice %arg9[%dma_start3A_213] : memref<6144xi32, #tpu.memory_space<vmem>> -> memref<512xi32, #tpu.memory_space<vmem>>
      tpu.enqueue_dma source(%dma_start3A_214 : memref<512xi32, #tpu.memory_space<vmem>>) target(%dma_start3A_212 : memref<512xi32, #tpu.memory_space<hbm>>) target_semaphore(%arg13 : memref<!tpu.dma_semaphore, #tpu.memory_space<semaphore_mem>>)
      %add3A_215 = arith.constant 2097152 : i32
      %add3A_216 = arith.addi %mul3A_182, %add3A_215 : i32
      %dma_start3A_217 = arith.constant 2048 : i32
      %dma_start3A_218 = tpu.memref_slice %arg9[%dma_start3A_217] : memref<6144xi32, #tpu.memory_space<vmem>> -> memref<512xi32, #tpu.memory_space<vmem>>
      %dma_start3A_219 = tpu.memref_slice %arg4[%add3A_216] : memref<6291456xi32, #tpu.memory_space<hbm>> -> memref<512xi32, #tpu.memory_space<hbm>>
      %dma_start3A_220 = tpu.memref_slice %arg4[%add3A_216] : memref<6291456xi32, #tpu.memory_space<hbm>> -> memref<512xi32, #tpu.memory_space<hbm>>
      %dma_start3A_221 = arith.constant 2048 : i32
      %dma_start3A_222 = tpu.memref_slice %arg9[%dma_start3A_221] : memref<6144xi32, #tpu.memory_space<vmem>> -> memref<512xi32, #tpu.memory_space<vmem>>
      tpu.enqueue_dma source(%dma_start3A_222 : memref<512xi32, #tpu.memory_space<vmem>>) target(%dma_start3A_220 : memref<512xi32, #tpu.memory_space<hbm>>) target_semaphore(%arg13 : memref<!tpu.dma_semaphore, #tpu.memory_space<semaphore_mem>>)
      %add3A_223 = arith.constant 2621440 : i32
      %add3A_224 = arith.addi %mul3A_182, %add3A_223 : i32
      %dma_start3A_225 = arith.constant 2560 : i32
      %dma_start3A_226 = tpu.memref_slice %arg9[%dma_start3A_225] : memref<6144xi32, #tpu.memory_space<vmem>> -> memref<512xi32, #tpu.memory_space<vmem>>
      %dma_start3A_227 = tpu.memref_slice %arg4[%add3A_224] : memref<6291456xi32, #tpu.memory_space<hbm>> -> memref<512xi32, #tpu.memory_space<hbm>>
      %dma_start3A_228 = tpu.memref_slice %arg4[%add3A_224] : memref<6291456xi32, #tpu.memory_space<hbm>> -> memref<512xi32, #tpu.memory_space<hbm>>
      %dma_start3A_229 = arith.constant 2560 : i32
      %dma_start3A_230 = tpu.memref_slice %arg9[%dma_start3A_229] : memref<6144xi32, #tpu.memory_space<vmem>> -> memref<512xi32, #tpu.memory_space<vmem>>
      tpu.enqueue_dma source(%dma_start3A_230 : memref<512xi32, #tpu.memory_space<vmem>>) target(%dma_start3A_228 : memref<512xi32, #tpu.memory_space<hbm>>) target_semaphore(%arg13 : memref<!tpu.dma_semaphore, #tpu.memory_space<semaphore_mem>>)
      %add3A_231 = arith.constant 3145728 : i32
      %add3A_232 = arith.addi %mul3A_182, %add3A_231 : i32
      %dma_start3A_233 = arith.constant 3072 : i32
      %dma_start3A_234 = tpu.memref_slice %arg9[%dma_start3A_233] : memref<6144xi32, #tpu.memory_space<vmem>> -> memref<512xi32, #tpu.memory_space<vmem>>
      %dma_start3A_235 = tpu.memref_slice %arg4[%add3A_232] : memref<6291456xi32, #tpu.memory_space<hbm>> -> memref<512xi32, #tpu.memory_space<hbm>>
      %dma_start3A_236 = tpu.memref_slice %arg4[%add3A_232] : memref<6291456xi32, #tpu.memory_space<hbm>> -> memref<512xi32, #tpu.memory_space<hbm>>
      %dma_start3A_237 = arith.constant 3072 : i32
      %dma_start3A_238 = tpu.memref_slice %arg9[%dma_start3A_237] : memref<6144xi32, #tpu.memory_space<vmem>> -> memref<512xi32, #tpu.memory_space<vmem>>
      tpu.enqueue_dma source(%dma_start3A_238 : memref<512xi32, #tpu.memory_space<vmem>>) target(%dma_start3A_236 : memref<512xi32, #tpu.memory_space<hbm>>) target_semaphore(%arg13 : memref<!tpu.dma_semaphore, #tpu.memory_space<semaphore_mem>>)
      %add3A_239 = arith.constant 3670016 : i32
      %add3A_240 = arith.addi %mul3A_182, %add3A_239 : i32
      %dma_start3A_241 = arith.constant 3584 : i32
      %dma_start3A_242 = tpu.memref_slice %arg9[%dma_start3A_241] : memref<6144xi32, #tpu.memory_space<vmem>> -> memref<512xi32, #tpu.memory_space<vmem>>
      %dma_start3A_243 = tpu.memref_slice %arg4[%add3A_240] : memref<6291456xi32, #tpu.memory_space<hbm>> -> memref<512xi32, #tpu.memory_space<hbm>>
      %dma_start3A_244 = tpu.memref_slice %arg4[%add3A_240] : memref<6291456xi32, #tpu.memory_space<hbm>> -> memref<512xi32, #tpu.memory_space<hbm>>
      %dma_start3A_245 = arith.constant 3584 : i32
      %dma_start3A_246 = tpu.memref_slice %arg9[%dma_start3A_245] : memref<6144xi32, #tpu.memory_space<vmem>> -> memref<512xi32, #tpu.memory_space<vmem>>
      tpu.enqueue_dma source(%dma_start3A_246 : memref<512xi32, #tpu.memory_space<vmem>>) target(%dma_start3A_244 : memref<512xi32, #tpu.memory_space<hbm>>) target_semaphore(%arg13 : memref<!tpu.dma_semaphore, #tpu.memory_space<semaphore_mem>>)
      %add3A_247 = arith.constant 4194304 : i32
      %add3A_248 = arith.addi %mul3A_182, %add3A_247 : i32
      %dma_start3A_249 = arith.constant 4096 : i32
      %dma_start3A_250 = tpu.memref_slice %arg9[%dma_start3A_249] : memref<6144xi32, #tpu.memory_space<vmem>> -> memref<512xi32, #tpu.memory_space<vmem>>
      %dma_start3A_251 = tpu.memref_slice %arg4[%add3A_248] : memref<6291456xi32, #tpu.memory_space<hbm>> -> memref<512xi32, #tpu.memory_space<hbm>>
      %dma_start3A_252 = tpu.memref_slice %arg4[%add3A_248] : memref<6291456xi32, #tpu.memory_space<hbm>> -> memref<512xi32, #tpu.memory_space<hbm>>
      %dma_start3A_253 = arith.constant 4096 : i32
      %dma_start3A_254 = tpu.memref_slice %arg9[%dma_start3A_253] : memref<6144xi32, #tpu.memory_space<vmem>> -> memref<512xi32, #tpu.memory_space<vmem>>
      tpu.enqueue_dma source(%dma_start3A_254 : memref<512xi32, #tpu.memory_space<vmem>>) target(%dma_start3A_252 : memref<512xi32, #tpu.memory_space<hbm>>) target_semaphore(%arg13 : memref<!tpu.dma_semaphore, #tpu.memory_space<semaphore_mem>>)
      %add3A_255 = arith.constant 4718592 : i32
      %add3A_256 = arith.addi %mul3A_182, %add3A_255 : i32
      %dma_start3A_257 = arith.constant 4608 : i32
      %dma_start3A_258 = tpu.memref_slice %arg9[%dma_start3A_257] : memref<6144xi32, #tpu.memory_space<vmem>> -> memref<512xi32, #tpu.memory_space<vmem>>
      %dma_start3A_259 = tpu.memref_slice %arg4[%add3A_256] : memref<6291456xi32, #tpu.memory_space<hbm>> -> memref<512xi32, #tpu.memory_space<hbm>>
      %dma_start3A_260 = tpu.memref_slice %arg4[%add3A_256] : memref<6291456xi32, #tpu.memory_space<hbm>> -> memref<512xi32, #tpu.memory_space<hbm>>
      %dma_start3A_261 = arith.constant 4608 : i32
      %dma_start3A_262 = tpu.memref_slice %arg9[%dma_start3A_261] : memref<6144xi32, #tpu.memory_space<vmem>> -> memref<512xi32, #tpu.memory_space<vmem>>
      tpu.enqueue_dma source(%dma_start3A_262 : memref<512xi32, #tpu.memory_space<vmem>>) target(%dma_start3A_260 : memref<512xi32, #tpu.memory_space<hbm>>) target_semaphore(%arg13 : memref<!tpu.dma_semaphore, #tpu.memory_space<semaphore_mem>>)
      %add3A_263 = arith.constant 5242880 : i32
      %add3A_264 = arith.addi %mul3A_182, %add3A_263 : i32
      %dma_start3A_265 = arith.constant 5120 : i32
      %dma_start3A_266 = tpu.memref_slice %arg9[%dma_start3A_265] : memref<6144xi32, #tpu.memory_space<vmem>> -> memref<512xi32, #tpu.memory_space<vmem>>
      %dma_start3A_267 = tpu.memref_slice %arg4[%add3A_264] : memref<6291456xi32, #tpu.memory_space<hbm>> -> memref<512xi32, #tpu.memory_space<hbm>>
      %dma_start3A_268 = tpu.memref_slice %arg4[%add3A_264] : memref<6291456xi32, #tpu.memory_space<hbm>> -> memref<512xi32, #tpu.memory_space<hbm>>
      %dma_start3A_269 = arith.constant 5120 : i32
      %dma_start3A_270 = tpu.memref_slice %arg9[%dma_start3A_269] : memref<6144xi32, #tpu.memory_space<vmem>> -> memref<512xi32, #tpu.memory_space<vmem>>
      tpu.enqueue_dma source(%dma_start3A_270 : memref<512xi32, #tpu.memory_space<vmem>>) target(%dma_start3A_268 : memref<512xi32, #tpu.memory_space<hbm>>) target_semaphore(%arg13 : memref<!tpu.dma_semaphore, #tpu.memory_space<semaphore_mem>>)
      %add3A_271 = arith.constant 5767168 : i32
      %add3A_272 = arith.addi %mul3A_182, %add3A_271 : i32
      %dma_start3A_273 = arith.constant 5632 : i32
      %dma_start3A_274 = tpu.memref_slice %arg9[%dma_start3A_273] : memref<6144xi32, #tpu.memory_space<vmem>> -> memref<512xi32, #tpu.memory_space<vmem>>
      %dma_start3A_275 = tpu.memref_slice %arg4[%add3A_272] : memref<6291456xi32, #tpu.memory_space<hbm>> -> memref<512xi32, #tpu.memory_space<hbm>>
      %dma_start3A_276 = tpu.memref_slice %arg4[%add3A_272] : memref<6291456xi32, #tpu.memory_space<hbm>> -> memref<512xi32, #tpu.memory_space<hbm>>
      %dma_start3A_277 = arith.constant 5632 : i32
      %dma_start3A_278 = tpu.memref_slice %arg9[%dma_start3A_277] : memref<6144xi32, #tpu.memory_space<vmem>> -> memref<512xi32, #tpu.memory_space<vmem>>
      tpu.enqueue_dma source(%dma_start3A_278 : memref<512xi32, #tpu.memory_space<vmem>>) target(%dma_start3A_276 : memref<512xi32, #tpu.memory_space<hbm>>) target_semaphore(%arg13 : memref<!tpu.dma_semaphore, #tpu.memory_space<semaphore_mem>>)
      %add3A_279 = arith.constant 2 : i32
      %add3A_280 = arith.addi %add3A_165, %add3A_279 : i32
      %min3A_281 = arith.constant 1023 : i32
      %min3A_282 = arith.minsi %add3A_280, %min3A_281 : i32
      %mul3A_283 = arith.constant 1024 : i32
      %mul3A_284 = arith.muli %min3A_282, %mul3A_283 : i32
      %dma_start3A_285 = tpu.memref_slice %arg3[%mul3A_284] : memref<1048576xi32, #tpu.memory_space<hbm>> -> memref<1024xi32, #tpu.memory_space<hbm>>
      %dma_start3A_286 = tpu.memref_slice %arg3[%mul3A_284] : memref<1048576xi32, #tpu.memory_space<hbm>> -> memref<1024xi32, #tpu.memory_space<hbm>>
      tpu.enqueue_dma source(%dma_start3A_286 : memref<1024xi32, #tpu.memory_space<hbm>>) target(%arg7 : memref<1024xi32, #tpu.memory_space<vmem>>) target_semaphore(%arg11 : memref<!tpu.dma_semaphore, #tpu.memory_space<semaphore_mem>>)
    }
    %scan3A_18 = arith.constant 16 : i32
    %dma_wait3A = arith.constant 0 : i32
    %dma_wait3A_19 = tpu.memref_slice %arg4[%dma_wait3A] : memref<6291456xi32, #tpu.memory_space<hbm>> -> memref<6144xi32, #tpu.memory_space<hbm>>
    %dma_wait3A_20 = arith.constant 0 : i32
    %dma_wait3A_21 = tpu.memref_slice %arg4[%dma_wait3A_20] : memref<6291456xi32, #tpu.memory_space<hbm>> -> memref<6144xi32, #tpu.memory_space<hbm>>
    tpu.wait_dma2 semaphore(%arg12 : memref<!tpu.dma_semaphore, #tpu.memory_space<semaphore_mem>>) src(%dma_wait3A_21 : memref<6144xi32, #tpu.memory_space<hbm>>) dst(%arg8 : memref<6144xi32, #tpu.memory_space<vmem>>)
    %dma_wait3A_22 = arith.constant 0 : i32
    %dma_wait3A_23 = tpu.memref_slice %arg3[%dma_wait3A_22] : memref<1048576xi32, #tpu.memory_space<hbm>> -> memref<1024xi32, #tpu.memory_space<hbm>>
    %dma_wait3A_24 = arith.constant 0 : i32
    %dma_wait3A_25 = tpu.memref_slice %arg3[%dma_wait3A_24] : memref<1048576xi32, #tpu.memory_space<hbm>> -> memref<1024xi32, #tpu.memory_space<hbm>>
    tpu.wait_dma2 semaphore(%arg10 : memref<!tpu.dma_semaphore, #tpu.memory_space<semaphore_mem>>) src(%dma_wait3A_25 : memref<1024xi32, #tpu.memory_space<hbm>>) dst(%arg6 : memref<1024xi32, #tpu.memory_space<vmem>>)
    %dma_wait3A_26 = arith.constant 0 : i32
    %dma_wait3A_27 = tpu.memref_slice %arg4[%dma_wait3A_26] : memref<6291456xi32, #tpu.memory_space<hbm>> -> memref<6144xi32, #tpu.memory_space<hbm>>
    %dma_wait3A_28 = arith.constant 0 : i32
    %dma_wait3A_29 = tpu.memref_slice %arg4[%dma_wait3A_28] : memref<6291456xi32, #tpu.memory_space<hbm>> -> memref<6144xi32, #tpu.memory_space<hbm>>
    tpu.wait_dma2 semaphore(%arg13 : memref<!tpu.dma_semaphore, #tpu.memory_space<semaphore_mem>>) src(%dma_wait3A_29 : memref<6144xi32, #tpu.memory_space<hbm>>) dst(%arg9 : memref<6144xi32, #tpu.memory_space<vmem>>)
    %dma_wait3A_30 = arith.constant 0 : i32
    %dma_wait3A_31 = tpu.memref_slice %arg3[%dma_wait3A_30] : memref<1048576xi32, #tpu.memory_space<hbm>> -> memref<1024xi32, #tpu.memory_space<hbm>>
    %dma_wait3A_32 = arith.constant 0 : i32
    %dma_wait3A_33 = tpu.memref_slice %arg3[%dma_wait3A_32] : memref<1048576xi32, #tpu.memory_space<hbm>> -> memref<1024xi32, #tpu.memory_space<hbm>>
    tpu.wait_dma2 semaphore(%arg11 : memref<!tpu.dma_semaphore, #tpu.memory_space<semaphore_mem>>) src(%dma_wait3A_33 : memref<1024xi32, #tpu.memory_space<hbm>>) dst(%arg7 : memref<1024xi32, #tpu.memory_space<vmem>>)
    return
  }
}

#map = affine_map<(d0, d1) -> (0)>
module attributes {stable_mosaic.version = 14 : i64} {
  func.func @_sc_gather_body(%arg0: i32, %arg1: i32, %arg2: memref<49152xf32, #tpu.memory_space<hbm>>, %arg3: memref<1048576xi32, #tpu.memory_space<hbm>>, %arg4: memref<6291456xi32, #tpu.memory_space<hbm>>, %arg5: memref<49152xf32, #tpu.memory_space<vmem>>, %arg6: memref<1024xi32, #tpu.memory_space<vmem>>, %arg7: memref<1024xi32, #tpu.memory_space<vmem>>, %arg8: memref<6144xi32, #tpu.memory_space<vmem>>, %arg9: memref<6144xi32, #tpu.memory_space<vmem>>, %arg10: memref<!tpu.dma_semaphore, #tpu.memory_space<semaphore_mem>>, %arg11: memref<!tpu.dma_semaphore, #tpu.memory_space<semaphore_mem>>, %arg12: memref<!tpu.dma_semaphore, #tpu.memory_space<semaphore_mem>>, %arg13: memref<!tpu.dma_semaphore, #tpu.memory_space<semaphore_mem>>) attributes {dimension_semantics = [#tpu.dimension_semantics<core_parallel>, #tpu.dimension_semantics<subcore_parallel>], iteration_bounds = array<i64: 2, 16>, scalar_prefetch = 0 : i64, scratch_operands = 9 : i64, tpu.core_type = #tpu.core_type<sc_vector_subcore>, window_params = [{transform_indices = #map}, {transform_indices = #map}, {transform_indices = #map}]} {
    %mul3A = arith.constant 2 : i32
    %mul3A_0 = arith.muli %arg1, %mul3A : i32
    %add3A = arith.addi %mul3A_0, %arg0 : i32
    "tpu.region"() ({
      %run_scoped3A = tpu.sem_alloc : memref<!tpu.dma_semaphore, #tpu.memory_space<semaphore_mem>>
      tpu.enqueue_dma source(%arg2 : memref<49152xf32, #tpu.memory_space<hbm>>) target(%arg5 : memref<49152xf32, #tpu.memory_space<vmem>>) target_semaphore(%run_scoped3A : memref<!tpu.dma_semaphore, #tpu.memory_space<semaphore_mem>>)
      tpu.wait_dma2 semaphore(%run_scoped3A : memref<!tpu.dma_semaphore, #tpu.memory_space<semaphore_mem>>) src(%arg2 : memref<49152xf32, #tpu.memory_space<hbm>>) dst(%arg5 : memref<49152xf32, #tpu.memory_space<vmem>>)
      tpu.yield
    }) : () -> ()
    %mul3A_1 = arith.constant 32 : i32
    %mul3A_2 = arith.muli %add3A, %mul3A_1 : i32
    %mul3A_3 = arith.constant 1024 : i32
    %mul3A_4 = arith.muli %mul3A_2, %mul3A_3 : i32
    %dma_start3A = tpu.memref_slice %arg3[%mul3A_4] : memref<1048576xi32, #tpu.memory_space<hbm>> -> memref<1024xi32, #tpu.memory_space<hbm>>
    %dma_start3A_5 = tpu.memref_slice %arg3[%mul3A_4] : memref<1048576xi32, #tpu.memory_space<hbm>> -> memref<1024xi32, #tpu.memory_space<hbm>>
    tpu.enqueue_dma source(%dma_start3A_5 : memref<1024xi32, #tpu.memory_space<hbm>>) target(%arg6 : memref<1024xi32, #tpu.memory_space<vmem>>) target_semaphore(%arg10 : memref<!tpu.dma_semaphore, #tpu.memory_space<semaphore_mem>>)
    %mul3A_6 = arith.constant 32 : i32
    %mul3A_7 = arith.muli %add3A, %mul3A_6 : i32
    %add3A_8 = arith.constant 1 : i32
    %add3A_9 = arith.addi %mul3A_7, %add3A_8 : i32
    %mul3A_10 = arith.constant 1024 : i32
    %mul3A_11 = arith.muli %add3A_9, %mul3A_10 : i32
    %dma_start3A_12 = tpu.memref_slice %arg3[%mul3A_11] : memref<1048576xi32, #tpu.memory_space<hbm>> -> memref<1024xi32, #tpu.memory_space<hbm>>
    %dma_start3A_13 = tpu.memref_slice %arg3[%mul3A_11] : memref<1048576xi32, #tpu.memory_space<hbm>> -> memref<1024xi32, #tpu.memory_space<hbm>>
    tpu.enqueue_dma source(%dma_start3A_13 : memref<1024xi32, #tpu.memory_space<hbm>>) target(%arg7 : memref<1024xi32, #tpu.memory_space<vmem>>) target_semaphore(%arg11 : memref<!tpu.dma_semaphore, #tpu.memory_space<semaphore_mem>>)
    %scan3A = arith.constant 0 : i32
    %scan3A_14 = arith.constant 0 : i32
    %scan3A_15 = arith.constant 16 : i32
    %scan3A_16 = arith.addi %scan3A_14, %scan3A_15 : i32
    %scan3A_17 = arith.constant 1 : i32
    scf.for %scan3A_34 = %scan3A_14 to %scan3A_16 step %scan3A_17  : i32 {
      %mul3A_35 = arith.constant 32 : i32
      %mul3A_36 = arith.muli %add3A, %mul3A_35 : i32
      %mul3A_37 = arith.constant 2 : i32
      %mul3A_38 = arith.muli %mul3A_37, %scan3A_34 : i32
      %add3A_39 = arith.addi %mul3A_36, %mul3A_38 : i32
      %add3A_40 = arith.constant 0 : i32
      %add3A_41 = arith.addi %add3A_39, %add3A_40 : i32
      %dma_wait3A_42 = arith.constant 0 : i32
      %dma_wait3A_43 = tpu.memref_slice %arg3[%dma_wait3A_42] : memref<1048576xi32, #tpu.memory_space<hbm>> -> memref<1024xi32, #tpu.memory_space<hbm>>
      %dma_wait3A_44 = arith.constant 0 : i32
      %dma_wait3A_45 = tpu.memref_slice %arg3[%dma_wait3A_44] : memref<1048576xi32, #tpu.memory_space<hbm>> -> memref<1024xi32, #tpu.memory_space<hbm>>
      tpu.wait_dma2 semaphore(%arg10 : memref<!tpu.dma_semaphore, #tpu.memory_space<semaphore_mem>>) src(%dma_wait3A_45 : memref<1024xi32, #tpu.memory_space<hbm>>) dst(%arg6 : memref<1024xi32, #tpu.memory_space<vmem>>)
      %gt3A = arith.constant 0 : i32
      %gt3A_46 = arith.cmpi sgt, %scan3A_34, %gt3A : i32
      %convert_element_type3A = arith.extui %gt3A_46 : i1 to i32
      %cond3A = arith.constant 0 : i32
      %cond3A_47 = arith.cmpi ne, %convert_element_type3A, %cond3A : i32
      scf.if %cond3A_47 {
        %dma_wait3A_287 = arith.constant 0 : i32
        %dma_wait3A_288 = tpu.memref_slice %arg4[%dma_wait3A_287] : memref<6291456xi32, #tpu.memory_space<hbm>> -> memref<6144xi32, #tpu.memory_space<hbm>>
        %dma_wait3A_289 = arith.constant 0 : i32
        %dma_wait3A_290 = tpu.memref_slice %arg4[%dma_wait3A_289] : memref<6291456xi32, #tpu.memory_space<hbm>> -> memref<6144xi32, #tpu.memory_space<hbm>>
        tpu.wait_dma2 semaphore(%arg12 : memref<!tpu.dma_semaphore, #tpu.memory_space<semaphore_mem>>) src(%dma_wait3A_290 : memref<6144xi32, #tpu.memory_space<hbm>>) dst(%arg8 : memref<6144xi32, #tpu.memory_space<vmem>>)
      } else {
      }
      %scan3A_48 = arith.constant 0 : i32
      %scan3A_49 = arith.constant 0 : i32
      %scan3A_50 = arith.constant 32 : i32
      %scan3A_51 = arith.addi %scan3A_49, %scan3A_50 : i32
      %scan3A_52 = arith.constant 2 : i32
      scf.for %scan3A_287 = %scan3A_49 to %scan3A_51 step %scan3A_52  : i32 {
        %mul3A_288 = arith.constant 16 : i32
        %mul3A_289 = arith.muli %scan3A_287, %mul3A_288 : i32
        %get3A = arith.index_cast %mul3A_289 : i32 to index
        %get3A_290 = tpu.vector_load %arg6[%get3A] {strides = array<i32>} : memref<1024xi32, #tpu.memory_space<vmem>>, vector<16xi32>,
        %mul3A_291 = arith.constant 16 : i32
        %mul3A_292 = arith.muli %scan3A_287, %mul3A_291 : i32
        %add3A_293 = arith.constant 512 : i32
        %add3A_294 = arith.addi %add3A_293, %mul3A_292 : i32
        %get3A_295 = arith.index_cast %add3A_294 : i32 to index
        %get3A_296 = tpu.vector_load %arg6[%get3A_295] {strides = array<i32>} : memref<1024xi32, #tpu.memory_space<vmem>>, vector<16xi32>,
        %add3A_297 = arith.constant 0 : i32
        %add3A_298 = vector.broadcast %add3A_297 : i32 to vector<16xi32>
        %add3A_299 = arith.addi %get3A_290, %add3A_298 : vector<16xi32>
        %gather3A = tpu.vector_load_idx %arg5[%add3A_299] : memref<49152xf32, #tpu.memory_space<vmem>>[vector<16xi32>], vector<16xf32>,
        %add3A_300 = arith.constant 0 : i32
        %add3A_301 = vector.broadcast %add3A_300 : i32 to vector<16xi32>
        %add3A_302 = arith.addi %get3A_296, %add3A_301 : vector<16xi32>
        %gather3A_303 = tpu.vector_load_idx %arg5[%add3A_302] : memref<49152xf32, #tpu.memory_space<vmem>>[vector<16xi32>], vector<16xf32>,
        %pack3A = tpu.pack_subelements %gather3A, %gather3A_303 {pack_format = #tpu.pack_format<interleaved>, positions = array<i32: 0, 1>} : vector<16xf32>, vector<16xf32> -> vector<32xbf16>
        %bitcast3A = vector.bitcast %pack3A : vector<32xbf16> to vector<16xi32>
        %mul3A_304 = arith.constant 16 : i32
        %mul3A_305 = arith.muli %scan3A_287, %mul3A_304 : i32
        %add3A_306 = arith.constant 0 : i32
        %add3A_307 = arith.addi %add3A_306, %mul3A_305 : i32
        %swap3A = arith.index_cast %add3A_307 : i32 to index
        %swap3A_308 = tpu.vector_load %arg8[%swap3A] {strides = array<i32>} : memref<6144xi32, #tpu.memory_space<vmem>>, vector<16xi32>,
        tpu.vector_store %arg8[%swap3A], %bitcast3A {strides = array<i32>} : memref<6144xi32, #tpu.memory_space<vmem>>, vector<16xi32>,
        %add3A_309 = arith.constant 4096 : i32
        %add3A_310 = vector.broadcast %add3A_309 : i32 to vector<16xi32>
        %add3A_311 = arith.addi %get3A_290, %add3A_310 : vector<16xi32>
        %gather3A_312 = tpu.vector_load_idx %arg5[%add3A_311] : memref<49152xf32, #tpu.memory_space<vmem>>[vector<16xi32>], vector<16xf32>,
        %add3A_313 = arith.constant 4096 : i32
        %add3A_314 = vector.broadcast %add3A_313 : i32 to vector<16xi32>
        %add3A_315 = arith.addi %get3A_296, %add3A_314 : vector<16xi32>
        %gather3A_316 = tpu.vector_load_idx %arg5[%add3A_315] : memref<49152xf32, #tpu.memory_space<vmem>>[vector<16xi32>], vector<16xf32>,
        %pack3A_317 = tpu.pack_subelements %gather3A_312, %gather3A_316 {pack_format = #tpu.pack_format<interleaved>, positions = array<i32: 0, 1>} : vector<16xf32>, vector<16xf32> -> vector<32xbf16>
        %bitcast3A_318 = vector.bitcast %pack3A_317 : vector<32xbf16> to vector<16xi32>
        %mul3A_319 = arith.constant 16 : i32
        %mul3A_320 = arith.muli %scan3A_287, %mul3A_319 : i32
        %add3A_321 = arith.constant 512 : i32
        %add3A_322 = arith.addi %add3A_321, %mul3A_320 : i32
        %swap3A_323 = arith.index_cast %add3A_322 : i32 to index
        %swap3A_324 = tpu.vector_load %arg8[%swap3A_323] {strides = array<i32>} : memref<6144xi32, #tpu.memory_space<vmem>>, vector<16xi32>,
        tpu.vector_store %arg8[%swap3A_323], %bitcast3A_318 {strides = array<i32>} : memref<6144xi32, #tpu.memory_space<vmem>>, vector<16xi32>,
        %add3A_325 = arith.constant 8192 : i32
        %add3A_326 = vector.broadcast %add3A_325 : i32 to vector<16xi32>
        %add3A_327 = arith.addi %get3A_290, %add3A_326 : vector<16xi32>
        %gather3A_328 = tpu.vector_load_idx %arg5[%add3A_327] : memref<49152xf32, #tpu.memory_space<vmem>>[vector<16xi32>], vector<16xf32>,
        %add3A_329 = arith.constant 8192 : i32
        %add3A_330 = vector.broadcast %add3A_329 : i32 to vector<16xi32>
        %add3A_331 = arith.addi %get3A_296, %add3A_330 : vector<16xi32>
        %gather3A_332 = tpu.vector_load_idx %arg5[%add3A_331] : memref<49152xf32, #tpu.memory_space<vmem>>[vector<16xi32>], vector<16xf32>,
        %pack3A_333 = tpu.pack_subelements %gather3A_328, %gather3A_332 {pack_format = #tpu.pack_format<interleaved>, positions = array<i32: 0, 1>} : vector<16xf32>, vector<16xf32> -> vector<32xbf16>
        %bitcast3A_334 = vector.bitcast %pack3A_333 : vector<32xbf16> to vector<16xi32>
        %mul3A_335 = arith.constant 16 : i32
        %mul3A_336 = arith.muli %scan3A_287, %mul3A_335 : i32
        %add3A_337 = arith.constant 1024 : i32
        %add3A_338 = arith.addi %add3A_337, %mul3A_336 : i32
        %swap3A_339 = arith.index_cast %add3A_338 : i32 to index
        %swap3A_340 = tpu.vector_load %arg8[%swap3A_339] {strides = array<i32>} : memref<6144xi32, #tpu.memory_space<vmem>>, vector<16xi32>,
        tpu.vector_store %arg8[%swap3A_339], %bitcast3A_334 {strides = array<i32>} : memref<6144xi32, #tpu.memory_space<vmem>>, vector<16xi32>,
        %add3A_341 = arith.constant 12288 : i32
        %add3A_342 = vector.broadcast %add3A_341 : i32 to vector<16xi32>
        %add3A_343 = arith.addi %get3A_290, %add3A_342 : vector<16xi32>
        %gather3A_344 = tpu.vector_load_idx %arg5[%add3A_343] : memref<49152xf32, #tpu.memory_space<vmem>>[vector<16xi32>], vector<16xf32>,
        %add3A_345 = arith.constant 12288 : i32
        %add3A_346 = vector.broadcast %add3A_345 : i32 to vector<16xi32>
        %add3A_347 = arith.addi %get3A_296, %add3A_346 : vector<16xi32>
        %gather3A_348 = tpu.vector_load_idx %arg5[%add3A_347] : memref<49152xf32, #tpu.memory_space<vmem>>[vector<16xi32>], vector<16xf32>,
        %pack3A_349 = tpu.pack_subelements %gather3A_344, %gather3A_348 {pack_format = #tpu.pack_format<interleaved>, positions = array<i32: 0, 1>} : vector<16xf32>, vector<16xf32> -> vector<32xbf16>
        %bitcast3A_350 = vector.bitcast %pack3A_349 : vector<32xbf16> to vector<16xi32>
        %mul3A_351 = arith.constant 16 : i32
        %mul3A_352 = arith.muli %scan3A_287, %mul3A_351 : i32
        %add3A_353 = arith.constant 1536 : i32
        %add3A_354 = arith.addi %add3A_353, %mul3A_352 : i32
        %swap3A_355 = arith.index_cast %add3A_354 : i32 to index
        %swap3A_356 = tpu.vector_load %arg8[%swap3A_355] {strides = array<i32>} : memref<6144xi32, #tpu.memory_space<vmem>>, vector<16xi32>,
        tpu.vector_store %arg8[%swap3A_355], %bitcast3A_350 {strides = array<i32>} : memref<6144xi32, #tpu.memory_space<vmem>>, vector<16xi32>,
        %add3A_357 = arith.constant 16384 : i32
        %add3A_358 = vector.broadcast %add3A_357 : i32 to vector<16xi32>
        %add3A_359 = arith.addi %get3A_290, %add3A_358 : vector<16xi32>
        %gather3A_360 = tpu.vector_load_idx %arg5[%add3A_359] : memref<49152xf32, #tpu.memory_space<vmem>>[vector<16xi32>], vector<16xf32>,
        %add3A_361 = arith.constant 16384 : i32
        %add3A_362 = vector.broadcast %add3A_361 : i32 to vector<16xi32>
        %add3A_363 = arith.addi %get3A_296, %add3A_362 : vector<16xi32>
        %gather3A_364 = tpu.vector_load_idx %arg5[%add3A_363] : memref<49152xf32, #tpu.memory_space<vmem>>[vector<16xi32>], vector<16xf32>,
        %pack3A_365 = tpu.pack_subelements %gather3A_360, %gather3A_364 {pack_format = #tpu.pack_format<interleaved>, positions = array<i32: 0, 1>} : vector<16xf32>, vector<16xf32> -> vector<32xbf16>
        %bitcast3A_366 = vector.bitcast %pack3A_365 : vector<32xbf16> to vector<16xi32>
        %mul3A_367 = arith.constant 16 : i32
        %mul3A_368 = arith.muli %scan3A_287, %mul3A_367 : i32
        %add3A_369 = arith.constant 2048 : i32
        %add3A_370 = arith.addi %add3A_369, %mul3A_368 : i32
        %swap3A_371 = arith.index_cast %add3A_370 : i32 to index
        %swap3A_372 = tpu.vector_load %arg8[%swap3A_371] {strides = array<i32>} : memref<6144xi32, #tpu.memory_space<vmem>>, vector<16xi32>,
        tpu.vector_store %arg8[%swap3A_371], %bitcast3A_366 {strides = array<i32>} : memref<6144xi32, #tpu.memory_space<vmem>>, vector<16xi32>,
        %add3A_373 = arith.constant 20480 : i32
        %add3A_374 = vector.broadcast %add3A_373 : i32 to vector<16xi32>
        %add3A_375 = arith.addi %get3A_290, %add3A_374 : vector<16xi32>
        %gather3A_376 = tpu.vector_load_idx %arg5[%add3A_375] : memref<49152xf32, #tpu.memory_space<vmem>>[vector<16xi32>], vector<16xf32>,
        %add3A_377 = arith.constant 20480 : i32
        %add3A_378 = vector.broadcast %add3A_377 : i32 to vector<16xi32>
        %add3A_379 = arith.addi %get3A_296, %add3A_378 : vector<16xi32>
        %gather3A_380 = tpu.vector_load_idx %arg5[%add3A_379] : memref<49152xf32, #tpu.memory_space<vmem>>[vector<16xi32>], vector<16xf32>,
        %pack3A_381 = tpu.pack_subelements %gather3A_376, %gather3A_380 {pack_format = #tpu.pack_format<interleaved>, positions = array<i32: 0, 1>} : vector<16xf32>, vector<16xf32> -> vector<32xbf16>
        %bitcast3A_382 = vector.bitcast %pack3A_381 : vector<32xbf16> to vector<16xi32>
        %mul3A_383 = arith.constant 16 : i32
        %mul3A_384 = arith.muli %scan3A_287, %mul3A_383 : i32
        %add3A_385 = arith.constant 2560 : i32
        %add3A_386 = arith.addi %add3A_385, %mul3A_384 : i32
        %swap3A_387 = arith.index_cast %add3A_386 : i32 to index
        %swap3A_388 = tpu.vector_load %arg8[%swap3A_387] {strides = array<i32>} : memref<6144xi32, #tpu.memory_space<vmem>>, vector<16xi32>,
        tpu.vector_store %arg8[%swap3A_387], %bitcast3A_382 {strides = array<i32>} : memref<6144xi32, #tpu.memory_space<vmem>>, vector<16xi32>,
        %add3A_389 = arith.constant 24576 : i32
        %add3A_390 = vector.broadcast %add3A_389 : i32 to vector<16xi32>
        %add3A_391 = arith.addi %get3A_290, %add3A_390 : vector<16xi32>
        %gather3A_392 = tpu.vector_load_idx %arg5[%add3A_391] : memref<49152xf32, #tpu.memory_space<vmem>>[vector<16xi32>], vector<16xf32>,
        %add3A_393 = arith.constant 24576 : i32
        %add3A_394 = vector.broadcast %add3A_393 : i32 to vector<16xi32>
        %add3A_395 = arith.addi %get3A_296, %add3A_394 : vector<16xi32>
        %gather3A_396 = tpu.vector_load_idx %arg5[%add3A_395] : memref<49152xf32, #tpu.memory_space<vmem>>[vector<16xi32>], vector<16xf32>,
        %pack3A_397 = tpu.pack_subelements %gather3A_392, %gather3A_396 {pack_format = #tpu.pack_format<interleaved>, positions = array<i32: 0, 1>} : vector<16xf32>, vector<16xf32> -> vector<32xbf16>
        %bitcast3A_398 = vector.bitcast %pack3A_397 : vector<32xbf16> to vector<16xi32>
        %mul3A_399 = arith.constant 16 : i32
        %mul3A_400 = arith.muli %scan3A_287, %mul3A_399 : i32
        %add3A_401 = arith.constant 3072 : i32
        %add3A_402 = arith.addi %add3A_401, %mul3A_400 : i32
        %swap3A_403 = arith.index_cast %add3A_402 : i32 to index
        %swap3A_404 = tpu.vector_load %arg8[%swap3A_403] {strides = array<i32>} : memref<6144xi32, #tpu.memory_space<vmem>>, vector<16xi32>,
        tpu.vector_store %arg8[%swap3A_403], %bitcast3A_398 {strides = array<i32>} : memref<6144xi32, #tpu.memory_space<vmem>>, vector<16xi32>,
        %add3A_405 = arith.constant 28672 : i32
        %add3A_406 = vector.broadcast %add3A_405 : i32 to vector<16xi32>
        %add3A_407 = arith.addi %get3A_290, %add3A_406 : vector<16xi32>
        %gather3A_408 = tpu.vector_load_idx %arg5[%add3A_407] : memref<49152xf32, #tpu.memory_space<vmem>>[vector<16xi32>], vector<16xf32>,
        %add3A_409 = arith.constant 28672 : i32
        %add3A_410 = vector.broadcast %add3A_409 : i32 to vector<16xi32>
        %add3A_411 = arith.addi %get3A_296, %add3A_410 : vector<16xi32>
        %gather3A_412 = tpu.vector_load_idx %arg5[%add3A_411] : memref<49152xf32, #tpu.memory_space<vmem>>[vector<16xi32>], vector<16xf32>,
        %pack3A_413 = tpu.pack_subelements %gather3A_408, %gather3A_412 {pack_format = #tpu.pack_format<interleaved>, positions = array<i32: 0, 1>} : vector<16xf32>, vector<16xf32> -> vector<32xbf16>
        %bitcast3A_414 = vector.bitcast %pack3A_413 : vector<32xbf16> to vector<16xi32>
        %mul3A_415 = arith.constant 16 : i32
        %mul3A_416 = arith.muli %scan3A_287, %mul3A_415 : i32
        %add3A_417 = arith.constant 3584 : i32
        %add3A_418 = arith.addi %add3A_417, %mul3A_416 : i32
        %swap3A_419 = arith.index_cast %add3A_418 : i32 to index
        %swap3A_420 = tpu.vector_load %arg8[%swap3A_419] {strides = array<i32>} : memref<6144xi32, #tpu.memory_space<vmem>>, vector<16xi32>,
        tpu.vector_store %arg8[%swap3A_419], %bitcast3A_414 {strides = array<i32>} : memref<6144xi32, #tpu.memory_space<vmem>>, vector<16xi32>,
        %add3A_421 = arith.constant 32768 : i32
        %add3A_422 = vector.broadcast %add3A_421 : i32 to vector<16xi32>
        %add3A_423 = arith.addi %get3A_290, %add3A_422 : vector<16xi32>
        %gather3A_424 = tpu.vector_load_idx %arg5[%add3A_423] : memref<49152xf32, #tpu.memory_space<vmem>>[vector<16xi32>], vector<16xf32>,
        %add3A_425 = arith.constant 32768 : i32
        %add3A_426 = vector.broadcast %add3A_425 : i32 to vector<16xi32>
        %add3A_427 = arith.addi %get3A_296, %add3A_426 : vector<16xi32>
        %gather3A_428 = tpu.vector_load_idx %arg5[%add3A_427] : memref<49152xf32, #tpu.memory_space<vmem>>[vector<16xi32>], vector<16xf32>,
        %pack3A_429 = tpu.pack_subelements %gather3A_424, %gather3A_428 {pack_format = #tpu.pack_format<interleaved>, positions = array<i32: 0, 1>} : vector<16xf32>, vector<16xf32> -> vector<32xbf16>
        %bitcast3A_430 = vector.bitcast %pack3A_429 : vector<32xbf16> to vector<16xi32>
        %mul3A_431 = arith.constant 16 : i32
        %mul3A_432 = arith.muli %scan3A_287, %mul3A_431 : i32
        %add3A_433 = arith.constant 4096 : i32
        %add3A_434 = arith.addi %add3A_433, %mul3A_432 : i32
        %swap3A_435 = arith.index_cast %add3A_434 : i32 to index
        %swap3A_436 = tpu.vector_load %arg8[%swap3A_435] {strides = array<i32>} : memref<6144xi32, #tpu.memory_space<vmem>>, vector<16xi32>,
        tpu.vector_store %arg8[%swap3A_435], %bitcast3A_430 {strides = array<i32>} : memref<6144xi32, #tpu.memory_space<vmem>>, vector<16xi32>,
        %add3A_437 = arith.constant 36864 : i32
        %add3A_438 = vector.broadcast %add3A_437 : i32 to vector<16xi32>
        %add3A_439 = arith.addi %get3A_290, %add3A_438 : vector<16xi32>
        %gather3A_440 = tpu.vector_load_idx %arg5[%add3A_439] : memref<49152xf32, #tpu.memory_space<vmem>>[vector<16xi32>], vector<16xf32>,
        %add3A_441 = arith.constant 36864 : i32
        %add3A_442 = vector.broadcast %add3A_441 : i32 to vector<16xi32>
        %add3A_443 = arith.addi %get3A_296, %add3A_442 : vector<16xi32>
        %gather3A_444 = tpu.vector_load_idx %arg5[%add3A_443] : memref<49152xf32, #tpu.memory_space<vmem>>[vector<16xi32>], vector<16xf32>,
        %pack3A_445 = tpu.pack_subelements %gather3A_440, %gather3A_444 {pack_format = #tpu.pack_format<interleaved>, positions = array<i32: 0, 1>} : vector<16xf32>, vector<16xf32> -> vector<32xbf16>
        %bitcast3A_446 = vector.bitcast %pack3A_445 : vector<32xbf16> to vector<16xi32>
        %mul3A_447 = arith.constant 16 : i32
        %mul3A_448 = arith.muli %scan3A_287, %mul3A_447 : i32
        %add3A_449 = arith.constant 4608 : i32
        %add3A_450 = arith.addi %add3A_449, %mul3A_448 : i32
        %swap3A_451 = arith.index_cast %add3A_450 : i32 to index
        %swap3A_452 = tpu.vector_load %arg8[%swap3A_451] {strides = array<i32>} : memref<6144xi32, #tpu.memory_space<vmem>>, vector<16xi32>,
        tpu.vector_store %arg8[%swap3A_451], %bitcast3A_446 {strides = array<i32>} : memref<6144xi32, #tpu.memory_space<vmem>>, vector<16xi32>,
        %add3A_453 = arith.constant 40960 : i32
        %add3A_454 = vector.broadcast %add3A_453 : i32 to vector<16xi32>
        %add3A_455 = arith.addi %get3A_290, %add3A_454 : vector<16xi32>
        %gather3A_456 = tpu.vector_load_idx %arg5[%add3A_455] : memref<49152xf32, #tpu.memory_space<vmem>>[vector<16xi32>], vector<16xf32>,
        %add3A_457 = arith.constant 40960 : i32
        %add3A_458 = vector.broadcast %add3A_457 : i32 to vector<16xi32>
        %add3A_459 = arith.addi %get3A_296, %add3A_458 : vector<16xi32>
        %gather3A_460 = tpu.vector_load_idx %arg5[%add3A_459] : memref<49152xf32, #tpu.memory_space<vmem>>[vector<16xi32>], vector<16xf32>,
        %pack3A_461 = tpu.pack_subelements %gather3A_456, %gather3A_460 {pack_format = #tpu.pack_format<interleaved>, positions = array<i32: 0, 1>} : vector<16xf32>, vector<16xf32> -> vector<32xbf16>
        %bitcast3A_462 = vector.bitcast %pack3A_461 : vector<32xbf16> to vector<16xi32>
        %mul3A_463 = arith.constant 16 : i32
        %mul3A_464 = arith.muli %scan3A_287, %mul3A_463 : i32
        %add3A_465 = arith.constant 5120 : i32
        %add3A_466 = arith.addi %add3A_465, %mul3A_464 : i32
        %swap3A_467 = arith.index_cast %add3A_466 : i32 to index
        %swap3A_468 = tpu.vector_load %arg8[%swap3A_467] {strides = array<i32>} : memref<6144xi32, #tpu.memory_space<vmem>>, vector<16xi32>,
        tpu.vector_store %arg8[%swap3A_467], %bitcast3A_462 {strides = array<i32>} : memref<6144xi32, #tpu.memory_space<vmem>>, vector<16xi32>,
        %add3A_469 = arith.constant 45056 : i32
        %add3A_470 = vector.broadcast %add3A_469 : i32 to vector<16xi32>
        %add3A_471 = arith.addi %get3A_290, %add3A_470 : vector<16xi32>
        %gather3A_472 = tpu.vector_load_idx %arg5[%add3A_471] : memref<49152xf32, #tpu.memory_space<vmem>>[vector<16xi32>], vector<16xf32>,
        %add3A_473 = arith.constant 45056 : i32
        %add3A_474 = vector.broadcast %add3A_473 : i32 to vector<16xi32>
        %add3A_475 = arith.addi %get3A_296, %add3A_474 : vector<16xi32>
        %gather3A_476 = tpu.vector_load_idx %arg5[%add3A_475] : memref<49152xf32, #tpu.memory_space<vmem>>[vector<16xi32>], vector<16xf32>,
        %pack3A_477 = tpu.pack_subelements %gather3A_472, %gather3A_476 {pack_format = #tpu.pack_format<interleaved>, positions = array<i32: 0, 1>} : vector<16xf32>, vector<16xf32> -> vector<32xbf16>
        %bitcast3A_478 = vector.bitcast %pack3A_477 : vector<32xbf16> to vector<16xi32>
        %mul3A_479 = arith.constant 16 : i32
        %mul3A_480 = arith.muli %scan3A_287, %mul3A_479 : i32
        %add3A_481 = arith.constant 5632 : i32
        %add3A_482 = arith.addi %add3A_481, %mul3A_480 : i32
        %swap3A_483 = arith.index_cast %add3A_482 : i32 to index
        %swap3A_484 = tpu.vector_load %arg8[%swap3A_483] {strides = array<i32>} : memref<6144xi32, #tpu.memory_space<vmem>>, vector<16xi32>,
        tpu.vector_store %arg8[%swap3A_483], %bitcast3A_478 {strides = array<i32>} : memref<6144xi32, #tpu.memory_space<vmem>>, vector<16xi32>,
        %scan3A_485 = arith.constant 1 : i32
        %scan3A_486 = arith.addi %scan3A_287, %scan3A_485 : i32
        %mul3A_487 = arith.constant 16 : i32
        %mul3A_488 = arith.muli %scan3A_486, %mul3A_487 : i32
        %get3A_489 = arith.index_cast %mul3A_488 : i32 to index
        %get3A_490 = tpu.vector_load %arg6[%get3A_489] {strides = array<i32>} : memref<1024xi32, #tpu.memory_space<vmem>>, vector<16xi32>,
        %mul3A_491 = arith.constant 16 : i32
        %mul3A_492 = arith.muli %scan3A_486, %mul3A_491 : i32
        %add3A_493 = arith.constant 512 : i32
        %add3A_494 = arith.addi %add3A_493, %mul3A_492 : i32
        %get3A_495 = arith.index_cast %add3A_494 : i32 to index
        %get3A_496 = tpu.vector_load %arg6[%get3A_495] {strides = array<i32>} : memref<1024xi32, #tpu.memory_space<vmem>>, vector<16xi32>,
        %add3A_497 = arith.constant 0 : i32
        %add3A_498 = vector.broadcast %add3A_497 : i32 to vector<16xi32>
        %add3A_499 = arith.addi %get3A_490, %add3A_498 : vector<16xi32>
        %gather3A_500 = tpu.vector_load_idx %arg5[%add3A_499] : memref<49152xf32, #tpu.memory_space<vmem>>[vector<16xi32>], vector<16xf32>,
        %add3A_501 = arith.constant 0 : i32
        %add3A_502 = vector.broadcast %add3A_501 : i32 to vector<16xi32>
        %add3A_503 = arith.addi %get3A_496, %add3A_502 : vector<16xi32>
        %gather3A_504 = tpu.vector_load_idx %arg5[%add3A_503] : memref<49152xf32, #tpu.memory_space<vmem>>[vector<16xi32>], vector<16xf32>,
        %pack3A_505 = tpu.pack_subelements %gather3A_500, %gather3A_504 {pack_format = #tpu.pack_format<interleaved>, positions = array<i32: 0, 1>} : vector<16xf32>, vector<16xf32> -> vector<32xbf16>
        %bitcast3A_506 = vector.bitcast %pack3A_505 : vector<32xbf16> to vector<16xi32>
        %mul3A_507 = arith.constant 16 : i32
        %mul3A_508 = arith.muli %scan3A_486, %mul3A_507 : i32
        %add3A_509 = arith.constant 0 : i32
        %add3A_510 = arith.addi %add3A_509, %mul3A_508 : i32
        %swap3A_511 = arith.index_cast %add3A_510 : i32 to index
        %swap3A_512 = tpu.vector_load %arg8[%swap3A_511] {strides = array<i32>} : memref<6144xi32, #tpu.memory_space<vmem>>, vector<16xi32>,
        tpu.vector_store %arg8[%swap3A_511], %bitcast3A_506 {strides = array<i32>} : memref<6144xi32, #tpu.memory_space<vmem>>, vector<16xi32>,
        %add3A_513 = arith.constant 4096 : i32
        %add3A_514 = vector.broadcast %add3A_513 : i32 to vector<16xi32>
        %add3A_515 = arith.addi %get3A_490, %add3A_514 : vector<16xi32>
        %gather3A_516 = tpu.vector_load_idx %arg5[%add3A_515] : memref<49152xf32, #tpu.memory_space<vmem>>[vector<16xi32>], vector<16xf32>,
        %add3A_517 = arith.constant 4096 : i32
        %add3A_518 = vector.broadcast %add3A_517 : i32 to vector<16xi32>
        %add3A_519 = arith.addi %get3A_496, %add3A_518 : vector<16xi32>
        %gather3A_520 = tpu.vector_load_idx %arg5[%add3A_519] : memref<49152xf32, #tpu.memory_space<vmem>>[vector<16xi32>], vector<16xf32>,
        %pack3A_521 = tpu.pack_subelements %gather3A_516, %gather3A_520 {pack_format = #tpu.pack_format<interleaved>, positions = array<i32: 0, 1>} : vector<16xf32>, vector<16xf32> -> vector<32xbf16>
        %bitcast3A_522 = vector.bitcast %pack3A_521 : vector<32xbf16> to vector<16xi32>
        %mul3A_523 = arith.constant 16 : i32
        %mul3A_524 = arith.muli %scan3A_486, %mul3A_523 : i32
        %add3A_525 = arith.constant 512 : i32
        %add3A_526 = arith.addi %add3A_525, %mul3A_524 : i32
        %swap3A_527 = arith.index_cast %add3A_526 : i32 to index
        %swap3A_528 = tpu.vector_load %arg8[%swap3A_527] {strides = array<i32>} : memref<6144xi32, #tpu.memory_space<vmem>>, vector<16xi32>,
        tpu.vector_store %arg8[%swap3A_527], %bitcast3A_522 {strides = array<i32>} : memref<6144xi32, #tpu.memory_space<vmem>>, vector<16xi32>,
        %add3A_529 = arith.constant 8192 : i32
        %add3A_530 = vector.broadcast %add3A_529 : i32 to vector<16xi32>
        %add3A_531 = arith.addi %get3A_490, %add3A_530 : vector<16xi32>
        %gather3A_532 = tpu.vector_load_idx %arg5[%add3A_531] : memref<49152xf32, #tpu.memory_space<vmem>>[vector<16xi32>], vector<16xf32>,
        %add3A_533 = arith.constant 8192 : i32
        %add3A_534 = vector.broadcast %add3A_533 : i32 to vector<16xi32>
        %add3A_535 = arith.addi %get3A_496, %add3A_534 : vector<16xi32>
        %gather3A_536 = tpu.vector_load_idx %arg5[%add3A_535] : memref<49152xf32, #tpu.memory_space<vmem>>[vector<16xi32>], vector<16xf32>,
        %pack3A_537 = tpu.pack_subelements %gather3A_532, %gather3A_536 {pack_format = #tpu.pack_format<interleaved>, positions = array<i32: 0, 1>} : vector<16xf32>, vector<16xf32> -> vector<32xbf16>
        %bitcast3A_538 = vector.bitcast %pack3A_537 : vector<32xbf16> to vector<16xi32>
        %mul3A_539 = arith.constant 16 : i32
        %mul3A_540 = arith.muli %scan3A_486, %mul3A_539 : i32
        %add3A_541 = arith.constant 1024 : i32
        %add3A_542 = arith.addi %add3A_541, %mul3A_540 : i32
        %swap3A_543 = arith.index_cast %add3A_542 : i32 to index
        %swap3A_544 = tpu.vector_load %arg8[%swap3A_543] {strides = array<i32>} : memref<6144xi32, #tpu.memory_space<vmem>>, vector<16xi32>,
        tpu.vector_store %arg8[%swap3A_543], %bitcast3A_538 {strides = array<i32>} : memref<6144xi32, #tpu.memory_space<vmem>>, vector<16xi32>,
        %add3A_545 = arith.constant 12288 : i32
        %add3A_546 = vector.broadcast %add3A_545 : i32 to vector<16xi32>
        %add3A_547 = arith.addi %get3A_490, %add3A_546 : vector<16xi32>
        %gather3A_548 = tpu.vector_load_idx %arg5[%add3A_547] : memref<49152xf32, #tpu.memory_space<vmem>>[vector<16xi32>], vector<16xf32>,
        %add3A_549 = arith.constant 12288 : i32
        %add3A_550 = vector.broadcast %add3A_549 : i32 to vector<16xi32>
        %add3A_551 = arith.addi %get3A_496, %add3A_550 : vector<16xi32>
        %gather3A_552 = tpu.vector_load_idx %arg5[%add3A_551] : memref<49152xf32, #tpu.memory_space<vmem>>[vector<16xi32>], vector<16xf32>,
        %pack3A_553 = tpu.pack_subelements %gather3A_548, %gather3A_552 {pack_format = #tpu.pack_format<interleaved>, positions = array<i32: 0, 1>} : vector<16xf32>, vector<16xf32> -> vector<32xbf16>
        %bitcast3A_554 = vector.bitcast %pack3A_553 : vector<32xbf16> to vector<16xi32>
        %mul3A_555 = arith.constant 16 : i32
        %mul3A_556 = arith.muli %scan3A_486, %mul3A_555 : i32
        %add3A_557 = arith.constant 1536 : i32
        %add3A_558 = arith.addi %add3A_557, %mul3A_556 : i32
        %swap3A_559 = arith.index_cast %add3A_558 : i32 to index
        %swap3A_560 = tpu.vector_load %arg8[%swap3A_559] {strides = array<i32>} : memref<6144xi32, #tpu.memory_space<vmem>>, vector<16xi32>,
        tpu.vector_store %arg8[%swap3A_559], %bitcast3A_554 {strides = array<i32>} : memref<6144xi32, #tpu.memory_space<vmem>>, vector<16xi32>,
        %add3A_561 = arith.constant 16384 : i32
        %add3A_562 = vector.broadcast %add3A_561 : i32 to vector<16xi32>
        %add3A_563 = arith.addi %get3A_490, %add3A_562 : vector<16xi32>
        %gather3A_564 = tpu.vector_load_idx %arg5[%add3A_563] : memref<49152xf32, #tpu.memory_space<vmem>>[vector<16xi32>], vector<16xf32>,
        %add3A_565 = arith.constant 16384 : i32
        %add3A_566 = vector.broadcast %add3A_565 : i32 to vector<16xi32>
        %add3A_567 = arith.addi %get3A_496, %add3A_566 : vector<16xi32>
        %gather3A_568 = tpu.vector_load_idx %arg5[%add3A_567] : memref<49152xf32, #tpu.memory_space<vmem>>[vector<16xi32>], vector<16xf32>,
        %pack3A_569 = tpu.pack_subelements %gather3A_564, %gather3A_568 {pack_format = #tpu.pack_format<interleaved>, positions = array<i32: 0, 1>} : vector<16xf32>, vector<16xf32> -> vector<32xbf16>
        %bitcast3A_570 = vector.bitcast %pack3A_569 : vector<32xbf16> to vector<16xi32>
        %mul3A_571 = arith.constant 16 : i32
        %mul3A_572 = arith.muli %scan3A_486, %mul3A_571 : i32
        %add3A_573 = arith.constant 2048 : i32
        %add3A_574 = arith.addi %add3A_573, %mul3A_572 : i32
        %swap3A_575 = arith.index_cast %add3A_574 : i32 to index
        %swap3A_576 = tpu.vector_load %arg8[%swap3A_575] {strides = array<i32>} : memref<6144xi32, #tpu.memory_space<vmem>>, vector<16xi32>,
        tpu.vector_store %arg8[%swap3A_575], %bitcast3A_570 {strides = array<i32>} : memref<6144xi32, #tpu.memory_space<vmem>>, vector<16xi32>,
        %add3A_577 = arith.constant 20480 : i32
        %add3A_578 = vector.broadcast %add3A_577 : i32 to vector<16xi32>
        %add3A_579 = arith.addi %get3A_490, %add3A_578 : vector<16xi32>
        %gather3A_580 = tpu.vector_load_idx %arg5[%add3A_579] : memref<49152xf32, #tpu.memory_space<vmem>>[vector<16xi32>], vector<16xf32>,
        %add3A_581 = arith.constant 20480 : i32
        %add3A_582 = vector.broadcast %add3A_581 : i32 to vector<16xi32>
        %add3A_583 = arith.addi %get3A_496, %add3A_582 : vector<16xi32>
        %gather3A_584 = tpu.vector_load_idx %arg5[%add3A_583] : memref<49152xf32, #tpu.memory_space<vmem>>[vector<16xi32>], vector<16xf32>,
        %pack3A_585 = tpu.pack_subelements %gather3A_580, %gather3A_584 {pack_format = #tpu.pack_format<interleaved>, positions = array<i32: 0, 1>} : vector<16xf32>, vector<16xf32> -> vector<32xbf16>
        %bitcast3A_586 = vector.bitcast %pack3A_585 : vector<32xbf16> to vector<16xi32>
        %mul3A_587 = arith.constant 16 : i32
        %mul3A_588 = arith.muli %scan3A_486, %mul3A_587 : i32
        %add3A_589 = arith.constant 2560 : i32
        %add3A_590 = arith.addi %add3A_589, %mul3A_588 : i32
        %swap3A_591 = arith.index_cast %add3A_590 : i32 to index
        %swap3A_592 = tpu.vector_load %arg8[%swap3A_591] {strides = array<i32>} : memref<6144xi32, #tpu.memory_space<vmem>>, vector<16xi32>,
        tpu.vector_store %arg8[%swap3A_591], %bitcast3A_586 {strides = array<i32>} : memref<6144xi32, #tpu.memory_space<vmem>>, vector<16xi32>,
        %add3A_593 = arith.constant 24576 : i32
        %add3A_594 = vector.broadcast %add3A_593 : i32 to vector<16xi32>
        %add3A_595 = arith.addi %get3A_490, %add3A_594 : vector<16xi32>
        %gather3A_596 = tpu.vector_load_idx %arg5[%add3A_595] : memref<49152xf32, #tpu.memory_space<vmem>>[vector<16xi32>], vector<16xf32>,
        %add3A_597 = arith.constant 24576 : i32
        %add3A_598 = vector.broadcast %add3A_597 : i32 to vector<16xi32>
        %add3A_599 = arith.addi %get3A_496, %add3A_598 : vector<16xi32>
        %gather3A_600 = tpu.vector_load_idx %arg5[%add3A_599] : memref<49152xf32, #tpu.memory_space<vmem>>[vector<16xi32>], vector<16xf32>,
        %pack3A_601 = tpu.pack_subelements %gather3A_596, %gather3A_600 {pack_format = #tpu.pack_format<interleaved>, positions = array<i32: 0, 1>} : vector<16xf32>, vector<16xf32> -> vector<32xbf16>
        %bitcast3A_602 = vector.bitcast %pack3A_601 : vector<32xbf16> to vector<16xi32>
        %mul3A_603 = arith.constant 16 : i32
        %mul3A_604 = arith.muli %scan3A_486, %mul3A_603 : i32
        %add3A_605 = arith.constant 3072 : i32
        %add3A_606 = arith.addi %add3A_605, %mul3A_604 : i32
        %swap3A_607 = arith.index_cast %add3A_606 : i32 to index
        %swap3A_608 = tpu.vector_load %arg8[%swap3A_607] {strides = array<i32>} : memref<6144xi32, #tpu.memory_space<vmem>>, vector<16xi32>,
        tpu.vector_store %arg8[%swap3A_607], %bitcast3A_602 {strides = array<i32>} : memref<6144xi32, #tpu.memory_space<vmem>>, vector<16xi32>,
        %add3A_609 = arith.constant 28672 : i32
        %add3A_610 = vector.broadcast %add3A_609 : i32 to vector<16xi32>
        %add3A_611 = arith.addi %get3A_490, %add3A_610 : vector<16xi32>
        %gather3A_612 = tpu.vector_load_idx %arg5[%add3A_611] : memref<49152xf32, #tpu.memory_space<vmem>>[vector<16xi32>], vector<16xf32>,
        %add3A_613 = arith.constant 28672 : i32
        %add3A_614 = vector.broadcast %add3A_613 : i32 to vector<16xi32>
        %add3A_615 = arith.addi %get3A_496, %add3A_614 : vector<16xi32>
        %gather3A_616 = tpu.vector_load_idx %arg5[%add3A_615] : memref<49152xf32, #tpu.memory_space<vmem>>[vector<16xi32>], vector<16xf32>,
        %pack3A_617 = tpu.pack_subelements %gather3A_612, %gather3A_616 {pack_format = #tpu.pack_format<interleaved>, positions = array<i32: 0, 1>} : vector<16xf32>, vector<16xf32> -> vector<32xbf16>
        %bitcast3A_618 = vector.bitcast %pack3A_617 : vector<32xbf16> to vector<16xi32>
        %mul3A_619 = arith.constant 16 : i32
        %mul3A_620 = arith.muli %scan3A_486, %mul3A_619 : i32
        %add3A_621 = arith.constant 3584 : i32
        %add3A_622 = arith.addi %add3A_621, %mul3A_620 : i32
        %swap3A_623 = arith.index_cast %add3A_622 : i32 to index
        %swap3A_624 = tpu.vector_load %arg8[%swap3A_623] {strides = array<i32>} : memref<6144xi32, #tpu.memory_space<vmem>>, vector<16xi32>,
        tpu.vector_store %arg8[%swap3A_623], %bitcast3A_618 {strides = array<i32>} : memref<6144xi32, #tpu.memory_space<vmem>>, vector<16xi32>,
        %add3A_625 = arith.constant 32768 : i32
        %add3A_626 = vector.broadcast %add3A_625 : i32 to vector<16xi32>
        %add3A_627 = arith.addi %get3A_490, %add3A_626 : vector<16xi32>
        %gather3A_628 = tpu.vector_load_idx %arg5[%add3A_627] : memref<49152xf32, #tpu.memory_space<vmem>>[vector<16xi32>], vector<16xf32>,
        %add3A_629 = arith.constant 32768 : i32
        %add3A_630 = vector.broadcast %add3A_629 : i32 to vector<16xi32>
        %add3A_631 = arith.addi %get3A_496, %add3A_630 : vector<16xi32>
        %gather3A_632 = tpu.vector_load_idx %arg5[%add3A_631] : memref<49152xf32, #tpu.memory_space<vmem>>[vector<16xi32>], vector<16xf32>,
        %pack3A_633 = tpu.pack_subelements %gather3A_628, %gather3A_632 {pack_format = #tpu.pack_format<interleaved>, positions = array<i32: 0, 1>} : vector<16xf32>, vector<16xf32> -> vector<32xbf16>
        %bitcast3A_634 = vector.bitcast %pack3A_633 : vector<32xbf16> to vector<16xi32>
        %mul3A_635 = arith.constant 16 : i32
        %mul3A_636 = arith.muli %scan3A_486, %mul3A_635 : i32
        %add3A_637 = arith.constant 4096 : i32
        %add3A_638 = arith.addi %add3A_637, %mul3A_636 : i32
        %swap3A_639 = arith.index_cast %add3A_638 : i32 to index
        %swap3A_640 = tpu.vector_load %arg8[%swap3A_639] {strides = array<i32>} : memref<6144xi32, #tpu.memory_space<vmem>>, vector<16xi32>,
        tpu.vector_store %arg8[%swap3A_639], %bitcast3A_634 {strides = array<i32>} : memref<6144xi32, #tpu.memory_space<vmem>>, vector<16xi32>,
        %add3A_641 = arith.constant 36864 : i32
        %add3A_642 = vector.broadcast %add3A_641 : i32 to vector<16xi32>
        %add3A_643 = arith.addi %get3A_490, %add3A_642 : vector<16xi32>
        %gather3A_644 = tpu.vector_load_idx %arg5[%add3A_643] : memref<49152xf32, #tpu.memory_space<vmem>>[vector<16xi32>], vector<16xf32>,
        %add3A_645 = arith.constant 36864 : i32
        %add3A_646 = vector.broadcast %add3A_645 : i32 to vector<16xi32>
        %add3A_647 = arith.addi %get3A_496, %add3A_646 : vector<16xi32>
        %gather3A_648 = tpu.vector_load_idx %arg5[%add3A_647] : memref<49152xf32, #tpu.memory_space<vmem>>[vector<16xi32>], vector<16xf32>,
        %pack3A_649 = tpu.pack_subelements %gather3A_644, %gather3A_648 {pack_format = #tpu.pack_format<interleaved>, positions = array<i32: 0, 1>} : vector<16xf32>, vector<16xf32> -> vector<32xbf16>
        %bitcast3A_650 = vector.bitcast %pack3A_649 : vector<32xbf16> to vector<16xi32>
        %mul3A_651 = arith.constant 16 : i32
        %mul3A_652 = arith.muli %scan3A_486, %mul3A_651 : i32
        %add3A_653 = arith.constant 4608 : i32
        %add3A_654 = arith.addi %add3A_653, %mul3A_652 : i32
        %swap3A_655 = arith.index_cast %add3A_654 : i32 to index
        %swap3A_656 = tpu.vector_load %arg8[%swap3A_655] {strides = array<i32>} : memref<6144xi32, #tpu.memory_space<vmem>>, vector<16xi32>,
        tpu.vector_store %arg8[%swap3A_655], %bitcast3A_650 {strides = array<i32>} : memref<6144xi32, #tpu.memory_space<vmem>>, vector<16xi32>,
        %add3A_657 = arith.constant 40960 : i32
        %add3A_658 = vector.broadcast %add3A_657 : i32 to vector<16xi32>
        %add3A_659 = arith.addi %get3A_490, %add3A_658 : vector<16xi32>
        %gather3A_660 = tpu.vector_load_idx %arg5[%add3A_659] : memref<49152xf32, #tpu.memory_space<vmem>>[vector<16xi32>], vector<16xf32>,
        %add3A_661 = arith.constant 40960 : i32
        %add3A_662 = vector.broadcast %add3A_661 : i32 to vector<16xi32>
        %add3A_663 = arith.addi %get3A_496, %add3A_662 : vector<16xi32>
        %gather3A_664 = tpu.vector_load_idx %arg5[%add3A_663] : memref<49152xf32, #tpu.memory_space<vmem>>[vector<16xi32>], vector<16xf32>,
        %pack3A_665 = tpu.pack_subelements %gather3A_660, %gather3A_664 {pack_format = #tpu.pack_format<interleaved>, positions = array<i32: 0, 1>} : vector<16xf32>, vector<16xf32> -> vector<32xbf16>
        %bitcast3A_666 = vector.bitcast %pack3A_665 : vector<32xbf16> to vector<16xi32>
        %mul3A_667 = arith.constant 16 : i32
        %mul3A_668 = arith.muli %scan3A_486, %mul3A_667 : i32
        %add3A_669 = arith.constant 5120 : i32
        %add3A_670 = arith.addi %add3A_669, %mul3A_668 : i32
        %swap3A_671 = arith.index_cast %add3A_670 : i32 to index
        %swap3A_672 = tpu.vector_load %arg8[%swap3A_671] {strides = array<i32>} : memref<6144xi32, #tpu.memory_space<vmem>>, vector<16xi32>,
        tpu.vector_store %arg8[%swap3A_671], %bitcast3A_666 {strides = array<i32>} : memref<6144xi32, #tpu.memory_space<vmem>>, vector<16xi32>,
        %add3A_673 = arith.constant 45056 : i32
        %add3A_674 = vector.broadcast %add3A_673 : i32 to vector<16xi32>
        %add3A_675 = arith.addi %get3A_490, %add3A_674 : vector<16xi32>
        %gather3A_676 = tpu.vector_load_idx %arg5[%add3A_675] : memref<49152xf32, #tpu.memory_space<vmem>>[vector<16xi32>], vector<16xf32>,
        %add3A_677 = arith.constant 45056 : i32
        %add3A_678 = vector.broadcast %add3A_677 : i32 to vector<16xi32>
        %add3A_679 = arith.addi %get3A_496, %add3A_678 : vector<16xi32>
        %gather3A_680 = tpu.vector_load_idx %arg5[%add3A_679] : memref<49152xf32, #tpu.memory_space<vmem>>[vector<16xi32>], vector<16xf32>,
        %pack3A_681 = tpu.pack_subelements %gather3A_676, %gather3A_680 {pack_format = #tpu.pack_format<interleaved>, positions = array<i32: 0, 1>} : vector<16xf32>, vector<16xf32> -> vector<32xbf16>
        %bitcast3A_682 = vector.bitcast %pack3A_681 : vector<32xbf16> to vector<16xi32>
        %mul3A_683 = arith.constant 16 : i32
        %mul3A_684 = arith.muli %scan3A_486, %mul3A_683 : i32
        %add3A_685 = arith.constant 5632 : i32
        %add3A_686 = arith.addi %add3A_685, %mul3A_684 : i32
        %swap3A_687 = arith.index_cast %add3A_686 : i32 to index
        %swap3A_688 = tpu.vector_load %arg8[%swap3A_687] {strides = array<i32>} : memref<6144xi32, #tpu.memory_space<vmem>>, vector<16xi32>,
        tpu.vector_store %arg8[%swap3A_687], %bitcast3A_682 {strides = array<i32>} : memref<6144xi32, #tpu.memory_space<vmem>>, vector<16xi32>,
      }
      %scan3A_53 = arith.constant 32 : i32
      %mul3A_54 = arith.constant 512 : i32
      %mul3A_55 = arith.muli %add3A_41, %mul3A_54 : i32
      %add3A_56 = arith.constant 0 : i32
      %add3A_57 = arith.addi %mul3A_55, %add3A_56 : i32
      %dma_start3A_58 = arith.constant 0 : i32
      %dma_start3A_59 = tpu.memref_slice %arg8[%dma_start3A_58] : memref<6144xi32, #tpu.memory_space<vmem>> -> memref<512xi32, #tpu.memory_space<vmem>>
      %dma_start3A_60 = tpu.memref_slice %arg4[%add3A_57] : memref<6291456xi32, #tpu.memory_space<hbm>> -> memref<512xi32, #tpu.memory_space<hbm>>
      %dma_start3A_61 = tpu.memref_slice %arg4[%add3A_57] : memref<6291456xi32, #tpu.memory_space<hbm>> -> memref<512xi32, #tpu.memory_space<hbm>>
      %dma_start3A_62 = arith.constant 0 : i32
      %dma_start3A_63 = tpu.memref_slice %arg8[%dma_start3A_62] : memref<6144xi32, #tpu.memory_space<vmem>> -> memref<512xi32, #tpu.memory_space<vmem>>
      tpu.enqueue_dma source(%dma_start3A_63 : memref<512xi32, #tpu.memory_space<vmem>>) target(%dma_start3A_61 : memref<512xi32, #tpu.memory_space<hbm>>) target_semaphore(%arg12 : memref<!tpu.dma_semaphore, #tpu.memory_space<semaphore_mem>>)
      %add3A_64 = arith.constant 524288 : i32
      %add3A_65 = arith.addi %mul3A_55, %add3A_64 : i32
      %dma_start3A_66 = arith.constant 512 : i32
      %dma_start3A_67 = tpu.memref_slice %arg8[%dma_start3A_66] : memref<6144xi32, #tpu.memory_space<vmem>> -> memref<512xi32, #tpu.memory_space<vmem>>
      %dma_start3A_68 = tpu.memref_slice %arg4[%add3A_65] : memref<6291456xi32, #tpu.memory_space<hbm>> -> memref<512xi32, #tpu.memory_space<hbm>>
      %dma_start3A_69 = tpu.memref_slice %arg4[%add3A_65] : memref<6291456xi32, #tpu.memory_space<hbm>> -> memref<512xi32, #tpu.memory_space<hbm>>
      %dma_start3A_70 = arith.constant 512 : i32
      %dma_start3A_71 = tpu.memref_slice %arg8[%dma_start3A_70] : memref<6144xi32, #tpu.memory_space<vmem>> -> memref<512xi32, #tpu.memory_space<vmem>>
      tpu.enqueue_dma source(%dma_start3A_71 : memref<512xi32, #tpu.memory_space<vmem>>) target(%dma_start3A_69 : memref<512xi32, #tpu.memory_space<hbm>>) target_semaphore(%arg12 : memref<!tpu.dma_semaphore, #tpu.memory_space<semaphore_mem>>)
      %add3A_72 = arith.constant 1048576 : i32
      %add3A_73 = arith.addi %mul3A_55, %add3A_72 : i32
      %dma_start3A_74 = arith.constant 1024 : i32
      %dma_start3A_75 = tpu.memref_slice %arg8[%dma_start3A_74] : memref<6144xi32, #tpu.memory_space<vmem>> -> memref<512xi32, #tpu.memory_space<vmem>>
      %dma_start3A_76 = tpu.memref_slice %arg4[%add3A_73] : memref<6291456xi32, #tpu.memory_space<hbm>> -> memref<512xi32, #tpu.memory_space<hbm>>
      %dma_start3A_77 = tpu.memref_slice %arg4[%add3A_73] : memref<6291456xi32, #tpu.memory_space<hbm>> -> memref<512xi32, #tpu.memory_space<hbm>>
      %dma_start3A_78 = arith.constant 1024 : i32
      %dma_start3A_79 = tpu.memref_slice %arg8[%dma_start3A_78] : memref<6144xi32, #tpu.memory_space<vmem>> -> memref<512xi32, #tpu.memory_space<vmem>>
      tpu.enqueue_dma source(%dma_start3A_79 : memref<512xi32, #tpu.memory_space<vmem>>) target(%dma_start3A_77 : memref<512xi32, #tpu.memory_space<hbm>>) target_semaphore(%arg12 : memref<!tpu.dma_semaphore, #tpu.memory_space<semaphore_mem>>)
      %add3A_80 = arith.constant 1572864 : i32
      %add3A_81 = arith.addi %mul3A_55, %add3A_80 : i32
      %dma_start3A_82 = arith.constant 1536 : i32
      %dma_start3A_83 = tpu.memref_slice %arg8[%dma_start3A_82] : memref<6144xi32, #tpu.memory_space<vmem>> -> memref<512xi32, #tpu.memory_space<vmem>>
      %dma_start3A_84 = tpu.memref_slice %arg4[%add3A_81] : memref<6291456xi32, #tpu.memory_space<hbm>> -> memref<512xi32, #tpu.memory_space<hbm>>
      %dma_start3A_85 = tpu.memref_slice %arg4[%add3A_81] : memref<6291456xi32, #tpu.memory_space<hbm>> -> memref<512xi32, #tpu.memory_space<hbm>>
      %dma_start3A_86 = arith.constant 1536 : i32
      %dma_start3A_87 = tpu.memref_slice %arg8[%dma_start3A_86] : memref<6144xi32, #tpu.memory_space<vmem>> -> memref<512xi32, #tpu.memory_space<vmem>>
      tpu.enqueue_dma source(%dma_start3A_87 : memref<512xi32, #tpu.memory_space<vmem>>) target(%dma_start3A_85 : memref<512xi32, #tpu.memory_space<hbm>>) target_semaphore(%arg12 : memref<!tpu.dma_semaphore, #tpu.memory_space<semaphore_mem>>)
      %add3A_88 = arith.constant 2097152 : i32
      %add3A_89 = arith.addi %mul3A_55, %add3A_88 : i32
      %dma_start3A_90 = arith.constant 2048 : i32
      %dma_start3A_91 = tpu.memref_slice %arg8[%dma_start3A_90] : memref<6144xi32, #tpu.memory_space<vmem>> -> memref<512xi32, #tpu.memory_space<vmem>>
      %dma_start3A_92 = tpu.memref_slice %arg4[%add3A_89] : memref<6291456xi32, #tpu.memory_space<hbm>> -> memref<512xi32, #tpu.memory_space<hbm>>
      %dma_start3A_93 = tpu.memref_slice %arg4[%add3A_89] : memref<6291456xi32, #tpu.memory_space<hbm>> -> memref<512xi32, #tpu.memory_space<hbm>>
      %dma_start3A_94 = arith.constant 2048 : i32
      %dma_start3A_95 = tpu.memref_slice %arg8[%dma_start3A_94] : memref<6144xi32, #tpu.memory_space<vmem>> -> memref<512xi32, #tpu.memory_space<vmem>>
      tpu.enqueue_dma source(%dma_start3A_95 : memref<512xi32, #tpu.memory_space<vmem>>) target(%dma_start3A_93 : memref<512xi32, #tpu.memory_space<hbm>>) target_semaphore(%arg12 : memref<!tpu.dma_semaphore, #tpu.memory_space<semaphore_mem>>)
      %add3A_96 = arith.constant 2621440 : i32
      %add3A_97 = arith.addi %mul3A_55, %add3A_96 : i32
      %dma_start3A_98 = arith.constant 2560 : i32
      %dma_start3A_99 = tpu.memref_slice %arg8[%dma_start3A_98] : memref<6144xi32, #tpu.memory_space<vmem>> -> memref<512xi32, #tpu.memory_space<vmem>>
      %dma_start3A_100 = tpu.memref_slice %arg4[%add3A_97] : memref<6291456xi32, #tpu.memory_space<hbm>> -> memref<512xi32, #tpu.memory_space<hbm>>
      %dma_start3A_101 = tpu.memref_slice %arg4[%add3A_97] : memref<6291456xi32, #tpu.memory_space<hbm>> -> memref<512xi32, #tpu.memory_space<hbm>>
      %dma_start3A_102 = arith.constant 2560 : i32
      %dma_start3A_103 = tpu.memref_slice %arg8[%dma_start3A_102] : memref<6144xi32, #tpu.memory_space<vmem>> -> memref<512xi32, #tpu.memory_space<vmem>>
      tpu.enqueue_dma source(%dma_start3A_103 : memref<512xi32, #tpu.memory_space<vmem>>) target(%dma_start3A_101 : memref<512xi32, #tpu.memory_space<hbm>>) target_semaphore(%arg12 : memref<!tpu.dma_semaphore, #tpu.memory_space<semaphore_mem>>)
      %add3A_104 = arith.constant 3145728 : i32
      %add3A_105 = arith.addi %mul3A_55, %add3A_104 : i32
      %dma_start3A_106 = arith.constant 3072 : i32
      %dma_start3A_107 = tpu.memref_slice %arg8[%dma_start3A_106] : memref<6144xi32, #tpu.memory_space<vmem>> -> memref<512xi32, #tpu.memory_space<vmem>>
      %dma_start3A_108 = tpu.memref_slice %arg4[%add3A_105] : memref<6291456xi32, #tpu.memory_space<hbm>> -> memref<512xi32, #tpu.memory_space<hbm>>
      %dma_start3A_109 = tpu.memref_slice %arg4[%add3A_105] : memref<6291456xi32, #tpu.memory_space<hbm>> -> memref<512xi32, #tpu.memory_space<hbm>>
      %dma_start3A_110 = arith.constant 3072 : i32
      %dma_start3A_111 = tpu.memref_slice %arg8[%dma_start3A_110] : memref<6144xi32, #tpu.memory_space<vmem>> -> memref<512xi32, #tpu.memory_space<vmem>>
      tpu.enqueue_dma source(%dma_start3A_111 : memref<512xi32, #tpu.memory_space<vmem>>) target(%dma_start3A_109 : memref<512xi32, #tpu.memory_space<hbm>>) target_semaphore(%arg12 : memref<!tpu.dma_semaphore, #tpu.memory_space<semaphore_mem>>)
      %add3A_112 = arith.constant 3670016 : i32
      %add3A_113 = arith.addi %mul3A_55, %add3A_112 : i32
      %dma_start3A_114 = arith.constant 3584 : i32
      %dma_start3A_115 = tpu.memref_slice %arg8[%dma_start3A_114] : memref<6144xi32, #tpu.memory_space<vmem>> -> memref<512xi32, #tpu.memory_space<vmem>>
      %dma_start3A_116 = tpu.memref_slice %arg4[%add3A_113] : memref<6291456xi32, #tpu.memory_space<hbm>> -> memref<512xi32, #tpu.memory_space<hbm>>
      %dma_start3A_117 = tpu.memref_slice %arg4[%add3A_113] : memref<6291456xi32, #tpu.memory_space<hbm>> -> memref<512xi32, #tpu.memory_space<hbm>>
      %dma_start3A_118 = arith.constant 3584 : i32
      %dma_start3A_119 = tpu.memref_slice %arg8[%dma_start3A_118] : memref<6144xi32, #tpu.memory_space<vmem>> -> memref<512xi32, #tpu.memory_space<vmem>>
      tpu.enqueue_dma source(%dma_start3A_119 : memref<512xi32, #tpu.memory_space<vmem>>) target(%dma_start3A_117 : memref<512xi32, #tpu.memory_space<hbm>>) target_semaphore(%arg12 : memref<!tpu.dma_semaphore, #tpu.memory_space<semaphore_mem>>)
      %add3A_120 = arith.constant 4194304 : i32
      %add3A_121 = arith.addi %mul3A_55, %add3A_120 : i32
      %dma_start3A_122 = arith.constant 4096 : i32
      %dma_start3A_123 = tpu.memref_slice %arg8[%dma_start3A_122] : memref<6144xi32, #tpu.memory_space<vmem>> -> memref<512xi32, #tpu.memory_space<vmem>>
      %dma_start3A_124 = tpu.memref_slice %arg4[%add3A_121] : memref<6291456xi32, #tpu.memory_space<hbm>> -> memref<512xi32, #tpu.memory_space<hbm>>
      %dma_start3A_125 = tpu.memref_slice %arg4[%add3A_121] : memref<6291456xi32, #tpu.memory_space<hbm>> -> memref<512xi32, #tpu.memory_space<hbm>>
      %dma_start3A_126 = arith.constant 4096 : i32
      %dma_start3A_127 = tpu.memref_slice %arg8[%dma_start3A_126] : memref<6144xi32, #tpu.memory_space<vmem>> -> memref<512xi32, #tpu.memory_space<vmem>>
      tpu.enqueue_dma source(%dma_start3A_127 : memref<512xi32, #tpu.memory_space<vmem>>) target(%dma_start3A_125 : memref<512xi32, #tpu.memory_space<hbm>>) target_semaphore(%arg12 : memref<!tpu.dma_semaphore, #tpu.memory_space<semaphore_mem>>)
      %add3A_128 = arith.constant 4718592 : i32
      %add3A_129 = arith.addi %mul3A_55, %add3A_128 : i32
      %dma_start3A_130 = arith.constant 4608 : i32
      %dma_start3A_131 = tpu.memref_slice %arg8[%dma_start3A_130] : memref<6144xi32, #tpu.memory_space<vmem>> -> memref<512xi32, #tpu.memory_space<vmem>>
      %dma_start3A_132 = tpu.memref_slice %arg4[%add3A_129] : memref<6291456xi32, #tpu.memory_space<hbm>> -> memref<512xi32, #tpu.memory_space<hbm>>
      %dma_start3A_133 = tpu.memref_slice %arg4[%add3A_129] : memref<6291456xi32, #tpu.memory_space<hbm>> -> memref<512xi32, #tpu.memory_space<hbm>>
      %dma_start3A_134 = arith.constant 4608 : i32
      %dma_start3A_135 = tpu.memref_slice %arg8[%dma_start3A_134] : memref<6144xi32, #tpu.memory_space<vmem>> -> memref<512xi32, #tpu.memory_space<vmem>>
      tpu.enqueue_dma source(%dma_start3A_135 : memref<512xi32, #tpu.memory_space<vmem>>) target(%dma_start3A_133 : memref<512xi32, #tpu.memory_space<hbm>>) target_semaphore(%arg12 : memref<!tpu.dma_semaphore, #tpu.memory_space<semaphore_mem>>)
      %add3A_136 = arith.constant 5242880 : i32
      %add3A_137 = arith.addi %mul3A_55, %add3A_136 : i32
      %dma_start3A_138 = arith.constant 5120 : i32
      %dma_start3A_139 = tpu.memref_slice %arg8[%dma_start3A_138] : memref<6144xi32, #tpu.memory_space<vmem>> -> memref<512xi32, #tpu.memory_space<vmem>>
      %dma_start3A_140 = tpu.memref_slice %arg4[%add3A_137] : memref<6291456xi32, #tpu.memory_space<hbm>> -> memref<512xi32, #tpu.memory_space<hbm>>
      %dma_start3A_141 = tpu.memref_slice %arg4[%add3A_137] : memref<6291456xi32, #tpu.memory_space<hbm>> -> memref<512xi32, #tpu.memory_space<hbm>>
      %dma_start3A_142 = arith.constant 5120 : i32
      %dma_start3A_143 = tpu.memref_slice %arg8[%dma_start3A_142] : memref<6144xi32, #tpu.memory_space<vmem>> -> memref<512xi32, #tpu.memory_space<vmem>>
      tpu.enqueue_dma source(%dma_start3A_143 : memref<512xi32, #tpu.memory_space<vmem>>) target(%dma_start3A_141 : memref<512xi32, #tpu.memory_space<hbm>>) target_semaphore(%arg12 : memref<!tpu.dma_semaphore, #tpu.memory_space<semaphore_mem>>)
      %add3A_144 = arith.constant 5767168 : i32
      %add3A_145 = arith.addi %mul3A_55, %add3A_144 : i32
      %dma_start3A_146 = arith.constant 5632 : i32
      %dma_start3A_147 = tpu.memref_slice %arg8[%dma_start3A_146] : memref<6144xi32, #tpu.memory_space<vmem>> -> memref<512xi32, #tpu.memory_space<vmem>>
      %dma_start3A_148 = tpu.memref_slice %arg4[%add3A_145] : memref<6291456xi32, #tpu.memory_space<hbm>> -> memref<512xi32, #tpu.memory_space<hbm>>
      %dma_start3A_149 = tpu.memref_slice %arg4[%add3A_145] : memref<6291456xi32, #tpu.memory_space<hbm>> -> memref<512xi32, #tpu.memory_space<hbm>>
      %dma_start3A_150 = arith.constant 5632 : i32
      %dma_start3A_151 = tpu.memref_slice %arg8[%dma_start3A_150] : memref<6144xi32, #tpu.memory_space<vmem>> -> memref<512xi32, #tpu.memory_space<vmem>>
      tpu.enqueue_dma source(%dma_start3A_151 : memref<512xi32, #tpu.memory_space<vmem>>) target(%dma_start3A_149 : memref<512xi32, #tpu.memory_space<hbm>>) target_semaphore(%arg12 : memref<!tpu.dma_semaphore, #tpu.memory_space<semaphore_mem>>)
      %add3A_152 = arith.constant 2 : i32
      %add3A_153 = arith.addi %add3A_41, %add3A_152 : i32
      %min3A = arith.constant 1023 : i32
      %min3A_154 = arith.minsi %add3A_153, %min3A : i32
      %mul3A_155 = arith.constant 1024 : i32
      %mul3A_156 = arith.muli %min3A_154, %mul3A_155 : i32
      %dma_start3A_157 = tpu.memref_slice %arg3[%mul3A_156] : memref<1048576xi32, #tpu.memory_space<hbm>> -> memref<1024xi32, #tpu.memory_space<hbm>>
      %dma_start3A_158 = tpu.memref_slice %arg3[%mul3A_156] : memref<1048576xi32, #tpu.memory_space<hbm>> -> memref<1024xi32, #tpu.memory_space<hbm>>
      tpu.enqueue_dma source(%dma_start3A_158 : memref<1024xi32, #tpu.memory_space<hbm>>) target(%arg6 : memref<1024xi32, #tpu.memory_space<vmem>>) target_semaphore(%arg10 : memref<!tpu.dma_semaphore, #tpu.memory_space<semaphore_mem>>)
      %mul3A_159 = arith.constant 32 : i32
      %mul3A_160 = arith.muli %add3A, %mul3A_159 : i32
      %mul3A_161 = arith.constant 2 : i32
      %mul3A_162 = arith.muli %mul3A_161, %scan3A_34 : i32
      %add3A_163 = arith.addi %mul3A_160, %mul3A_162 : i32
      %add3A_164 = arith.constant 1 : i32
      %add3A_165 = arith.addi %add3A_163, %add3A_164 : i32
      %dma_wait3A_166 = arith.constant 0 : i32
      %dma_wait3A_167 = tpu.memref_slice %arg3[%dma_wait3A_166] : memref<1048576xi32, #tpu.memory_space<hbm>> -> memref<1024xi32, #tpu.memory_space<hbm>>
      %dma_wait3A_168 = arith.constant 0 : i32
      %dma_wait3A_169 = tpu.memref_slice %arg3[%dma_wait3A_168] : memref<1048576xi32, #tpu.memory_space<hbm>> -> memref<1024xi32, #tpu.memory_space<hbm>>
      tpu.wait_dma2 semaphore(%arg11 : memref<!tpu.dma_semaphore, #tpu.memory_space<semaphore_mem>>) src(%dma_wait3A_169 : memref<1024xi32, #tpu.memory_space<hbm>>) dst(%arg7 : memref<1024xi32, #tpu.memory_space<vmem>>)
      %gt3A_170 = arith.constant 0 : i32
      %gt3A_171 = arith.cmpi sgt, %scan3A_34, %gt3A_170 : i32
      %convert_element_type3A_172 = arith.extui %gt3A_171 : i1 to i32
      %cond3A_173 = arith.constant 0 : i32
      %cond3A_174 = arith.cmpi ne, %convert_element_type3A_172, %cond3A_173 : i32
      scf.if %cond3A_174 {
        %dma_wait3A_287 = arith.constant 0 : i32
        %dma_wait3A_288 = tpu.memref_slice %arg4[%dma_wait3A_287] : memref<6291456xi32, #tpu.memory_space<hbm>> -> memref<6144xi32, #tpu.memory_space<hbm>>
        %dma_wait3A_289 = arith.constant 0 : i32
        %dma_wait3A_290 = tpu.memref_slice %arg4[%dma_wait3A_289] : memref<6291456xi32, #tpu.memory_space<hbm>> -> memref<6144xi32, #tpu.memory_space<hbm>>
        tpu.wait_dma2 semaphore(%arg13 : memref<!tpu.dma_semaphore, #tpu.memory_space<semaphore_mem>>) src(%dma_wait3A_290 : memref<6144xi32, #tpu.memory_space<hbm>>) dst(%arg9 : memref<6144xi32, #tpu.memory_space<vmem>>)
      } else {
      }
      %scan3A_175 = arith.constant 0 : i32
      %scan3A_176 = arith.constant 0 : i32
      %scan3A_177 = arith.constant 32 : i32
      %scan3A_178 = arith.addi %scan3A_176, %scan3A_177 : i32
      %scan3A_179 = arith.constant 2 : i32
      scf.for %scan3A_287 = %scan3A_176 to %scan3A_178 step %scan3A_179  : i32 {
        %mul3A_288 = arith.constant 16 : i32
        %mul3A_289 = arith.muli %scan3A_287, %mul3A_288 : i32
        %get3A = arith.index_cast %mul3A_289 : i32 to index
        %get3A_290 = tpu.vector_load %arg7[%get3A] {strides = array<i32>} : memref<1024xi32, #tpu.memory_space<vmem>>, vector<16xi32>,
        %mul3A_291 = arith.constant 16 : i32
        %mul3A_292 = arith.muli %scan3A_287, %mul3A_291 : i32
        %add3A_293 = arith.constant 512 : i32
        %add3A_294 = arith.addi %add3A_293, %mul3A_292 : i32
        %get3A_295 = arith.index_cast %add3A_294 : i32 to index
        %get3A_296 = tpu.vector_load %arg7[%get3A_295] {strides = array<i32>} : memref<1024xi32, #tpu.memory_space<vmem>>, vector<16xi32>,
        %add3A_297 = arith.constant 0 : i32
        %add3A_298 = vector.broadcast %add3A_297 : i32 to vector<16xi32>
        %add3A_299 = arith.addi %get3A_290, %add3A_298 : vector<16xi32>
        %gather3A = tpu.vector_load_idx %arg5[%add3A_299] : memref<49152xf32, #tpu.memory_space<vmem>>[vector<16xi32>], vector<16xf32>,
        %add3A_300 = arith.constant 0 : i32
        %add3A_301 = vector.broadcast %add3A_300 : i32 to vector<16xi32>
        %add3A_302 = arith.addi %get3A_296, %add3A_301 : vector<16xi32>
        %gather3A_303 = tpu.vector_load_idx %arg5[%add3A_302] : memref<49152xf32, #tpu.memory_space<vmem>>[vector<16xi32>], vector<16xf32>,
        %pack3A = tpu.pack_subelements %gather3A, %gather3A_303 {pack_format = #tpu.pack_format<interleaved>, positions = array<i32: 0, 1>} : vector<16xf32>, vector<16xf32> -> vector<32xbf16>
        %bitcast3A = vector.bitcast %pack3A : vector<32xbf16> to vector<16xi32>
        %mul3A_304 = arith.constant 16 : i32
        %mul3A_305 = arith.muli %scan3A_287, %mul3A_304 : i32
        %add3A_306 = arith.constant 0 : i32
        %add3A_307 = arith.addi %add3A_306, %mul3A_305 : i32
        %swap3A = arith.index_cast %add3A_307 : i32 to index
        %swap3A_308 = tpu.vector_load %arg9[%swap3A] {strides = array<i32>} : memref<6144xi32, #tpu.memory_space<vmem>>, vector<16xi32>,
        tpu.vector_store %arg9[%swap3A], %bitcast3A {strides = array<i32>} : memref<6144xi32, #tpu.memory_space<vmem>>, vector<16xi32>,
        %add3A_309 = arith.constant 4096 : i32
        %add3A_310 = vector.broadcast %add3A_309 : i32 to vector<16xi32>
        %add3A_311 = arith.addi %get3A_290, %add3A_310 : vector<16xi32>
        %gather3A_312 = tpu.vector_load_idx %arg5[%add3A_311] : memref<49152xf32, #tpu.memory_space<vmem>>[vector<16xi32>], vector<16xf32>,
        %add3A_313 = arith.constant 4096 : i32
        %add3A_314 = vector.broadcast %add3A_313 : i32 to vector<16xi32>
        %add3A_315 = arith.addi %get3A_296, %add3A_314 : vector<16xi32>
        %gather3A_316 = tpu.vector_load_idx %arg5[%add3A_315] : memref<49152xf32, #tpu.memory_space<vmem>>[vector<16xi32>], vector<16xf32>,
        %pack3A_317 = tpu.pack_subelements %gather3A_312, %gather3A_316 {pack_format = #tpu.pack_format<interleaved>, positions = array<i32: 0, 1>} : vector<16xf32>, vector<16xf32> -> vector<32xbf16>
        %bitcast3A_318 = vector.bitcast %pack3A_317 : vector<32xbf16> to vector<16xi32>
        %mul3A_319 = arith.constant 16 : i32
        %mul3A_320 = arith.muli %scan3A_287, %mul3A_319 : i32
        %add3A_321 = arith.constant 512 : i32
        %add3A_322 = arith.addi %add3A_321, %mul3A_320 : i32
        %swap3A_323 = arith.index_cast %add3A_322 : i32 to index
        %swap3A_324 = tpu.vector_load %arg9[%swap3A_323] {strides = array<i32>} : memref<6144xi32, #tpu.memory_space<vmem>>, vector<16xi32>,
        tpu.vector_store %arg9[%swap3A_323], %bitcast3A_318 {strides = array<i32>} : memref<6144xi32, #tpu.memory_space<vmem>>, vector<16xi32>,
        %add3A_325 = arith.constant 8192 : i32
        %add3A_326 = vector.broadcast %add3A_325 : i32 to vector<16xi32>
        %add3A_327 = arith.addi %get3A_290, %add3A_326 : vector<16xi32>
        %gather3A_328 = tpu.vector_load_idx %arg5[%add3A_327] : memref<49152xf32, #tpu.memory_space<vmem>>[vector<16xi32>], vector<16xf32>,
        %add3A_329 = arith.constant 8192 : i32
        %add3A_330 = vector.broadcast %add3A_329 : i32 to vector<16xi32>
        %add3A_331 = arith.addi %get3A_296, %add3A_330 : vector<16xi32>
        %gather3A_332 = tpu.vector_load_idx %arg5[%add3A_331] : memref<49152xf32, #tpu.memory_space<vmem>>[vector<16xi32>], vector<16xf32>,
        %pack3A_333 = tpu.pack_subelements %gather3A_328, %gather3A_332 {pack_format = #tpu.pack_format<interleaved>, positions = array<i32: 0, 1>} : vector<16xf32>, vector<16xf32> -> vector<32xbf16>
        %bitcast3A_334 = vector.bitcast %pack3A_333 : vector<32xbf16> to vector<16xi32>
        %mul3A_335 = arith.constant 16 : i32
        %mul3A_336 = arith.muli %scan3A_287, %mul3A_335 : i32
        %add3A_337 = arith.constant 1024 : i32
        %add3A_338 = arith.addi %add3A_337, %mul3A_336 : i32
        %swap3A_339 = arith.index_cast %add3A_338 : i32 to index
        %swap3A_340 = tpu.vector_load %arg9[%swap3A_339] {strides = array<i32>} : memref<6144xi32, #tpu.memory_space<vmem>>, vector<16xi32>,
        tpu.vector_store %arg9[%swap3A_339], %bitcast3A_334 {strides = array<i32>} : memref<6144xi32, #tpu.memory_space<vmem>>, vector<16xi32>,
        %add3A_341 = arith.constant 12288 : i32
        %add3A_342 = vector.broadcast %add3A_341 : i32 to vector<16xi32>
        %add3A_343 = arith.addi %get3A_290, %add3A_342 : vector<16xi32>
        %gather3A_344 = tpu.vector_load_idx %arg5[%add3A_343] : memref<49152xf32, #tpu.memory_space<vmem>>[vector<16xi32>], vector<16xf32>,
        %add3A_345 = arith.constant 12288 : i32
        %add3A_346 = vector.broadcast %add3A_345 : i32 to vector<16xi32>
        %add3A_347 = arith.addi %get3A_296, %add3A_346 : vector<16xi32>
        %gather3A_348 = tpu.vector_load_idx %arg5[%add3A_347] : memref<49152xf32, #tpu.memory_space<vmem>>[vector<16xi32>], vector<16xf32>,
        %pack3A_349 = tpu.pack_subelements %gather3A_344, %gather3A_348 {pack_format = #tpu.pack_format<interleaved>, positions = array<i32: 0, 1>} : vector<16xf32>, vector<16xf32> -> vector<32xbf16>
        %bitcast3A_350 = vector.bitcast %pack3A_349 : vector<32xbf16> to vector<16xi32>
        %mul3A_351 = arith.constant 16 : i32
        %mul3A_352 = arith.muli %scan3A_287, %mul3A_351 : i32
        %add3A_353 = arith.constant 1536 : i32
        %add3A_354 = arith.addi %add3A_353, %mul3A_352 : i32
        %swap3A_355 = arith.index_cast %add3A_354 : i32 to index
        %swap3A_356 = tpu.vector_load %arg9[%swap3A_355] {strides = array<i32>} : memref<6144xi32, #tpu.memory_space<vmem>>, vector<16xi32>,
        tpu.vector_store %arg9[%swap3A_355], %bitcast3A_350 {strides = array<i32>} : memref<6144xi32, #tpu.memory_space<vmem>>, vector<16xi32>,
        %add3A_357 = arith.constant 16384 : i32
        %add3A_358 = vector.broadcast %add3A_357 : i32 to vector<16xi32>
        %add3A_359 = arith.addi %get3A_290, %add3A_358 : vector<16xi32>
        %gather3A_360 = tpu.vector_load_idx %arg5[%add3A_359] : memref<49152xf32, #tpu.memory_space<vmem>>[vector<16xi32>], vector<16xf32>,
        %add3A_361 = arith.constant 16384 : i32
        %add3A_362 = vector.broadcast %add3A_361 : i32 to vector<16xi32>
        %add3A_363 = arith.addi %get3A_296, %add3A_362 : vector<16xi32>
        %gather3A_364 = tpu.vector_load_idx %arg5[%add3A_363] : memref<49152xf32, #tpu.memory_space<vmem>>[vector<16xi32>], vector<16xf32>,
        %pack3A_365 = tpu.pack_subelements %gather3A_360, %gather3A_364 {pack_format = #tpu.pack_format<interleaved>, positions = array<i32: 0, 1>} : vector<16xf32>, vector<16xf32> -> vector<32xbf16>
        %bitcast3A_366 = vector.bitcast %pack3A_365 : vector<32xbf16> to vector<16xi32>
        %mul3A_367 = arith.constant 16 : i32
        %mul3A_368 = arith.muli %scan3A_287, %mul3A_367 : i32
        %add3A_369 = arith.constant 2048 : i32
        %add3A_370 = arith.addi %add3A_369, %mul3A_368 : i32
        %swap3A_371 = arith.index_cast %add3A_370 : i32 to index
        %swap3A_372 = tpu.vector_load %arg9[%swap3A_371] {strides = array<i32>} : memref<6144xi32, #tpu.memory_space<vmem>>, vector<16xi32>,
        tpu.vector_store %arg9[%swap3A_371], %bitcast3A_366 {strides = array<i32>} : memref<6144xi32, #tpu.memory_space<vmem>>, vector<16xi32>,
        %add3A_373 = arith.constant 20480 : i32
        %add3A_374 = vector.broadcast %add3A_373 : i32 to vector<16xi32>
        %add3A_375 = arith.addi %get3A_290, %add3A_374 : vector<16xi32>
        %gather3A_376 = tpu.vector_load_idx %arg5[%add3A_375] : memref<49152xf32, #tpu.memory_space<vmem>>[vector<16xi32>], vector<16xf32>,
        %add3A_377 = arith.constant 20480 : i32
        %add3A_378 = vector.broadcast %add3A_377 : i32 to vector<16xi32>
        %add3A_379 = arith.addi %get3A_296, %add3A_378 : vector<16xi32>
        %gather3A_380 = tpu.vector_load_idx %arg5[%add3A_379] : memref<49152xf32, #tpu.memory_space<vmem>>[vector<16xi32>], vector<16xf32>,
        %pack3A_381 = tpu.pack_subelements %gather3A_376, %gather3A_380 {pack_format = #tpu.pack_format<interleaved>, positions = array<i32: 0, 1>} : vector<16xf32>, vector<16xf32> -> vector<32xbf16>
        %bitcast3A_382 = vector.bitcast %pack3A_381 : vector<32xbf16> to vector<16xi32>
        %mul3A_383 = arith.constant 16 : i32
        %mul3A_384 = arith.muli %scan3A_287, %mul3A_383 : i32
        %add3A_385 = arith.constant 2560 : i32
        %add3A_386 = arith.addi %add3A_385, %mul3A_384 : i32
        %swap3A_387 = arith.index_cast %add3A_386 : i32 to index
        %swap3A_388 = tpu.vector_load %arg9[%swap3A_387] {strides = array<i32>} : memref<6144xi32, #tpu.memory_space<vmem>>, vector<16xi32>,
        tpu.vector_store %arg9[%swap3A_387], %bitcast3A_382 {strides = array<i32>} : memref<6144xi32, #tpu.memory_space<vmem>>, vector<16xi32>,
        %add3A_389 = arith.constant 24576 : i32
        %add3A_390 = vector.broadcast %add3A_389 : i32 to vector<16xi32>
        %add3A_391 = arith.addi %get3A_290, %add3A_390 : vector<16xi32>
        %gather3A_392 = tpu.vector_load_idx %arg5[%add3A_391] : memref<49152xf32, #tpu.memory_space<vmem>>[vector<16xi32>], vector<16xf32>,
        %add3A_393 = arith.constant 24576 : i32
        %add3A_394 = vector.broadcast %add3A_393 : i32 to vector<16xi32>
        %add3A_395 = arith.addi %get3A_296, %add3A_394 : vector<16xi32>
        %gather3A_396 = tpu.vector_load_idx %arg5[%add3A_395] : memref<49152xf32, #tpu.memory_space<vmem>>[vector<16xi32>], vector<16xf32>,
        %pack3A_397 = tpu.pack_subelements %gather3A_392, %gather3A_396 {pack_format = #tpu.pack_format<interleaved>, positions = array<i32: 0, 1>} : vector<16xf32>, vector<16xf32> -> vector<32xbf16>
        %bitcast3A_398 = vector.bitcast %pack3A_397 : vector<32xbf16> to vector<16xi32>
        %mul3A_399 = arith.constant 16 : i32
        %mul3A_400 = arith.muli %scan3A_287, %mul3A_399 : i32
        %add3A_401 = arith.constant 3072 : i32
        %add3A_402 = arith.addi %add3A_401, %mul3A_400 : i32
        %swap3A_403 = arith.index_cast %add3A_402 : i32 to index
        %swap3A_404 = tpu.vector_load %arg9[%swap3A_403] {strides = array<i32>} : memref<6144xi32, #tpu.memory_space<vmem>>, vector<16xi32>,
        tpu.vector_store %arg9[%swap3A_403], %bitcast3A_398 {strides = array<i32>} : memref<6144xi32, #tpu.memory_space<vmem>>, vector<16xi32>,
        %add3A_405 = arith.constant 28672 : i32
        %add3A_406 = vector.broadcast %add3A_405 : i32 to vector<16xi32>
        %add3A_407 = arith.addi %get3A_290, %add3A_406 : vector<16xi32>
        %gather3A_408 = tpu.vector_load_idx %arg5[%add3A_407] : memref<49152xf32, #tpu.memory_space<vmem>>[vector<16xi32>], vector<16xf32>,
        %add3A_409 = arith.constant 28672 : i32
        %add3A_410 = vector.broadcast %add3A_409 : i32 to vector<16xi32>
        %add3A_411 = arith.addi %get3A_296, %add3A_410 : vector<16xi32>
        %gather3A_412 = tpu.vector_load_idx %arg5[%add3A_411] : memref<49152xf32, #tpu.memory_space<vmem>>[vector<16xi32>], vector<16xf32>,
        %pack3A_413 = tpu.pack_subelements %gather3A_408, %gather3A_412 {pack_format = #tpu.pack_format<interleaved>, positions = array<i32: 0, 1>} : vector<16xf32>, vector<16xf32> -> vector<32xbf16>
        %bitcast3A_414 = vector.bitcast %pack3A_413 : vector<32xbf16> to vector<16xi32>
        %mul3A_415 = arith.constant 16 : i32
        %mul3A_416 = arith.muli %scan3A_287, %mul3A_415 : i32
        %add3A_417 = arith.constant 3584 : i32
        %add3A_418 = arith.addi %add3A_417, %mul3A_416 : i32
        %swap3A_419 = arith.index_cast %add3A_418 : i32 to index
        %swap3A_420 = tpu.vector_load %arg9[%swap3A_419] {strides = array<i32>} : memref<6144xi32, #tpu.memory_space<vmem>>, vector<16xi32>,
        tpu.vector_store %arg9[%swap3A_419], %bitcast3A_414 {strides = array<i32>} : memref<6144xi32, #tpu.memory_space<vmem>>, vector<16xi32>,
        %add3A_421 = arith.constant 32768 : i32
        %add3A_422 = vector.broadcast %add3A_421 : i32 to vector<16xi32>
        %add3A_423 = arith.addi %get3A_290, %add3A_422 : vector<16xi32>
        %gather3A_424 = tpu.vector_load_idx %arg5[%add3A_423] : memref<49152xf32, #tpu.memory_space<vmem>>[vector<16xi32>], vector<16xf32>,
        %add3A_425 = arith.constant 32768 : i32
        %add3A_426 = vector.broadcast %add3A_425 : i32 to vector<16xi32>
        %add3A_427 = arith.addi %get3A_296, %add3A_426 : vector<16xi32>
        %gather3A_428 = tpu.vector_load_idx %arg5[%add3A_427] : memref<49152xf32, #tpu.memory_space<vmem>>[vector<16xi32>], vector<16xf32>,
        %pack3A_429 = tpu.pack_subelements %gather3A_424, %gather3A_428 {pack_format = #tpu.pack_format<interleaved>, positions = array<i32: 0, 1>} : vector<16xf32>, vector<16xf32> -> vector<32xbf16>
        %bitcast3A_430 = vector.bitcast %pack3A_429 : vector<32xbf16> to vector<16xi32>
        %mul3A_431 = arith.constant 16 : i32
        %mul3A_432 = arith.muli %scan3A_287, %mul3A_431 : i32
        %add3A_433 = arith.constant 4096 : i32
        %add3A_434 = arith.addi %add3A_433, %mul3A_432 : i32
        %swap3A_435 = arith.index_cast %add3A_434 : i32 to index
        %swap3A_436 = tpu.vector_load %arg9[%swap3A_435] {strides = array<i32>} : memref<6144xi32, #tpu.memory_space<vmem>>, vector<16xi32>,
        tpu.vector_store %arg9[%swap3A_435], %bitcast3A_430 {strides = array<i32>} : memref<6144xi32, #tpu.memory_space<vmem>>, vector<16xi32>,
        %add3A_437 = arith.constant 36864 : i32
        %add3A_438 = vector.broadcast %add3A_437 : i32 to vector<16xi32>
        %add3A_439 = arith.addi %get3A_290, %add3A_438 : vector<16xi32>
        %gather3A_440 = tpu.vector_load_idx %arg5[%add3A_439] : memref<49152xf32, #tpu.memory_space<vmem>>[vector<16xi32>], vector<16xf32>,
        %add3A_441 = arith.constant 36864 : i32
        %add3A_442 = vector.broadcast %add3A_441 : i32 to vector<16xi32>
        %add3A_443 = arith.addi %get3A_296, %add3A_442 : vector<16xi32>
        %gather3A_444 = tpu.vector_load_idx %arg5[%add3A_443] : memref<49152xf32, #tpu.memory_space<vmem>>[vector<16xi32>], vector<16xf32>,
        %pack3A_445 = tpu.pack_subelements %gather3A_440, %gather3A_444 {pack_format = #tpu.pack_format<interleaved>, positions = array<i32: 0, 1>} : vector<16xf32>, vector<16xf32> -> vector<32xbf16>
        %bitcast3A_446 = vector.bitcast %pack3A_445 : vector<32xbf16> to vector<16xi32>
        %mul3A_447 = arith.constant 16 : i32
        %mul3A_448 = arith.muli %scan3A_287, %mul3A_447 : i32
        %add3A_449 = arith.constant 4608 : i32
        %add3A_450 = arith.addi %add3A_449, %mul3A_448 : i32
        %swap3A_451 = arith.index_cast %add3A_450 : i32 to index
        %swap3A_452 = tpu.vector_load %arg9[%swap3A_451] {strides = array<i32>} : memref<6144xi32, #tpu.memory_space<vmem>>, vector<16xi32>,
        tpu.vector_store %arg9[%swap3A_451], %bitcast3A_446 {strides = array<i32>} : memref<6144xi32, #tpu.memory_space<vmem>>, vector<16xi32>,
        %add3A_453 = arith.constant 40960 : i32
        %add3A_454 = vector.broadcast %add3A_453 : i32 to vector<16xi32>
        %add3A_455 = arith.addi %get3A_290, %add3A_454 : vector<16xi32>
        %gather3A_456 = tpu.vector_load_idx %arg5[%add3A_455] : memref<49152xf32, #tpu.memory_space<vmem>>[vector<16xi32>], vector<16xf32>,
        %add3A_457 = arith.constant 40960 : i32
        %add3A_458 = vector.broadcast %add3A_457 : i32 to vector<16xi32>
        %add3A_459 = arith.addi %get3A_296, %add3A_458 : vector<16xi32>
        %gather3A_460 = tpu.vector_load_idx %arg5[%add3A_459] : memref<49152xf32, #tpu.memory_space<vmem>>[vector<16xi32>], vector<16xf32>,
        %pack3A_461 = tpu.pack_subelements %gather3A_456, %gather3A_460 {pack_format = #tpu.pack_format<interleaved>, positions = array<i32: 0, 1>} : vector<16xf32>, vector<16xf32> -> vector<32xbf16>
        %bitcast3A_462 = vector.bitcast %pack3A_461 : vector<32xbf16> to vector<16xi32>
        %mul3A_463 = arith.constant 16 : i32
        %mul3A_464 = arith.muli %scan3A_287, %mul3A_463 : i32
        %add3A_465 = arith.constant 5120 : i32
        %add3A_466 = arith.addi %add3A_465, %mul3A_464 : i32
        %swap3A_467 = arith.index_cast %add3A_466 : i32 to index
        %swap3A_468 = tpu.vector_load %arg9[%swap3A_467] {strides = array<i32>} : memref<6144xi32, #tpu.memory_space<vmem>>, vector<16xi32>,
        tpu.vector_store %arg9[%swap3A_467], %bitcast3A_462 {strides = array<i32>} : memref<6144xi32, #tpu.memory_space<vmem>>, vector<16xi32>,
        %add3A_469 = arith.constant 45056 : i32
        %add3A_470 = vector.broadcast %add3A_469 : i32 to vector<16xi32>
        %add3A_471 = arith.addi %get3A_290, %add3A_470 : vector<16xi32>
        %gather3A_472 = tpu.vector_load_idx %arg5[%add3A_471] : memref<49152xf32, #tpu.memory_space<vmem>>[vector<16xi32>], vector<16xf32>,
        %add3A_473 = arith.constant 45056 : i32
        %add3A_474 = vector.broadcast %add3A_473 : i32 to vector<16xi32>
        %add3A_475 = arith.addi %get3A_296, %add3A_474 : vector<16xi32>
        %gather3A_476 = tpu.vector_load_idx %arg5[%add3A_475] : memref<49152xf32, #tpu.memory_space<vmem>>[vector<16xi32>], vector<16xf32>,
        %pack3A_477 = tpu.pack_subelements %gather3A_472, %gather3A_476 {pack_format = #tpu.pack_format<interleaved>, positions = array<i32: 0, 1>} : vector<16xf32>, vector<16xf32> -> vector<32xbf16>
        %bitcast3A_478 = vector.bitcast %pack3A_477 : vector<32xbf16> to vector<16xi32>
        %mul3A_479 = arith.constant 16 : i32
        %mul3A_480 = arith.muli %scan3A_287, %mul3A_479 : i32
        %add3A_481 = arith.constant 5632 : i32
        %add3A_482 = arith.addi %add3A_481, %mul3A_480 : i32
        %swap3A_483 = arith.index_cast %add3A_482 : i32 to index
        %swap3A_484 = tpu.vector_load %arg9[%swap3A_483] {strides = array<i32>} : memref<6144xi32, #tpu.memory_space<vmem>>, vector<16xi32>,
        tpu.vector_store %arg9[%swap3A_483], %bitcast3A_478 {strides = array<i32>} : memref<6144xi32, #tpu.memory_space<vmem>>, vector<16xi32>,
        %scan3A_485 = arith.constant 1 : i32
        %scan3A_486 = arith.addi %scan3A_287, %scan3A_485 : i32
        %mul3A_487 = arith.constant 16 : i32
        %mul3A_488 = arith.muli %scan3A_486, %mul3A_487 : i32
        %get3A_489 = arith.index_cast %mul3A_488 : i32 to index
        %get3A_490 = tpu.vector_load %arg7[%get3A_489] {strides = array<i32>} : memref<1024xi32, #tpu.memory_space<vmem>>, vector<16xi32>,
        %mul3A_491 = arith.constant 16 : i32
        %mul3A_492 = arith.muli %scan3A_486, %mul3A_491 : i32
        %add3A_493 = arith.constant 512 : i32
        %add3A_494 = arith.addi %add3A_493, %mul3A_492 : i32
        %get3A_495 = arith.index_cast %add3A_494 : i32 to index
        %get3A_496 = tpu.vector_load %arg7[%get3A_495] {strides = array<i32>} : memref<1024xi32, #tpu.memory_space<vmem>>, vector<16xi32>,
        %add3A_497 = arith.constant 0 : i32
        %add3A_498 = vector.broadcast %add3A_497 : i32 to vector<16xi32>
        %add3A_499 = arith.addi %get3A_490, %add3A_498 : vector<16xi32>
        %gather3A_500 = tpu.vector_load_idx %arg5[%add3A_499] : memref<49152xf32, #tpu.memory_space<vmem>>[vector<16xi32>], vector<16xf32>,
        %add3A_501 = arith.constant 0 : i32
        %add3A_502 = vector.broadcast %add3A_501 : i32 to vector<16xi32>
        %add3A_503 = arith.addi %get3A_496, %add3A_502 : vector<16xi32>
        %gather3A_504 = tpu.vector_load_idx %arg5[%add3A_503] : memref<49152xf32, #tpu.memory_space<vmem>>[vector<16xi32>], vector<16xf32>,
        %pack3A_505 = tpu.pack_subelements %gather3A_500, %gather3A_504 {pack_format = #tpu.pack_format<interleaved>, positions = array<i32: 0, 1>} : vector<16xf32>, vector<16xf32> -> vector<32xbf16>
        %bitcast3A_506 = vector.bitcast %pack3A_505 : vector<32xbf16> to vector<16xi32>
        %mul3A_507 = arith.constant 16 : i32
        %mul3A_508 = arith.muli %scan3A_486, %mul3A_507 : i32
        %add3A_509 = arith.constant 0 : i32
        %add3A_510 = arith.addi %add3A_509, %mul3A_508 : i32
        %swap3A_511 = arith.index_cast %add3A_510 : i32 to index
        %swap3A_512 = tpu.vector_load %arg9[%swap3A_511] {strides = array<i32>} : memref<6144xi32, #tpu.memory_space<vmem>>, vector<16xi32>,
        tpu.vector_store %arg9[%swap3A_511], %bitcast3A_506 {strides = array<i32>} : memref<6144xi32, #tpu.memory_space<vmem>>, vector<16xi32>,
        %add3A_513 = arith.constant 4096 : i32
        %add3A_514 = vector.broadcast %add3A_513 : i32 to vector<16xi32>
        %add3A_515 = arith.addi %get3A_490, %add3A_514 : vector<16xi32>
        %gather3A_516 = tpu.vector_load_idx %arg5[%add3A_515] : memref<49152xf32, #tpu.memory_space<vmem>>[vector<16xi32>], vector<16xf32>,
        %add3A_517 = arith.constant 4096 : i32
        %add3A_518 = vector.broadcast %add3A_517 : i32 to vector<16xi32>
        %add3A_519 = arith.addi %get3A_496, %add3A_518 : vector<16xi32>
        %gather3A_520 = tpu.vector_load_idx %arg5[%add3A_519] : memref<49152xf32, #tpu.memory_space<vmem>>[vector<16xi32>], vector<16xf32>,
        %pack3A_521 = tpu.pack_subelements %gather3A_516, %gather3A_520 {pack_format = #tpu.pack_format<interleaved>, positions = array<i32: 0, 1>} : vector<16xf32>, vector<16xf32> -> vector<32xbf16>
        %bitcast3A_522 = vector.bitcast %pack3A_521 : vector<32xbf16> to vector<16xi32>
        %mul3A_523 = arith.constant 16 : i32
        %mul3A_524 = arith.muli %scan3A_486, %mul3A_523 : i32
        %add3A_525 = arith.constant 512 : i32
        %add3A_526 = arith.addi %add3A_525, %mul3A_524 : i32
        %swap3A_527 = arith.index_cast %add3A_526 : i32 to index
        %swap3A_528 = tpu.vector_load %arg9[%swap3A_527] {strides = array<i32>} : memref<6144xi32, #tpu.memory_space<vmem>>, vector<16xi32>,
        tpu.vector_store %arg9[%swap3A_527], %bitcast3A_522 {strides = array<i32>} : memref<6144xi32, #tpu.memory_space<vmem>>, vector<16xi32>,
        %add3A_529 = arith.constant 8192 : i32
        %add3A_530 = vector.broadcast %add3A_529 : i32 to vector<16xi32>
        %add3A_531 = arith.addi %get3A_490, %add3A_530 : vector<16xi32>
        %gather3A_532 = tpu.vector_load_idx %arg5[%add3A_531] : memref<49152xf32, #tpu.memory_space<vmem>>[vector<16xi32>], vector<16xf32>,
        %add3A_533 = arith.constant 8192 : i32
        %add3A_534 = vector.broadcast %add3A_533 : i32 to vector<16xi32>
        %add3A_535 = arith.addi %get3A_496, %add3A_534 : vector<16xi32>
        %gather3A_536 = tpu.vector_load_idx %arg5[%add3A_535] : memref<49152xf32, #tpu.memory_space<vmem>>[vector<16xi32>], vector<16xf32>,
        %pack3A_537 = tpu.pack_subelements %gather3A_532, %gather3A_536 {pack_format = #tpu.pack_format<interleaved>, positions = array<i32: 0, 1>} : vector<16xf32>, vector<16xf32> -> vector<32xbf16>
        %bitcast3A_538 = vector.bitcast %pack3A_537 : vector<32xbf16> to vector<16xi32>
        %mul3A_539 = arith.constant 16 : i32
        %mul3A_540 = arith.muli %scan3A_486, %mul3A_539 : i32
        %add3A_541 = arith.constant 1024 : i32
        %add3A_542 = arith.addi %add3A_541, %mul3A_540 : i32
        %swap3A_543 = arith.index_cast %add3A_542 : i32 to index
        %swap3A_544 = tpu.vector_load %arg9[%swap3A_543] {strides = array<i32>} : memref<6144xi32, #tpu.memory_space<vmem>>, vector<16xi32>,
        tpu.vector_store %arg9[%swap3A_543], %bitcast3A_538 {strides = array<i32>} : memref<6144xi32, #tpu.memory_space<vmem>>, vector<16xi32>,
        %add3A_545 = arith.constant 12288 : i32
        %add3A_546 = vector.broadcast %add3A_545 : i32 to vector<16xi32>
        %add3A_547 = arith.addi %get3A_490, %add3A_546 : vector<16xi32>
        %gather3A_548 = tpu.vector_load_idx %arg5[%add3A_547] : memref<49152xf32, #tpu.memory_space<vmem>>[vector<16xi32>], vector<16xf32>,
        %add3A_549 = arith.constant 12288 : i32
        %add3A_550 = vector.broadcast %add3A_549 : i32 to vector<16xi32>
        %add3A_551 = arith.addi %get3A_496, %add3A_550 : vector<16xi32>
        %gather3A_552 = tpu.vector_load_idx %arg5[%add3A_551] : memref<49152xf32, #tpu.memory_space<vmem>>[vector<16xi32>], vector<16xf32>,
        %pack3A_553 = tpu.pack_subelements %gather3A_548, %gather3A_552 {pack_format = #tpu.pack_format<interleaved>, positions = array<i32: 0, 1>} : vector<16xf32>, vector<16xf32> -> vector<32xbf16>
        %bitcast3A_554 = vector.bitcast %pack3A_553 : vector<32xbf16> to vector<16xi32>
        %mul3A_555 = arith.constant 16 : i32
        %mul3A_556 = arith.muli %scan3A_486, %mul3A_555 : i32
        %add3A_557 = arith.constant 1536 : i32
        %add3A_558 = arith.addi %add3A_557, %mul3A_556 : i32
        %swap3A_559 = arith.index_cast %add3A_558 : i32 to index
        %swap3A_560 = tpu.vector_load %arg9[%swap3A_559] {strides = array<i32>} : memref<6144xi32, #tpu.memory_space<vmem>>, vector<16xi32>,
        tpu.vector_store %arg9[%swap3A_559], %bitcast3A_554 {strides = array<i32>} : memref<6144xi32, #tpu.memory_space<vmem>>, vector<16xi32>,
        %add3A_561 = arith.constant 16384 : i32
        %add3A_562 = vector.broadcast %add3A_561 : i32 to vector<16xi32>
        %add3A_563 = arith.addi %get3A_490, %add3A_562 : vector<16xi32>
        %gather3A_564 = tpu.vector_load_idx %arg5[%add3A_563] : memref<49152xf32, #tpu.memory_space<vmem>>[vector<16xi32>], vector<16xf32>,
        %add3A_565 = arith.constant 16384 : i32
        %add3A_566 = vector.broadcast %add3A_565 : i32 to vector<16xi32>
        %add3A_567 = arith.addi %get3A_496, %add3A_566 : vector<16xi32>
        %gather3A_568 = tpu.vector_load_idx %arg5[%add3A_567] : memref<49152xf32, #tpu.memory_space<vmem>>[vector<16xi32>], vector<16xf32>,
        %pack3A_569 = tpu.pack_subelements %gather3A_564, %gather3A_568 {pack_format = #tpu.pack_format<interleaved>, positions = array<i32: 0, 1>} : vector<16xf32>, vector<16xf32> -> vector<32xbf16>
        %bitcast3A_570 = vector.bitcast %pack3A_569 : vector<32xbf16> to vector<16xi32>
        %mul3A_571 = arith.constant 16 : i32
        %mul3A_572 = arith.muli %scan3A_486, %mul3A_571 : i32
        %add3A_573 = arith.constant 2048 : i32
        %add3A_574 = arith.addi %add3A_573, %mul3A_572 : i32
        %swap3A_575 = arith.index_cast %add3A_574 : i32 to index
        %swap3A_576 = tpu.vector_load %arg9[%swap3A_575] {strides = array<i32>} : memref<6144xi32, #tpu.memory_space<vmem>>, vector<16xi32>,
        tpu.vector_store %arg9[%swap3A_575], %bitcast3A_570 {strides = array<i32>} : memref<6144xi32, #tpu.memory_space<vmem>>, vector<16xi32>,
        %add3A_577 = arith.constant 20480 : i32
        %add3A_578 = vector.broadcast %add3A_577 : i32 to vector<16xi32>
        %add3A_579 = arith.addi %get3A_490, %add3A_578 : vector<16xi32>
        %gather3A_580 = tpu.vector_load_idx %arg5[%add3A_579] : memref<49152xf32, #tpu.memory_space<vmem>>[vector<16xi32>], vector<16xf32>,
        %add3A_581 = arith.constant 20480 : i32
        %add3A_582 = vector.broadcast %add3A_581 : i32 to vector<16xi32>
        %add3A_583 = arith.addi %get3A_496, %add3A_582 : vector<16xi32>
        %gather3A_584 = tpu.vector_load_idx %arg5[%add3A_583] : memref<49152xf32, #tpu.memory_space<vmem>>[vector<16xi32>], vector<16xf32>,
        %pack3A_585 = tpu.pack_subelements %gather3A_580, %gather3A_584 {pack_format = #tpu.pack_format<interleaved>, positions = array<i32: 0, 1>} : vector<16xf32>, vector<16xf32> -> vector<32xbf16>
        %bitcast3A_586 = vector.bitcast %pack3A_585 : vector<32xbf16> to vector<16xi32>
        %mul3A_587 = arith.constant 16 : i32
        %mul3A_588 = arith.muli %scan3A_486, %mul3A_587 : i32
        %add3A_589 = arith.constant 2560 : i32
        %add3A_590 = arith.addi %add3A_589, %mul3A_588 : i32
        %swap3A_591 = arith.index_cast %add3A_590 : i32 to index
        %swap3A_592 = tpu.vector_load %arg9[%swap3A_591] {strides = array<i32>} : memref<6144xi32, #tpu.memory_space<vmem>>, vector<16xi32>,
        tpu.vector_store %arg9[%swap3A_591], %bitcast3A_586 {strides = array<i32>} : memref<6144xi32, #tpu.memory_space<vmem>>, vector<16xi32>,
        %add3A_593 = arith.constant 24576 : i32
        %add3A_594 = vector.broadcast %add3A_593 : i32 to vector<16xi32>
        %add3A_595 = arith.addi %get3A_490, %add3A_594 : vector<16xi32>
        %gather3A_596 = tpu.vector_load_idx %arg5[%add3A_595] : memref<49152xf32, #tpu.memory_space<vmem>>[vector<16xi32>], vector<16xf32>,
        %add3A_597 = arith.constant 24576 : i32
        %add3A_598 = vector.broadcast %add3A_597 : i32 to vector<16xi32>
        %add3A_599 = arith.addi %get3A_496, %add3A_598 : vector<16xi32>
        %gather3A_600 = tpu.vector_load_idx %arg5[%add3A_599] : memref<49152xf32, #tpu.memory_space<vmem>>[vector<16xi32>], vector<16xf32>,
        %pack3A_601 = tpu.pack_subelements %gather3A_596, %gather3A_600 {pack_format = #tpu.pack_format<interleaved>, positions = array<i32: 0, 1>} : vector<16xf32>, vector<16xf32> -> vector<32xbf16>
        %bitcast3A_602 = vector.bitcast %pack3A_601 : vector<32xbf16> to vector<16xi32>
        %mul3A_603 = arith.constant 16 : i32
        %mul3A_604 = arith.muli %scan3A_486, %mul3A_603 : i32
        %add3A_605 = arith.constant 3072 : i32
        %add3A_606 = arith.addi %add3A_605, %mul3A_604 : i32
        %swap3A_607 = arith.index_cast %add3A_606 : i32 to index
        %swap3A_608 = tpu.vector_load %arg9[%swap3A_607] {strides = array<i32>} : memref<6144xi32, #tpu.memory_space<vmem>>, vector<16xi32>,
        tpu.vector_store %arg9[%swap3A_607], %bitcast3A_602 {strides = array<i32>} : memref<6144xi32, #tpu.memory_space<vmem>>, vector<16xi32>,
        %add3A_609 = arith.constant 28672 : i32
        %add3A_610 = vector.broadcast %add3A_609 : i32 to vector<16xi32>
        %add3A_611 = arith.addi %get3A_490, %add3A_610 : vector<16xi32>
        %gather3A_612 = tpu.vector_load_idx %arg5[%add3A_611] : memref<49152xf32, #tpu.memory_space<vmem>>[vector<16xi32>], vector<16xf32>,
        %add3A_613 = arith.constant 28672 : i32
        %add3A_614 = vector.broadcast %add3A_613 : i32 to vector<16xi32>
        %add3A_615 = arith.addi %get3A_496, %add3A_614 : vector<16xi32>
        %gather3A_616 = tpu.vector_load_idx %arg5[%add3A_615] : memref<49152xf32, #tpu.memory_space<vmem>>[vector<16xi32>], vector<16xf32>,
        %pack3A_617 = tpu.pack_subelements %gather3A_612, %gather3A_616 {pack_format = #tpu.pack_format<interleaved>, positions = array<i32: 0, 1>} : vector<16xf32>, vector<16xf32> -> vector<32xbf16>
        %bitcast3A_618 = vector.bitcast %pack3A_617 : vector<32xbf16> to vector<16xi32>
        %mul3A_619 = arith.constant 16 : i32
        %mul3A_620 = arith.muli %scan3A_486, %mul3A_619 : i32
        %add3A_621 = arith.constant 3584 : i32
        %add3A_622 = arith.addi %add3A_621, %mul3A_620 : i32
        %swap3A_623 = arith.index_cast %add3A_622 : i32 to index
        %swap3A_624 = tpu.vector_load %arg9[%swap3A_623] {strides = array<i32>} : memref<6144xi32, #tpu.memory_space<vmem>>, vector<16xi32>,
        tpu.vector_store %arg9[%swap3A_623], %bitcast3A_618 {strides = array<i32>} : memref<6144xi32, #tpu.memory_space<vmem>>, vector<16xi32>,
        %add3A_625 = arith.constant 32768 : i32
        %add3A_626 = vector.broadcast %add3A_625 : i32 to vector<16xi32>
        %add3A_627 = arith.addi %get3A_490, %add3A_626 : vector<16xi32>
        %gather3A_628 = tpu.vector_load_idx %arg5[%add3A_627] : memref<49152xf32, #tpu.memory_space<vmem>>[vector<16xi32>], vector<16xf32>,
        %add3A_629 = arith.constant 32768 : i32
        %add3A_630 = vector.broadcast %add3A_629 : i32 to vector<16xi32>
        %add3A_631 = arith.addi %get3A_496, %add3A_630 : vector<16xi32>
        %gather3A_632 = tpu.vector_load_idx %arg5[%add3A_631] : memref<49152xf32, #tpu.memory_space<vmem>>[vector<16xi32>], vector<16xf32>,
        %pack3A_633 = tpu.pack_subelements %gather3A_628, %gather3A_632 {pack_format = #tpu.pack_format<interleaved>, positions = array<i32: 0, 1>} : vector<16xf32>, vector<16xf32> -> vector<32xbf16>
        %bitcast3A_634 = vector.bitcast %pack3A_633 : vector<32xbf16> to vector<16xi32>
        %mul3A_635 = arith.constant 16 : i32
        %mul3A_636 = arith.muli %scan3A_486, %mul3A_635 : i32
        %add3A_637 = arith.constant 4096 : i32
        %add3A_638 = arith.addi %add3A_637, %mul3A_636 : i32
        %swap3A_639 = arith.index_cast %add3A_638 : i32 to index
        %swap3A_640 = tpu.vector_load %arg9[%swap3A_639] {strides = array<i32>} : memref<6144xi32, #tpu.memory_space<vmem>>, vector<16xi32>,
        tpu.vector_store %arg9[%swap3A_639], %bitcast3A_634 {strides = array<i32>} : memref<6144xi32, #tpu.memory_space<vmem>>, vector<16xi32>,
        %add3A_641 = arith.constant 36864 : i32
        %add3A_642 = vector.broadcast %add3A_641 : i32 to vector<16xi32>
        %add3A_643 = arith.addi %get3A_490, %add3A_642 : vector<16xi32>
        %gather3A_644 = tpu.vector_load_idx %arg5[%add3A_643] : memref<49152xf32, #tpu.memory_space<vmem>>[vector<16xi32>], vector<16xf32>,
        %add3A_645 = arith.constant 36864 : i32
        %add3A_646 = vector.broadcast %add3A_645 : i32 to vector<16xi32>
        %add3A_647 = arith.addi %get3A_496, %add3A_646 : vector<16xi32>
        %gather3A_648 = tpu.vector_load_idx %arg5[%add3A_647] : memref<49152xf32, #tpu.memory_space<vmem>>[vector<16xi32>], vector<16xf32>,
        %pack3A_649 = tpu.pack_subelements %gather3A_644, %gather3A_648 {pack_format = #tpu.pack_format<interleaved>, positions = array<i32: 0, 1>} : vector<16xf32>, vector<16xf32> -> vector<32xbf16>
        %bitcast3A_650 = vector.bitcast %pack3A_649 : vector<32xbf16> to vector<16xi32>
        %mul3A_651 = arith.constant 16 : i32
        %mul3A_652 = arith.muli %scan3A_486, %mul3A_651 : i32
        %add3A_653 = arith.constant 4608 : i32
        %add3A_654 = arith.addi %add3A_653, %mul3A_652 : i32
        %swap3A_655 = arith.index_cast %add3A_654 : i32 to index
        %swap3A_656 = tpu.vector_load %arg9[%swap3A_655] {strides = array<i32>} : memref<6144xi32, #tpu.memory_space<vmem>>, vector<16xi32>,
        tpu.vector_store %arg9[%swap3A_655], %bitcast3A_650 {strides = array<i32>} : memref<6144xi32, #tpu.memory_space<vmem>>, vector<16xi32>,
        %add3A_657 = arith.constant 40960 : i32
        %add3A_658 = vector.broadcast %add3A_657 : i32 to vector<16xi32>
        %add3A_659 = arith.addi %get3A_490, %add3A_658 : vector<16xi32>
        %gather3A_660 = tpu.vector_load_idx %arg5[%add3A_659] : memref<49152xf32, #tpu.memory_space<vmem>>[vector<16xi32>], vector<16xf32>,
        %add3A_661 = arith.constant 40960 : i32
        %add3A_662 = vector.broadcast %add3A_661 : i32 to vector<16xi32>
        %add3A_663 = arith.addi %get3A_496, %add3A_662 : vector<16xi32>
        %gather3A_664 = tpu.vector_load_idx %arg5[%add3A_663] : memref<49152xf32, #tpu.memory_space<vmem>>[vector<16xi32>], vector<16xf32>,
        %pack3A_665 = tpu.pack_subelements %gather3A_660, %gather3A_664 {pack_format = #tpu.pack_format<interleaved>, positions = array<i32: 0, 1>} : vector<16xf32>, vector<16xf32> -> vector<32xbf16>
        %bitcast3A_666 = vector.bitcast %pack3A_665 : vector<32xbf16> to vector<16xi32>
        %mul3A_667 = arith.constant 16 : i32
        %mul3A_668 = arith.muli %scan3A_486, %mul3A_667 : i32
        %add3A_669 = arith.constant 5120 : i32
        %add3A_670 = arith.addi %add3A_669, %mul3A_668 : i32
        %swap3A_671 = arith.index_cast %add3A_670 : i32 to index
        %swap3A_672 = tpu.vector_load %arg9[%swap3A_671] {strides = array<i32>} : memref<6144xi32, #tpu.memory_space<vmem>>, vector<16xi32>,
        tpu.vector_store %arg9[%swap3A_671], %bitcast3A_666 {strides = array<i32>} : memref<6144xi32, #tpu.memory_space<vmem>>, vector<16xi32>,
        %add3A_673 = arith.constant 45056 : i32
        %add3A_674 = vector.broadcast %add3A_673 : i32 to vector<16xi32>
        %add3A_675 = arith.addi %get3A_490, %add3A_674 : vector<16xi32>
        %gather3A_676 = tpu.vector_load_idx %arg5[%add3A_675] : memref<49152xf32, #tpu.memory_space<vmem>>[vector<16xi32>], vector<16xf32>,
        %add3A_677 = arith.constant 45056 : i32
        %add3A_678 = vector.broadcast %add3A_677 : i32 to vector<16xi32>
        %add3A_679 = arith.addi %get3A_496, %add3A_678 : vector<16xi32>
        %gather3A_680 = tpu.vector_load_idx %arg5[%add3A_679] : memref<49152xf32, #tpu.memory_space<vmem>>[vector<16xi32>], vector<16xf32>,
        %pack3A_681 = tpu.pack_subelements %gather3A_676, %gather3A_680 {pack_format = #tpu.pack_format<interleaved>, positions = array<i32: 0, 1>} : vector<16xf32>, vector<16xf32> -> vector<32xbf16>
        %bitcast3A_682 = vector.bitcast %pack3A_681 : vector<32xbf16> to vector<16xi32>
        %mul3A_683 = arith.constant 16 : i32
        %mul3A_684 = arith.muli %scan3A_486, %mul3A_683 : i32
        %add3A_685 = arith.constant 5632 : i32
        %add3A_686 = arith.addi %add3A_685, %mul3A_684 : i32
        %swap3A_687 = arith.index_cast %add3A_686 : i32 to index
        %swap3A_688 = tpu.vector_load %arg9[%swap3A_687] {strides = array<i32>} : memref<6144xi32, #tpu.memory_space<vmem>>, vector<16xi32>,
        tpu.vector_store %arg9[%swap3A_687], %bitcast3A_682 {strides = array<i32>} : memref<6144xi32, #tpu.memory_space<vmem>>, vector<16xi32>,
      }
      %scan3A_180 = arith.constant 32 : i32
      %mul3A_181 = arith.constant 512 : i32
      %mul3A_182 = arith.muli %add3A_165, %mul3A_181 : i32
      %add3A_183 = arith.constant 0 : i32
      %add3A_184 = arith.addi %mul3A_182, %add3A_183 : i32
      %dma_start3A_185 = arith.constant 0 : i32
      %dma_start3A_186 = tpu.memref_slice %arg9[%dma_start3A_185] : memref<6144xi32, #tpu.memory_space<vmem>> -> memref<512xi32, #tpu.memory_space<vmem>>
      %dma_start3A_187 = tpu.memref_slice %arg4[%add3A_184] : memref<6291456xi32, #tpu.memory_space<hbm>> -> memref<512xi32, #tpu.memory_space<hbm>>
      %dma_start3A_188 = tpu.memref_slice %arg4[%add3A_184] : memref<6291456xi32, #tpu.memory_space<hbm>> -> memref<512xi32, #tpu.memory_space<hbm>>
      %dma_start3A_189 = arith.constant 0 : i32
      %dma_start3A_190 = tpu.memref_slice %arg9[%dma_start3A_189] : memref<6144xi32, #tpu.memory_space<vmem>> -> memref<512xi32, #tpu.memory_space<vmem>>
      tpu.enqueue_dma source(%dma_start3A_190 : memref<512xi32, #tpu.memory_space<vmem>>) target(%dma_start3A_188 : memref<512xi32, #tpu.memory_space<hbm>>) target_semaphore(%arg13 : memref<!tpu.dma_semaphore, #tpu.memory_space<semaphore_mem>>)
      %add3A_191 = arith.constant 524288 : i32
      %add3A_192 = arith.addi %mul3A_182, %add3A_191 : i32
      %dma_start3A_193 = arith.constant 512 : i32
      %dma_start3A_194 = tpu.memref_slice %arg9[%dma_start3A_193] : memref<6144xi32, #tpu.memory_space<vmem>> -> memref<512xi32, #tpu.memory_space<vmem>>
      %dma_start3A_195 = tpu.memref_slice %arg4[%add3A_192] : memref<6291456xi32, #tpu.memory_space<hbm>> -> memref<512xi32, #tpu.memory_space<hbm>>
      %dma_start3A_196 = tpu.memref_slice %arg4[%add3A_192] : memref<6291456xi32, #tpu.memory_space<hbm>> -> memref<512xi32, #tpu.memory_space<hbm>>
      %dma_start3A_197 = arith.constant 512 : i32
      %dma_start3A_198 = tpu.memref_slice %arg9[%dma_start3A_197] : memref<6144xi32, #tpu.memory_space<vmem>> -> memref<512xi32, #tpu.memory_space<vmem>>
      tpu.enqueue_dma source(%dma_start3A_198 : memref<512xi32, #tpu.memory_space<vmem>>) target(%dma_start3A_196 : memref<512xi32, #tpu.memory_space<hbm>>) target_semaphore(%arg13 : memref<!tpu.dma_semaphore, #tpu.memory_space<semaphore_mem>>)
      %add3A_199 = arith.constant 1048576 : i32
      %add3A_200 = arith.addi %mul3A_182, %add3A_199 : i32
      %dma_start3A_201 = arith.constant 1024 : i32
      %dma_start3A_202 = tpu.memref_slice %arg9[%dma_start3A_201] : memref<6144xi32, #tpu.memory_space<vmem>> -> memref<512xi32, #tpu.memory_space<vmem>>
      %dma_start3A_203 = tpu.memref_slice %arg4[%add3A_200] : memref<6291456xi32, #tpu.memory_space<hbm>> -> memref<512xi32, #tpu.memory_space<hbm>>
      %dma_start3A_204 = tpu.memref_slice %arg4[%add3A_200] : memref<6291456xi32, #tpu.memory_space<hbm>> -> memref<512xi32, #tpu.memory_space<hbm>>
      %dma_start3A_205 = arith.constant 1024 : i32
      %dma_start3A_206 = tpu.memref_slice %arg9[%dma_start3A_205] : memref<6144xi32, #tpu.memory_space<vmem>> -> memref<512xi32, #tpu.memory_space<vmem>>
      tpu.enqueue_dma source(%dma_start3A_206 : memref<512xi32, #tpu.memory_space<vmem>>) target(%dma_start3A_204 : memref<512xi32, #tpu.memory_space<hbm>>) target_semaphore(%arg13 : memref<!tpu.dma_semaphore, #tpu.memory_space<semaphore_mem>>)
      %add3A_207 = arith.constant 1572864 : i32
      %add3A_208 = arith.addi %mul3A_182, %add3A_207 : i32
      %dma_start3A_209 = arith.constant 1536 : i32
      %dma_start3A_210 = tpu.memref_slice %arg9[%dma_start3A_209] : memref<6144xi32, #tpu.memory_space<vmem>> -> memref<512xi32, #tpu.memory_space<vmem>>
      %dma_start3A_211 = tpu.memref_slice %arg4[%add3A_208] : memref<6291456xi32, #tpu.memory_space<hbm>> -> memref<512xi32, #tpu.memory_space<hbm>>
      %dma_start3A_212 = tpu.memref_slice %arg4[%add3A_208] : memref<6291456xi32, #tpu.memory_space<hbm>> -> memref<512xi32, #tpu.memory_space<hbm>>
      %dma_start3A_213 = arith.constant 1536 : i32
      %dma_start3A_214 = tpu.memref_slice %arg9[%dma_start3A_213] : memref<6144xi32, #tpu.memory_space<vmem>> -> memref<512xi32, #tpu.memory_space<vmem>>
      tpu.enqueue_dma source(%dma_start3A_214 : memref<512xi32, #tpu.memory_space<vmem>>) target(%dma_start3A_212 : memref<512xi32, #tpu.memory_space<hbm>>) target_semaphore(%arg13 : memref<!tpu.dma_semaphore, #tpu.memory_space<semaphore_mem>>)
      %add3A_215 = arith.constant 2097152 : i32
      %add3A_216 = arith.addi %mul3A_182, %add3A_215 : i32
      %dma_start3A_217 = arith.constant 2048 : i32
      %dma_start3A_218 = tpu.memref_slice %arg9[%dma_start3A_217] : memref<6144xi32, #tpu.memory_space<vmem>> -> memref<512xi32, #tpu.memory_space<vmem>>
      %dma_start3A_219 = tpu.memref_slice %arg4[%add3A_216] : memref<6291456xi32, #tpu.memory_space<hbm>> -> memref<512xi32, #tpu.memory_space<hbm>>
      %dma_start3A_220 = tpu.memref_slice %arg4[%add3A_216] : memref<6291456xi32, #tpu.memory_space<hbm>> -> memref<512xi32, #tpu.memory_space<hbm>>
      %dma_start3A_221 = arith.constant 2048 : i32
      %dma_start3A_222 = tpu.memref_slice %arg9[%dma_start3A_221] : memref<6144xi32, #tpu.memory_space<vmem>> -> memref<512xi32, #tpu.memory_space<vmem>>
      tpu.enqueue_dma source(%dma_start3A_222 : memref<512xi32, #tpu.memory_space<vmem>>) target(%dma_start3A_220 : memref<512xi32, #tpu.memory_space<hbm>>) target_semaphore(%arg13 : memref<!tpu.dma_semaphore, #tpu.memory_space<semaphore_mem>>)
      %add3A_223 = arith.constant 2621440 : i32
      %add3A_224 = arith.addi %mul3A_182, %add3A_223 : i32
      %dma_start3A_225 = arith.constant 2560 : i32
      %dma_start3A_226 = tpu.memref_slice %arg9[%dma_start3A_225] : memref<6144xi32, #tpu.memory_space<vmem>> -> memref<512xi32, #tpu.memory_space<vmem>>
      %dma_start3A_227 = tpu.memref_slice %arg4[%add3A_224] : memref<6291456xi32, #tpu.memory_space<hbm>> -> memref<512xi32, #tpu.memory_space<hbm>>
      %dma_start3A_228 = tpu.memref_slice %arg4[%add3A_224] : memref<6291456xi32, #tpu.memory_space<hbm>> -> memref<512xi32, #tpu.memory_space<hbm>>
      %dma_start3A_229 = arith.constant 2560 : i32
      %dma_start3A_230 = tpu.memref_slice %arg9[%dma_start3A_229] : memref<6144xi32, #tpu.memory_space<vmem>> -> memref<512xi32, #tpu.memory_space<vmem>>
      tpu.enqueue_dma source(%dma_start3A_230 : memref<512xi32, #tpu.memory_space<vmem>>) target(%dma_start3A_228 : memref<512xi32, #tpu.memory_space<hbm>>) target_semaphore(%arg13 : memref<!tpu.dma_semaphore, #tpu.memory_space<semaphore_mem>>)
      %add3A_231 = arith.constant 3145728 : i32
      %add3A_232 = arith.addi %mul3A_182, %add3A_231 : i32
      %dma_start3A_233 = arith.constant 3072 : i32
      %dma_start3A_234 = tpu.memref_slice %arg9[%dma_start3A_233] : memref<6144xi32, #tpu.memory_space<vmem>> -> memref<512xi32, #tpu.memory_space<vmem>>
      %dma_start3A_235 = tpu.memref_slice %arg4[%add3A_232] : memref<6291456xi32, #tpu.memory_space<hbm>> -> memref<512xi32, #tpu.memory_space<hbm>>
      %dma_start3A_236 = tpu.memref_slice %arg4[%add3A_232] : memref<6291456xi32, #tpu.memory_space<hbm>> -> memref<512xi32, #tpu.memory_space<hbm>>
      %dma_start3A_237 = arith.constant 3072 : i32
      %dma_start3A_238 = tpu.memref_slice %arg9[%dma_start3A_237] : memref<6144xi32, #tpu.memory_space<vmem>> -> memref<512xi32, #tpu.memory_space<vmem>>
      tpu.enqueue_dma source(%dma_start3A_238 : memref<512xi32, #tpu.memory_space<vmem>>) target(%dma_start3A_236 : memref<512xi32, #tpu.memory_space<hbm>>) target_semaphore(%arg13 : memref<!tpu.dma_semaphore, #tpu.memory_space<semaphore_mem>>)
      %add3A_239 = arith.constant 3670016 : i32
      %add3A_240 = arith.addi %mul3A_182, %add3A_239 : i32
      %dma_start3A_241 = arith.constant 3584 : i32
      %dma_start3A_242 = tpu.memref_slice %arg9[%dma_start3A_241] : memref<6144xi32, #tpu.memory_space<vmem>> -> memref<512xi32, #tpu.memory_space<vmem>>
      %dma_start3A_243 = tpu.memref_slice %arg4[%add3A_240] : memref<6291456xi32, #tpu.memory_space<hbm>> -> memref<512xi32, #tpu.memory_space<hbm>>
      %dma_start3A_244 = tpu.memref_slice %arg4[%add3A_240] : memref<6291456xi32, #tpu.memory_space<hbm>> -> memref<512xi32, #tpu.memory_space<hbm>>
      %dma_start3A_245 = arith.constant 3584 : i32
      %dma_start3A_246 = tpu.memref_slice %arg9[%dma_start3A_245] : memref<6144xi32, #tpu.memory_space<vmem>> -> memref<512xi32, #tpu.memory_space<vmem>>
      tpu.enqueue_dma source(%dma_start3A_246 : memref<512xi32, #tpu.memory_space<vmem>>) target(%dma_start3A_244 : memref<512xi32, #tpu.memory_space<hbm>>) target_semaphore(%arg13 : memref<!tpu.dma_semaphore, #tpu.memory_space<semaphore_mem>>)
      %add3A_247 = arith.constant 4194304 : i32
      %add3A_248 = arith.addi %mul3A_182, %add3A_247 : i32
      %dma_start3A_249 = arith.constant 4096 : i32
      %dma_start3A_250 = tpu.memref_slice %arg9[%dma_start3A_249] : memref<6144xi32, #tpu.memory_space<vmem>> -> memref<512xi32, #tpu.memory_space<vmem>>
      %dma_start3A_251 = tpu.memref_slice %arg4[%add3A_248] : memref<6291456xi32, #tpu.memory_space<hbm>> -> memref<512xi32, #tpu.memory_space<hbm>>
      %dma_start3A_252 = tpu.memref_slice %arg4[%add3A_248] : memref<6291456xi32, #tpu.memory_space<hbm>> -> memref<512xi32, #tpu.memory_space<hbm>>
      %dma_start3A_253 = arith.constant 4096 : i32
      %dma_start3A_254 = tpu.memref_slice %arg9[%dma_start3A_253] : memref<6144xi32, #tpu.memory_space<vmem>> -> memref<512xi32, #tpu.memory_space<vmem>>
      tpu.enqueue_dma source(%dma_start3A_254 : memref<512xi32, #tpu.memory_space<vmem>>) target(%dma_start3A_252 : memref<512xi32, #tpu.memory_space<hbm>>) target_semaphore(%arg13 : memref<!tpu.dma_semaphore, #tpu.memory_space<semaphore_mem>>)
      %add3A_255 = arith.constant 4718592 : i32
      %add3A_256 = arith.addi %mul3A_182, %add3A_255 : i32
      %dma_start3A_257 = arith.constant 4608 : i32
      %dma_start3A_258 = tpu.memref_slice %arg9[%dma_start3A_257] : memref<6144xi32, #tpu.memory_space<vmem>> -> memref<512xi32, #tpu.memory_space<vmem>>
      %dma_start3A_259 = tpu.memref_slice %arg4[%add3A_256] : memref<6291456xi32, #tpu.memory_space<hbm>> -> memref<512xi32, #tpu.memory_space<hbm>>
      %dma_start3A_260 = tpu.memref_slice %arg4[%add3A_256] : memref<6291456xi32, #tpu.memory_space<hbm>> -> memref<512xi32, #tpu.memory_space<hbm>>
      %dma_start3A_261 = arith.constant 4608 : i32
      %dma_start3A_262 = tpu.memref_slice %arg9[%dma_start3A_261] : memref<6144xi32, #tpu.memory_space<vmem>> -> memref<512xi32, #tpu.memory_space<vmem>>
      tpu.enqueue_dma source(%dma_start3A_262 : memref<512xi32, #tpu.memory_space<vmem>>) target(%dma_start3A_260 : memref<512xi32, #tpu.memory_space<hbm>>) target_semaphore(%arg13 : memref<!tpu.dma_semaphore, #tpu.memory_space<semaphore_mem>>)
      %add3A_263 = arith.constant 5242880 : i32
      %add3A_264 = arith.addi %mul3A_182, %add3A_263 : i32
      %dma_start3A_265 = arith.constant 5120 : i32
      %dma_start3A_266 = tpu.memref_slice %arg9[%dma_start3A_265] : memref<6144xi32, #tpu.memory_space<vmem>> -> memref<512xi32, #tpu.memory_space<vmem>>
      %dma_start3A_267 = tpu.memref_slice %arg4[%add3A_264] : memref<6291456xi32, #tpu.memory_space<hbm>> -> memref<512xi32, #tpu.memory_space<hbm>>
      %dma_start3A_268 = tpu.memref_slice %arg4[%add3A_264] : memref<6291456xi32, #tpu.memory_space<hbm>> -> memref<512xi32, #tpu.memory_space<hbm>>
      %dma_start3A_269 = arith.constant 5120 : i32
      %dma_start3A_270 = tpu.memref_slice %arg9[%dma_start3A_269] : memref<6144xi32, #tpu.memory_space<vmem>> -> memref<512xi32, #tpu.memory_space<vmem>>
      tpu.enqueue_dma source(%dma_start3A_270 : memref<512xi32, #tpu.memory_space<vmem>>) target(%dma_start3A_268 : memref<512xi32, #tpu.memory_space<hbm>>) target_semaphore(%arg13 : memref<!tpu.dma_semaphore, #tpu.memory_space<semaphore_mem>>)
      %add3A_271 = arith.constant 5767168 : i32
      %add3A_272 = arith.addi %mul3A_182, %add3A_271 : i32
      %dma_start3A_273 = arith.constant 5632 : i32
      %dma_start3A_274 = tpu.memref_slice %arg9[%dma_start3A_273] : memref<6144xi32, #tpu.memory_space<vmem>> -> memref<512xi32, #tpu.memory_space<vmem>>
      %dma_start3A_275 = tpu.memref_slice %arg4[%add3A_272] : memref<6291456xi32, #tpu.memory_space<hbm>> -> memref<512xi32, #tpu.memory_space<hbm>>
      %dma_start3A_276 = tpu.memref_slice %arg4[%add3A_272] : memref<6291456xi32, #tpu.memory_space<hbm>> -> memref<512xi32, #tpu.memory_space<hbm>>
      %dma_start3A_277 = arith.constant 5632 : i32
      %dma_start3A_278 = tpu.memref_slice %arg9[%dma_start3A_277] : memref<6144xi32, #tpu.memory_space<vmem>> -> memref<512xi32, #tpu.memory_space<vmem>>
      tpu.enqueue_dma source(%dma_start3A_278 : memref<512xi32, #tpu.memory_space<vmem>>) target(%dma_start3A_276 : memref<512xi32, #tpu.memory_space<hbm>>) target_semaphore(%arg13 : memref<!tpu.dma_semaphore, #tpu.memory_space<semaphore_mem>>)
      %add3A_279 = arith.constant 2 : i32
      %add3A_280 = arith.addi %add3A_165, %add3A_279 : i32
      %min3A_281 = arith.constant 1023 : i32
      %min3A_282 = arith.minsi %add3A_280, %min3A_281 : i32
      %mul3A_283 = arith.constant 1024 : i32
      %mul3A_284 = arith.muli %min3A_282, %mul3A_283 : i32
      %dma_start3A_285 = tpu.memref_slice %arg3[%mul3A_284] : memref<1048576xi32, #tpu.memory_space<hbm>> -> memref<1024xi32, #tpu.memory_space<hbm>>
      %dma_start3A_286 = tpu.memref_slice %arg3[%mul3A_284] : memref<1048576xi32, #tpu.memory_space<hbm>> -> memref<1024xi32, #tpu.memory_space<hbm>>
      tpu.enqueue_dma source(%dma_start3A_286 : memref<1024xi32, #tpu.memory_space<hbm>>) target(%arg7 : memref<1024xi32, #tpu.memory_space<vmem>>) target_semaphore(%arg11 : memref<!tpu.dma_semaphore, #tpu.memory_space<semaphore_mem>>)
    }
    %scan3A_18 = arith.constant 16 : i32
    %dma_wait3A = arith.constant 0 : i32
    %dma_wait3A_19 = tpu.memref_slice %arg4[%dma_wait3A] : memref<6291456xi32, #tpu.memory_space<hbm>> -> memref<6144xi32, #tpu.memory_space<hbm>>
    %dma_wait3A_20 = arith.constant 0 : i32
    %dma_wait3A_21 = tpu.memref_slice %arg4[%dma_wait3A_20] : memref<6291456xi32, #tpu.memory_space<hbm>> -> memref<6144xi32, #tpu.memory_space<hbm>>
    tpu.wait_dma2 semaphore(%arg12 : memref<!tpu.dma_semaphore, #tpu.memory_space<semaphore_mem>>) src(%dma_wait3A_21 : memref<6144xi32, #tpu.memory_space<hbm>>) dst(%arg8 : memref<6144xi32, #tpu.memory_space<vmem>>)
    %dma_wait3A_22 = arith.constant 0 : i32
    %dma_wait3A_23 = tpu.memref_slice %arg3[%dma_wait3A_22] : memref<1048576xi32, #tpu.memory_space<hbm>> -> memref<1024xi32, #tpu.memory_space<hbm>>
    %dma_wait3A_24 = arith.constant 0 : i32
    %dma_wait3A_25 = tpu.memref_slice %arg3[%dma_wait3A_24] : memref<1048576xi32, #tpu.memory_space<hbm>> -> memref<1024xi32, #tpu.memory_space<hbm>>
    tpu.wait_dma2 semaphore(%arg10 : memref<!tpu.dma_semaphore, #tpu.memory_space<semaphore_mem>>) src(%dma_wait3A_25 : memref<1024xi32, #tpu.memory_space<hbm>>) dst(%arg6 : memref<1024xi32, #tpu.memory_space<vmem>>)
    %dma_wait3A_26 = arith.constant 0 : i32
    %dma_wait3A_27 = tpu.memref_slice %arg4[%dma_wait3A_26] : memref<6291456xi32, #tpu.memory_space<hbm>> -> memref<6144xi32, #tpu.memory_space<hbm>>
    %dma_wait3A_28 = arith.constant 0 : i32
    %dma_wait3A_29 = tpu.memref_slice %arg4[%dma_wait3A_28] : memref<6291456xi32, #tpu.memory_space<hbm>> -> memref<6144xi32, #tpu.memory_space<hbm>>
    tpu.wait_dma2 semaphore(%arg13 : memref<!tpu.dma_semaphore, #tpu.memory_space<semaphore_mem>>) src(%dma_wait3A_29 : memref<6144xi32, #tpu.memory_space<hbm>>) dst(%arg9 : memref<6144xi32, #tpu.memory_space<vmem>>)
    %dma_wait3A_30 = arith.constant 0 : i32
    %dma_wait3A_31 = tpu.memref_slice %arg3[%dma_wait3A_30] : memref<1048576xi32, #tpu.memory_space<hbm>> -> memref<1024xi32, #tpu.memory_space<hbm>>
    %dma_wait3A_32 = arith.constant 0 : i32
    %dma_wait3A_33 = tpu.memref_slice %arg3[%dma_wait3A_32] : memref<1048576xi32, #tpu.memory_space<hbm>> -> memref<1024xi32, #tpu.memory_space<hbm>>
    tpu.wait_dma2 semaphore(%arg11 : memref<!tpu.dma_semaphore, #tpu.memory_space<semaphore_mem>>) src(%dma_wait3A_33 : memref<1024xi32, #tpu.memory_space<hbm>>) dst(%arg7 : memref<1024xi32, #tpu.memory_space<vmem>>)
    return
  }
}

module attributes {stable_mosaic.version = 14 : i64} {
  func.func @_prep_body(%arg0: memref<12x8xf32, #tpu.memory_space<vmem>>, %arg1: memref<4096x8xf32, #tpu.memory_space<vmem>>, %arg2: memref<12x1xf32, #tpu.memory_space<vmem>>, %arg3: memref<12x4096xf32, #tpu.memory_space<vmem>>) attributes {dimension_semantics = [], scalar_prefetch = 0 : i64, scratch_operands = 0 : i64, tpu.core_type = #tpu.core_type<tc>} {
    %get3A = arith.constant 0 : index
    %get3A_0 = arith.constant 0 : index
    %get3A_1 = vector.load %arg0[%get3A, %get3A_0] : memref<12x8xf32, #tpu.memory_space<vmem>>, vector<12x8xf32>
    %get3A_2 = arith.constant 0 : index
    %get3A_3 = arith.constant 0 : index
    %get3A_4 = vector.load %arg1[%get3A_2, %get3A_3] : memref<4096x8xf32, #tpu.memory_space<vmem>>, vector<4096x8xf32>
    %dot_general3A = arith.constant dense<0.000000e+00> : vector<12x4096xf32>
    %dot_general3A_5 = tpu.matmul %get3A_1, %get3A_4, %dot_general3A {dimension_numbers = #tpu.dot_dimension_numbers<[1], [1], [0], [0], [0, 0, 1, 0], [], []>, transpose_lhs_hint = false} : vector<12x8xf32>, vector<4096x8xf32>, vector<12x4096xf32> -> vector<12x4096xf32>
    %get3A_6 = arith.constant 0 : index
    %get3A_7 = arith.constant 0 : index
    %get3A_8 = vector.load %arg2[%get3A_6, %get3A_7] : memref<12x1xf32, #tpu.memory_space<vmem>>, vector<12x1xf32>
    %add3A = vector.broadcast %get3A_8 : vector<12x1xf32> to vector<12x4096xf32>
    %add3A_9 = arith.addf %dot_general3A_5, %add3A : vector<12x4096xf32>
    %swap3A = arith.constant 0 : index
    %swap3A_10 = arith.constant 0 : index
    %swap3A_11 = vector.load %arg3[%swap3A, %swap3A_10] : memref<12x4096xf32, #tpu.memory_space<vmem>>, vector<12x4096xf32>
    tpu.vector_store %arg3[%swap3A, %swap3A_10], %add3A_9 {strides = array<i32>} : memref<12x4096xf32, #tpu.memory_space<vmem>>, vector<12x4096xf32>,
    return
  }
}

module attributes {stable_mosaic.version = 14 : i64} {
  func.func @_qkv_body(%arg0: i32, %arg1: i32, %arg2: memref<1x1024x768xbf16, #tpu.memory_space<vmem>>, %arg3: memref<1x768x64xbf16, #tpu.memory_space<vmem>>, %arg4: memref<1x1x64xf32, #tpu.memory_space<vmem>>, %arg5: memref<1x768x128xbf16, #tpu.memory_space<vmem>>, %arg6: memref<1x1x128xf32, #tpu.memory_space<vmem>>, %arg7: memref<1x1x1024x64xbf16, #tpu.memory_space<vmem>>, %arg8: memref<1x1x1024x128xbf16, #tpu.memory_space<vmem>>) attributes {dimension_semantics = [#tpu.dimension_semantics<arbitrary>, #tpu.dimension_semantics<arbitrary>], iteration_bounds = array<i64: 2, 12>, scalar_prefetch = 0 : i64, scratch_operands = 0 : i64, tpu.core_type = #tpu.core_type<tc>, window_params = [{transform_indices = @transform_0, window_bounds = array<i64: 1, 1024, 768>}, {transform_indices = @transform_1, window_bounds = array<i64: 1, 768, 64>}, {transform_indices = @transform_2, window_bounds = array<i64: 1, 1, 64>}, {transform_indices = @transform_3, window_bounds = array<i64: 1, 768, 128>}, {transform_indices = @transform_4, window_bounds = array<i64: 1, 1, 128>}, {transform_indices = @transform_5, window_bounds = array<i64: 1, 1, 1024, 64>}, {transform_indices = @transform_6, window_bounds = array<i64: 1, 1, 1024, 128>}]} {
    %get3A = arith.constant 0 : index
    %get3A_0 = arith.constant 0 : index
    %get3A_1 = arith.constant 0 : index
    %get3A_2 = vector.load %arg2[%get3A, %get3A_0, %get3A_1] : memref<1x1024x768xbf16, #tpu.memory_space<vmem>>, vector<1x1024x768xbf16>
    %get3A_3 = vector.shape_cast %get3A_2 : vector<1x1024x768xbf16> to vector<1024x768xbf16>
    %get3A_4 = arith.constant 0 : index
    %get3A_5 = arith.constant 0 : index
    %get3A_6 = arith.constant 0 : index
    %get3A_7 = vector.load %arg3[%get3A_4, %get3A_5, %get3A_6] : memref<1x768x64xbf16, #tpu.memory_space<vmem>>, vector<1x768x64xbf16>
    %get3A_8 = vector.shape_cast %get3A_7 : vector<1x768x64xbf16> to vector<768x64xbf16>
    %dot_general3A = arith.constant dense<0.000000e+00> : vector<1024x64xf32>
    %dot_general3A_9 = tpu.matmul %get3A_3, %get3A_8, %dot_general3A {dimension_numbers = #tpu.dot_dimension_numbers<[1], [0], [0], [1], [0, 0, 1, 1], [], []>, transpose_lhs_hint = false} : vector<1024x768xbf16>, vector<768x64xbf16>, vector<1024x64xf32> -> vector<1024x64xf32>
    %get3A_10 = arith.constant 0 : index
    %get3A_11 = arith.constant 0 : index
    %get3A_12 = arith.constant 0 : index
    %get3A_13 = vector.load %arg4[%get3A_10, %get3A_11, %get3A_12] : memref<1x1x64xf32, #tpu.memory_space<vmem>>, vector<1x1x64xf32>
    %get3A_14 = vector.shape_cast %get3A_13 : vector<1x1x64xf32> to vector<1x64xf32>
    %add3A = vector.broadcast %get3A_14 : vector<1x64xf32> to vector<1024x64xf32>
    %add3A_15 = arith.addf %dot_general3A_9, %add3A : vector<1024x64xf32>
    %mul3A = arith.constant 1.250000e-01 : f32
    %mul3A_16 = vector.broadcast %mul3A : f32 to vector<1024x64xf32>
    %mul3A_17 = arith.mulf %add3A_15, %mul3A_16 : vector<1024x64xf32>
    %convert_element_type3A = arith.truncf %mul3A_17 : vector<1024x64xf32> to vector<1024x64xbf16>
    %swap3A = arith.constant 0 : index
    %swap3A_18 = arith.constant 0 : index
    %swap3A_19 = arith.constant 0 : index
    %swap3A_20 = arith.constant 0 : index
    %swap3A_21 = vector.load %arg7[%swap3A, %swap3A_18, %swap3A_19, %swap3A_20] : memref<1x1x1024x64xbf16, #tpu.memory_space<vmem>>, vector<1x1x1024x64xbf16>
    %swap3A_22 = vector.shape_cast %swap3A_21 : vector<1x1x1024x64xbf16> to vector<1024x64xbf16>
    %swap3A_23 = vector.shape_cast %convert_element_type3A : vector<1024x64xbf16> to vector<1x1x1024x64xbf16>
    tpu.vector_store %arg7[%swap3A, %swap3A_18, %swap3A_19, %swap3A_20], %swap3A_23 {strides = array<i32>} : memref<1x1x1024x64xbf16, #tpu.memory_space<vmem>>, vector<1x1x1024x64xbf16>,
    %get3A_24 = arith.constant 0 : index
    %get3A_25 = arith.constant 0 : index
    %get3A_26 = arith.constant 0 : index
    %get3A_27 = vector.load %arg5[%get3A_24, %get3A_25, %get3A_26] : memref<1x768x128xbf16, #tpu.memory_space<vmem>>, vector<1x768x128xbf16>
    %get3A_28 = vector.shape_cast %get3A_27 : vector<1x768x128xbf16> to vector<768x128xbf16>
    %dot_general3A_29 = arith.constant dense<0.000000e+00> : vector<1024x128xf32>
    %dot_general3A_30 = tpu.matmul %get3A_3, %get3A_28, %dot_general3A_29 {dimension_numbers = #tpu.dot_dimension_numbers<[1], [0], [0], [1], [0, 0, 1, 1], [], []>, transpose_lhs_hint = false} : vector<1024x768xbf16>, vector<768x128xbf16>, vector<1024x128xf32> -> vector<1024x128xf32>
    %get3A_31 = arith.constant 0 : index
    %get3A_32 = arith.constant 0 : index
    %get3A_33 = arith.constant 0 : index
    %get3A_34 = vector.load %arg6[%get3A_31, %get3A_32, %get3A_33] : memref<1x1x128xf32, #tpu.memory_space<vmem>>, vector<1x1x128xf32>
    %get3A_35 = vector.shape_cast %get3A_34 : vector<1x1x128xf32> to vector<1x128xf32>
    %add3A_36 = vector.broadcast %get3A_35 : vector<1x128xf32> to vector<1024x128xf32>
    %add3A_37 = arith.addf %dot_general3A_30, %add3A_36 : vector<1024x128xf32>
    %convert_element_type3A_38 = arith.truncf %add3A_37 : vector<1024x128xf32> to vector<1024x128xbf16>
    %swap3A_39 = arith.constant 0 : index
    %swap3A_40 = arith.constant 0 : index
    %swap3A_41 = arith.constant 0 : index
    %swap3A_42 = arith.constant 0 : index
    %swap3A_43 = vector.load %arg8[%swap3A_39, %swap3A_40, %swap3A_41, %swap3A_42] : memref<1x1x1024x128xbf16, #tpu.memory_space<vmem>>, vector<1x1x1024x128xbf16>
    %swap3A_44 = vector.shape_cast %swap3A_43 : vector<1x1x1024x128xbf16> to vector<1024x128xbf16>
    %swap3A_45 = vector.shape_cast %convert_element_type3A_38 : vector<1024x128xbf16> to vector<1x1x1024x128xbf16>
    tpu.vector_store %arg8[%swap3A_39, %swap3A_40, %swap3A_41, %swap3A_42], %swap3A_45 {strides = array<i32>} : memref<1x1x1024x128xbf16, #tpu.memory_space<vmem>>, vector<1x1x1024x128xbf16>,
    return
  }
  func.func @transform_0(%arg0: i32, %arg1: i32) -> (i32, i32, i32) {
    %c0_i32 = arith.constant 0 : i32
    %c0_i32_0 = arith.constant 0 : i32
    %c0_i32_1 = arith.constant 0 : i32
    return %arg0, %c0_i32, %c0_i32_0 : i32, i32, i32
  }
  func.func @transform_1(%arg0: i32, %arg1: i32) -> (i32, i32, i32) {
    %c0_i32 = arith.constant 0 : i32
    %c0_i32_0 = arith.constant 0 : i32
    %c0_i32_1 = arith.constant 0 : i32
    return %arg1, %c0_i32, %c0_i32_0 : i32, i32, i32
  }
  func.func @transform_2(%arg0: i32, %arg1: i32) -> (i32, i32, i32) {
    %c0_i32 = arith.constant 0 : i32
    %c0_i32_0 = arith.constant 0 : i32
    %c0_i32_1 = arith.constant 0 : i32
    return %arg1, %c0_i32, %c0_i32_0 : i32, i32, i32
  }
  func.func @transform_3(%arg0: i32, %arg1: i32) -> (i32, i32, i32) {
    %c0_i32 = arith.constant 0 : i32
    %c0_i32_0 = arith.constant 0 : i32
    %c0_i32_1 = arith.constant 0 : i32
    return %arg1, %c0_i32, %c0_i32_0 : i32, i32, i32
  }
  func.func @transform_4(%arg0: i32, %arg1: i32) -> (i32, i32, i32) {
    %c0_i32 = arith.constant 0 : i32
    %c0_i32_0 = arith.constant 0 : i32
    %c0_i32_1 = arith.constant 0 : i32
    return %arg1, %c0_i32, %c0_i32_0 : i32, i32, i32
  }
  func.func @transform_5(%arg0: i32, %arg1: i32) -> (i32, i32, i32, i32) {
    %c0_i32 = arith.constant 0 : i32
    %c0_i32_0 = arith.constant 0 : i32
    %c0_i32_1 = arith.constant 0 : i32
    return %arg0, %arg1, %c0_i32, %c0_i32_0 : i32, i32, i32, i32
  }
  func.func @transform_6(%arg0: i32, %arg1: i32) -> (i32, i32, i32, i32) {
    %c0_i32 = arith.constant 0 : i32
    %c0_i32_0 = arith.constant 0 : i32
    %c0_i32_1 = arith.constant 0 : i32
    return %arg0, %arg1, %c0_i32, %c0_i32_0 : i32, i32, i32, i32
  }
}

module attributes {stable_mosaic.version = 14 : i64} {
  func.func @_attn_body(%arg0: i32, %arg1: memref<1x1024x64xbf16, #tpu.memory_space<vmem>>, %arg2: memref<1x1024x128xbf16, #tpu.memory_space<vmem>>, %arg3: memref<1x1x64xf32, #tpu.memory_space<vmem>>, %arg4: memref<1x1x64xf32, #tpu.memory_space<vmem>>, %arg5: memref<1x64x768xbf16, #tpu.memory_space<vmem>>, %arg6: memref<1x1x768xf32, #tpu.memory_space<vmem>>, %arg7: memref<1x1024x512xi32, #tpu.memory_space<vmem>>, %arg8: memref<1024x768xf32, #tpu.memory_space<vmem>>) attributes {dimension_semantics = [#tpu.dimension_semantics<arbitrary>], iteration_bounds = array<i64: 12>, scalar_prefetch = 0 : i64, scratch_operands = 0 : i64, tpu.core_type = #tpu.core_type<tc>, window_params = [{transform_indices = @transform_0, window_bounds = array<i64: 1, 1024, 64>}, {transform_indices = @transform_1, window_bounds = array<i64: 1, 1024, 128>}, {transform_indices = @transform_2, window_bounds = array<i64: 1, 1, 64>}, {transform_indices = @transform_3, window_bounds = array<i64: 1, 1, 64>}, {transform_indices = @transform_4, window_bounds = array<i64: 1, 64, 768>}, {pipeline_mode = #tpu.pipeline_mode<synchronous>, transform_indices = @transform_5, window_bounds = array<i64: 1, 1, 768>}, {transform_indices = @transform_6, window_bounds = array<i64: 1, 1024, 512>}, {pipeline_mode = #tpu.pipeline_mode<synchronous>, transform_indices = @transform_7, window_bounds = array<i64: 1024, 768>}]} {
    %get3A = arith.constant 0 : index
    %get3A_0 = arith.constant 0 : index
    %get3A_1 = arith.constant 0 : index
    %get3A_2 = vector.load %arg1[%get3A, %get3A_0, %get3A_1] : memref<1x1024x64xbf16, #tpu.memory_space<vmem>>, vector<1x1024x64xbf16>
    %get3A_3 = vector.shape_cast %get3A_2 : vector<1x1024x64xbf16> to vector<1024x64xbf16>
    %get3A_4 = arith.constant 0 : index
    %get3A_5 = arith.constant 0 : index
    %get3A_6 = arith.constant 0 : index
    %get3A_7 = vector.load %arg2[%get3A_4, %get3A_5, %get3A_6] : memref<1x1024x128xbf16, #tpu.memory_space<vmem>>, vector<1x1024x128xbf16>
    %get3A_8 = vector.shape_cast %get3A_7 : vector<1x1024x128xbf16> to vector<1024x128xbf16>
    %slice3A = vector.extract_strided_slice %get3A_8 {offsets = [0, 0], sizes = [1024, 64], strides = [1, 1]} : vector<1024x128xbf16> to vector<1024x64xbf16>
    %get3A_9 = arith.constant 0 : index
    %get3A_10 = arith.constant 0 : index
    %get3A_11 = arith.constant 0 : index
    %get3A_12 = vector.load %arg2[%get3A_9, %get3A_10, %get3A_11] : memref<1x1024x128xbf16, #tpu.memory_space<vmem>>, vector<1x1024x128xbf16>
    %get3A_13 = vector.shape_cast %get3A_12 : vector<1x1024x128xbf16> to vector<1024x128xbf16>
    %slice3A_14 = vector.extract_strided_slice %get3A_13 {offsets = [0, 64], sizes = [1024, 64], strides = [1, 1]} : vector<1024x128xbf16> to vector<1024x64xbf16>
    %get3A_15 = arith.constant 0 : index
    %get3A_16 = arith.constant 0 : index
    %get3A_17 = arith.constant 0 : index
    %get3A_18 = vector.load %arg7[%get3A_15, %get3A_16, %get3A_17] : memref<1x1024x512xi32, #tpu.memory_space<vmem>>, vector<1x1024x512xi32>
    %get3A_19 = vector.shape_cast %get3A_18 : vector<1x1024x512xi32> to vector<1024x512xi32>
    %shift_left3A = arith.constant 16 : i32
    %shift_left3A_20 = vector.broadcast %shift_left3A : i32 to vector<1024x512xi32>
    %shift_left3A_21 = arith.shli %get3A_19, %shift_left3A_20 : vector<1024x512xi32>
    %bitcast_convert_type3A = tpu.bitcast %shift_left3A_21 : vector<1024x512xi32> -> vector<1024x512xf32>
    %and3A = arith.constant -65536 : i32
    %and3A_22 = vector.broadcast %and3A : i32 to vector<1024x512xi32>
    %and3A_23 = arith.andi %get3A_19, %and3A_22 : vector<1024x512xi32>
    %bitcast_convert_type3A_24 = tpu.bitcast %and3A_23 : vector<1024x512xi32> -> vector<1024x512xf32>
    %concatenate3A = tpu.concatenate %bitcast_convert_type3A, %bitcast_convert_type3A_24 in 1 : vector<1024x512xf32>, vector<1024x512xf32> -> vector<1024x1024xf32>
    %dot_general3A = arith.constant dense<0.000000e+00> : vector<1024x1024xf32>
    %dot_general3A_25 = tpu.matmul %get3A_3, %slice3A, %dot_general3A {dimension_numbers = #tpu.dot_dimension_numbers<[1], [1], [0], [0], [0, 0, 1, 0], [], []>, transpose_lhs_hint = false} : vector<1024x64xbf16>, vector<1024x64xbf16>, vector<1024x1024xf32> -> vector<1024x1024xf32>
    %add3A = arith.addf %dot_general3A_25, %concatenate3A : vector<1024x1024xf32>
    %convert_element_type3A = arith.extf %get3A_3 : vector<1024x64xbf16> to vector<1024x64xf32>
    %get3A_26 = arith.constant 0 : index
    %get3A_27 = arith.constant 0 : index
    %get3A_28 = arith.constant 0 : index
    %get3A_29 = vector.load %arg3[%get3A_26, %get3A_27, %get3A_28] : memref<1x1x64xf32, #tpu.memory_space<vmem>>, vector<1x1x64xf32>
    %get3A_30 = vector.shape_cast %get3A_29 : vector<1x1x64xf32> to vector<1x64xf32>
    %mul3A = vector.broadcast %get3A_30 : vector<1x64xf32> to vector<1024x64xf32>
    %mul3A_31 = arith.mulf %convert_element_type3A, %mul3A : vector<1024x64xf32>
    %reduce_sum3A = arith.constant dense<0.000000e+00> : vector<1024xf32>
    %reduce_sum3A_32 = vector.multi_reduction <add>, %mul3A_31, %reduce_sum3A [1] : vector<1024x64xf32> to vector<1024xf32>
    %broadcast_in_dim3A = vector.shape_cast %reduce_sum3A_32 : vector<1024xf32> to vector<1024x1xf32>
    %exp3A = math.exp %add3A : vector<1024x1024xf32>
    %exp3A_33 = math.exp %broadcast_in_dim3A : vector<1024x1xf32>
    %reduce_sum3A_34 = arith.constant dense<0.000000e+00> : vector<1024xf32>
    %reduce_sum3A_35 = vector.multi_reduction <add>, %exp3A, %reduce_sum3A_34 [1] : vector<1024x1024xf32> to vector<1024xf32>
    %broadcast_in_dim3A_36 = vector.shape_cast %reduce_sum3A_35 : vector<1024xf32> to vector<1024x1xf32>
    %add3A_37 = arith.addf %broadcast_in_dim3A_36, %exp3A_33 : vector<1024x1xf32>
    %convert_element_type3A_38 = arith.truncf %exp3A : vector<1024x1024xf32> to vector<1024x1024xbf16>
    %dot_general3A_39 = arith.constant dense<0.000000e+00> : vector<1024x64xf32>
    %dot_general3A_40 = tpu.matmul %convert_element_type3A_38, %slice3A_14, %dot_general3A_39 {dimension_numbers = #tpu.dot_dimension_numbers<[1], [0], [0], [1], [0, 0, 1, 1], [], []>, transpose_lhs_hint = false} : vector<1024x1024xbf16>, vector<1024x64xbf16>, vector<1024x64xf32> -> vector<1024x64xf32>
    %get3A_41 = arith.constant 0 : index
    %get3A_42 = arith.constant 0 : index
    %get3A_43 = arith.constant 0 : index
    %get3A_44 = vector.load %arg4[%get3A_41, %get3A_42, %get3A_43] : memref<1x1x64xf32, #tpu.memory_space<vmem>>, vector<1x1x64xf32>
    %get3A_45 = vector.shape_cast %get3A_44 : vector<1x1x64xf32> to vector<1x64xf32>
    %mul3A_46 = vector.broadcast %exp3A_33 : vector<1024x1xf32> to vector<1024x64xf32>
    %mul3A_47 = vector.broadcast %get3A_45 : vector<1x64xf32> to vector<1024x64xf32>
    %mul3A_48 = arith.mulf %mul3A_46, %mul3A_47 : vector<1024x64xf32>
    %add3A_49 = arith.addf %dot_general3A_40, %mul3A_48 : vector<1024x64xf32>
    %div3A = vector.broadcast %add3A_37 : vector<1024x1xf32> to vector<1024x64xf32>
    %div3A_50 = arith.divf %add3A_49, %div3A : vector<1024x64xf32>
    %convert_element_type3A_51 = arith.truncf %div3A_50 : vector<1024x64xf32> to vector<1024x64xbf16>
    %get3A_52 = arith.constant 0 : index
    %get3A_53 = arith.constant 0 : index
    %get3A_54 = arith.constant 0 : index
    %get3A_55 = vector.load %arg5[%get3A_52, %get3A_53, %get3A_54] : memref<1x64x768xbf16, #tpu.memory_space<vmem>>, vector<1x64x768xbf16>
    %get3A_56 = vector.shape_cast %get3A_55 : vector<1x64x768xbf16> to vector<64x768xbf16>
    %dot_general3A_57 = arith.constant dense<0.000000e+00> : vector<1024x768xf32>
    %dot_general3A_58 = tpu.matmul %convert_element_type3A_51, %get3A_56, %dot_general3A_57 {dimension_numbers = #tpu.dot_dimension_numbers<[1], [0], [0], [1], [0, 0, 1, 1], [], []>, transpose_lhs_hint = false} : vector<1024x64xbf16>, vector<64x768xbf16>, vector<1024x768xf32> -> vector<1024x768xf32>
    %eq3A = arith.constant 0 : i32
    %eq3A_59 = arith.cmpi eq, %arg0, %eq3A : i32
    %convert_element_type3A_60 = arith.extui %eq3A_59 : i1 to i32
    %cond3A = arith.constant 0 : i32
    %cond3A_61 = arith.cmpi ne, %convert_element_type3A_60, %cond3A : i32
    scf.if %cond3A_61 {
      %get3A_66 = arith.constant 0 : index
      %get3A_67 = arith.constant 0 : index
      %get3A_68 = arith.constant 0 : index
      %get3A_69 = vector.load %arg6[%get3A_66, %get3A_67, %get3A_68] : memref<1x1x768xf32, #tpu.memory_space<vmem>>, vector<1x1x768xf32>
      %get3A_70 = vector.shape_cast %get3A_69 : vector<1x1x768xf32> to vector<1x768xf32>
      %add3A_71 = vector.broadcast %get3A_70 : vector<1x768xf32> to vector<1024x768xf32>
      %add3A_72 = arith.addf %dot_general3A_58, %add3A_71 : vector<1024x768xf32>
      %swap3A = arith.constant 0 : index
      %swap3A_73 = arith.constant 0 : index
      %swap3A_74 = vector.load %arg8[%swap3A, %swap3A_73] : memref<1024x768xf32, #tpu.memory_space<vmem>>, vector<1024x768xf32>
      tpu.vector_store %arg8[%swap3A, %swap3A_73], %add3A_72 {strides = array<i32>} : memref<1024x768xf32, #tpu.memory_space<vmem>>, vector<1024x768xf32>,
    } else {
    }
    %gt3A = arith.constant 0 : i32
    %gt3A_62 = arith.cmpi sgt, %arg0, %gt3A : i32
    %convert_element_type3A_63 = arith.extui %gt3A_62 : i1 to i32
    %cond3A_64 = arith.constant 0 : i32
    %cond3A_65 = arith.cmpi ne, %convert_element_type3A_63, %cond3A_64 : i32
    scf.if %cond3A_65 {
      %get3A_66 = arith.constant 0 : index
      %get3A_67 = arith.constant 0 : index
      %get3A_68 = vector.load %arg8[%get3A_66, %get3A_67] : memref<1024x768xf32, #tpu.memory_space<vmem>>, vector<1024x768xf32>
      %add3A_69 = arith.addf %get3A_68, %dot_general3A_58 : vector<1024x768xf32>
      %swap3A = arith.constant 0 : index
      %swap3A_70 = arith.constant 0 : index
      %swap3A_71 = vector.load %arg8[%swap3A, %swap3A_70] : memref<1024x768xf32, #tpu.memory_space<vmem>>, vector<1024x768xf32>
      tpu.vector_store %arg8[%swap3A, %swap3A_70], %add3A_69 {strides = array<i32>} : memref<1024x768xf32, #tpu.memory_space<vmem>>, vector<1024x768xf32>,
    } else {
    }
    return
  }
  func.func @transform_0(%arg0: i32) -> (i32, i32, i32) {
    %c0_i32 = arith.constant 0 : i32
    %c0_i32_0 = arith.constant 0 : i32
    %c0_i32_1 = arith.constant 0 : i32
    return %arg0, %c0_i32, %c0_i32_0 : i32, i32, i32
  }
  func.func @transform_1(%arg0: i32) -> (i32, i32, i32) {
    %c0_i32 = arith.constant 0 : i32
    %c0_i32_0 = arith.constant 0 : i32
    %c0_i32_1 = arith.constant 0 : i32
    return %arg0, %c0_i32, %c0_i32_0 : i32, i32, i32
  }
  func.func @transform_2(%arg0: i32) -> (i32, i32, i32) {
    %c0_i32 = arith.constant 0 : i32
    %c0_i32_0 = arith.constant 0 : i32
    %c0_i32_1 = arith.constant 0 : i32
    return %arg0, %c0_i32, %c0_i32_0 : i32, i32, i32
  }
  func.func @transform_3(%arg0: i32) -> (i32, i32, i32) {
    %c0_i32 = arith.constant 0 : i32
    %c0_i32_0 = arith.constant 0 : i32
    %c0_i32_1 = arith.constant 0 : i32
    return %arg0, %c0_i32, %c0_i32_0 : i32, i32, i32
  }
  func.func @transform_4(%arg0: i32) -> (i32, i32, i32) {
    %c0_i32 = arith.constant 0 : i32
    %c0_i32_0 = arith.constant 0 : i32
    %c0_i32_1 = arith.constant 0 : i32
    return %arg0, %c0_i32, %c0_i32_0 : i32, i32, i32
  }
  func.func @transform_5(%arg0: i32) -> (i32, i32, i32) {
    %c0_i32 = arith.constant 0 : i32
    %c0_i32_0 = arith.constant 0 : i32
    %c0_i32_1 = arith.constant 0 : i32
    %c0_i32_2 = arith.constant 0 : i32
    return %c0_i32, %c0_i32_0, %c0_i32_1 : i32, i32, i32
  }
  func.func @transform_6(%arg0: i32) -> (i32, i32, i32) {
    %c0_i32 = arith.constant 0 : i32
    %c0_i32_0 = arith.constant 0 : i32
    %c0_i32_1 = arith.constant 0 : i32
    return %arg0, %c0_i32, %c0_i32_0 : i32, i32, i32
  }
  func.func @transform_7(%arg0: i32) -> (i32, i32) {
    %c0_i32 = arith.constant 0 : i32
    %c0_i32_0 = arith.constant 0 : i32
    %c0_i32_1 = arith.constant 0 : i32
    return %c0_i32, %c0_i32_0 : i32, i32
  }
}

</mosaic_0001>

<sc_bundles>
// kernel: kernel.11.cloned.1.call-start
scs
__scs_entry_jumppad:
0x0: {  	(pc) =	sbr.rel $0x88, $3  }
0x1: {  	(tag) =	ssettag $0x0;
	lr =	simm.s32 $0x1  }
0x2: {  	[smem:$0x3F94] =	sst lr;
	_ =	strace $0xD0000000  }
0x3: {  	_ = 	snop  }
0x4: {  	_ = 	snop  }
0x5: {  	_ = 	snop  }
0x6: {  	_ = 	snop  }
0x7: {  	_ = 	snop  }
__scs_overlays_trampoline_lowered:
0x8: {  	[smem:$0x3FA3] =	sst s0  }
0x9: {  	[smem:$0x3FA4] =	sst s1  }
0xa: {  	[smem:$0x3FA5] =	sst s2  }
0xb: {  	[smem:$0x3FA6] =	sst s3  }
0xc: {  	[smem:$0x3FA7] =	sst s4  }
0xd: {  	[smem:$0x3FA8] =	sst s5  }
0xe: {  	[smem:$0x3FA9] =	sst s6  }
0xf: {  	[smem:$0x3FAA] =	sst s7  }
0x10: {  	[smem:$0x3FAB] =	sst s8  }
0x11: {  	[smem:$0x3FAC] =	sst s9;
	s0 =	simm.s32 @!p0 $0x0  }
0x12: {  	s1 =	sld [smem:$0x3F92];
	s0 =	simm.s32 @p0 $0x1  }
0x13: {  	[smem:$0x3FAD] =	sst s0;
	s0 =	simm.s32 @!p1 $0x0  }
0x14: {  	s2 =	sld [smem:$0x3F91];
	s0 =	simm.s32 @p1 $0x1  }
0x15: {  	[smem:$0x3FAE] =	sst s0;
	s0 =	simm.s32 @!p2 $0x0  }
0x16: {  	s3 =	sld [smem:$0x3FDB];
	s0 =	simm.s32 @p2 $0x1  }
0x17: {  	s4 =	simm.s32 $0x1BF5;
	[smem:$0x3FB0] =	sst s0  }
0x18: {  	s0 =	sld [smem:$0x3F93];
	_ =	swait.ge [sflag:s4], $0x0  }
0x19: {  	s7 =	sld [smem:$0x3F94]  }
0x1a: {  	s8 =	sadd.s32 $0xFFFFE003, lr  }
0x1b: {  	s9 =	sadd.s32 $0xFFFFFEF7, lr;
	s5 =	simm.s32 $0xFFFFFFFF;
	p2 =	slt.u32 s8, $0xFFFFF086  }
0x1c: {  	p1 =	slt.u32 s9, $0xF7A;
	s5 =	simm.s32 @!p2 $0x0  }
0x1d: {  	s5 =	simm.s32 @p1 $0x1;
	p0 =	seq.s32 s7, s2  }
0x1e: {  	s7 =	smul.u32 @!p0 $0xF7A, s2;
	p2 =	seq.s32 @!p0 s5, $0x0  }
0x1f: {  	s9 =	smul.u32 $0xF7A, s1;
	s8 =	simm.s32 @!p0 $0x1BF5;
	p2 =	por !p2, p0  }
0x20: {  	[sflag:s8] =	ssyncset.s32 @!p0 $0xFFFFF086;
	s6 =	sadd.s32 @!p0 s3, s7;
	s7 =	simm.s32 @!p0 $0x108  }
0x21: {  	s3 =	sadd.s32 s3, s9;
	s6 =	sadd.s32 @!p0 $0x88, s6;
	s7 =	simm.s32 @p2 $0x1082  }
0x22: {  	[simem:s7], [sflag:s8] =	dma.local @!p0 [hbm:s6], $0xF7A  }
0x23: {  	s9 =	sor.u32 $0xD0000000, s2;
	s6 =	simm.s32 $0x108;
	_ =	swait.ge @!p0 [sflag:s8], $0x0  }
0x24: {  	s3 =	sadd.s32 $0x88, s3;
	s6 =	simm.s32 @!p1 $0x1082;
	[sflag:s4] =	ssyncset.s32 $0xFFFFF086  }
0x25: {  	[simem:s6], [sflag:s4] =	dma.local [hbm:s3], $0xF7A  }
0x26: {  	[smem:$0x3F94] =	sst s1;
	(tag) =	ssettag s2;
	_ =	strace s9  }
0x27: {  	s1 =	sld [smem:$0x3FA4]  }
0x28: {  	s2 =	sld [smem:$0x3FA5]  }
0x29: {  	s4 =	sld [smem:$0x3FA7]  }
0x2a: {  	p0 =	seq.s32 s5, $0x0;
	s5 =	sld [smem:$0x3FA8]  }
0x2b: {  	s6 =	sld [smem:$0x3FA9]  }
0x2c: {  	s7 =	sld [smem:$0x3FAA]  }
0x2d: {  	s3 =	simm.s32 $0x108;
	s8 =	sld [smem:$0x3FAB]  }
0x2e: {  	s3 =	simm.s32 @!p0 $0x1082;
	s9 =	sld [smem:$0x3FAC]  }
0x2f: {  	lr =	sadd.s32 s0, s3;
	s0 =	sld [smem:$0x3FA3]  }
0x30: {  	s3 =	sld [smem:$0x3FA6]  }
0x31: {  	[smem:$0x3FAF] =	sst s10  }
0x32: {  	s10 =	sld [smem:$0x3FAD];
	_ =	sdelay $0x3  }
0x33: {  	p0 =	seq.s32 s10, $0x1;
	s10 =	sld [smem:$0x3FAF];
	_ =	sdelay $0x3  }
0x34: {  	[smem:$0x3FAF] =	sst s10  }
0x35: {  	s10 =	sld [smem:$0x3FAE];
	_ =	sdelay $0x3  }
0x36: {  	p1 =	seq.s32 s10, $0x1;
	s10 =	sld [smem:$0x3FAF];
	_ =	sdelay $0x3  }
0x37: {  	[smem:$0x3FAF] =	sst s10  }
0x38: {  	s10 =	sld [smem:$0x3FB0]  }
0x39: {  	_ = 	snop;
	(pc) =	sbr.ind lr, $3  }
0x3a: {  	_ = 	snop  }
0x3b: {  	_ = 	snop  }
0x3c: {  	p2 =	seq.s32 s10, $0x1;
	s10 =	sld [smem:$0x3FAF]  }
0x3d: {  	_ =	shalt  }
0x3e: {  	_ =	shalt  }
0x3f: {  	_ =	shalt  }
0x40: {  	_ =	shalt  }
0x41: {  	_ =	shalt  }
0x42: {  	_ =	shalt  }
0x43: {  	_ =	shalt  }
0x44: {  	_ =	shalt  }
0x45: {  	_ =	shalt  }
0x46: {  	_ =	shalt  }
0x47: {  	_ =	shalt  }
0x48: {  	_ =	shalt  }
0x49: {  	_ =	shalt  }
0x4a: {  	_ =	shalt  }
0x4b: {  	_ =	shalt  }
0x4c: {  	_ =	shalt  }
0x4d: {  	_ =	shalt  }
0x4e: {  	_ =	shalt  }
0x4f: {  	_ =	shalt  }
0x50: {  	_ =	shalt  }
0x51: {  	_ =	shalt  }
0x52: {  	_ =	shalt  }
0x53: {  	_ =	shalt  }
0x54: {  	_ =	shalt  }
0x55: {  	_ =	shalt  }
0x56: {  	_ =	shalt  }
0x57: {  	_ =	shalt  }
0x58: {  	_ =	shalt  }
0x59: {  	_ =	shalt  }
0x5a: {  	_ =	shalt  }
0x5b: {  	_ =	shalt  }
0x5c: {  	_ =	shalt  }
0x5d: {  	_ =	shalt  }
0x5e: {  	_ =	shalt  }
0x5f: {  	_ =	shalt  }
0x60: {  	_ =	shalt  }
0x61: {  	_ =	shalt  }
0x62: {  	_ =	shalt  }
0x63: {  	_ =	shalt  }
0x64: {  	_ =	shalt  }
0x65: {  	_ =	shalt  }
0x66: {  	_ =	shalt  }
0x67: {  	_ =	shalt  }
0x68: {  	_ =	shalt  }
0x69: {  	_ =	shalt  }
0x6a: {  	_ =	shalt  }
0x6b: {  	_ =	shalt  }
0x6c: {  	_ =	shalt  }
0x6d: {  	_ =	shalt  }
0x6e: {  	_ =	shalt  }
0x6f: {  	_ =	shalt  }
0x70: {  	_ =	shalt  }
0x71: {  	_ =	shalt  }
0x72: {  	_ =	shalt  }
0x73: {  	_ =	shalt  }
0x74: {  	_ =	shalt  }
0x75: {  	_ =	shalt  }
0x76: {  	_ =	shalt  }
0x77: {  	_ =	shalt  }
0x78: {  	_ =	shalt  }
0x79: {  	_ =	shalt  }
0x7a: {  	_ =	shalt  }
0x7b: {  	_ =	shalt  }
0x7c: {  	_ =	shalt  }
0x7d: {  	_ =	shalt  }
0x7e: {  	_ =	shalt  }
0x7f: {  	_ =	shalt  }
0x80: {  	_ =	shalt  }
0x81: {  	_ =	shalt  }
0x82: {  	_ =	shalt  }
0x83: {  	_ =	shalt  }
0x84: {  	_ =	shalt  }
0x85: {  	_ =	shalt  }
0x86: {  	_ =	shalt  }
0x87: {  	_ =	shalt  }
.Lfunc_end0:
.L_simem_size_0:
called_computation.1_lowered:
.L_overlay_start_0:
0x88: {  	s2 =	sld [smem:$0x3FD9]  }
0x89: {  	s3 =	sld [smem:$0x3FFE];
	_ =	sdelay $0x1  }
0x8a: {  	s1 =	srdreg.scid  }
0x8b: {  	s0 =	sand.u32 $0x1, s1  }
0x8c: {  	s17 =	sshll.u32 s0, $0xA;
	s2 =	sadd.s32 s3, s2  }
0x8d: {  	s2 =	sadd.s32 s2, s17  }
0x8e: {  	[smem:$0x3FBB] =	sst s2  }
0x8f: {  	_ = 	snop  }
0x90: {  	s18 =	sld [smem:$0x3FD0];
	(tm) =	ssettm $0x1  }
0x91: {  	s19 =	sld [smem:$0x3FFB];
	_ =	sdelay $0x3  }
0x92: {  	_ =	strace s19  }
0x93: {  	s2 =	sld [smem:$0x3FFC];
	_ =	sdelay $0x3  }
0x94: {  	_ =	strace s2  }
0x95: {  	s2 =	sld [smem:$0x3FFD];
	_ =	sdelay $0x3  }
0x96: {  	_ =	strace s2  }
0x97: {  	_ =	strace $0x8FFFFFFF  }
0x98: {  	s20 =	sld [smem:$0x3FDB];
	_ =	sdelay $0x1  }
0x99: {  	s4 =	simm.s32 $_scs_section_size  }
0x9a: {  	s5 =	simm.s32 $_size__tile_overlayer_lowered;
	s6 =	simm.s32 $_tile_overlayer_lowered  }
0x9b: {  	s7 =	simm.s32 $0x1BFF;
	s21 =	sshll.u32 s6, $0x1;
	s4 =	sadd.s32 s4, s20  }
0x9c: {  	s22 =	simm.s32 $0x0;
	s5 =	sshll.u32 s5, $0x1;
	s6 =	sadd.s32 s21, s4  }
0x9d: {  	[timem:s22], [sflag:s7] =	dma.local [hbm:s6], s5  }
0x9e: {  	_ =	swait.ge [sflag:s7], s5  }
0x9f: {  	s5 =	ssub.s32 $0x0, s5;
	[sflag:s7] =	ssyncset.done $0x0  }
0xa0: {  	[sflag:s7] =	ssyncadd.s32 s5;
	_ =	sdelay $0x1  }
0xa1: {  	s23 =	simm.s32 $0x1B8B  }
0xa2: {  	_ =	swait.ge [sflag:s23], $0x1  }
0xa3: {  	[sflag:s23] =	ssyncset.done $0x0  }
0xa4: {  	[sflag:s23] =	ssyncadd.s32 $0xFFFFFFFF  }
0xa5: {  	s5 =	sld [smem:$0x0]  }
0xa6: {  	s6 =	sand.u32 $0xFFFFFFFE, s1  }
0xa7: {  	p0 =	sne.s32 s1, s6  }
0xa8: {  	s6 =	sshll.u32 @p0 s6, $0xE  }
0xa9: {  	s6 =	sadd.s32 @p0 $0x11B8D, s6;
	s7 =	sshll.u32 @p0 s5, $0x11  }
0xaa: {  	s6 =	sor.u32 @p0 s7, s6  }
0xab: {  	[sflag:s6] =	ssyncadd.remote.s32 @p0 $0x1;
	_ =	sdelay $0x1  }
0xac: {  	s6 =	simm.s32 @p0 $0x1B8D  }
0xad: {  	_ =	swait.eq @p0 [sflag:s6], $0x1  }
0xae: {  	[sflag:s6] =	ssyncadd.s32 @p0 $0xFFFFFFFF  }
0xaf: {  	s7 =	sshll.u32 @!p0 s1, $0xE  }
0xb0: {  	s7 =	sor.u32 @!p0 $0x4000, s7;
	s6 =	simm.s32 @!p0 $0x1B8D  }
0xb1: {  	s5 =	sshll.u32 @!p0 s5, $0x11;
	s7 =	sadd.s32 @!p0 $0x11B8D, s7;
	_ =	swait.eq @!p0 [sflag:s6], $0x1  }
0xb2: {  	s5 =	sor.u32 @!p0 s5, s7;
	[sflag:s6] =	ssyncadd.s32 @!p0 $0xFFFFFFFF  }
0xb3: {  	s25 =	simm.s32 $0x1B8E;
	s24 =	sld [smem:$0x3FFE];
	[sflag:s5] =	ssyncadd.remote.s32 @!p0 $0x1  }
0xb4: {  	s26 =	simm.s32 $execute0_lowered;
	[smem:$0x3FD2] =	sst s25  }
0xb5: {  	s6 =	sshll.u32 s26, $0x1;
	_ =	strace $0x80000049;
	[dreg:$0x1] =	wrdreg $0xFFFFFFFF  }
0xb6: {  	s28 =	simm.s32 $_size_execute0_lowered;
	s4 =	sadd.s32 s4, s6;
	[dreg:$0x0] =	wrdreg $0x0  }
0xb7: {  	s6 =	sshll.u32 s28, $0x1;
	[dreg:$0x2] =	wrdreg s4  }
0xb8: {  	[dreg:$0x3] =	wrdreg s6  }
0xb9: {  	[dreg:$0x4] =	wrdreg $0xC0  }
0xba: {  	_ =	task [dreg:s22], $0x5FFFF  }
0xbb: {  	[dreg:$0x1] =	wrdreg $0xFFFFFFFF  }
0xbc: {  	[dreg:$0x0] =	wrdreg $0x60  }
0xbd: {  	[dreg:$0x2] =	wrdreg s24  }
0xbe: {  	[dreg:$0x3] =	wrdreg s18  }
0xbf: {  	[dreg:$0x4] =	wrdreg $0xA  }
0xc0: {  	_ =	task.clear_ibuf [dreg:s22], $0x5FFFF;
	_ =	strace $0x90000049  }
0xc1: {  	s29 =	simm.s32 $0xA;
	_ =	strace $0x8000004B  }
0xc2: {  	_ =	swait.ge [sflag:s29], $0x1  }
0xc3: {  	[sflag:s29] =	ssyncadd.s32 $0xFFFFFFFF  }
0xc4: {  	_ =	strace $0x9000004B  }
0xc5: {  	_ =	sfence  }
0xc6: {  	s30 =	sld [smem:$0x0];
	_ =	sdelay $0x2  }
0xc7: {  	s31 =	sshll.u32 s1, $0xD;
	s1 =	sshrl.u32 s1, $0x2  }
0xc8: {  	s4 =	sand.u32 $0x4000, s31;
	s1 =	sadd.s32 s1, s30  }
0xc9: {  	s0 =	sor.u32 s4, s0;
	s1 =	sshll.u32 s1, $0x11  }
0xca: {  	s0 =	sor.u32 s1, s0  }
0xcb: {  	s0 =	sadd.s32 $0x8F2B, s0  }
0xcc: {  	[sflag:s0] =	ssyncadd.remote.s32 $0x1  }
0xcd: {  	_ =	sfence.sel $0xFFFF  }
0xce: {  	[dreg:$0x0] =	wrdreg $0xFFFFFFFF;
	(pc) =	sbr.abs _section_cstart, $3  }
0xcf: {  	[dreg:$0x1] =	wrdreg $0xFFFFFFFF  }
0xd0: {  	_ =	task.clear_ibuf [dreg:s22], $0x2FFFF;
	_ =	strace $0x9FFFFFFF  }
0xd1: {  	(tm) =	ssettm $0x7FFFFFFF  }
tec
execute0_lowered:
.L_overlay_start_1:
0x0: {  	(tag) =	ssettag $0x1  }
0x1: {  	s0 =	rddreg [dreg:$0x0]  }
0x2: {  	s1 =	rddreg [dreg:$0x1];
	s2 =	simm.s32 $0x0  }
0x3: {  	s3 =	srdreg.scid;
	s4 =	stileid.u32;
	s16 =	simm.s32 $0xC400  }
0x4: {  	s17 =	simm.s32 $0x1;
	s31 =	simm.s32 $0x2;
	s13 =	simm.s32 $0xE800  }
0x5: {  	s14 =	simm.s32 $0xEC00;
	s18 =	simm.s32 $0xEE00;
	s19 =	simm.s32 $0xF000  }
0x6: {  	s20 =	simm.s32 $0xF200;
	s21 =	simm.s32 $0xF400;
	s22 =	simm.s32 $0xF600  }
0x7: {  	s23 =	simm.s32 $0x0;
	[smem:$0x7FF] =	sst s2;
	s3 =	sand.u32 $0x1, s3  }
0x8: {  	s4 =	sshll.u32 s4, $0x1;
	s5 =	sadd.s32 $0x2E00, s0;
	s8 =	sadd.s32 $0x194600, s0  }
0x9: {  	s9 =	sadd.s32 $0x100, s1;
	s10 =	sadd.s32 $0xE4640, s0;
	s11 =	sadd.s32 $0x194640, s0  }
0xa: {  	s12 =	sadd.s32 $0x180, s1;
	_ =	strace $0x8000004A;
	[dreg:$0x3] =	wrdreg s5  }
0xb: {  	s28 =	ssub.s32 $0x2, s3;
	s3 =	sor.u32 s3, s4;
	s4 =	sadd.s32 $0xE4600, s0  }
0xc: {  	s0 =	simm.s32 $0xE000;
	s6 =	sshrl.u32 s28, $0x1;
	s7 =	sshll.u32 s3, $0xC  }
0xd: {  	s5 =	ssub.s32 s28, s6;
	s7 =	sadd.s32 s1, s7;
	s6 =	sshll.u32 s3, $0x5  }
0xe: {  	s1 =	simm.s32 $0xE200;
	[dreg:$0x4] =	wrdreg s7;
	s29 =	sadd.s32 $0x80, s7  }
0xf: {  	s3 =	simm.s32 $0xE400;
	s30 =	smax.u32 s5, $0x1;
	[dreg:$0x5] =	wrdreg s29  }
0x10: {  	s7 =	simm.s32 $0xE600;
	s5 =	simm.s32 $0xEA00;
	[dreg:$0x6] =	wrdreg s30  }
.LBB2_1:
0x11: {  	[dreg:$0x7] =	wrdreg s23  }
0x12: {  	s15 =	rddreg [dreg:$0x3];
	s26 =	simm.s32 $0x5  }
0x13: {  	[tilespmem:s2], [sflag:$0x5] =	stream.linear.gather [hbm4b:s15+s2], $0xC000, $0x38;
	[tilespmem:$0xF800] =	vst v63  }
0x14: {  	_ =	swait.ge [sflag:s26], $0xC000  }
0x15: {  	[sflag:s26] =	ssyncset.done $0x0  }
0x16: {  	s29 =	simm.s32 $0xC000;
	s28 =	rddreg [dreg:$0x4];
	[sflag:s26] =	ssyncadd.s32 $0xFFFF4000  }
0x17: {  	[tilespmem:s29], [sflag:$0x1] =	stream.linear.gather [hbm4b:s28+s2], $0x400, $0x38;
	[tilespmem:$0xF800] =	vst v63  }
0x18: {  	s23 =	simm.s32 $0x0;
	s30 =	rddreg [dreg:$0x5]  }
0x19: {  	[tilespmem:s16], [sflag:$0x2] =	stream.linear.gather [hbm4b:s30+s2], $0x400, $0x38;
	[tilespmem:$0xF800] =	vst v63  }
.LBB2_2:
0x1a: {  	_ =	swait.ge [sflag:s17], $0x400  }
0x1b: {  	p0 =	seq.s32 s23, $0x0;
	[sflag:s17] =	ssyncset.done $0x0  }
0x1c: {  	s25 =	simm.s32 @!p0 $0x3;
	[sflag:s17] =	ssyncadd.s32 $0xFFFFFC00  }
0x1d: {  	s24 =	sshll.u32 s23, $0x1;
	s26 =	simm.s32 $0xD410;
	_ =	swait.ge @!p0 [sflag:s25], $0x1800  }
0x1e: {  	s28 =	simm.s32 $0x0;
	s29 =	simm.s32 $0xC210;
	[sflag:s25] =	ssyncset.done @!p0 $0x0  }
0x1f: {  	s24 =	sadd.s32 s6, s24;
	[sflag:s25] =	ssyncadd.s32 @!p0 $0xFFFFE800;
	s25 =	simm.s32 $0xFFFFFFFE  }
.LBB2_3:
0x20: {  	v0 =	vld [tilespmem:s29+$0xFFFFFDF0]  }
0x21: {  	v1 =	vld [tilespmem:s29+$0xFFFFFFF0];
	_ =	sdelay $0x6  }
0x22: {  	v2 =	vld.idx.msk [tilespmem:v0+s2+$0x0], $0xffff  }
0x23: {  	v3 =	vld.idx.msk [tilespmem:v1+s2+$0x0], $0xffff;
	_ =	sdelay $0x1  }
0x24: {  	v4 =	vadd.s32 $0x1000, v0  }
0x25: {  	v5 =	vadd.s32 $0x1000, v1;
	_ =	sdelay $0x1  }
0x26: {  	v2 =	vpack.i.f32.bf16 v3, v2  }
0x27: {  	[tilespmem:s26+$0xFFFFF3F0] =	vst v2  }
0x28: {  	v2 =	vld.idx.msk [tilespmem:v4+s2+$0x0], $0xffff  }
0x29: {  	v60 =	vld.idx.msk [tilespmem:v5+s2+$0x0], $0xffff;
	_ =	sdelay $0x1  }
0x2a: {  	v61 =	vadd.s32 $0x2000, v0  }
0x2b: {  	v62 =	vadd.s32 $0x2000, v1;
	_ =	sdelay $0x1  }
0x2c: {  	v2 =	vpack.i.f32.bf16 v60, v2  }
0x2d: {  	[tilespmem:s26+$0xFFFFF5F0] =	vst v2  }
0x2e: {  	v2 =	vld.idx.msk [tilespmem:v61+s2+$0x0], $0xffff  }
0x2f: {  	v63 =	vld.idx.msk [tilespmem:v62+s2+$0x0], $0xffff;
	_ =	sdelay $0x1  }
0x30: {  	v8 =	vadd.s32 $0x3000, v0  }
0x31: {  	v9 =	vadd.s32 $0x3000, v1;
	_ =	sdelay $0x1  }
0x32: {  	s30 =	sand.u32 $0x1E0, s28;
	v2 =	vpack.i.f32.bf16 v63, v2  }
0x33: {  	[tilespmem:s30+$0xCC00] =	vst v2  }
0x34: {  	v2 =	vld.idx.msk [tilespmem:v8+s2+$0x0], $0xffff  }
0x35: {  	v10 =	vld.idx.msk [tilespmem:v9+s2+$0x0], $0xffff;
	_ =	sdelay $0x1  }
0x36: {  	v11 =	vadd.s32 $0x4000, v0  }
0x37: {  	v12 =	vadd.s32 $0x4000, v1;
	_ =	sdelay $0x1  }
0x38: {  	v2 =	vpack.i.f32.bf16 v10, v2  }
0x39: {  	[tilespmem:s30+$0xCE00] =	vst v2  }
0x3a: {  	v2 =	vld.idx.msk [tilespmem:v11+s2+$0x0], $0xffff  }
0x3b: {  	v13 =	vld.idx.msk [tilespmem:v12+s2+$0x0], $0xffff;
	_ =	sdelay $0x1  }
0x3c: {  	v14 =	vadd.s32 $0x5000, v0  }
0x3d: {  	v15 =	vadd.s32 $0x5000, v1;
	_ =	sdelay $0x1  }
0x3e: {  	v2 =	vpack.i.f32.bf16 v13, v2  }
0x3f: {  	[tilespmem:s30+$0xD000] =	vst v2  }
0x40: {  	v2 =	vld.idx.msk [tilespmem:v14+s2+$0x0], $0xffff  }
0x41: {  	v16 =	vld.idx.msk [tilespmem:v15+s2+$0x0], $0xffff;
	_ =	sdelay $0x1  }
0x42: {  	v17 =	vadd.s32 $0x6000, v0  }
0x43: {  	v18 =	vadd.s32 $0x6000, v1;
	_ =	sdelay $0x1  }
0x44: {  	v2 =	vpack.i.f32.bf16 v16, v2  }
0x45: {  	[tilespmem:s30+$0xD200] =	vst v2  }
0x46: {  	v2 =	vld.idx.msk [tilespmem:v17+s2+$0x0], $0xffff  }
0x47: {  	v19 =	vld.idx.msk [tilespmem:v18+s2+$0x0], $0xffff;
	_ =	sdelay $0x1  }
0x48: {  	v20 =	vadd.s32 $0x7000, v0  }
0x49: {  	v21 =	vadd.s32 $0x7000, v1;
	_ =	sdelay $0x1  }
0x4a: {  	v2 =	vpack.i.f32.bf16 v19, v2  }
0x4b: {  	[tilespmem:s30+$0xD400] =	vst v2  }
0x4c: {  	v2 =	vld.idx.msk [tilespmem:v20+s2+$0x0], $0xffff  }
0x4d: {  	v22 =	vld.idx.msk [tilespmem:v21+s2+$0x0], $0xffff;
	_ =	sdelay $0x1  }
0x4e: {  	v23 =	vadd.s32 $0x8000, v0  }
0x4f: {  	v24 =	vadd.s32 $0x8000, v1;
	_ =	sdelay $0x1  }
0x50: {  	v2 =	vpack.i.f32.bf16 v22, v2  }
0x51: {  	[tilespmem:s30+$0xD600] =	vst v2  }
0x52: {  	v2 =	vld.idx.msk [tilespmem:v23+s2+$0x0], $0xffff  }
0x53: {  	v25 =	vld.idx.msk [tilespmem:v24+s2+$0x0], $0xffff;
	_ =	sdelay $0x1  }
0x54: {  	v26 =	vadd.s32 $0x9000, v0  }
0x55: {  	v27 =	vadd.s32 $0x9000, v1;
	_ =	sdelay $0x1  }
0x56: {  	v2 =	vpack.i.f32.bf16 v25, v2  }
0x57: {  	[tilespmem:s30+$0xD800] =	vst v2  }
0x58: {  	v2 =	vld.idx.msk [tilespmem:v26+s2+$0x0], $0xffff  }
0x59: {  	v28 =	vld.idx.msk [tilespmem:v27+s2+$0x0], $0xffff;
	_ =	sdelay $0x1  }
0x5a: {  	v29 =	vadd.s32 $0xA000, v0  }
0x5b: {  	v30 =	vadd.s32 $0xA000, v1;
	_ =	sdelay $0x1  }
0x5c: {  	v2 =	vpack.i.f32.bf16 v28, v2  }
0x5d: {  	[tilespmem:s30+$0xDA00] =	vst v2  }
0x5e: {  	v2 =	vld.idx.msk [tilespmem:v29+s2+$0x0], $0xffff  }
0x5f: {  	v31 =	vld.idx.msk [tilespmem:v30+s2+$0x0], $0xffff;
	_ =	sdelay $0x1  }
0x60: {  	v0 =	vadd.s32 $0xB000, v0  }
0x61: {  	v1 =	vadd.s32 $0xB000, v1;
	_ =	sdelay $0x1  }
0x62: {  	v2 =	vpack.i.f32.bf16 v31, v2  }
0x63: {  	[tilespmem:s30+$0xDC00] =	vst v2  }
0x64: {  	v0 =	vld.idx.msk [tilespmem:v0+s2+$0x0], $0xffff  }
0x65: {  	v1 =	vld.idx.msk [tilespmem:v1+s2+$0x0], $0xffff;
	_ =	sdelay $0x4  }
0x66: {  	v0 =	vpack.i.f32.bf16 v1, v0  }
0x67: {  	[tilespmem:s30+$0xDE00] =	vst v0  }
0x68: {  	v0 =	vld [tilespmem:s29+$0xFFFFFE00]  }
0x69: {  	v32 =	vld [tilespmem:s29+$0x0];
	_ =	sdelay $0x6  }
0x6a: {  	v2 =	vld.idx.msk [tilespmem:v0+s2+$0x0], $0xffff  }
0x6b: {  	v33 =	vld.idx.msk [tilespmem:v32+s2+$0x0], $0xffff;
	_ =	sdelay $0x1  }
0x6c: {  	v34 =	vadd.s32 $0x1000, v0  }
0x6d: {  	v35 =	vadd.s32 $0x1000, v32;
	_ =	sdelay $0x1  }
0x6e: {  	v2 =	vpack.i.f32.bf16 v33, v2  }
0x6f: {  	[tilespmem:s26+$0xFFFFF400] =	vst v2  }
0x70: {  	v2 =	vld.idx.msk [tilespmem:v34+s2+$0x0], $0xffff  }
0x71: {  	v36 =	vld.idx.msk [tilespmem:v35+s2+$0x0], $0xffff;
	_ =	sdelay $0x1  }
0x72: {  	v37 =	vadd.s32 $0x2000, v0  }
0x73: {  	v38 =	vadd.s32 $0x2000, v32;
	_ =	sdelay $0x1  }
0x74: {  	v2 =	vpack.i.f32.bf16 v36, v2  }
0x75: {  	[tilespmem:s26+$0xFFFFF600] =	vst v2  }
0x76: {  	v2 =	vld.idx.msk [tilespmem:v37+s2+$0x0], $0xffff  }
0x77: {  	v39 =	vld.idx.msk [tilespmem:v38+s2+$0x0], $0xffff;
	_ =	sdelay $0x1  }
0x78: {  	v40 =	vadd.s32 $0x3000, v0  }
0x79: {  	v41 =	vadd.s32 $0x3000, v32;
	_ =	sdelay $0x1  }
0x7a: {  	v2 =	vpack.i.f32.bf16 v39, v2  }
0x7b: {  	[tilespmem:s26+$0xFFFFF800] =	vst v2  }
0x7c: {  	v2 =	vld.idx.msk [tilespmem:v40+s2+$0x0], $0xffff  }
0x7d: {  	v42 =	vld.idx.msk [tilespmem:v41+s2+$0x0], $0xffff;
	_ =	sdelay $0x1  }
0x7e: {  	v43 =	vadd.s32 $0x4000, v0  }
0x7f: {  	v44 =	vadd.s32 $0x4000, v32;
	_ =	sdelay $0x1  }
0x80: {  	v2 =	vpack.i.f32.bf16 v42, v2  }
0x81: {  	[tilespmem:s26+$0xFFFFFA00] =	vst v2  }
0x82: {  	v2 =	vld.idx.msk [tilespmem:v43+s2+$0x0], $0xffff  }
0x83: {  	v45 =	vld.idx.msk [tilespmem:v44+s2+$0x0], $0xffff;
	_ =	sdelay $0x1  }
0x84: {  	v46 =	vadd.s32 $0x5000, v0  }
0x85: {  	v47 =	vadd.s32 $0x5000, v32;
	_ =	sdelay $0x1  }
0x86: {  	v2 =	vpack.i.f32.bf16 v45, v2  }
0x87: {  	[tilespmem:s26+$0xFFFFFC00] =	vst v2  }
0x88: {  	v2 =	vld.idx.msk [tilespmem:v46+s2+$0x0], $0xffff  }
0x89: {  	v48 =	vld.idx.msk [tilespmem:v47+s2+$0x0], $0xffff;
	_ =	sdelay $0x1  }
0x8a: {  	v49 =	vadd.s32 $0x6000, v0  }
0x8b: {  	v50 =	vadd.s32 $0x6000, v32;
	_ =	sdelay $0x1  }
0x8c: {  	v2 =	vpack.i.f32.bf16 v48, v2  }
0x8d: {  	[tilespmem:s26+$0xFFFFFE00] =	vst v2  }
0x8e: {  	v2 =	vld.idx.msk [tilespmem:v49+s2+$0x0], $0xffff  }
0x8f: {  	v51 =	vld.idx.msk [tilespmem:v50+s2+$0x0], $0xffff;
	_ =	sdelay $0x1  }
0x90: {  	v52 =	vadd.s32 $0x7000, v0  }
0x91: {  	v53 =	vadd.s32 $0x7000, v32;
	_ =	sdelay $0x1  }
0x92: {  	v2 =	vpack.i.f32.bf16 v51, v2  }
0x93: {  	[tilespmem:s26+$0x0] =	vst v2  }
0x94: {  	v2 =	vld.idx.msk [tilespmem:v52+s2+$0x0], $0xffff  }
0x95: {  	v54 =	vld.idx.msk [tilespmem:v53+s2+$0x0], $0xffff;
	_ =	sdelay $0x1  }
0x96: {  	v55 =	vadd.s32 $0x8000, v0  }
0x97: {  	v56 =	vadd.s32 $0x8000, v32;
	_ =	sdelay $0x1  }
0x98: {  	v2 =	vpack.i.f32.bf16 v54, v2  }
0x99: {  	[tilespmem:s26+$0x200] =	vst v2  }
0x9a: {  	v2 =	vld.idx.msk [tilespmem:v55+s2+$0x0], $0xffff  }
0x9b: {  	v57 =	vld.idx.msk [tilespmem:v56+s2+$0x0], $0xffff;
	_ =	sdelay $0x1  }
0x9c: {  	v58 =	vadd.s32 $0x9000, v0  }
0x9d: {  	v59 =	vadd.s32 $0x9000, v32;
	_ =	sdelay $0x1  }
0x9e: {  	v2 =	vpack.i.f32.bf16 v57, v2  }
0x9f: {  	[tilespmem:s26+$0x400] =	vst v2  }
0xa0: {  	v2 =	vld.idx.msk [tilespmem:v58+s2+$0x0], $0xffff  }
0xa1: {  	v60 =	vld.idx.msk [tilespmem:v59+s2+$0x0], $0xffff;
	_ =	sdelay $0x1  }
0xa2: {  	v61 =	vadd.s32 $0xA000, v0  }
0xa3: {  	v62 =	vadd.s32 $0xA000, v32;
	_ =	sdelay $0x1  }
0xa4: {  	v2 =	vpack.i.f32.bf16 v60, v2  }
0xa5: {  	[tilespmem:s26+$0x600] =	vst v2  }
0xa6: {  	v2 =	vld.idx.msk [tilespmem:v61+s2+$0x0], $0xffff  }
0xa7: {  	v63 =	vld.idx.msk [tilespmem:v62+s2+$0x0], $0xffff;
	_ =	sdelay $0x1  }
0xa8: {  	v0 =	vadd.s32 $0xB000, v0  }
0xa9: {  	v1 =	vadd.s32 $0xB000, v32;
	_ =	sdelay $0x1  }
0xaa: {  	v2 =	vpack.i.f32.bf16 v63, v2  }
0xab: {  	[tilespmem:s26+$0x800] =	vst v2  }
0xac: {  	v0 =	vld.idx.msk [tilespmem:v0+s2+$0x0], $0xffff  }
0xad: {  	s25 =	sadd.s32 $0x2, s25;
	v1 =	vld.idx.msk [tilespmem:v1+s2+$0x0], $0xffff  }
0xae: {  	p1 =	slt.u32 s25, $0x1E  }
.Ltmp0:
0xaf: {  	_ = 	snop;
	(pc) =	sbr.rel @p1 .LBB2_3-.Ltmp0, $3  }
0xb0: {  	_ =	sdelay $0x1  }
0xb1: {  	v0 =	vpack.i.f32.bf16 v1, v0  }
0xb2: {  	s28 =	sadd.s32 $0x20, s28;
	s29 =	sadd.s32 $0x20, s29;
	[tilespmem:s26+$0xA00] =	vst v0;
	s26 =	sadd.s32 $0x20, s26  }
0xb3: {  	s25 =	sshll.u32 s24, $0x6  }
0xb4: {  	s15 =	simm.s32 $0xC800;
	s26 =	sadd.s32 s4, s25  }
0xb5: {  	[hbm4b:s26+s2] =	stream.linear.scatter [tilespmem:s15], [sflag:$0x3], $0x200, $0x38;
	[tilespmem:$0xF800] =	vst v63  }
0xb6: {  	s15 =	sor.u32 $0x10000, s25  }
0xb7: {  	s26 =	sadd.s32 s4, s15;
	s15 =	simm.s32 $0xCA00  }
0xb8: {  	[hbm4b:s26+s2] =	stream.linear.scatter [tilespmem:s15], [sflag:$0x3], $0x200, $0x38;
	[tilespmem:$0xF800] =	vst v63  }
0xb9: {  	s15 =	sor.u32 $0x20000, s25  }
0xba: {  	s26 =	sadd.s32 s4, s15;
	s15 =	simm.s32 $0xCC00  }
0xbb: {  	[hbm4b:s26+s2] =	stream.linear.scatter [tilespmem:s15], [sflag:$0x3], $0x200, $0x38;
	[tilespmem:$0xF800] =	vst v63  }
0xbc: {  	s15 =	sor.u32 $0x30000, s25  }
0xbd: {  	s26 =	sadd.s32 s4, s15;
	s15 =	simm.s32 $0xCE00  }
0xbe: {  	[hbm4b:s26+s2] =	stream.linear.scatter [tilespmem:s15], [sflag:$0x3], $0x200, $0x38;
	[tilespmem:$0xF800] =	vst v63  }
0xbf: {  	s15 =	sor.u32 $0x40000, s25  }
0xc0: {  	s26 =	sadd.s32 s4, s15;
	s15 =	simm.s32 $0xD000  }
0xc1: {  	[hbm4b:s26+s2] =	stream.linear.scatter [tilespmem:s15], [sflag:$0x3], $0x200, $0x38;
	[tilespmem:$0xF800] =	vst v63  }
0xc2: {  	s15 =	sor.u32 $0x50000, s25  }
0xc3: {  	s26 =	sadd.s32 s4, s15;
	s15 =	simm.s32 $0xD200  }
0xc4: {  	[hbm4b:s26+s2] =	stream.linear.scatter [tilespmem:s15], [sflag:$0x3], $0x200, $0x38;
	[tilespmem:$0xF800] =	vst v63  }
0xc5: {  	s15 =	sor.u32 $0x60000, s25  }
0xc6: {  	s26 =	sadd.s32 s4, s15;
	s15 =	simm.s32 $0xD400  }
0xc7: {  	[hbm4b:s26+s2] =	stream.linear.scatter [tilespmem:s15], [sflag:$0x3], $0x200, $0x38;
	[tilespmem:$0xF800] =	vst v63  }
0xc8: {  	s15 =	sor.u32 $0x70000, s25  }
0xc9: {  	s26 =	sadd.s32 s4, s15;
	s15 =	simm.s32 $0xD600  }
0xca: {  	[hbm4b:s26+s2] =	stream.linear.scatter [tilespmem:s15], [sflag:$0x3], $0x200, $0x38;
	[tilespmem:$0xF800] =	vst v63  }
0xcb: {  	s15 =	sor.u32 $0x80000, s25  }
0xcc: {  	s26 =	sadd.s32 s4, s15;
	s15 =	simm.s32 $0xD800  }
0xcd: {  	[hbm4b:s26+s2] =	stream.linear.scatter [tilespmem:s15], [sflag:$0x3], $0x200, $0x38;
	[tilespmem:$0xF800] =	vst v63  }
0xce: {  	s15 =	sor.u32 $0x90000, s25  }
0xcf: {  	s26 =	sadd.s32 s4, s15;
	s15 =	simm.s32 $0xDA00  }
0xd0: {  	[hbm4b:s26+s2] =	stream.linear.scatter [tilespmem:s15], [sflag:$0x3], $0x200, $0x38;
	[tilespmem:$0xF800] =	vst v63  }
0xd1: {  	s15 =	sor.u32 $0xA0000, s25  }
0xd2: {  	s26 =	sadd.s32 s4, s15;
	s15 =	simm.s32 $0xDC00  }
0xd3: {  	[hbm4b:s26+s2] =	stream.linear.scatter [tilespmem:s15], [sflag:$0x3], $0x200, $0x38;
	[tilespmem:$0xF800] =	vst v63  }
0xd4: {  	s26 =	sadd.s32 s25, s8;
	s15 =	simm.s32 $0xDE00  }
0xd5: {  	[hbm4b:s26+s2] =	stream.linear.scatter [tilespmem:s15], [sflag:$0x3], $0x200, $0x38;
	[tilespmem:$0xF800] =	vst v63  }
0xd6: {  	s15 =	smin.u32 s24, $0x3FD  }
0xd7: {  	s26 =	sshll.u32 s15, $0x7  }
0xd8: {  	s15 =	simm.s32 $0xC000;
	s26 =	sadd.s32 s26, s9  }
0xd9: {  	[tilespmem:s15], [sflag:$0x1] =	stream.linear.gather [hbm4b:s26+s2], $0x400, $0x38;
	[tilespmem:$0xF800] =	vst v63  }
0xda: {  	_ =	swait.ge [sflag:s31], $0x400  }
0xdb: {  	[sflag:s31] =	ssyncset.done $0x0  }
0xdc: {  	s26 =	simm.s32 @!p0 $0x4;
	[sflag:s31] =	ssyncadd.s32 $0xFFFFFC00  }
0xdd: {  	_ =	swait.ge @!p0 [sflag:s26], $0x1800  }
0xde: {  	s28 =	simm.s32 $0xEC10;
	s29 =	simm.s32 $0x0;
	[sflag:s26] =	ssyncset.done @!p0 $0x0  }
0xdf: {  	s30 =	simm.s32 $0xC610;
	[sflag:s26] =	ssyncadd.s32 @!p0 $0xFFFFE800;
	s26 =	simm.s32 $0xFFFFFFFE  }
.LBB2_5:
0xe0: {  	v0 =	vld [tilespmem:s30+$0xFFFFFDF0]  }
0xe1: {  	v1 =	vld [tilespmem:s30+$0xFFFFFFF0];
	_ =	sdelay $0x6  }
0xe2: {  	v2 =	vld.idx.msk [tilespmem:v0+s2+$0x0], $0xffff  }
0xe3: {  	v3 =	vld.idx.msk [tilespmem:v1+s2+$0x0], $0xffff;
	_ =	sdelay $0x1  }
0xe4: {  	v4 =	vadd.s32 $0x1000, v0  }
0xe5: {  	v5 =	vadd.s32 $0x1000, v1;
	_ =	sdelay $0x1  }
0xe6: {  	v2 =	vpack.i.f32.bf16 v3, v2  }
0xe7: {  	[tilespmem:s28+$0xFFFFF3F0] =	vst v2  }
0xe8: {  	v2 =	vld.idx.msk [tilespmem:v4+s2+$0x0], $0xffff  }
0xe9: {  	v60 =	vld.idx.msk [tilespmem:v5+s2+$0x0], $0xffff;
	_ =	sdelay $0x1  }
0xea: {  	v61 =	vadd.s32 $0x2000, v0  }
0xeb: {  	v62 =	vadd.s32 $0x2000, v1;
	_ =	sdelay $0x1  }
0xec: {  	v2 =	vpack.i.f32.bf16 v60, v2  }
0xed: {  	[tilespmem:s28+$0xFFFFF5F0] =	vst v2  }
0xee: {  	v2 =	vld.idx.msk [tilespmem:v61+s2+$0x0], $0xffff  }
0xef: {  	v63 =	vld.idx.msk [tilespmem:v62+s2+$0x0], $0xffff;
	_ =	sdelay $0x1  }
0xf0: {  	v8 =	vadd.s32 $0x3000, v0  }
0xf1: {  	v9 =	vadd.s32 $0x3000, v1;
	_ =	sdelay $0x1  }
0xf2: {  	s15 =	sand.u32 $0x1E0, s29;
	v2 =	vpack.i.f32.bf16 v63, v2  }
0xf3: {  	[tilespmem:s15+$0xE400] =	vst v2  }
0xf4: {  	v2 =	vld.idx.msk [tilespmem:v8+s2+$0x0], $0xffff  }
0xf5: {  	v10 =	vld.idx.msk [tilespmem:v9+s2+$0x0], $0xffff;
	_ =	sdelay $0x1  }
0xf6: {  	v11 =	vadd.s32 $0x4000, v0  }
0xf7: {  	v12 =	vadd.s32 $0x4000, v1;
	_ =	sdelay $0x1  }
0xf8: {  	v2 =	vpack.i.f32.bf16 v10, v2  }
0xf9: {  	[tilespmem:s15+$0xE600] =	vst v2  }
0xfa: {  	v2 =	vld.idx.msk [tilespmem:v11+s2+$0x0], $0xffff  }
0xfb: {  	v13 =	vld.idx.msk [tilespmem:v12+s2+$0x0], $0xffff;
	_ =	sdelay $0x1  }
0xfc: {  	v14 =	vadd.s32 $0x5000, v0  }
0xfd: {  	v15 =	vadd.s32 $0x5000, v1;
	_ =	sdelay $0x1  }
0xfe: {  	v2 =	vpack.i.f32.bf16 v13, v2  }
0xff: {  	[tilespmem:s15+$0xE800] =	vst v2  }
0x100: {  	v2 =	vld.idx.msk [tilespmem:v14+s2+$0x0], $0xffff  }
0x101: {  	v16 =	vld.idx.msk [tilespmem:v15+s2+$0x0], $0xffff;
	_ =	sdelay $0x1  }
0x102: {  	v17 =	vadd.s32 $0x6000, v0  }
0x103: {  	v18 =	vadd.s32 $0x6000, v1;
	_ =	sdelay $0x1  }
0x104: {  	v2 =	vpack.i.f32.bf16 v16, v2  }
0x105: {  	[tilespmem:s15+$0xEA00] =	vst v2  }
0x106: {  	v2 =	vld.idx.msk [tilespmem:v17+s2+$0x0], $0xffff  }
0x107: {  	v19 =	vld.idx.msk [tilespmem:v18+s2+$0x0], $0xffff;
	_ =	sdelay $0x1  }
0x108: {  	v20 =	vadd.s32 $0x7000, v0  }
0x109: {  	v21 =	vadd.s32 $0x7000, v1;
	_ =	sdelay $0x1  }
0x10a: {  	v2 =	vpack.i.f32.bf16 v19, v2  }
0x10b: {  	[tilespmem:s15+$0xEC00] =	vst v2  }
0x10c: {  	v2 =	vld.idx.msk [tilespmem:v20+s2+$0x0], $0xffff  }
0x10d: {  	v22 =	vld.idx.msk [tilespmem:v21+s2+$0x0], $0xffff;
	_ =	sdelay $0x1  }
0x10e: {  	v23 =	vadd.s32 $0x8000, v0  }
0x10f: {  	v24 =	vadd.s32 $0x8000, v1;
	_ =	sdelay $0x1  }
0x110: {  	v2 =	vpack.i.f32.bf16 v22, v2  }
0x111: {  	[tilespmem:s15+$0xEE00] =	vst v2  }
0x112: {  	v2 =	vld.idx.msk [tilespmem:v23+s2+$0x0], $0xffff  }
0x113: {  	v25 =	vld.idx.msk [tilespmem:v24+s2+$0x0], $0xffff;
	_ =	sdelay $0x1  }
0x114: {  	v26 =	vadd.s32 $0x9000, v0  }
0x115: {  	v27 =	vadd.s32 $0x9000, v1;
	_ =	sdelay $0x1  }
0x116: {  	v2 =	vpack.i.f32.bf16 v25, v2  }
0x117: {  	[tilespmem:s15+$0xF000] =	vst v2  }
0x118: {  	v2 =	vld.idx.msk [tilespmem:v26+s2+$0x0], $0xffff  }
0x119: {  	v28 =	vld.idx.msk [tilespmem:v27+s2+$0x0], $0xffff;
	_ =	sdelay $0x1  }
0x11a: {  	v29 =	vadd.s32 $0xA000, v0  }
0x11b: {  	v30 =	vadd.s32 $0xA000, v1;
	_ =	sdelay $0x1  }
0x11c: {  	v2 =	vpack.i.f32.bf16 v28, v2  }
0x11d: {  	[tilespmem:s15+$0xF200] =	vst v2  }
0x11e: {  	v2 =	vld.idx.msk [tilespmem:v29+s2+$0x0], $0xffff  }
0x11f: {  	v31 =	vld.idx.msk [tilespmem:v30+s2+$0x0], $0xffff;
	_ =	sdelay $0x1  }
0x120: {  	v0 =	vadd.s32 $0xB000, v0  }
0x121: {  	v1 =	vadd.s32 $0xB000, v1;
	_ =	sdelay $0x1  }
0x122: {  	v2 =	vpack.i.f32.bf16 v31, v2  }
0x123: {  	[tilespmem:s15+$0xF400] =	vst v2  }
0x124: {  	v0 =	vld.idx.msk [tilespmem:v0+s2+$0x0], $0xffff  }
0x125: {  	v1 =	vld.idx.msk [tilespmem:v1+s2+$0x0], $0xffff;
	_ =	sdelay $0x4  }
0x126: {  	v0 =	vpack.i.f32.bf16 v1, v0  }
0x127: {  	[tilespmem:s15+$0xF600] =	vst v0  }
0x128: {  	v0 =	vld [tilespmem:s30+$0xFFFFFE00]  }
0x129: {  	v32 =	vld [tilespmem:s30+$0x0];
	_ =	sdelay $0x6  }
0x12a: {  	v2 =	vld.idx.msk [tilespmem:v0+s2+$0x0], $0xffff  }
0x12b: {  	v33 =	vld.idx.msk [tilespmem:v32+s2+$0x0], $0xffff;
	_ =	sdelay $0x1  }
0x12c: {  	v34 =	vadd.s32 $0x1000, v0  }
0x12d: {  	v35 =	vadd.s32 $0x1000, v32;
	_ =	sdelay $0x1  }
0x12e: {  	v2 =	vpack.i.f32.bf16 v33, v2  }
0x12f: {  	[tilespmem:s28+$0xFFFFF400] =	vst v2  }
0x130: {  	v2 =	vld.idx.msk [tilespmem:v34+s2+$0x0], $0xffff  }
0x131: {  	v36 =	vld.idx.msk [tilespmem:v35+s2+$0x0], $0xffff;
	_ =	sdelay $0x1  }
0x132: {  	v37 =	vadd.s32 $0x2000, v0  }
0x133: {  	v38 =	vadd.s32 $0x2000, v32;
	_ =	sdelay $0x1  }
0x134: {  	v2 =	vpack.i.f32.bf16 v36, v2  }
0x135: {  	[tilespmem:s28+$0xFFFFF600] =	vst v2  }
0x136: {  	v2 =	vld.idx.msk [tilespmem:v37+s2+$0x0], $0xffff  }
0x137: {  	v39 =	vld.idx.msk [tilespmem:v38+s2+$0x0], $0xffff;
	_ =	sdelay $0x1  }
0x138: {  	v40 =	vadd.s32 $0x3000, v0  }
0x139: {  	v41 =	vadd.s32 $0x3000, v32;
	_ =	sdelay $0x1  }
0x13a: {  	v2 =	vpack.i.f32.bf16 v39, v2  }
0x13b: {  	[tilespmem:s28+$0xFFFFF800] =	vst v2  }
0x13c: {  	v2 =	vld.idx.msk [tilespmem:v40+s2+$0x0], $0xffff  }
0x13d: {  	v42 =	vld.idx.msk [tilespmem:v41+s2+$0x0], $0xffff;
	_ =	sdelay $0x1  }
0x13e: {  	v43 =	vadd.s32 $0x4000, v0  }
0x13f: {  	v44 =	vadd.s32 $0x4000, v32;
	_ =	sdelay $0x1  }
0x140: {  	v2 =	vpack.i.f32.bf16 v42, v2  }
0x141: {  	[tilespmem:s28+$0xFFFFFA00] =	vst v2  }
0x142: {  	v2 =	vld.idx.msk [tilespmem:v43+s2+$0x0], $0xffff  }
0x143: {  	v45 =	vld.idx.msk [tilespmem:v44+s2+$0x0], $0xffff;
	_ =	sdelay $0x1  }
0x144: {  	v46 =	vadd.s32 $0x5000, v0  }
0x145: {  	v47 =	vadd.s32 $0x5000, v32;
	_ =	sdelay $0x1  }
0x146: {  	v2 =	vpack.i.f32.bf16 v45, v2  }
0x147: {  	[tilespmem:s28+$0xFFFFFC00] =	vst v2  }
0x148: {  	v2 =	vld.idx.msk [tilespmem:v46+s2+$0x0], $0xffff  }
0x149: {  	v48 =	vld.idx.msk [tilespmem:v47+s2+$0x0], $0xffff;
	_ =	sdelay $0x1  }
0x14a: {  	v49 =	vadd.s32 $0x6000, v0  }
0x14b: {  	v50 =	vadd.s32 $0x6000, v32;
	_ =	sdelay $0x1  }
0x14c: {  	v2 =	vpack.i.f32.bf16 v48, v2  }
0x14d: {  	[tilespmem:s28+$0xFFFFFE00] =	vst v2  }
0x14e: {  	v2 =	vld.idx.msk [tilespmem:v49+s2+$0x0], $0xffff  }
0x14f: {  	v51 =	vld.idx.msk [tilespmem:v50+s2+$0x0], $0xffff;
	_ =	sdelay $0x1  }
0x150: {  	v52 =	vadd.s32 $0x7000, v0  }
0x151: {  	v53 =	vadd.s32 $0x7000, v32;
	_ =	sdelay $0x1  }
0x152: {  	v2 =	vpack.i.f32.bf16 v51, v2  }
0x153: {  	[tilespmem:s28+$0x0] =	vst v2  }
0x154: {  	v2 =	vld.idx.msk [tilespmem:v52+s2+$0x0], $0xffff  }
0x155: {  	v54 =	vld.idx.msk [tilespmem:v53+s2+$0x0], $0xffff;
	_ =	sdelay $0x1  }
0x156: {  	v55 =	vadd.s32 $0x8000, v0  }
0x157: {  	v56 =	vadd.s32 $0x8000, v32;
	_ =	sdelay $0x1  }
0x158: {  	v2 =	vpack.i.f32.bf16 v54, v2  }
0x159: {  	[tilespmem:s28+$0x200] =	vst v2  }
0x15a: {  	v2 =	vld.idx.msk [tilespmem:v55+s2+$0x0], $0xffff  }
0x15b: {  	v57 =	vld.idx.msk [tilespmem:v56+s2+$0x0], $0xffff;
	_ =	sdelay $0x1  }
0x15c: {  	v58 =	vadd.s32 $0x9000, v0  }
0x15d: {  	v59 =	vadd.s32 $0x9000, v32;
	_ =	sdelay $0x1  }
0x15e: {  	v2 =	vpack.i.f32.bf16 v57, v2  }
0x15f: {  	[tilespmem:s28+$0x400] =	vst v2  }
0x160: {  	v2 =	vld.idx.msk [tilespmem:v58+s2+$0x0], $0xffff  }
0x161: {  	v60 =	vld.idx.msk [tilespmem:v59+s2+$0x0], $0xffff;
	_ =	sdelay $0x1  }
0x162: {  	v61 =	vadd.s32 $0xA000, v0  }
0x163: {  	v62 =	vadd.s32 $0xA000, v32;
	_ =	sdelay $0x1  }
0x164: {  	v2 =	vpack.i.f32.bf16 v60, v2  }
0x165: {  	[tilespmem:s28+$0x600] =	vst v2  }
0x166: {  	v2 =	vld.idx.msk [tilespmem:v61+s2+$0x0], $0xffff  }
0x167: {  	v63 =	vld.idx.msk [tilespmem:v62+s2+$0x0], $0xffff;
	_ =	sdelay $0x1  }
0x168: {  	v0 =	vadd.s32 $0xB000, v0  }
0x169: {  	v1 =	vadd.s32 $0xB000, v32;
	_ =	sdelay $0x1  }
0x16a: {  	v2 =	vpack.i.f32.bf16 v63, v2  }
0x16b: {  	[tilespmem:s28+$0x800] =	vst v2  }
0x16c: {  	v0 =	vld.idx.msk [tilespmem:v0+s2+$0x0], $0xffff  }
0x16d: {  	s26 =	sadd.s32 $0x2, s26;
	v1 =	vld.idx.msk [tilespmem:v1+s2+$0x0], $0xffff  }
0x16e: {  	p0 =	slt.u32 s26, $0x1E  }
.Ltmp1:
0x16f: {  	_ = 	snop;
	(pc) =	sbr.rel @p0 .LBB2_5-.Ltmp1, $3  }
0x170: {  	_ =	sdelay $0x1  }
0x171: {  	v0 =	vpack.i.f32.bf16 v1, v0  }
0x172: {  	s29 =	sadd.s32 $0x20, s29;
	s30 =	sadd.s32 $0x20, s30;
	[tilespmem:s28+$0xA00] =	vst v0;
	s28 =	sadd.s32 $0x20, s28  }
0x173: {  	s15 =	sadd.s32 s25, s10;
	s26 =	sor.u32 $0x10040, s25  }
0x174: {  	[hbm4b:s15+s2] =	stream.linear.scatter [tilespmem:s0], [sflag:$0x4], $0x200, $0x38;
	[tilespmem:$0xF800] =	vst v63  }
0x175: {  	s28 =	sor.u32 $0x20040, s25;
	s15 =	sadd.s32 s4, s26  }
0x176: {  	[hbm4b:s15+s2] =	stream.linear.scatter [tilespmem:s1], [sflag:$0x4], $0x200, $0x38;
	[tilespmem:$0xF800] =	vst v63  }
0x177: {  	s29 =	sor.u32 $0x30040, s25;
	s15 =	sadd.s32 s4, s28  }
0x178: {  	[hbm4b:s15+s2] =	stream.linear.scatter [tilespmem:s3], [sflag:$0x4], $0x200, $0x38;
	[tilespmem:$0xF800] =	vst v63  }
0x179: {  	s30 =	sor.u32 $0x40040, s25;
	s15 =	sadd.s32 s4, s29  }
0x17a: {  	[hbm4b:s15+s2] =	stream.linear.scatter [tilespmem:s7], [sflag:$0x4], $0x200, $0x38;
	[tilespmem:$0xF800] =	vst v63  }
0x17b: {  	s26 =	sor.u32 $0x50040, s25;
	s15 =	sadd.s32 s4, s30  }
0x17c: {  	[hbm4b:s15+s2] =	stream.linear.scatter [tilespmem:s13], [sflag:$0x4], $0x200, $0x38;
	[tilespmem:$0xF800] =	vst v63  }
0x17d: {  	s28 =	sor.u32 $0x60040, s25;
	s15 =	sadd.s32 s4, s26  }
0x17e: {  	[hbm4b:s15+s2] =	stream.linear.scatter [tilespmem:s5], [sflag:$0x4], $0x200, $0x38;
	[tilespmem:$0xF800] =	vst v63  }
0x17f: {  	s29 =	sor.u32 $0x70040, s25;
	s15 =	sadd.s32 s4, s28  }
0x180: {  	[hbm4b:s15+s2] =	stream.linear.scatter [tilespmem:s14], [sflag:$0x4], $0x200, $0x38;
	[tilespmem:$0xF800] =	vst v63  }
0x181: {  	s30 =	sor.u32 $0x80040, s25;
	s15 =	sadd.s32 s4, s29  }
0x182: {  	[hbm4b:s15+s2] =	stream.linear.scatter [tilespmem:s18], [sflag:$0x4], $0x200, $0x38;
	[tilespmem:$0xF800] =	vst v63  }
0x183: {  	s26 =	sor.u32 $0x90040, s25;
	s15 =	sadd.s32 s4, s30  }
0x184: {  	[hbm4b:s15+s2] =	stream.linear.scatter [tilespmem:s19], [sflag:$0x4], $0x200, $0x38;
	[tilespmem:$0xF800] =	vst v63  }
0x185: {  	s23 =	sadd.s32 $0x1, s23;
	s28 =	sor.u32 $0xA0040, s25;
	s15 =	sadd.s32 s4, s26  }
0x186: {  	[hbm4b:s15+s2] =	stream.linear.scatter [tilespmem:s20], [sflag:$0x4], $0x200, $0x38;
	[tilespmem:$0xF800] =	vst v63  }
0x187: {  	p0 =	sne.s32 s23, $0x10;
	s15 =	sadd.s32 s4, s28  }
0x188: {  	[hbm4b:s15+s2] =	stream.linear.scatter [tilespmem:s21], [sflag:$0x4], $0x200, $0x38;
	[tilespmem:$0xF800] =	vst v63  }
.Ltmp2:
0x189: {  	s30 =	smin.u32 s24, $0x3FC;
	(pc) =	sbr.rel @p0 .LBB2_2-.Ltmp2, $4  }
0x18a: {  	s29 =	sadd.s32 s25, s11;
	s15 =	sshll.u32 s30, $0x7  }
0x18b: {  	[hbm4b:s29+s2] =	stream.linear.scatter [tilespmem:s22], [sflag:$0x4], $0x200, $0x38;
	[tilespmem:$0xF800] =	vst v63  }
0x18c: {  	s15 =	sadd.s32 s15, s12  }
0x18d: {  	[tilespmem:s16], [sflag:$0x2] =	stream.linear.gather [hbm4b:s15+s2], $0x400, $0x38;
	[tilespmem:$0xF800] =	vst v63  }
0x18e: {  	s15 =	simm.s32 $0x3  }
0x18f: {  	_ =	swait.ge [sflag:s15], $0x1800  }
0x190: {  	[sflag:s15] =	ssyncset.done $0x0  }
0x191: {  	[sflag:s15] =	ssyncadd.s32 $0xFFFFE800  }
0x192: {  	_ =	swait.ge [sflag:s17], $0x400  }
0x193: {  	[sflag:s17] =	ssyncset.done $0x0  }
0x194: {  	s29 =	simm.s32 $0x4;
	[sflag:s17] =	ssyncadd.s32 $0xFFFFFC00  }
0x195: {  	_ =	swait.ge [sflag:s29], $0x1800  }
0x196: {  	[sflag:s29] =	ssyncset.done $0x0  }
0x197: {  	[sflag:s29] =	ssyncadd.s32 $0xFFFFE800  }
0x198: {  	_ =	swait.ge [sflag:s31], $0x400  }
0x199: {  	s23 =	rddreg [dreg:$0x7]  }
0x19a: {  	s30 =	rddreg [dreg:$0x6];
	s23 =	sadd.s32 $0x1, s23  }
0x19b: {  	p0 =	sne.s32 s23, s30  }
.Ltmp3:
0x19c: {  	_ = 	snop;
	(pc) =	sbr.rel @p0 .LBB2_1-.Ltmp3, $3  }
0x19d: {  	_ =	sdelay $0x1  }
0x19e: {  	[sflag:s31] =	ssyncset.done $0x0  }
0x19f: {  	[sflag:s31] =	ssyncadd.s32 $0xFFFFFC00  }
0x1a0: {  	_ =	sfence.sel $0x180000  }
0x1a1: {  	[bflag:$0x0] =	sbarrier.arrive $0xFFFF  }
0x1a2: {  	_ =	strace $0x9000004A  }
0x1a3: {  	s0 =	stileid.u32;
	[bflag:$0x2] =	sbarrier.arrive $0xFFFF  }
0x1a4: {  	p0 =	sne.s32 s0, $0x0;
	s0 =	rddreg [dreg:$0x2]  }
0x1a5: {  	s0 =	sadd.s32 @!p0 $0x100000, s0  }
0x1a6: {  	[sflag:s0] =	ssyncadd.tile.s32 @!p0 $0x1;
	_ =	shalt  }
.Lfunc_end2:
_tile_overlayer_lowered:
.L_overlay_start_2:
0x1a7: {  	(tag) =	ssettag $0x2  }
0x1a8: {  	s0 =	rddreg [dreg:$0x0];
	s2 =	stileid.u32  }
0x1a9: {  	s1 =	rddreg [dreg:$0x1];
	p0 =	sne.s32 s2, $0x0  }
0x1aa: {  	s3 =	rddreg [dreg:$0x2];
	[bflag:$0x3] =	sbarrier.arrive $0xFFFF;
	s2 =	simm.s32 @!p0 $0x1C05  }
0x1ab: {  	[timem:s3], [sflag:s2] =	dma.local @!p0 [hbm:s0], s1  }
0x1ac: {  	s0 =	simm.s32 @!p0 $0x5  }
0x1ad: {  	_ =	swait.ge @!p0 [sflag:s0], s1  }
0x1ae: {  	s1 =	ssub.s32 @!p0 $0x0, s1;
	[sflag:s0] =	ssyncset.done @!p0 $0x0  }
0x1af: {  	[sflag:s0] =	ssyncadd.s32 @!p0 s1  }
0x1b0: {  	[bflag:$0x3] =	sbarrier.arrive $0xFFFF  }
0x1b1: {  	_ =	shalt  }

// kernel: kernel.8.cloned.1.call-start
scs
__scs_entry_jumppad:
0x0: {  	(pc) =	sbr.rel $0x88, $3  }
0x1: {  	(tag) =	ssettag $0x0;
	lr =	simm.s32 $0x1  }
0x2: {  	[smem:$0x3F94] =	sst lr;
	_ =	strace $0xD0000000  }
0x3: {  	_ = 	snop  }
0x4: {  	_ = 	snop  }
0x5: {  	_ = 	snop  }
0x6: {  	_ = 	snop  }
0x7: {  	_ = 	snop  }
__scs_overlays_trampoline_lowered:
0x8: {  	[smem:$0x3FA3] =	sst s0  }
0x9: {  	[smem:$0x3FA4] =	sst s1  }
0xa: {  	[smem:$0x3FA5] =	sst s2  }
0xb: {  	[smem:$0x3FA6] =	sst s3  }
0xc: {  	[smem:$0x3FA7] =	sst s4  }
0xd: {  	[smem:$0x3FA8] =	sst s5  }
0xe: {  	[smem:$0x3FA9] =	sst s6  }
0xf: {  	[smem:$0x3FAA] =	sst s7  }
0x10: {  	[smem:$0x3FAB] =	sst s8  }
0x11: {  	[smem:$0x3FAC] =	sst s9;
	s0 =	simm.s32 @!p0 $0x0  }
0x12: {  	s1 =	sld [smem:$0x3F92];
	s0 =	simm.s32 @p0 $0x1  }
0x13: {  	[smem:$0x3FAD] =	sst s0;
	s0 =	simm.s32 @!p1 $0x0  }
0x14: {  	s2 =	sld [smem:$0x3F91];
	s0 =	simm.s32 @p1 $0x1  }
0x15: {  	[smem:$0x3FAE] =	sst s0;
	s0 =	simm.s32 @!p2 $0x0  }
0x16: {  	s3 =	sld [smem:$0x3FDB];
	s0 =	simm.s32 @p2 $0x1  }
0x17: {  	s4 =	simm.s32 $0x1BF5;
	[smem:$0x3FB0] =	sst s0  }
0x18: {  	s0 =	sld [smem:$0x3F93];
	_ =	swait.ge [sflag:s4], $0x0  }
0x19: {  	s7 =	sld [smem:$0x3F94]  }
0x1a: {  	s8 =	sadd.s32 $0xFFFFE003, lr  }
0x1b: {  	s9 =	sadd.s32 $0xFFFFFEF7, lr;
	s5 =	simm.s32 $0xFFFFFFFF;
	p2 =	slt.u32 s8, $0xFFFFF086  }
0x1c: {  	p1 =	slt.u32 s9, $0xF7A;
	s5 =	simm.s32 @!p2 $0x0  }
0x1d: {  	s5 =	simm.s32 @p1 $0x1;
	p0 =	seq.s32 s7, s2  }
0x1e: {  	s7 =	smul.u32 @!p0 $0xF7A, s2;
	p2 =	seq.s32 @!p0 s5, $0x0  }
0x1f: {  	s9 =	smul.u32 $0xF7A, s1;
	s8 =	simm.s32 @!p0 $0x1BF5;
	p2 =	por !p2, p0  }
0x20: {  	[sflag:s8] =	ssyncset.s32 @!p0 $0xFFFFF086;
	s6 =	sadd.s32 @!p0 s3, s7;
	s7 =	simm.s32 @!p0 $0x108  }
0x21: {  	s3 =	sadd.s32 s3, s9;
	s6 =	sadd.s32 @!p0 $0x88, s6;
	s7 =	simm.s32 @p2 $0x1082  }
0x22: {  	[simem:s7], [sflag:s8] =	dma.local @!p0 [hbm:s6], $0xF7A  }
0x23: {  	s9 =	sor.u32 $0xD0000000, s2;
	s6 =	simm.s32 $0x108;
	_ =	swait.ge @!p0 [sflag:s8], $0x0  }
0x24: {  	s3 =	sadd.s32 $0x88, s3;
	s6 =	simm.s32 @!p1 $0x1082;
	[sflag:s4] =	ssyncset.s32 $0xFFFFF086  }
0x25: {  	[simem:s6], [sflag:s4] =	dma.local [hbm:s3], $0xF7A  }
0x26: {  	[smem:$0x3F94] =	sst s1;
	(tag) =	ssettag s2;
	_ =	strace s9  }
0x27: {  	s1 =	sld [smem:$0x3FA4]  }
0x28: {  	s2 =	sld [smem:$0x3FA5]  }
0x29: {  	s4 =	sld [smem:$0x3FA7]  }
0x2a: {  	p0 =	seq.s32 s5, $0x0;
	s5 =	sld [smem:$0x3FA8]  }
0x2b: {  	s6 =	sld [smem:$0x3FA9]  }
0x2c: {  	s7 =	sld [smem:$0x3FAA]  }
0x2d: {  	s3 =	simm.s32 $0x108;
	s8 =	sld [smem:$0x3FAB]  }
0x2e: {  	s3 =	simm.s32 @!p0 $0x1082;
	s9 =	sld [smem:$0x3FAC]  }
0x2f: {  	lr =	sadd.s32 s0, s3;
	s0 =	sld [smem:$0x3FA3]  }
0x30: {  	s3 =	sld [smem:$0x3FA6]  }
0x31: {  	[smem:$0x3FAF] =	sst s10  }
0x32: {  	s10 =	sld [smem:$0x3FAD];
	_ =	sdelay $0x3  }
0x33: {  	p0 =	seq.s32 s10, $0x1;
	s10 =	sld [smem:$0x3FAF];
	_ =	sdelay $0x3  }
0x34: {  	[smem:$0x3FAF] =	sst s10  }
0x35: {  	s10 =	sld [smem:$0x3FAE];
	_ =	sdelay $0x3  }
0x36: {  	p1 =	seq.s32 s10, $0x1;
	s10 =	sld [smem:$0x3FAF];
	_ =	sdelay $0x3  }
0x37: {  	[smem:$0x3FAF] =	sst s10  }
0x38: {  	s10 =	sld [smem:$0x3FB0]  }
0x39: {  	_ = 	snop;
	(pc) =	sbr.ind lr, $3  }
0x3a: {  	_ = 	snop  }
0x3b: {  	_ = 	snop  }
0x3c: {  	p2 =	seq.s32 s10, $0x1;
	s10 =	sld [smem:$0x3FAF]  }
0x3d: {  	_ =	shalt  }
0x3e: {  	_ =	shalt  }
0x3f: {  	_ =	shalt  }
0x40: {  	_ =	shalt  }
0x41: {  	_ =	shalt  }
0x42: {  	_ =	shalt  }
0x43: {  	_ =	shalt  }
0x44: {  	_ =	shalt  }
0x45: {  	_ =	shalt  }
0x46: {  	_ =	shalt  }
0x47: {  	_ =	shalt  }
0x48: {  	_ =	shalt  }
0x49: {  	_ =	shalt  }
0x4a: {  	_ =	shalt  }
0x4b: {  	_ =	shalt  }
0x4c: {  	_ =	shalt  }
0x4d: {  	_ =	shalt  }
0x4e: {  	_ =	shalt  }
0x4f: {  	_ =	shalt  }
0x50: {  	_ =	shalt  }
0x51: {  	_ =	shalt  }
0x52: {  	_ =	shalt  }
0x53: {  	_ =	shalt  }
0x54: {  	_ =	shalt  }
0x55: {  	_ =	shalt  }
0x56: {  	_ =	shalt  }
0x57: {  	_ =	shalt  }
0x58: {  	_ =	shalt  }
0x59: {  	_ =	shalt  }
0x5a: {  	_ =	shalt  }
0x5b: {  	_ =	shalt  }
0x5c: {  	_ =	shalt  }
0x5d: {  	_ =	shalt  }
0x5e: {  	_ =	shalt  }
0x5f: {  	_ =	shalt  }
0x60: {  	_ =	shalt  }
0x61: {  	_ =	shalt  }
0x62: {  	_ =	shalt  }
0x63: {  	_ =	shalt  }
0x64: {  	_ =	shalt  }
0x65: {  	_ =	shalt  }
0x66: {  	_ =	shalt  }
0x67: {  	_ =	shalt  }
0x68: {  	_ =	shalt  }
0x69: {  	_ =	shalt  }
0x6a: {  	_ =	shalt  }
0x6b: {  	_ =	shalt  }
0x6c: {  	_ =	shalt  }
0x6d: {  	_ =	shalt  }
0x6e: {  	_ =	shalt  }
0x6f: {  	_ =	shalt  }
0x70: {  	_ =	shalt  }
0x71: {  	_ =	shalt  }
0x72: {  	_ =	shalt  }
0x73: {  	_ =	shalt  }
0x74: {  	_ =	shalt  }
0x75: {  	_ =	shalt  }
0x76: {  	_ =	shalt  }
0x77: {  	_ =	shalt  }
0x78: {  	_ =	shalt  }
0x79: {  	_ =	shalt  }
0x7a: {  	_ =	shalt  }
0x7b: {  	_ =	shalt  }
0x7c: {  	_ =	shalt  }
0x7d: {  	_ =	shalt  }
0x7e: {  	_ =	shalt  }
0x7f: {  	_ =	shalt  }
0x80: {  	_ =	shalt  }
0x81: {  	_ =	shalt  }
0x82: {  	_ =	shalt  }
0x83: {  	_ =	shalt  }
0x84: {  	_ =	shalt  }
0x85: {  	_ =	shalt  }
0x86: {  	_ =	shalt  }
0x87: {  	_ =	shalt  }
.Lfunc_end0:
.L_simem_size_0:
called_computation_lowered:
.L_overlay_start_0:
0x88: {  	s2 =	sld [smem:$0x3FD9]  }
0x89: {  	s3 =	sld [smem:$0x3FFE];
	_ =	sdelay $0x1  }
0x8a: {  	s1 =	srdreg.scid  }
0x8b: {  	s0 =	sand.u32 $0x1, s1  }
0x8c: {  	s16 =	sshll.u32 s0, $0xA;
	s2 =	sadd.s32 s3, s2  }
0x8d: {  	s2 =	sadd.s32 s2, s16  }
0x8e: {  	[smem:$0x3FBB] =	sst s2  }
0x8f: {  	_ = 	snop  }
0x90: {  	(tm) =	ssettm $0x1  }
0x91: {  	s17 =	sld [smem:$0x3FFB];
	_ =	sdelay $0x3  }
0x92: {  	_ =	strace s17  }
0x93: {  	s2 =	sld [smem:$0x3FFC];
	_ =	sdelay $0x3  }
0x94: {  	_ =	strace s2  }
0x95: {  	s2 =	sld [smem:$0x3FFD];
	_ =	sdelay $0x3  }
0x96: {  	_ =	strace s2  }
0x97: {  	_ =	strace $0x8FFFFFFF  }
0x98: {  	s18 =	sld [smem:$0x3FDB];
	_ =	sdelay $0x1  }
0x99: {  	s19 =	simm.s32 $_scs_section_size  }
0x9a: {  	s4 =	simm.s32 $_size__tile_overlayer_lowered;
	s5 =	simm.s32 $_tile_overlayer_lowered  }
0x9b: {  	s22 =	simm.s32 $0x1BFF;
	s21 =	sshll.u32 s5, $0x1;
	s2 =	sadd.s32 s19, s18  }
0x9c: {  	s6 =	simm.s32 $0x0;
	s20 =	sshll.u32 s4, $0x1;
	s4 =	sadd.s32 s21, s2  }
0x9d: {  	[timem:s6], [sflag:s22] =	dma.local [hbm:s4], s20  }
0x9e: {  	_ =	swait.ge [sflag:s22], s20  }
0x9f: {  	s3 =	ssub.s32 $0x0, s20;
	[sflag:s22] =	ssyncset.done $0x0  }
0xa0: {  	[sflag:s22] =	ssyncadd.s32 s3;
	_ =	sdelay $0x1  }
0xa1: {  	s23 =	simm.s32 $0x1B8B  }
0xa2: {  	_ =	swait.ge [sflag:s23], $0x1  }
0xa3: {  	[sflag:s23] =	ssyncset.done $0x0  }
0xa4: {  	s25 =	simm.s32 $0x1B8E;
	s24 =	sld [smem:$0x3FFE];
	[sflag:s23] =	ssyncadd.s32 $0xFFFFFFFF  }
0xa5: {  	s26 =	simm.s32 $execute0_lowered;
	[smem:$0x3FD2] =	sst s25  }
0xa6: {  	s4 =	sshll.u32 s26, $0x1;
	_ =	strace $0x80000046;
	[dreg:$0x1] =	wrdreg $0xFFFFFFFF  }
0xa7: {  	s28 =	simm.s32 $_size_execute0_lowered;
	s2 =	sadd.s32 s2, s4;
	[dreg:$0x0] =	wrdreg $0x0  }
0xa8: {  	s4 =	sshll.u32 s28, $0x1;
	[dreg:$0x2] =	wrdreg s2  }
0xa9: {  	[dreg:$0x3] =	wrdreg s4  }
0xaa: {  	[dreg:$0x4] =	wrdreg $0xC0  }
0xab: {  	_ =	task [dreg:s6], $0x5FFFF  }
0xac: {  	[dreg:$0x1] =	wrdreg $0xFFFFFFFF  }
0xad: {  	[dreg:$0x0] =	wrdreg $0x60  }
0xae: {  	[dreg:$0x2] =	wrdreg s24  }
0xaf: {  	[dreg:$0x3] =	wrdreg $0x9  }
0xb0: {  	_ =	task.clear_ibuf [dreg:s6], $0x4FFFF;
	_ =	strace $0x90000046  }
0xb1: {  	s29 =	simm.s32 $0x9;
	_ =	strace $0x80000048  }
0xb2: {  	_ =	swait.ge [sflag:s29], $0x1  }
0xb3: {  	[sflag:s29] =	ssyncadd.s32 $0xFFFFFFFF  }
0xb4: {  	_ =	strace $0x90000048  }
0xb5: {  	_ =	sfence  }
0xb6: {  	s30 =	sld [smem:$0x0];
	_ =	sdelay $0x2  }
0xb7: {  	s31 =	sshll.u32 s1, $0xD;
	s1 =	sshrl.u32 s1, $0x2  }
0xb8: {  	s3 =	sand.u32 $0x4000, s31;
	s1 =	sadd.s32 s1, s30  }
0xb9: {  	s0 =	sor.u32 s3, s0;
	s1 =	sshll.u32 s1, $0x11  }
0xba: {  	s0 =	sor.u32 s1, s0  }
0xbb: {  	s0 =	sadd.s32 $0x8F2B, s0  }
0xbc: {  	[sflag:s0] =	ssyncadd.remote.s32 $0x1  }
0xbd: {  	_ =	sfence.sel $0xFFFF  }
0xbe: {  	[dreg:$0x0] =	wrdreg $0xFFFFFFFF;
	(pc) =	sbr.abs _section_cstart, $3  }
0xbf: {  	[dreg:$0x1] =	wrdreg $0xFFFFFFFF  }
0xc0: {  	_ =	task.clear_ibuf [dreg:s6], $0x2FFFF;
	_ =	strace $0x9FFFFFFF  }
0xc1: {  	(tm) =	ssettm $0x7FFFFFFF  }
tec
execute0_lowered:
.L_overlay_start_1:
0x0: {  	(tag) =	ssettag $0x1  }
0x1: {  	s0 =	rddreg [dreg:$0x0];
	s2 =	simm.s32 $0x0;
	s1 =	srdreg.scid  }
0x2: {  	s3 =	stileid.u32;
	s16 =	simm.s32 $0xC400;
	s17 =	simm.s32 $0x1  }
0x3: {  	s31 =	simm.s32 $0x2;
	s7 =	simm.s32 $0xE800;
	s13 =	simm.s32 $0xEA00  }
0x4: {  	s14 =	simm.s32 $0xEC00;
	s18 =	simm.s32 $0xEE00;
	s19 =	simm.s32 $0xF000  }
0x5: {  	s20 =	simm.s32 $0xF200;
	s21 =	simm.s32 $0xF400;
	s22 =	simm.s32 $0xF600  }
0x6: {  	s23 =	simm.s32 $0x0;
	[smem:$0x7FF] =	sst s2;
	s1 =	sand.u32 $0x1, s1  }
0x7: {  	s3 =	sshll.u32 s3, $0x1;
	s4 =	sadd.s32 $0x2E00, s0;
	s8 =	sadd.s32 $0xD4600, s0  }
0x8: {  	s9 =	sadd.s32 $0x4700, s0;
	s10 =	sadd.s32 $0x24640, s0;
	s11 =	sadd.s32 $0xD4640, s0  }
0x9: {  	s12 =	sadd.s32 $0x4780, s0;
	_ =	strace $0x80000047;
	s3 =	sor.u32 s1, s3  }
0xa: {  	[dreg:$0x2] =	wrdreg s4;
	s1 =	ssub.s32 $0x2, s1;
	s26 =	sshll.u32 s3, $0xC  }
0xb: {  	s4 =	sadd.s32 $0x24600, s0;
	s6 =	sshrl.u32 s1, $0x1;
	s5 =	sadd.s32 s26, s0  }
0xc: {  	s1 =	ssub.s32 s1, s6;
	s6 =	sshll.u32 s3, $0x5;
	s28 =	sadd.s32 $0x4600, s5  }
0xd: {  	s0 =	simm.s32 $0xE000;
	s29 =	sadd.s32 $0x4680, s5;
	[dreg:$0x3] =	wrdreg s28  }
0xe: {  	s3 =	simm.s32 $0xE400;
	s30 =	smax.u32 s1, $0x1;
	[dreg:$0x4] =	wrdreg s29  }
0xf: {  	s1 =	simm.s32 $0xE200;
	s5 =	simm.s32 $0xE600;
	[dreg:$0x5] =	wrdreg s30  }
.LBB2_1:
0x10: {  	[dreg:$0x6] =	wrdreg s23  }
0x11: {  	s15 =	rddreg [dreg:$0x2];
	s26 =	simm.s32 $0x5  }
0x12: {  	[tilespmem:s2], [sflag:$0x5] =	stream.linear.gather [hbm4b:s15+s2], $0xC000, $0x38;
	[tilespmem:$0xF800] =	vst v63  }
0x13: {  	_ =	swait.ge [sflag:s26], $0xC000  }
0x14: {  	[sflag:s26] =	ssyncset.done $0x0  }
0x15: {  	s29 =	simm.s32 $0xC000;
	s28 =	rddreg [dreg:$0x3];
	[sflag:s26] =	ssyncadd.s32 $0xFFFF4000  }
0x16: {  	[tilespmem:s29], [sflag:$0x1] =	stream.linear.gather [hbm4b:s28+s2], $0x400, $0x38;
	[tilespmem:$0xF800] =	vst v63  }
0x17: {  	s23 =	simm.s32 $0x0;
	s30 =	rddreg [dreg:$0x4]  }
0x18: {  	[tilespmem:s16], [sflag:$0x2] =	stream.linear.gather [hbm4b:s30+s2], $0x400, $0x38;
	[tilespmem:$0xF800] =	vst v63  }
.LBB2_2:
0x19: {  	_ =	swait.ge [sflag:s17], $0x400  }
0x1a: {  	p0 =	seq.s32 s23, $0x0;
	[sflag:s17] =	ssyncset.done $0x0  }
0x1b: {  	s25 =	simm.s32 @!p0 $0x3;
	[sflag:s17] =	ssyncadd.s32 $0xFFFFFC00  }
0x1c: {  	s24 =	sshll.u32 s23, $0x1;
	s26 =	simm.s32 $0xD410;
	_ =	swait.ge @!p0 [sflag:s25], $0x1800  }
0x1d: {  	s28 =	simm.s32 $0x0;
	s29 =	simm.s32 $0xC210;
	[sflag:s25] =	ssyncset.done @!p0 $0x0  }
0x1e: {  	s24 =	sadd.s32 s6, s24;
	[sflag:s25] =	ssyncadd.s32 @!p0 $0xFFFFE800;
	s25 =	simm.s32 $0xFFFFFFFE  }
.LBB2_3:
0x1f: {  	v0 =	vld [tilespmem:s29+$0xFFFFFDF0]  }
0x20: {  	v1 =	vld [tilespmem:s29+$0xFFFFFFF0];
	_ =	sdelay $0x6  }
0x21: {  	v2 =	vld.idx.msk [tilespmem:v0+s2+$0x0], $0xffff  }
0x22: {  	v3 =	vld.idx.msk [tilespmem:v1+s2+$0x0], $0xffff;
	_ =	sdelay $0x1  }
0x23: {  	v4 =	vadd.s32 $0x1000, v0  }
0x24: {  	v5 =	vadd.s32 $0x1000, v1;
	_ =	sdelay $0x1  }
0x25: {  	v2 =	vpack.i.f32.bf16 v3, v2  }
0x26: {  	[tilespmem:s26+$0xFFFFF3F0] =	vst v2  }
0x27: {  	v2 =	vld.idx.msk [tilespmem:v4+s2+$0x0], $0xffff  }
0x28: {  	v60 =	vld.idx.msk [tilespmem:v5+s2+$0x0], $0xffff;
	_ =	sdelay $0x1  }
0x29: {  	v61 =	vadd.s32 $0x2000, v0  }
0x2a: {  	v62 =	vadd.s32 $0x2000, v1;
	_ =	sdelay $0x1  }
0x2b: {  	v2 =	vpack.i.f32.bf16 v60, v2  }
0x2c: {  	[tilespmem:s26+$0xFFFFF5F0] =	vst v2  }
0x2d: {  	v2 =	vld.idx.msk [tilespmem:v61+s2+$0x0], $0xffff  }
0x2e: {  	v63 =	vld.idx.msk [tilespmem:v62+s2+$0x0], $0xffff;
	_ =	sdelay $0x1  }
0x2f: {  	v8 =	vadd.s32 $0x3000, v0  }
0x30: {  	v9 =	vadd.s32 $0x3000, v1;
	_ =	sdelay $0x1  }
0x31: {  	s30 =	sand.u32 $0x1E0, s28;
	v2 =	vpack.i.f32.bf16 v63, v2  }
0x32: {  	[tilespmem:s30+$0xCC00] =	vst v2  }
0x33: {  	v2 =	vld.idx.msk [tilespmem:v8+s2+$0x0], $0xffff  }
0x34: {  	v10 =	vld.idx.msk [tilespmem:v9+s2+$0x0], $0xffff;
	_ =	sdelay $0x1  }
0x35: {  	v11 =	vadd.s32 $0x4000, v0  }
0x36: {  	v12 =	vadd.s32 $0x4000, v1;
	_ =	sdelay $0x1  }
0x37: {  	v2 =	vpack.i.f32.bf16 v10, v2  }
0x38: {  	[tilespmem:s30+$0xCE00] =	vst v2  }
0x39: {  	v2 =	vld.idx.msk [tilespmem:v11+s2+$0x0], $0xffff  }
0x3a: {  	v13 =	vld.idx.msk [tilespmem:v12+s2+$0x0], $0xffff;
	_ =	sdelay $0x1  }
0x3b: {  	v14 =	vadd.s32 $0x5000, v0  }
0x3c: {  	v15 =	vadd.s32 $0x5000, v1;
	_ =	sdelay $0x1  }
0x3d: {  	v2 =	vpack.i.f32.bf16 v13, v2  }
0x3e: {  	[tilespmem:s30+$0xD000] =	vst v2  }
0x3f: {  	v2 =	vld.idx.msk [tilespmem:v14+s2+$0x0], $0xffff  }
0x40: {  	v16 =	vld.idx.msk [tilespmem:v15+s2+$0x0], $0xffff;
	_ =	sdelay $0x1  }
0x41: {  	v17 =	vadd.s32 $0x6000, v0  }
0x42: {  	v18 =	vadd.s32 $0x6000, v1;
	_ =	sdelay $0x1  }
0x43: {  	v2 =	vpack.i.f32.bf16 v16, v2  }
0x44: {  	[tilespmem:s30+$0xD200] =	vst v2  }
0x45: {  	v2 =	vld.idx.msk [tilespmem:v17+s2+$0x0], $0xffff  }
0x46: {  	v19 =	vld.idx.msk [tilespmem:v18+s2+$0x0], $0xffff;
	_ =	sdelay $0x1  }
0x47: {  	v20 =	vadd.s32 $0x7000, v0  }
0x48: {  	v21 =	vadd.s32 $0x7000, v1;
	_ =	sdelay $0x1  }
0x49: {  	v2 =	vpack.i.f32.bf16 v19, v2  }
0x4a: {  	[tilespmem:s30+$0xD400] =	vst v2  }
0x4b: {  	v2 =	vld.idx.msk [tilespmem:v20+s2+$0x0], $0xffff  }
0x4c: {  	v22 =	vld.idx.msk [tilespmem:v21+s2+$0x0], $0xffff;
	_ =	sdelay $0x1  }
0x4d: {  	v23 =	vadd.s32 $0x8000, v0  }
0x4e: {  	v24 =	vadd.s32 $0x8000, v1;
	_ =	sdelay $0x1  }
0x4f: {  	v2 =	vpack.i.f32.bf16 v22, v2  }
0x50: {  	[tilespmem:s30+$0xD600] =	vst v2  }
0x51: {  	v2 =	vld.idx.msk [tilespmem:v23+s2+$0x0], $0xffff  }
0x52: {  	v25 =	vld.idx.msk [tilespmem:v24+s2+$0x0], $0xffff;
	_ =	sdelay $0x1  }
0x53: {  	v26 =	vadd.s32 $0x9000, v0  }
0x54: {  	v27 =	vadd.s32 $0x9000, v1;
	_ =	sdelay $0x1  }
0x55: {  	v2 =	vpack.i.f32.bf16 v25, v2  }
0x56: {  	[tilespmem:s30+$0xD800] =	vst v2  }
0x57: {  	v2 =	vld.idx.msk [tilespmem:v26+s2+$0x0], $0xffff  }
0x58: {  	v28 =	vld.idx.msk [tilespmem:v27+s2+$0x0], $0xffff;
	_ =	sdelay $0x1  }
0x59: {  	v29 =	vadd.s32 $0xA000, v0  }
0x5a: {  	v30 =	vadd.s32 $0xA000, v1;
	_ =	sdelay $0x1  }
0x5b: {  	v2 =	vpack.i.f32.bf16 v28, v2  }
0x5c: {  	[tilespmem:s30+$0xDA00] =	vst v2  }
0x5d: {  	v2 =	vld.idx.msk [tilespmem:v29+s2+$0x0], $0xffff  }
0x5e: {  	v31 =	vld.idx.msk [tilespmem:v30+s2+$0x0], $0xffff;
	_ =	sdelay $0x1  }
0x5f: {  	v0 =	vadd.s32 $0xB000, v0  }
0x60: {  	v1 =	vadd.s32 $0xB000, v1;
	_ =	sdelay $0x1  }
0x61: {  	v2 =	vpack.i.f32.bf16 v31, v2  }
0x62: {  	[tilespmem:s30+$0xDC00] =	vst v2  }
0x63: {  	v0 =	vld.idx.msk [tilespmem:v0+s2+$0x0], $0xffff  }
0x64: {  	v1 =	vld.idx.msk [tilespmem:v1+s2+$0x0], $0xffff;
	_ =	sdelay $0x4  }
0x65: {  	v0 =	vpack.i.f32.bf16 v1, v0  }
0x66: {  	[tilespmem:s30+$0xDE00] =	vst v0  }
0x67: {  	v0 =	vld [tilespmem:s29+$0xFFFFFE00]  }
0x68: {  	v32 =	vld [tilespmem:s29+$0x0];
	_ =	sdelay $0x6  }
0x69: {  	v2 =	vld.idx.msk [tilespmem:v0+s2+$0x0], $0xffff  }
0x6a: {  	v33 =	vld.idx.msk [tilespmem:v32+s2+$0x0], $0xffff;
	_ =	sdelay $0x1  }
0x6b: {  	v34 =	vadd.s32 $0x1000, v0  }
0x6c: {  	v35 =	vadd.s32 $0x1000, v32;
	_ =	sdelay $0x1  }
0x6d: {  	v2 =	vpack.i.f32.bf16 v33, v2  }
0x6e: {  	[tilespmem:s26+$0xFFFFF400] =	vst v2  }
0x6f: {  	v2 =	vld.idx.msk [tilespmem:v34+s2+$0x0], $0xffff  }
0x70: {  	v36 =	vld.idx.msk [tilespmem:v35+s2+$0x0], $0xffff;
	_ =	sdelay $0x1  }
0x71: {  	v37 =	vadd.s32 $0x2000, v0  }
0x72: {  	v38 =	vadd.s32 $0x2000, v32;
	_ =	sdelay $0x1  }
0x73: {  	v2 =	vpack.i.f32.bf16 v36, v2  }
0x74: {  	[tilespmem:s26+$0xFFFFF600] =	vst v2  }
0x75: {  	v2 =	vld.idx.msk [tilespmem:v37+s2+$0x0], $0xffff  }
0x76: {  	v39 =	vld.idx.msk [tilespmem:v38+s2+$0x0], $0xffff;
	_ =	sdelay $0x1  }
0x77: {  	v40 =	vadd.s32 $0x3000, v0  }
0x78: {  	v41 =	vadd.s32 $0x3000, v32;
	_ =	sdelay $0x1  }
0x79: {  	v2 =	vpack.i.f32.bf16 v39, v2  }
0x7a: {  	[tilespmem:s26+$0xFFFFF800] =	vst v2  }
0x7b: {  	v2 =	vld.idx.msk [tilespmem:v40+s2+$0x0], $0xffff  }
0x7c: {  	v42 =	vld.idx.msk [tilespmem:v41+s2+$0x0], $0xffff;
	_ =	sdelay $0x1  }
0x7d: {  	v43 =	vadd.s32 $0x4000, v0  }
0x7e: {  	v44 =	vadd.s32 $0x4000, v32;
	_ =	sdelay $0x1  }
0x7f: {  	v2 =	vpack.i.f32.bf16 v42, v2  }
0x80: {  	[tilespmem:s26+$0xFFFFFA00] =	vst v2  }
0x81: {  	v2 =	vld.idx.msk [tilespmem:v43+s2+$0x0], $0xffff  }
0x82: {  	v45 =	vld.idx.msk [tilespmem:v44+s2+$0x0], $0xffff;
	_ =	sdelay $0x1  }
0x83: {  	v46 =	vadd.s32 $0x5000, v0  }
0x84: {  	v47 =	vadd.s32 $0x5000, v32;
	_ =	sdelay $0x1  }
0x85: {  	v2 =	vpack.i.f32.bf16 v45, v2  }
0x86: {  	[tilespmem:s26+$0xFFFFFC00] =	vst v2  }
0x87: {  	v2 =	vld.idx.msk [tilespmem:v46+s2+$0x0], $0xffff  }
0x88: {  	v48 =	vld.idx.msk [tilespmem:v47+s2+$0x0], $0xffff;
	_ =	sdelay $0x1  }
0x89: {  	v49 =	vadd.s32 $0x6000, v0  }
0x8a: {  	v50 =	vadd.s32 $0x6000, v32;
	_ =	sdelay $0x1  }
0x8b: {  	v2 =	vpack.i.f32.bf16 v48, v2  }
0x8c: {  	[tilespmem:s26+$0xFFFFFE00] =	vst v2  }
0x8d: {  	v2 =	vld.idx.msk [tilespmem:v49+s2+$0x0], $0xffff  }
0x8e: {  	v51 =	vld.idx.msk [tilespmem:v50+s2+$0x0], $0xffff;
	_ =	sdelay $0x1  }
0x8f: {  	v52 =	vadd.s32 $0x7000, v0  }
0x90: {  	v53 =	vadd.s32 $0x7000, v32;
	_ =	sdelay $0x1  }
0x91: {  	v2 =	vpack.i.f32.bf16 v51, v2  }
0x92: {  	[tilespmem:s26+$0x0] =	vst v2  }
0x93: {  	v2 =	vld.idx.msk [tilespmem:v52+s2+$0x0], $0xffff  }
0x94: {  	v54 =	vld.idx.msk [tilespmem:v53+s2+$0x0], $0xffff;
	_ =	sdelay $0x1  }
0x95: {  	v55 =	vadd.s32 $0x8000, v0  }
0x96: {  	v56 =	vadd.s32 $0x8000, v32;
	_ =	sdelay $0x1  }
0x97: {  	v2 =	vpack.i.f32.bf16 v54, v2  }
0x98: {  	[tilespmem:s26+$0x200] =	vst v2  }
0x99: {  	v2 =	vld.idx.msk [tilespmem:v55+s2+$0x0], $0xffff  }
0x9a: {  	v57 =	vld.idx.msk [tilespmem:v56+s2+$0x0], $0xffff;
	_ =	sdelay $0x1  }
0x9b: {  	v58 =	vadd.s32 $0x9000, v0  }
0x9c: {  	v59 =	vadd.s32 $0x9000, v32;
	_ =	sdelay $0x1  }
0x9d: {  	v2 =	vpack.i.f32.bf16 v57, v2  }
0x9e: {  	[tilespmem:s26+$0x400] =	vst v2  }
0x9f: {  	v2 =	vld.idx.msk [tilespmem:v58+s2+$0x0], $0xffff  }
0xa0: {  	v60 =	vld.idx.msk [tilespmem:v59+s2+$0x0], $0xffff;
	_ =	sdelay $0x1  }
0xa1: {  	v61 =	vadd.s32 $0xA000, v0  }
0xa2: {  	v62 =	vadd.s32 $0xA000, v32;
	_ =	sdelay $0x1  }
0xa3: {  	v2 =	vpack.i.f32.bf16 v60, v2  }
0xa4: {  	[tilespmem:s26+$0x600] =	vst v2  }
0xa5: {  	v2 =	vld.idx.msk [tilespmem:v61+s2+$0x0], $0xffff  }
0xa6: {  	v63 =	vld.idx.msk [tilespmem:v62+s2+$0x0], $0xffff;
	_ =	sdelay $0x1  }
0xa7: {  	v0 =	vadd.s32 $0xB000, v0  }
0xa8: {  	v1 =	vadd.s32 $0xB000, v32;
	_ =	sdelay $0x1  }
0xa9: {  	v2 =	vpack.i.f32.bf16 v63, v2  }
0xaa: {  	[tilespmem:s26+$0x800] =	vst v2  }
0xab: {  	v0 =	vld.idx.msk [tilespmem:v0+s2+$0x0], $0xffff  }
0xac: {  	s25 =	sadd.s32 $0x2, s25;
	v1 =	vld.idx.msk [tilespmem:v1+s2+$0x0], $0xffff  }
0xad: {  	p1 =	slt.u32 s25, $0x1E  }
.Ltmp0:
0xae: {  	_ = 	snop;
	(pc) =	sbr.rel @p1 .LBB2_3-.Ltmp0, $3  }
0xaf: {  	_ =	sdelay $0x1  }
0xb0: {  	v0 =	vpack.i.f32.bf16 v1, v0  }
0xb1: {  	s28 =	sadd.s32 $0x20, s28;
	s29 =	sadd.s32 $0x20, s29;
	[tilespmem:s26+$0xA00] =	vst v0;
	s26 =	sadd.s32 $0x20, s26  }
0xb2: {  	s25 =	sshll.u32 s24, $0x6  }
0xb3: {  	s15 =	simm.s32 $0xC800;
	s26 =	sadd.s32 s4, s25  }
0xb4: {  	[hbm4b:s26+s2] =	stream.linear.scatter [tilespmem:s15], [sflag:$0x3], $0x200, $0x38;
	[tilespmem:$0xF800] =	vst v63  }
0xb5: {  	s15 =	sor.u32 $0x10000, s25  }
0xb6: {  	s26 =	sadd.s32 s4, s15;
	s15 =	simm.s32 $0xCA00  }
0xb7: {  	[hbm4b:s26+s2] =	stream.linear.scatter [tilespmem:s15], [sflag:$0x3], $0x200, $0x38;
	[tilespmem:$0xF800] =	vst v63  }
0xb8: {  	s15 =	sor.u32 $0x20000, s25  }
0xb9: {  	s26 =	sadd.s32 s4, s15;
	s15 =	simm.s32 $0xCC00  }
0xba: {  	[hbm4b:s26+s2] =	stream.linear.scatter [tilespmem:s15], [sflag:$0x3], $0x200, $0x38;
	[tilespmem:$0xF800] =	vst v63  }
0xbb: {  	s15 =	sor.u32 $0x30000, s25  }
0xbc: {  	s26 =	sadd.s32 s4, s15;
	s15 =	simm.s32 $0xCE00  }
0xbd: {  	[hbm4b:s26+s2] =	stream.linear.scatter [tilespmem:s15], [sflag:$0x3], $0x200, $0x38;
	[tilespmem:$0xF800] =	vst v63  }
0xbe: {  	s15 =	sor.u32 $0x40000, s25  }
0xbf: {  	s26 =	sadd.s32 s4, s15;
	s15 =	simm.s32 $0xD000  }
0xc0: {  	[hbm4b:s26+s2] =	stream.linear.scatter [tilespmem:s15], [sflag:$0x3], $0x200, $0x38;
	[tilespmem:$0xF800] =	vst v63  }
0xc1: {  	s15 =	sor.u32 $0x50000, s25  }
0xc2: {  	s26 =	sadd.s32 s4, s15;
	s15 =	simm.s32 $0xD200  }
0xc3: {  	[hbm4b:s26+s2] =	stream.linear.scatter [tilespmem:s15], [sflag:$0x3], $0x200, $0x38;
	[tilespmem:$0xF800] =	vst v63  }
0xc4: {  	s15 =	sor.u32 $0x60000, s25  }
0xc5: {  	s26 =	sadd.s32 s4, s15;
	s15 =	simm.s32 $0xD400  }
0xc6: {  	[hbm4b:s26+s2] =	stream.linear.scatter [tilespmem:s15], [sflag:$0x3], $0x200, $0x38;
	[tilespmem:$0xF800] =	vst v63  }
0xc7: {  	s15 =	sor.u32 $0x70000, s25  }
0xc8: {  	s26 =	sadd.s32 s4, s15;
	s15 =	simm.s32 $0xD600  }
0xc9: {  	[hbm4b:s26+s2] =	stream.linear.scatter [tilespmem:s15], [sflag:$0x3], $0x200, $0x38;
	[tilespmem:$0xF800] =	vst v63  }
0xca: {  	s15 =	sor.u32 $0x80000, s25  }
0xcb: {  	s26 =	sadd.s32 s4, s15;
	s15 =	simm.s32 $0xD800  }
0xcc: {  	[hbm4b:s26+s2] =	stream.linear.scatter [tilespmem:s15], [sflag:$0x3], $0x200, $0x38;
	[tilespmem:$0xF800] =	vst v63  }
0xcd: {  	s15 =	sor.u32 $0x90000, s25  }
0xce: {  	s26 =	sadd.s32 s4, s15;
	s15 =	simm.s32 $0xDA00  }
0xcf: {  	[hbm4b:s26+s2] =	stream.linear.scatter [tilespmem:s15], [sflag:$0x3], $0x200, $0x38;
	[tilespmem:$0xF800] =	vst v63  }
0xd0: {  	s15 =	sor.u32 $0xA0000, s25  }
0xd1: {  	s26 =	sadd.s32 s4, s15;
	s15 =	simm.s32 $0xDC00  }
0xd2: {  	[hbm4b:s26+s2] =	stream.linear.scatter [tilespmem:s15], [sflag:$0x3], $0x200, $0x38;
	[tilespmem:$0xF800] =	vst v63  }
0xd3: {  	s26 =	sadd.s32 s25, s8;
	s15 =	simm.s32 $0xDE00  }
0xd4: {  	[hbm4b:s26+s2] =	stream.linear.scatter [tilespmem:s15], [sflag:$0x3], $0x200, $0x38;
	[tilespmem:$0xF800] =	vst v63  }
0xd5: {  	s15 =	smin.u32 s24, $0x3FD  }
0xd6: {  	s26 =	sshll.u32 s15, $0x7  }
0xd7: {  	s15 =	simm.s32 $0xC000;
	s26 =	sadd.s32 s26, s9  }
0xd8: {  	[tilespmem:s15], [sflag:$0x1] =	stream.linear.gather [hbm4b:s26+s2], $0x400, $0x38;
	[tilespmem:$0xF800] =	vst v63  }
0xd9: {  	_ =	swait.ge [sflag:s31], $0x400  }
0xda: {  	[sflag:s31] =	ssyncset.done $0x0  }
0xdb: {  	s26 =	simm.s32 @!p0 $0x4;
	[sflag:s31] =	ssyncadd.s32 $0xFFFFFC00  }
0xdc: {  	_ =	swait.ge @!p0 [sflag:s26], $0x1800  }
0xdd: {  	s28 =	simm.s32 $0xEC10;
	s29 =	simm.s32 $0x0;
	[sflag:s26] =	ssyncset.done @!p0 $0x0  }
0xde: {  	s30 =	simm.s32 $0xC610;
	[sflag:s26] =	ssyncadd.s32 @!p0 $0xFFFFE800;
	s26 =	simm.s32 $0xFFFFFFFE  }
.LBB2_5:
0xdf: {  	v0 =	vld [tilespmem:s30+$0xFFFFFDF0]  }
0xe0: {  	v1 =	vld [tilespmem:s30+$0xFFFFFFF0];
	_ =	sdelay $0x6  }
0xe1: {  	v2 =	vld.idx.msk [tilespmem:v0+s2+$0x0], $0xffff  }
0xe2: {  	v3 =	vld.idx.msk [tilespmem:v1+s2+$0x0], $0xffff;
	_ =	sdelay $0x1  }
0xe3: {  	v4 =	vadd.s32 $0x1000, v0  }
0xe4: {  	v5 =	vadd.s32 $0x1000, v1;
	_ =	sdelay $0x1  }
0xe5: {  	v2 =	vpack.i.f32.bf16 v3, v2  }
0xe6: {  	[tilespmem:s28+$0xFFFFF3F0] =	vst v2  }
0xe7: {  	v2 =	vld.idx.msk [tilespmem:v4+s2+$0x0], $0xffff  }
0xe8: {  	v60 =	vld.idx.msk [tilespmem:v5+s2+$0x0], $0xffff;
	_ =	sdelay $0x1  }
0xe9: {  	v61 =	vadd.s32 $0x2000, v0  }
0xea: {  	v62 =	vadd.s32 $0x2000, v1;
	_ =	sdelay $0x1  }
0xeb: {  	v2 =	vpack.i.f32.bf16 v60, v2  }
0xec: {  	[tilespmem:s28+$0xFFFFF5F0] =	vst v2  }
0xed: {  	v2 =	vld.idx.msk [tilespmem:v61+s2+$0x0], $0xffff  }
0xee: {  	v63 =	vld.idx.msk [tilespmem:v62+s2+$0x0], $0xffff;
	_ =	sdelay $0x1  }
0xef: {  	v8 =	vadd.s32 $0x3000, v0  }
0xf0: {  	v9 =	vadd.s32 $0x3000, v1;
	_ =	sdelay $0x1  }
0xf1: {  	s15 =	sand.u32 $0x1E0, s29;
	v2 =	vpack.i.f32.bf16 v63, v2  }
0xf2: {  	[tilespmem:s15+$0xE400] =	vst v2  }
0xf3: {  	v2 =	vld.idx.msk [tilespmem:v8+s2+$0x0], $0xffff  }
0xf4: {  	v10 =	vld.idx.msk [tilespmem:v9+s2+$0x0], $0xffff;
	_ =	sdelay $0x1  }
0xf5: {  	v11 =	vadd.s32 $0x4000, v0  }
0xf6: {  	v12 =	vadd.s32 $0x4000, v1;
	_ =	sdelay $0x1  }
0xf7: {  	v2 =	vpack.i.f32.bf16 v10, v2  }
0xf8: {  	[tilespmem:s15+$0xE600] =	vst v2  }
0xf9: {  	v2 =	vld.idx.msk [tilespmem:v11+s2+$0x0], $0xffff  }
0xfa: {  	v13 =	vld.idx.msk [tilespmem:v12+s2+$0x0], $0xffff;
	_ =	sdelay $0x1  }
0xfb: {  	v14 =	vadd.s32 $0x5000, v0  }
0xfc: {  	v15 =	vadd.s32 $0x5000, v1;
	_ =	sdelay $0x1  }
0xfd: {  	v2 =	vpack.i.f32.bf16 v13, v2  }
0xfe: {  	[tilespmem:s15+$0xE800] =	vst v2  }
0xff: {  	v2 =	vld.idx.msk [tilespmem:v14+s2+$0x0], $0xffff  }
0x100: {  	v16 =	vld.idx.msk [tilespmem:v15+s2+$0x0], $0xffff;
	_ =	sdelay $0x1  }
0x101: {  	v17 =	vadd.s32 $0x6000, v0  }
0x102: {  	v18 =	vadd.s32 $0x6000, v1;
	_ =	sdelay $0x1  }
0x103: {  	v2 =	vpack.i.f32.bf16 v16, v2  }
0x104: {  	[tilespmem:s15+$0xEA00] =	vst v2  }
0x105: {  	v2 =	vld.idx.msk [tilespmem:v17+s2+$0x0], $0xffff  }
0x106: {  	v19 =	vld.idx.msk [tilespmem:v18+s2+$0x0], $0xffff;
	_ =	sdelay $0x1  }
0x107: {  	v20 =	vadd.s32 $0x7000, v0  }
0x108: {  	v21 =	vadd.s32 $0x7000, v1;
	_ =	sdelay $0x1  }
0x109: {  	v2 =	vpack.i.f32.bf16 v19, v2  }
0x10a: {  	[tilespmem:s15+$0xEC00] =	vst v2  }
0x10b: {  	v2 =	vld.idx.msk [tilespmem:v20+s2+$0x0], $0xffff  }
0x10c: {  	v22 =	vld.idx.msk [tilespmem:v21+s2+$0x0], $0xffff;
	_ =	sdelay $0x1  }
0x10d: {  	v23 =	vadd.s32 $0x8000, v0  }
0x10e: {  	v24 =	vadd.s32 $0x8000, v1;
	_ =	sdelay $0x1  }
0x10f: {  	v2 =	vpack.i.f32.bf16 v22, v2  }
0x110: {  	[tilespmem:s15+$0xEE00] =	vst v2  }
0x111: {  	v2 =	vld.idx.msk [tilespmem:v23+s2+$0x0], $0xffff  }
0x112: {  	v25 =	vld.idx.msk [tilespmem:v24+s2+$0x0], $0xffff;
	_ =	sdelay $0x1  }
0x113: {  	v26 =	vadd.s32 $0x9000, v0  }
0x114: {  	v27 =	vadd.s32 $0x9000, v1;
	_ =	sdelay $0x1  }
0x115: {  	v2 =	vpack.i.f32.bf16 v25, v2  }
0x116: {  	[tilespmem:s15+$0xF000] =	vst v2  }
0x117: {  	v2 =	vld.idx.msk [tilespmem:v26+s2+$0x0], $0xffff  }
0x118: {  	v28 =	vld.idx.msk [tilespmem:v27+s2+$0x0], $0xffff;
	_ =	sdelay $0x1  }
0x119: {  	v29 =	vadd.s32 $0xA000, v0  }
0x11a: {  	v30 =	vadd.s32 $0xA000, v1;
	_ =	sdelay $0x1  }
0x11b: {  	v2 =	vpack.i.f32.bf16 v28, v2  }
0x11c: {  	[tilespmem:s15+$0xF200] =	vst v2  }
0x11d: {  	v2 =	vld.idx.msk [tilespmem:v29+s2+$0x0], $0xffff  }
0x11e: {  	v31 =	vld.idx.msk [tilespmem:v30+s2+$0x0], $0xffff;
	_ =	sdelay $0x1  }
0x11f: {  	v0 =	vadd.s32 $0xB000, v0  }
0x120: {  	v1 =	vadd.s32 $0xB000, v1;
	_ =	sdelay $0x1  }
0x121: {  	v2 =	vpack.i.f32.bf16 v31, v2  }
0x122: {  	[tilespmem:s15+$0xF400] =	vst v2  }
0x123: {  	v0 =	vld.idx.msk [tilespmem:v0+s2+$0x0], $0xffff  }
0x124: {  	v1 =	vld.idx.msk [tilespmem:v1+s2+$0x0], $0xffff;
	_ =	sdelay $0x4  }
0x125: {  	v0 =	vpack.i.f32.bf16 v1, v0  }
0x126: {  	[tilespmem:s15+$0xF600] =	vst v0  }
0x127: {  	v0 =	vld [tilespmem:s30+$0xFFFFFE00]  }
0x128: {  	v32 =	vld [tilespmem:s30+$0x0];
	_ =	sdelay $0x6  }
0x129: {  	v2 =	vld.idx.msk [tilespmem:v0+s2+$0x0], $0xffff  }
0x12a: {  	v33 =	vld.idx.msk [tilespmem:v32+s2+$0x0], $0xffff;
	_ =	sdelay $0x1  }
0x12b: {  	v34 =	vadd.s32 $0x1000, v0  }
0x12c: {  	v35 =	vadd.s32 $0x1000, v32;
	_ =	sdelay $0x1  }
0x12d: {  	v2 =	vpack.i.f32.bf16 v33, v2  }
0x12e: {  	[tilespmem:s28+$0xFFFFF400] =	vst v2  }
0x12f: {  	v2 =	vld.idx.msk [tilespmem:v34+s2+$0x0], $0xffff  }
0x130: {  	v36 =	vld.idx.msk [tilespmem:v35+s2+$0x0], $0xffff;
	_ =	sdelay $0x1  }
0x131: {  	v37 =	vadd.s32 $0x2000, v0  }
0x132: {  	v38 =	vadd.s32 $0x2000, v32;
	_ =	sdelay $0x1  }
0x133: {  	v2 =	vpack.i.f32.bf16 v36, v2  }
0x134: {  	[tilespmem:s28+$0xFFFFF600] =	vst v2  }
0x135: {  	v2 =	vld.idx.msk [tilespmem:v37+s2+$0x0], $0xffff  }
0x136: {  	v39 =	vld.idx.msk [tilespmem:v38+s2+$0x0], $0xffff;
	_ =	sdelay $0x1  }
0x137: {  	v40 =	vadd.s32 $0x3000, v0  }
0x138: {  	v41 =	vadd.s32 $0x3000, v32;
	_ =	sdelay $0x1  }
0x139: {  	v2 =	vpack.i.f32.bf16 v39, v2  }
0x13a: {  	[tilespmem:s28+$0xFFFFF800] =	vst v2  }
0x13b: {  	v2 =	vld.idx.msk [tilespmem:v40+s2+$0x0], $0xffff  }
0x13c: {  	v42 =	vld.idx.msk [tilespmem:v41+s2+$0x0], $0xffff;
	_ =	sdelay $0x1  }
0x13d: {  	v43 =	vadd.s32 $0x4000, v0  }
0x13e: {  	v44 =	vadd.s32 $0x4000, v32;
	_ =	sdelay $0x1  }
0x13f: {  	v2 =	vpack.i.f32.bf16 v42, v2  }
0x140: {  	[tilespmem:s28+$0xFFFFFA00] =	vst v2  }
0x141: {  	v2 =	vld.idx.msk [tilespmem:v43+s2+$0x0], $0xffff  }
0x142: {  	v45 =	vld.idx.msk [tilespmem:v44+s2+$0x0], $0xffff;
	_ =	sdelay $0x1  }
0x143: {  	v46 =	vadd.s32 $0x5000, v0  }
0x144: {  	v47 =	vadd.s32 $0x5000, v32;
	_ =	sdelay $0x1  }
0x145: {  	v2 =	vpack.i.f32.bf16 v45, v2  }
0x146: {  	[tilespmem:s28+$0xFFFFFC00] =	vst v2  }
0x147: {  	v2 =	vld.idx.msk [tilespmem:v46+s2+$0x0], $0xffff  }
0x148: {  	v48 =	vld.idx.msk [tilespmem:v47+s2+$0x0], $0xffff;
	_ =	sdelay $0x1  }
0x149: {  	v49 =	vadd.s32 $0x6000, v0  }
0x14a: {  	v50 =	vadd.s32 $0x6000, v32;
	_ =	sdelay $0x1  }
0x14b: {  	v2 =	vpack.i.f32.bf16 v48, v2  }
0x14c: {  	[tilespmem:s28+$0xFFFFFE00] =	vst v2  }
0x14d: {  	v2 =	vld.idx.msk [tilespmem:v49+s2+$0x0], $0xffff  }
0x14e: {  	v51 =	vld.idx.msk [tilespmem:v50+s2+$0x0], $0xffff;
	_ =	sdelay $0x1  }
0x14f: {  	v52 =	vadd.s32 $0x7000, v0  }
0x150: {  	v53 =	vadd.s32 $0x7000, v32;
	_ =	sdelay $0x1  }
0x151: {  	v2 =	vpack.i.f32.bf16 v51, v2  }
0x152: {  	[tilespmem:s28+$0x0] =	vst v2  }
0x153: {  	v2 =	vld.idx.msk [tilespmem:v52+s2+$0x0], $0xffff  }
0x154: {  	v54 =	vld.idx.msk [tilespmem:v53+s2+$0x0], $0xffff;
	_ =	sdelay $0x1  }
0x155: {  	v55 =	vadd.s32 $0x8000, v0  }
0x156: {  	v56 =	vadd.s32 $0x8000, v32;
	_ =	sdelay $0x1  }
0x157: {  	v2 =	vpack.i.f32.bf16 v54, v2  }
0x158: {  	[tilespmem:s28+$0x200] =	vst v2  }
0x159: {  	v2 =	vld.idx.msk [tilespmem:v55+s2+$0x0], $0xffff  }
0x15a: {  	v57 =	vld.idx.msk [tilespmem:v56+s2+$0x0], $0xffff;
	_ =	sdelay $0x1  }
0x15b: {  	v58 =	vadd.s32 $0x9000, v0  }
0x15c: {  	v59 =	vadd.s32 $0x9000, v32;
	_ =	sdelay $0x1  }
0x15d: {  	v2 =	vpack.i.f32.bf16 v57, v2  }
0x15e: {  	[tilespmem:s28+$0x400] =	vst v2  }
0x15f: {  	v2 =	vld.idx.msk [tilespmem:v58+s2+$0x0], $0xffff  }
0x160: {  	v60 =	vld.idx.msk [tilespmem:v59+s2+$0x0], $0xffff;
	_ =	sdelay $0x1  }
0x161: {  	v61 =	vadd.s32 $0xA000, v0  }
0x162: {  	v62 =	vadd.s32 $0xA000, v32;
	_ =	sdelay $0x1  }
0x163: {  	v2 =	vpack.i.f32.bf16 v60, v2  }
0x164: {  	[tilespmem:s28+$0x600] =	vst v2  }
0x165: {  	v2 =	vld.idx.msk [tilespmem:v61+s2+$0x0], $0xffff  }
0x166: {  	v63 =	vld.idx.msk [tilespmem:v62+s2+$0x0], $0xffff;
	_ =	sdelay $0x1  }
0x167: {  	v0 =	vadd.s32 $0xB000, v0  }
0x168: {  	v1 =	vadd.s32 $0xB000, v32;
	_ =	sdelay $0x1  }
0x169: {  	v2 =	vpack.i.f32.bf16 v63, v2  }
0x16a: {  	[tilespmem:s28+$0x800] =	vst v2  }
0x16b: {  	v0 =	vld.idx.msk [tilespmem:v0+s2+$0x0], $0xffff  }
0x16c: {  	s26 =	sadd.s32 $0x2, s26;
	v1 =	vld.idx.msk [tilespmem:v1+s2+$0x0], $0xffff  }
0x16d: {  	p0 =	slt.u32 s26, $0x1E  }
.Ltmp1:
0x16e: {  	_ = 	snop;
	(pc) =	sbr.rel @p0 .LBB2_5-.Ltmp1, $3  }
0x16f: {  	_ =	sdelay $0x1  }
0x170: {  	v0 =	vpack.i.f32.bf16 v1, v0  }
0x171: {  	s29 =	sadd.s32 $0x20, s29;
	s30 =	sadd.s32 $0x20, s30;
	[tilespmem:s28+$0xA00] =	vst v0;
	s28 =	sadd.s32 $0x20, s28  }
0x172: {  	s15 =	sadd.s32 s25, s10;
	s26 =	sor.u32 $0x10040, s25  }
0x173: {  	[hbm4b:s15+s2] =	stream.linear.scatter [tilespmem:s0], [sflag:$0x4], $0x200, $0x38;
	[tilespmem:$0xF800] =	vst v63  }
0x174: {  	s28 =	sor.u32 $0x20040, s25;
	s15 =	sadd.s32 s4, s26  }
0x175: {  	[hbm4b:s15+s2] =	stream.linear.scatter [tilespmem:s1], [sflag:$0x4], $0x200, $0x38;
	[tilespmem:$0xF800] =	vst v63  }
0x176: {  	s29 =	sor.u32 $0x30040, s25;
	s15 =	sadd.s32 s4, s28  }
0x177: {  	[hbm4b:s15+s2] =	stream.linear.scatter [tilespmem:s3], [sflag:$0x4], $0x200, $0x38;
	[tilespmem:$0xF800] =	vst v63  }
0x178: {  	s30 =	sor.u32 $0x40040, s25;
	s15 =	sadd.s32 s4, s29  }
0x179: {  	[hbm4b:s15+s2] =	stream.linear.scatter [tilespmem:s5], [sflag:$0x4], $0x200, $0x38;
	[tilespmem:$0xF800] =	vst v63  }
0x17a: {  	s26 =	sor.u32 $0x50040, s25;
	s15 =	sadd.s32 s4, s30  }
0x17b: {  	[hbm4b:s15+s2] =	stream.linear.scatter [tilespmem:s7], [sflag:$0x4], $0x200, $0x38;
	[tilespmem:$0xF800] =	vst v63  }
0x17c: {  	s28 =	sor.u32 $0x60040, s25;
	s15 =	sadd.s32 s4, s26  }
0x17d: {  	[hbm4b:s15+s2] =	stream.linear.scatter [tilespmem:s13], [sflag:$0x4], $0x200, $0x38;
	[tilespmem:$0xF800] =	vst v63  }
0x17e: {  	s29 =	sor.u32 $0x70040, s25;
	s15 =	sadd.s32 s4, s28  }
0x17f: {  	[hbm4b:s15+s2] =	stream.linear.scatter [tilespmem:s14], [sflag:$0x4], $0x200, $0x38;
	[tilespmem:$0xF800] =	vst v63  }
0x180: {  	s30 =	sor.u32 $0x80040, s25;
	s15 =	sadd.s32 s4, s29  }
0x181: {  	[hbm4b:s15+s2] =	stream.linear.scatter [tilespmem:s18], [sflag:$0x4], $0x200, $0x38;
	[tilespmem:$0xF800] =	vst v63  }
0x182: {  	s26 =	sor.u32 $0x90040, s25;
	s15 =	sadd.s32 s4, s30  }
0x183: {  	[hbm4b:s15+s2] =	stream.linear.scatter [tilespmem:s19], [sflag:$0x4], $0x200, $0x38;
	[tilespmem:$0xF800] =	vst v63  }
0x184: {  	s23 =	sadd.s32 $0x1, s23;
	s28 =	sor.u32 $0xA0040, s25;
	s15 =	sadd.s32 s4, s26  }
0x185: {  	[hbm4b:s15+s2] =	stream.linear.scatter [tilespmem:s20], [sflag:$0x4], $0x200, $0x38;
	[tilespmem:$0xF800] =	vst v63  }
0x186: {  	p0 =	sne.s32 s23, $0x10;
	s15 =	sadd.s32 s4, s28  }
0x187: {  	[hbm4b:s15+s2] =	stream.linear.scatter [tilespmem:s21], [sflag:$0x4], $0x200, $0x38;
	[tilespmem:$0xF800] =	vst v63  }
.Ltmp2:
0x188: {  	s30 =	smin.u32 s24, $0x3FC;
	(pc) =	sbr.rel @p0 .LBB2_2-.Ltmp2, $4  }
0x189: {  	s29 =	sadd.s32 s25, s11;
	s15 =	sshll.u32 s30, $0x7  }
0x18a: {  	[hbm4b:s29+s2] =	stream.linear.scatter [tilespmem:s22], [sflag:$0x4], $0x200, $0x38;
	[tilespmem:$0xF800] =	vst v63  }
0x18b: {  	s15 =	sadd.s32 s15, s12  }
0x18c: {  	[tilespmem:s16], [sflag:$0x2] =	stream.linear.gather [hbm4b:s15+s2], $0x400, $0x38;
	[tilespmem:$0xF800] =	vst v63  }
0x18d: {  	s15 =	simm.s32 $0x3  }
0x18e: {  	_ =	swait.ge [sflag:s15], $0x1800  }
0x18f: {  	[sflag:s15] =	ssyncset.done $0x0  }
0x190: {  	[sflag:s15] =	ssyncadd.s32 $0xFFFFE800  }
0x191: {  	_ =	swait.ge [sflag:s17], $0x400  }
0x192: {  	[sflag:s17] =	ssyncset.done $0x0  }
0x193: {  	s29 =	simm.s32 $0x4;
	[sflag:s17] =	ssyncadd.s32 $0xFFFFFC00  }
0x194: {  	_ =	swait.ge [sflag:s29], $0x1800  }
0x195: {  	[sflag:s29] =	ssyncset.done $0x0  }
0x196: {  	[sflag:s29] =	ssyncadd.s32 $0xFFFFE800  }
0x197: {  	_ =	swait.ge [sflag:s31], $0x400  }
0x198: {  	s23 =	rddreg [dreg:$0x6]  }
0x199: {  	s30 =	rddreg [dreg:$0x5];
	s23 =	sadd.s32 $0x1, s23  }
0x19a: {  	p0 =	sne.s32 s23, s30  }
.Ltmp3:
0x19b: {  	_ = 	snop;
	(pc) =	sbr.rel @p0 .LBB2_1-.Ltmp3, $3  }
0x19c: {  	_ =	sdelay $0x1  }
0x19d: {  	[sflag:s31] =	ssyncset.done $0x0  }
0x19e: {  	[sflag:s31] =	ssyncadd.s32 $0xFFFFFC00  }
0x19f: {  	_ =	sfence.sel $0x180000  }
0x1a0: {  	[bflag:$0x0] =	sbarrier.arrive $0xFFFF  }
0x1a1: {  	_ =	strace $0x90000047  }
0x1a2: {  	s0 =	stileid.u32;
	[bflag:$0x2] =	sbarrier.arrive $0xFFFF  }
0x1a3: {  	p0 =	sne.s32 s0, $0x0;
	s0 =	rddreg [dreg:$0x1]  }
0x1a4: {  	s0 =	sadd.s32 @!p0 $0x100000, s0  }
0x1a5: {  	[sflag:s0] =	ssyncadd.tile.s32 @!p0 $0x1;
	_ =	shalt  }
.Lfunc_end2:
_tile_overlayer_lowered:
.L_overlay_start_2:
0x1a6: {  	(tag) =	ssettag $0x2  }
0x1a7: {  	s0 =	rddreg [dreg:$0x0];
	s2 =	stileid.u32  }
0x1a8: {  	s1 =	rddreg [dreg:$0x1];
	p0 =	sne.s32 s2, $0x0  }
0x1a9: {  	s3 =	rddreg [dreg:$0x2];
	[bflag:$0x3] =	sbarrier.arrive $0xFFFF;
	s2 =	simm.s32 @!p0 $0x1C05  }
0x1aa: {  	[timem:s3], [sflag:s2] =	dma.local @!p0 [hbm:s0], s1  }
0x1ab: {  	s0 =	simm.s32 @!p0 $0x5  }
0x1ac: {  	_ =	swait.ge @!p0 [sflag:s0], s1  }
0x1ad: {  	s1 =	ssub.s32 @!p0 $0x0, s1;
	[sflag:s0] =	ssyncset.done @!p0 $0x0  }
0x1ae: {  	[sflag:s0] =	ssyncadd.s32 @!p0 s1  }
0x1af: {  	[bflag:$0x3] =	sbarrier.arrive $0xFFFF  }
0x1b0: {  	_ =	shalt  }

</sc_bundles>
